<compile_context>
chip_gen: v7x
topology: tpu7x:2x2x1
jax: 0.10.2.dev20260603
libtpu: 0.0.44.dev20260713+nightly
codegen_flags: <defaults>
</compile_context>

<pallas_src>
import functools

import jax
import jax.numpy as jnp
from jax import lax
from jax.experimental import pallas as pl
from jax.experimental.pallas import tpu as pltpu
from jax.experimental.pallas import tpu_sc as plsc

N = 10000
E = 320000
D = 128
H = 128
NW = 32
CH = 80
NT = 10240
NCH = E // (NW * CH)
EPW = NCH * CH
RPT = NT // 16
NZC = RPT // CH
SPW = (NCH + 2) * CH


def _pack_i32(v):
    return lax.bitcast_convert_type(
        v.reshape(v.shape[0], H // 2, 2), jnp.int32)


def _stage1_body(x_ref, w1a_ref, w1b_ref, b1_ref, a_ref, b_ref):
    xb = x_ref[...]
    a_ref[...] = jnp.dot(
        xb, w1a_ref[...], preferred_element_type=jnp.float32
    ).astype(jnp.bfloat16)
    b_ref[...] = (
        jnp.dot(xb, w1b_ref[...], preferred_element_type=jnp.float32)
        + b1_ref[...]
    ).astype(jnp.bfloat16)


def _stage1(x_pad, w1a, w1b, b1):
    blk = 1280
    grid = NT // blk
    return pl.pallas_call(
        _stage1_body,
        grid=(grid,),
        in_specs=[
            pl.BlockSpec((blk, D), lambda i: (i, 0)),
            pl.BlockSpec((D, H), lambda i: (0, 0)),
            pl.BlockSpec((D, H), lambda i: (0, 0)),
            pl.BlockSpec((1, H), lambda i: (0, 0)),
        ],
        out_specs=[
            pl.BlockSpec((blk, H), lambda i: (i, 0)),
            pl.BlockSpec((blk, H), lambda i: (i, 0)),
        ],
        out_shape=[
            jax.ShapeDtypeStruct((NT, H), jnp.bfloat16),
            jax.ShapeDtypeStruct((NT, H), jnp.bfloat16),
        ],
    )(x_pad, w1a, w1b, b1)


def _sc_body(a_hbm, b_hbm, x_hbm, rowi_hbm, coli_hbm, w2_hbm, b2_hbm,
             out_hbm, acc, ridx0, ridx1, cidx0, cidx1, a_v0, a_v1, b_v0,
             b_v1, x_v0, x_v1, w2_v, b2_v, t_v, wch_v, semd0, semd1,
             semi0, semi1):
    cid = lax.axis_index("c")
    sid = lax.axis_index("s")
    wid = cid * 16 + sid

    a_s = (a_v0, a_v1)
    b_s = (b_v0, b_v1)
    x_s = (x_v0, x_v1)
    ridx = (ridx0, ridx1)
    cidx = (cidx0, cidx1)
    semd = (semd0, semd1)
    semi = (semi0, semi1)

    pltpu.sync_copy(w2_hbm, w2_v)
    pltpu.sync_copy(b2_hbm, b2_v)

    def _zrow(r, c):
        for j in range(8):
            x_v0[r, pl.ds(16 * j, 16)] = jnp.zeros((16,), jnp.float32)
        return c

    lax.fori_loop(0, CH, _zrow, 0)
    for t in range(NZC):
        pltpu.sync_copy(x_v0, acc.at[pl.ds(sid * RPT + t * CH, CH)])
    plsc.subcore_barrier()

    def _issue_idx(c, slot):
        base = wid * SPW + c * CH
        pltpu.async_copy(rowi_hbm.at[pl.ds(base, CH)], ridx[slot],
                         semi[slot])
        pltpu.async_copy(coli_hbm.at[pl.ds(base, CH)], cidx[slot],
                         semi[slot])

    def _wait_idx(c, slot):
        base = wid * SPW + c * CH
        pltpu.make_async_copy(rowi_hbm.at[pl.ds(base, CH)], ridx[slot],
                              semi[slot]).wait()
        pltpu.make_async_copy(coli_hbm.at[pl.ds(base, CH)], cidx[slot],
                              semi[slot]).wait()

    def _issue(slot):
        pltpu.async_copy(a_hbm.at[ridx[slot]], a_s[slot], semd[slot])
        pltpu.async_copy(b_hbm.at[cidx[slot]], b_s[slot], semd[slot])
        pltpu.async_copy(x_hbm.at[cidx[slot]], x_s[slot], semd[slot])

    def _wait(slot):
        pltpu.make_async_copy(
            a_hbm.at[ridx[slot]], a_s[slot], semd[slot]).wait()
        pltpu.make_async_copy(
            b_hbm.at[cidx[slot]], b_s[slot], semd[slot]).wait()
        pltpu.make_async_copy(
            x_hbm.at[cidx[slot]], x_s[slot], semd[slot]).wait()

    def _compute(slot):
        a_r, b_r, x_r = a_s[slot], b_s[slot], x_s[slot]
        w2r = [w2_v[pl.ds(32 * j, 32)] for j in range(4)]
        lane = lax.iota(jnp.int32, 16)

        zero_bf = jnp.zeros((32,), jnp.bfloat16)

        @plsc.parallel_loop(0, CH, step=1, unroll=4)
        def _p1(e):
            ps = []
            for j in range(4):
                s = pl.ds(16 * j, 16)
                aj = plsc.bitcast(a_r[e, s], jnp.bfloat16)
                bj = plsc.bitcast(b_r[e, s], jnp.bfloat16)
                ps.append(jnp.maximum(aj + bj, zero_bf) * w2r[j])
            accv = (ps[0] + ps[1]) + (ps[2] + ps[3])
            lo, hi = plsc.unpack(accv, format=plsc.PackFormat.INTERLEAVED)
            t_v[pl.ds(e * 16, 16)] = lo + hi

        b2r = b2_v[...]
        lane16 = lane * 16
        for g in range(CH // 16):
            gs = [plsc.load_gather(t_v, [lane16 + (256 * g + k)])
                  for k in range(16)]
            while len(gs) > 1:
                gs = [gs[i] + gs[i + 1] for i in range(0, len(gs), 2)]
            wg = 1.0 / (1.0 + jnp.exp(-(b2r + gs[0])))
            wch_v[pl.ds(16 * g, 16)] = wg

        @plsc.parallel_loop(0, CH, step=1, unroll=4)
        def _p3(e):
            wb = plsc.load_gather(wch_v, [jnp.broadcast_to(e, (16,))])
            for j in range(8):
                s = pl.ds(16 * j, 16)
                x_r[e, s] = wb * x_r[e, s]

    def _step(c, sl):
        _wait_idx(c + 1, 1 - sl)
        _issue(1 - sl)
        _wait(sl)
        _compute(sl)
        pltpu.sync_copy(x_s[sl], acc.at[ridx[sl]], add=True)
        _issue_idx(c + 2, sl)

    _issue_idx(0, 0)
    _issue_idx(1, 1)
    _wait_idx(0, 0)
    _issue(0)

    def _pair(i, carry):
        for sl in (0, 1):
            _step(2 * i + sl, sl)
        return carry

    lax.fori_loop(0, NCH // 2, _pair, 0)
    if NCH % 2:
        _step(NCH - 1, 0)
    _wait(NCH % 2)
    _wait_idx(NCH + 1, 1 - (NCH % 2))
    plsc.subcore_barrier()

    for t in range(NZC):
        r0 = sid * RPT + t * CH
        pltpu.sync_copy(acc.at[pl.ds(r0, CH)], x_v0)
        pltpu.sync_copy(x_v0, out_hbm.at[cid, pl.ds(r0, CH)])


_sc_kernel = pl.kernel(
    _sc_body,
    out_type=jax.ShapeDtypeStruct((2, NT, D), jnp.float32),
    mesh=plsc.VectorSubcoreMesh(core_axis_name="c", subcore_axis_name="s"),
    compiler_params=pltpu.CompilerParams(
        needs_layout_passes=False, use_tc_tiling_on_sc=False),
    scratch_types=[
        pltpu.VMEM_SHARED((NT, D), jnp.float32),
        pltpu.VMEM((CH,), jnp.int32),
        pltpu.VMEM((CH,), jnp.int32),
        pltpu.VMEM((CH,), jnp.int32),
        pltpu.VMEM((CH,), jnp.int32),
        pltpu.VMEM((CH, H // 2), jnp.int32),
        pltpu.VMEM((CH, H // 2), jnp.int32),
        pltpu.VMEM((CH, H // 2), jnp.int32),
        pltpu.VMEM((CH, H // 2), jnp.int32),
        pltpu.VMEM((CH, D), jnp.float32),
        pltpu.VMEM((CH, D), jnp.float32),
        pltpu.VMEM((H,), jnp.bfloat16),
        pltpu.VMEM((16,), jnp.float32),
        pltpu.VMEM((CH * 16,), jnp.float32),
        pltpu.VMEM((CH,), jnp.float32),
        pltpu.SemaphoreType.DMA,
        pltpu.SemaphoreType.DMA,
        pltpu.SemaphoreType.DMA,
        pltpu.SemaphoreType.DMA,
    ],
)


def _stage3_body(p0_ref, p1_ref, o_ref):
    o_ref[...] = p0_ref[...] + p1_ref[...]


def _stage3(p0, p1):
    blk = 1000
    grid = N // blk
    return pl.pallas_call(
        _stage3_body,
        grid=(grid,),
        in_specs=[
            pl.BlockSpec((blk, D), lambda i: (i, 0)),
            pl.BlockSpec((blk, D), lambda i: (i, 0)),
        ],
        out_specs=pl.BlockSpec((blk, D), lambda i: (i, 0)),
        out_shape=jax.ShapeDtypeStruct((N, D), jnp.float32),
    )(p0, p1)


@jax.jit
def kernel(x, edge_index, W1, b1, W2, b2):
    x_pad = jnp.zeros((NT, D), jnp.float32).at[:N].set(x)
    w1a = W1[:D]
    w1b = W1[D:]
    a, b = _stage1(x_pad, w1a, w1b, b1.reshape(1, H))
    a = _pack_i32(a)
    b = _pack_i32(b)

    ei = edge_index.astype(jnp.int32)
    zpad = jnp.zeros((NW, 2 * CH), jnp.int32)
    rowi = jnp.concatenate([ei[0].reshape(NW, EPW), zpad], axis=1).reshape(-1)
    coli = jnp.concatenate([ei[1].reshape(NW, EPW), zpad], axis=1).reshape(-1)

    w2f = W2.reshape(H).astype(jnp.bfloat16)
    b2v = jnp.full((16,), b2[0], jnp.float32)

    parts = _sc_kernel(a, b, x_pad, rowi, coli, w2f, b2v)
    return _stage3(parts[0, :N], parts[1, :N])

# --- scband reference (transcript-rebuilt; emitter-appended) ---
"""Pipeline reference for scband-learnable-aggregation-41188736368760 (READ-ONLY COPY).

The authoritative reference and input builder live on the scoring server;
editing this copy changes nothing except your own understanding.
"""

import jax, jax.numpy as jnp
import numpy as np

N = 10000
E = 320000
D = 128
H = 128  # MLP hidden dim = input_dim
WEIGHT_LO, WEIGHT_HI = 0.0, 1.0


def setup_inputs(seed: int = 0) -> dict:
    key = jax.random.key(seed)
    k_x, k_ei, k_w1, k_w2 = jax.random.split(key, 4)
    x = jax.random.normal(k_x, (N, D), dtype=jnp.float32)
    edge_index = jax.random.randint(k_ei, (2, E), 0, N, dtype=jnp.int64)
    # MLPWeightFunction params: concat(x_v, x_u) [2D] -> hidden [H] -> scalar weight
    W1 = jax.random.normal(k_w1, (2 * D, H), dtype=jnp.float32) * (1.0 / np.sqrt(2 * D))
    b1 = jnp.zeros((H,), dtype=jnp.float32)
    W2 = jax.random.normal(k_w2, (H, 1), dtype=jnp.float32) * (1.0 / np.sqrt(H))
    b2 = jnp.zeros((1,), dtype=jnp.float32)
    return {"x": x, "edge_index": edge_index, "W1": W1, "b1": b1, "W2": W2, "b2": b2}


def reference(x, edge_index, W1, b1, W2, b2):
    # AGG_f(A, X)_v = sum_{u: A_vu=1} f(X_v, X_u) * X_u
    row = edge_index[0]  # destination node v
    col = edge_index[1]  # source node u
    x_v = jnp.take(x, row, axis=0)  # [E, D] gather
    x_u = jnp.take(x, col, axis=0)  # [E, D] gather
    # MLP weight function f(x_v, x_u): concat -> ReLU hidden -> scalar -> sigmoid scaled to weight_range
    h = jnp.maximum(jnp.concatenate([x_v, x_u], axis=-1) @ W1 + b1, 0.0)  # [E, H]
    logits = h @ W2 + b2  # [E, 1]
    weights = WEIGHT_LO + (WEIGHT_HI - WEIGHT_LO) * jax.nn.sigmoid(logits)  # [E, 1]
    weighted_features = weights * x_u  # [E, D]
    aggregated = jnp.zeros_like(x).at[row].add(weighted_features)  # scatter-add over dst
    return aggregated

if __name__ == "__main__":
    import jax
    _d = setup_inputs()
    print(jax.jit(kernel)(*tuple(_d.values())))

</pallas_src>

<mosaic_0001>
#map = affine_map<(d0, d1) -> (0, 0)>
#map1 = affine_map<(d0, d1) -> (0)>
#map2 = affine_map<(d0, d1) -> (0, 0, 0)>
module attributes {stable_mosaic.version = 14 : i64} {
  func.func @_sc_body(%arg0: i32, %arg1: i32, %arg2: memref<10240x64xi32, #tpu.memory_space<hbm>>, %arg3: memref<10240x64xi32, #tpu.memory_space<hbm>>, %arg4: memref<10240x128xf32, #tpu.memory_space<hbm>>, %arg5: memref<325120xi32, #tpu.memory_space<hbm>>, %arg6: memref<325120xi32, #tpu.memory_space<hbm>>, %arg7: memref<128xbf16, #tpu.memory_space<hbm>>, %arg8: memref<16xf32, #tpu.memory_space<hbm>>, %arg9: memref<2x10240x128xf32, #tpu.memory_space<hbm>>, %arg10: memref<10240x128xf32, #tpu.memory_space<vmem_shared>>, %arg11: memref<80xi32, #tpu.memory_space<vmem>>, %arg12: memref<80xi32, #tpu.memory_space<vmem>>, %arg13: memref<80xi32, #tpu.memory_space<vmem>>, %arg14: memref<80xi32, #tpu.memory_space<vmem>>, %arg15: memref<80x64xi32, #tpu.memory_space<vmem>>, %arg16: memref<80x64xi32, #tpu.memory_space<vmem>>, %arg17: memref<80x64xi32, #tpu.memory_space<vmem>>, %arg18: memref<80x64xi32, #tpu.memory_space<vmem>>, %arg19: memref<80x128xf32, #tpu.memory_space<vmem>>, %arg20: memref<80x128xf32, #tpu.memory_space<vmem>>, %arg21: memref<128xbf16, #tpu.memory_space<vmem>>, %arg22: memref<16xf32, #tpu.memory_space<vmem>>, %arg23: memref<1280xf32, #tpu.memory_space<vmem>>, %arg24: memref<80xf32, #tpu.memory_space<vmem>>, %arg25: memref<!tpu.dma_semaphore, #tpu.memory_space<semaphore_mem>>, %arg26: memref<!tpu.dma_semaphore, #tpu.memory_space<semaphore_mem>>, %arg27: memref<!tpu.dma_semaphore, #tpu.memory_space<semaphore_mem>>, %arg28: memref<!tpu.dma_semaphore, #tpu.memory_space<semaphore_mem>>) attributes {dimension_semantics = [#tpu.dimension_semantics<core_parallel>, #tpu.dimension_semantics<subcore_parallel>], iteration_bounds = array<i64: 2, 16>, scalar_prefetch = 0 : i64, scratch_operands = 19 : i64, tpu.core_type = #tpu.core_type<sc_vector_subcore>, window_params = [{transform_indices = #map}, {transform_indices = #map}, {transform_indices = #map}, {transform_indices = #map1}, {transform_indices = #map1}, {transform_indices = #map1}, {transform_indices = #map1}, {transform_indices = #map2}]} {
    %mul3A = arith.constant 16 : i32
    %mul3A_0 = arith.muli %arg0, %mul3A : i32
    %add3A = arith.addi %mul3A_0, %arg1 : i32
    "tpu.region"() ({
      %run_scoped3A = tpu.sem_alloc : memref<!tpu.dma_semaphore, #tpu.memory_space<semaphore_mem>>
      tpu.enqueue_dma source(%arg7 : memref<128xbf16, #tpu.memory_space<hbm>>) target(%arg21 : memref<128xbf16, #tpu.memory_space<vmem>>) target_semaphore(%run_scoped3A : memref<!tpu.dma_semaphore, #tpu.memory_space<semaphore_mem>>)
      tpu.wait_dma2 semaphore(%run_scoped3A : memref<!tpu.dma_semaphore, #tpu.memory_space<semaphore_mem>>) src(%arg7 : memref<128xbf16, #tpu.memory_space<hbm>>) dst(%arg21 : memref<128xbf16, #tpu.memory_space<vmem>>)
      tpu.yield
    }) : () -> ()
    "tpu.region"() ({
      %run_scoped3A = tpu.sem_alloc : memref<!tpu.dma_semaphore, #tpu.memory_space<semaphore_mem>>
      tpu.enqueue_dma source(%arg8 : memref<16xf32, #tpu.memory_space<hbm>>) target(%arg22 : memref<16xf32, #tpu.memory_space<vmem>>) target_semaphore(%run_scoped3A : memref<!tpu.dma_semaphore, #tpu.memory_space<semaphore_mem>>)
      tpu.wait_dma2 semaphore(%run_scoped3A : memref<!tpu.dma_semaphore, #tpu.memory_space<semaphore_mem>>) src(%arg8 : memref<16xf32, #tpu.memory_space<hbm>>) dst(%arg22 : memref<16xf32, #tpu.memory_space<vmem>>)
      tpu.yield
    }) : () -> ()
    %scan3A = arith.constant 0 : i32
    %scan3A_1 = arith.constant 0 : i32
    %scan3A_2 = arith.constant 80 : i32
    %scan3A_3 = arith.addi %scan3A_1, %scan3A_2 : i32
    %scan3A_4 = arith.constant 1 : i32
    scf.for %scan3A_632 = %scan3A_1 to %scan3A_3 step %scan3A_4  : i32 {
      %broadcast_in_dim3A_633 = arith.constant 0.000000e+00 : f32
      %broadcast_in_dim3A_634 = vector.broadcast %broadcast_in_dim3A_633 : f32 to vector<16xf32>
      %swap3A_635 = arith.index_cast %scan3A_632 : i32 to index
      %swap3A_636 = arith.constant 0 : index
      %swap3A_637 = tpu.vector_load %arg19[%swap3A_635, %swap3A_636] {strides = array<i32>} : memref<80x128xf32, #tpu.memory_space<vmem>>, vector<16xf32>,
      tpu.vector_store %arg19[%swap3A_635, %swap3A_636], %broadcast_in_dim3A_634 {strides = array<i32>} : memref<80x128xf32, #tpu.memory_space<vmem>>, vector<16xf32>,
      %broadcast_in_dim3A_638 = arith.constant 0.000000e+00 : f32
      %broadcast_in_dim3A_639 = vector.broadcast %broadcast_in_dim3A_638 : f32 to vector<16xf32>
      %swap3A_640 = arith.index_cast %scan3A_632 : i32 to index
      %swap3A_641 = arith.constant 16 : index
      %swap3A_642 = tpu.vector_load %arg19[%swap3A_640, %swap3A_641] {strides = array<i32>} : memref<80x128xf32, #tpu.memory_space<vmem>>, vector<16xf32>,
      tpu.vector_store %arg19[%swap3A_640, %swap3A_641], %broadcast_in_dim3A_639 {strides = array<i32>} : memref<80x128xf32, #tpu.memory_space<vmem>>, vector<16xf32>,
      %broadcast_in_dim3A_643 = arith.constant 0.000000e+00 : f32
      %broadcast_in_dim3A_644 = vector.broadcast %broadcast_in_dim3A_643 : f32 to vector<16xf32>
      %swap3A_645 = arith.index_cast %scan3A_632 : i32 to index
      %swap3A_646 = arith.constant 32 : index
      %swap3A_647 = tpu.vector_load %arg19[%swap3A_645, %swap3A_646] {strides = array<i32>} : memref<80x128xf32, #tpu.memory_space<vmem>>, vector<16xf32>,
      tpu.vector_store %arg19[%swap3A_645, %swap3A_646], %broadcast_in_dim3A_644 {strides = array<i32>} : memref<80x128xf32, #tpu.memory_space<vmem>>, vector<16xf32>,
      %broadcast_in_dim3A_648 = arith.constant 0.000000e+00 : f32
      %broadcast_in_dim3A_649 = vector.broadcast %broadcast_in_dim3A_648 : f32 to vector<16xf32>
      %swap3A_650 = arith.index_cast %scan3A_632 : i32 to index
      %swap3A_651 = arith.constant 48 : index
      %swap3A_652 = tpu.vector_load %arg19[%swap3A_650, %swap3A_651] {strides = array<i32>} : memref<80x128xf32, #tpu.memory_space<vmem>>, vector<16xf32>,
      tpu.vector_store %arg19[%swap3A_650, %swap3A_651], %broadcast_in_dim3A_649 {strides = array<i32>} : memref<80x128xf32, #tpu.memory_space<vmem>>, vector<16xf32>,
      %broadcast_in_dim3A_653 = arith.constant 0.000000e+00 : f32
      %broadcast_in_dim3A_654 = vector.broadcast %broadcast_in_dim3A_653 : f32 to vector<16xf32>
      %swap3A_655 = arith.index_cast %scan3A_632 : i32 to index
      %swap3A_656 = arith.constant 64 : index
      %swap3A_657 = tpu.vector_load %arg19[%swap3A_655, %swap3A_656] {strides = array<i32>} : memref<80x128xf32, #tpu.memory_space<vmem>>, vector<16xf32>,
      tpu.vector_store %arg19[%swap3A_655, %swap3A_656], %broadcast_in_dim3A_654 {strides = array<i32>} : memref<80x128xf32, #tpu.memory_space<vmem>>, vector<16xf32>,
      %broadcast_in_dim3A_658 = arith.constant 0.000000e+00 : f32
      %broadcast_in_dim3A_659 = vector.broadcast %broadcast_in_dim3A_658 : f32 to vector<16xf32>
      %swap3A_660 = arith.index_cast %scan3A_632 : i32 to index
      %swap3A_661 = arith.constant 80 : index
      %swap3A_662 = tpu.vector_load %arg19[%swap3A_660, %swap3A_661] {strides = array<i32>} : memref<80x128xf32, #tpu.memory_space<vmem>>, vector<16xf32>,
      tpu.vector_store %arg19[%swap3A_660, %swap3A_661], %broadcast_in_dim3A_659 {strides = array<i32>} : memref<80x128xf32, #tpu.memory_space<vmem>>, vector<16xf32>,
      %broadcast_in_dim3A_663 = arith.constant 0.000000e+00 : f32
      %broadcast_in_dim3A_664 = vector.broadcast %broadcast_in_dim3A_663 : f32 to vector<16xf32>
      %swap3A_665 = arith.index_cast %scan3A_632 : i32 to index
      %swap3A_666 = arith.constant 96 : index
      %swap3A_667 = tpu.vector_load %arg19[%swap3A_665, %swap3A_666] {strides = array<i32>} : memref<80x128xf32, #tpu.memory_space<vmem>>, vector<16xf32>,
      tpu.vector_store %arg19[%swap3A_665, %swap3A_666], %broadcast_in_dim3A_664 {strides = array<i32>} : memref<80x128xf32, #tpu.memory_space<vmem>>, vector<16xf32>,
      %broadcast_in_dim3A_668 = arith.constant 0.000000e+00 : f32
      %broadcast_in_dim3A_669 = vector.broadcast %broadcast_in_dim3A_668 : f32 to vector<16xf32>
      %swap3A_670 = arith.index_cast %scan3A_632 : i32 to index
      %swap3A_671 = arith.constant 112 : index
      %swap3A_672 = tpu.vector_load %arg19[%swap3A_670, %swap3A_671] {strides = array<i32>} : memref<80x128xf32, #tpu.memory_space<vmem>>, vector<16xf32>,
      tpu.vector_store %arg19[%swap3A_670, %swap3A_671], %broadcast_in_dim3A_669 {strides = array<i32>} : memref<80x128xf32, #tpu.memory_space<vmem>>, vector<16xf32>,
    }
    %scan3A_5 = arith.constant 80 : i32
    %mul3A_6 = arith.constant 640 : i32
    %mul3A_7 = arith.muli %arg1, %mul3A_6 : i32
    %add3A_8 = arith.constant 0 : i32
    %add3A_9 = arith.addi %mul3A_7, %add3A_8 : i32
    "tpu.region"() ({
      %run_scoped3A = tpu.sem_alloc : memref<!tpu.dma_semaphore, #tpu.memory_space<semaphore_mem>>
      %dma_start3A_632 = arith.constant 0 : i32
      %dma_start3A_633 = tpu.memref_slice %arg10[%add3A_9, %dma_start3A_632] : memref<10240x128xf32, #tpu.memory_space<vmem_shared>> -> memref<80x128xf32, #tpu.memory_space<vmem_shared>>
      %dma_start3A_634 = arith.constant 0 : i32
      %dma_start3A_635 = tpu.memref_slice %arg10[%add3A_9, %dma_start3A_634] : memref<10240x128xf32, #tpu.memory_space<vmem_shared>> -> memref<80x128xf32, #tpu.memory_space<vmem_shared>>
      tpu.enqueue_dma source(%arg19 : memref<80x128xf32, #tpu.memory_space<vmem>>) target(%dma_start3A_635 : memref<80x128xf32, #tpu.memory_space<vmem_shared>>) target_semaphore(%run_scoped3A : memref<!tpu.dma_semaphore, #tpu.memory_space<semaphore_mem>>)
      %dma_wait3A_636 = arith.constant 0 : i32
      %dma_wait3A_637 = tpu.memref_slice %arg10[%add3A_9, %dma_wait3A_636] : memref<10240x128xf32, #tpu.memory_space<vmem_shared>> -> memref<80x128xf32, #tpu.memory_space<vmem_shared>>
      %dma_wait3A_638 = arith.constant 0 : i32
      %dma_wait3A_639 = tpu.memref_slice %arg10[%add3A_9, %dma_wait3A_638] : memref<10240x128xf32, #tpu.memory_space<vmem_shared>> -> memref<80x128xf32, #tpu.memory_space<vmem_shared>>
      tpu.wait_dma2 semaphore(%run_scoped3A : memref<!tpu.dma_semaphore, #tpu.memory_space<semaphore_mem>>) src(%arg19 : memref<80x128xf32, #tpu.memory_space<vmem>>) dst(%dma_wait3A_639 : memref<80x128xf32, #tpu.memory_space<vmem_shared>>)
      tpu.yield
    }) : () -> ()
    %mul3A_10 = arith.constant 640 : i32
    %mul3A_11 = arith.muli %arg1, %mul3A_10 : i32
    %add3A_12 = arith.constant 80 : i32
    %add3A_13 = arith.addi %mul3A_11, %add3A_12 : i32
    "tpu.region"() ({
      %run_scoped3A = tpu.sem_alloc : memref<!tpu.dma_semaphore, #tpu.memory_space<semaphore_mem>>
      %dma_start3A_632 = arith.constant 0 : i32
      %dma_start3A_633 = tpu.memref_slice %arg10[%add3A_13, %dma_start3A_632] : memref<10240x128xf32, #tpu.memory_space<vmem_shared>> -> memref<80x128xf32, #tpu.memory_space<vmem_shared>>
      %dma_start3A_634 = arith.constant 0 : i32
      %dma_start3A_635 = tpu.memref_slice %arg10[%add3A_13, %dma_start3A_634] : memref<10240x128xf32, #tpu.memory_space<vmem_shared>> -> memref<80x128xf32, #tpu.memory_space<vmem_shared>>
      tpu.enqueue_dma source(%arg19 : memref<80x128xf32, #tpu.memory_space<vmem>>) target(%dma_start3A_635 : memref<80x128xf32, #tpu.memory_space<vmem_shared>>) target_semaphore(%run_scoped3A : memref<!tpu.dma_semaphore, #tpu.memory_space<semaphore_mem>>)
      %dma_wait3A_636 = arith.constant 0 : i32
      %dma_wait3A_637 = tpu.memref_slice %arg10[%add3A_13, %dma_wait3A_636] : memref<10240x128xf32, #tpu.memory_space<vmem_shared>> -> memref<80x128xf32, #tpu.memory_space<vmem_shared>>
      %dma_wait3A_638 = arith.constant 0 : i32
      %dma_wait3A_639 = tpu.memref_slice %arg10[%add3A_13, %dma_wait3A_638] : memref<10240x128xf32, #tpu.memory_space<vmem_shared>> -> memref<80x128xf32, #tpu.memory_space<vmem_shared>>
      tpu.wait_dma2 semaphore(%run_scoped3A : memref<!tpu.dma_semaphore, #tpu.memory_space<semaphore_mem>>) src(%arg19 : memref<80x128xf32, #tpu.memory_space<vmem>>) dst(%dma_wait3A_639 : memref<80x128xf32, #tpu.memory_space<vmem_shared>>)
      tpu.yield
    }) : () -> ()
    %mul3A_14 = arith.constant 640 : i32
    %mul3A_15 = arith.muli %arg1, %mul3A_14 : i32
    %add3A_16 = arith.constant 160 : i32
    %add3A_17 = arith.addi %mul3A_15, %add3A_16 : i32
    "tpu.region"() ({
      %run_scoped3A = tpu.sem_alloc : memref<!tpu.dma_semaphore, #tpu.memory_space<semaphore_mem>>
      %dma_start3A_632 = arith.constant 0 : i32
      %dma_start3A_633 = tpu.memref_slice %arg10[%add3A_17, %dma_start3A_632] : memref<10240x128xf32, #tpu.memory_space<vmem_shared>> -> memref<80x128xf32, #tpu.memory_space<vmem_shared>>
      %dma_start3A_634 = arith.constant 0 : i32
      %dma_start3A_635 = tpu.memref_slice %arg10[%add3A_17, %dma_start3A_634] : memref<10240x128xf32, #tpu.memory_space<vmem_shared>> -> memref<80x128xf32, #tpu.memory_space<vmem_shared>>
      tpu.enqueue_dma source(%arg19 : memref<80x128xf32, #tpu.memory_space<vmem>>) target(%dma_start3A_635 : memref<80x128xf32, #tpu.memory_space<vmem_shared>>) target_semaphore(%run_scoped3A : memref<!tpu.dma_semaphore, #tpu.memory_space<semaphore_mem>>)
      %dma_wait3A_636 = arith.constant 0 : i32
      %dma_wait3A_637 = tpu.memref_slice %arg10[%add3A_17, %dma_wait3A_636] : memref<10240x128xf32, #tpu.memory_space<vmem_shared>> -> memref<80x128xf32, #tpu.memory_space<vmem_shared>>
      %dma_wait3A_638 = arith.constant 0 : i32
      %dma_wait3A_639 = tpu.memref_slice %arg10[%add3A_17, %dma_wait3A_638] : memref<10240x128xf32, #tpu.memory_space<vmem_shared>> -> memref<80x128xf32, #tpu.memory_space<vmem_shared>>
      tpu.wait_dma2 semaphore(%run_scoped3A : memref<!tpu.dma_semaphore, #tpu.memory_space<semaphore_mem>>) src(%arg19 : memref<80x128xf32, #tpu.memory_space<vmem>>) dst(%dma_wait3A_639 : memref<80x128xf32, #tpu.memory_space<vmem_shared>>)
      tpu.yield
    }) : () -> ()
    %mul3A_18 = arith.constant 640 : i32
    %mul3A_19 = arith.muli %arg1, %mul3A_18 : i32
    %add3A_20 = arith.constant 240 : i32
    %add3A_21 = arith.addi %mul3A_19, %add3A_20 : i32
    "tpu.region"() ({
      %run_scoped3A = tpu.sem_alloc : memref<!tpu.dma_semaphore, #tpu.memory_space<semaphore_mem>>
      %dma_start3A_632 = arith.constant 0 : i32
      %dma_start3A_633 = tpu.memref_slice %arg10[%add3A_21, %dma_start3A_632] : memref<10240x128xf32, #tpu.memory_space<vmem_shared>> -> memref<80x128xf32, #tpu.memory_space<vmem_shared>>
      %dma_start3A_634 = arith.constant 0 : i32
      %dma_start3A_635 = tpu.memref_slice %arg10[%add3A_21, %dma_start3A_634] : memref<10240x128xf32, #tpu.memory_space<vmem_shared>> -> memref<80x128xf32, #tpu.memory_space<vmem_shared>>
      tpu.enqueue_dma source(%arg19 : memref<80x128xf32, #tpu.memory_space<vmem>>) target(%dma_start3A_635 : memref<80x128xf32, #tpu.memory_space<vmem_shared>>) target_semaphore(%run_scoped3A : memref<!tpu.dma_semaphore, #tpu.memory_space<semaphore_mem>>)
      %dma_wait3A_636 = arith.constant 0 : i32
      %dma_wait3A_637 = tpu.memref_slice %arg10[%add3A_21, %dma_wait3A_636] : memref<10240x128xf32, #tpu.memory_space<vmem_shared>> -> memref<80x128xf32, #tpu.memory_space<vmem_shared>>
      %dma_wait3A_638 = arith.constant 0 : i32
      %dma_wait3A_639 = tpu.memref_slice %arg10[%add3A_21, %dma_wait3A_638] : memref<10240x128xf32, #tpu.memory_space<vmem_shared>> -> memref<80x128xf32, #tpu.memory_space<vmem_shared>>
      tpu.wait_dma2 semaphore(%run_scoped3A : memref<!tpu.dma_semaphore, #tpu.memory_space<semaphore_mem>>) src(%arg19 : memref<80x128xf32, #tpu.memory_space<vmem>>) dst(%dma_wait3A_639 : memref<80x128xf32, #tpu.memory_space<vmem_shared>>)
      tpu.yield
    }) : () -> ()
    %mul3A_22 = arith.constant 640 : i32
    %mul3A_23 = arith.muli %arg1, %mul3A_22 : i32
    %add3A_24 = arith.constant 320 : i32
    %add3A_25 = arith.addi %mul3A_23, %add3A_24 : i32
    "tpu.region"() ({
      %run_scoped3A = tpu.sem_alloc : memref<!tpu.dma_semaphore, #tpu.memory_space<semaphore_mem>>
      %dma_start3A_632 = arith.constant 0 : i32
      %dma_start3A_633 = tpu.memref_slice %arg10[%add3A_25, %dma_start3A_632] : memref<10240x128xf32, #tpu.memory_space<vmem_shared>> -> memref<80x128xf32, #tpu.memory_space<vmem_shared>>
      %dma_start3A_634 = arith.constant 0 : i32
      %dma_start3A_635 = tpu.memref_slice %arg10[%add3A_25, %dma_start3A_634] : memref<10240x128xf32, #tpu.memory_space<vmem_shared>> -> memref<80x128xf32, #tpu.memory_space<vmem_shared>>
      tpu.enqueue_dma source(%arg19 : memref<80x128xf32, #tpu.memory_space<vmem>>) target(%dma_start3A_635 : memref<80x128xf32, #tpu.memory_space<vmem_shared>>) target_semaphore(%run_scoped3A : memref<!tpu.dma_semaphore, #tpu.memory_space<semaphore_mem>>)
      %dma_wait3A_636 = arith.constant 0 : i32
      %dma_wait3A_637 = tpu.memref_slice %arg10[%add3A_25, %dma_wait3A_636] : memref<10240x128xf32, #tpu.memory_space<vmem_shared>> -> memref<80x128xf32, #tpu.memory_space<vmem_shared>>
      %dma_wait3A_638 = arith.constant 0 : i32
      %dma_wait3A_639 = tpu.memref_slice %arg10[%add3A_25, %dma_wait3A_638] : memref<10240x128xf32, #tpu.memory_space<vmem_shared>> -> memref<80x128xf32, #tpu.memory_space<vmem_shared>>
      tpu.wait_dma2 semaphore(%run_scoped3A : memref<!tpu.dma_semaphore, #tpu.memory_space<semaphore_mem>>) src(%arg19 : memref<80x128xf32, #tpu.memory_space<vmem>>) dst(%dma_wait3A_639 : memref<80x128xf32, #tpu.memory_space<vmem_shared>>)
      tpu.yield
    }) : () -> ()
    %mul3A_26 = arith.constant 640 : i32
    %mul3A_27 = arith.muli %arg1, %mul3A_26 : i32
    %add3A_28 = arith.constant 400 : i32
    %add3A_29 = arith.addi %mul3A_27, %add3A_28 : i32
    "tpu.region"() ({
      %run_scoped3A = tpu.sem_alloc : memref<!tpu.dma_semaphore, #tpu.memory_space<semaphore_mem>>
      %dma_start3A_632 = arith.constant 0 : i32
      %dma_start3A_633 = tpu.memref_slice %arg10[%add3A_29, %dma_start3A_632] : memref<10240x128xf32, #tpu.memory_space<vmem_shared>> -> memref<80x128xf32, #tpu.memory_space<vmem_shared>>
      %dma_start3A_634 = arith.constant 0 : i32
      %dma_start3A_635 = tpu.memref_slice %arg10[%add3A_29, %dma_start3A_634] : memref<10240x128xf32, #tpu.memory_space<vmem_shared>> -> memref<80x128xf32, #tpu.memory_space<vmem_shared>>
      tpu.enqueue_dma source(%arg19 : memref<80x128xf32, #tpu.memory_space<vmem>>) target(%dma_start3A_635 : memref<80x128xf32, #tpu.memory_space<vmem_shared>>) target_semaphore(%run_scoped3A : memref<!tpu.dma_semaphore, #tpu.memory_space<semaphore_mem>>)
      %dma_wait3A_636 = arith.constant 0 : i32
      %dma_wait3A_637 = tpu.memref_slice %arg10[%add3A_29, %dma_wait3A_636] : memref<10240x128xf32, #tpu.memory_space<vmem_shared>> -> memref<80x128xf32, #tpu.memory_space<vmem_shared>>
      %dma_wait3A_638 = arith.constant 0 : i32
      %dma_wait3A_639 = tpu.memref_slice %arg10[%add3A_29, %dma_wait3A_638] : memref<10240x128xf32, #tpu.memory_space<vmem_shared>> -> memref<80x128xf32, #tpu.memory_space<vmem_shared>>
      tpu.wait_dma2 semaphore(%run_scoped3A : memref<!tpu.dma_semaphore, #tpu.memory_space<semaphore_mem>>) src(%arg19 : memref<80x128xf32, #tpu.memory_space<vmem>>) dst(%dma_wait3A_639 : memref<80x128xf32, #tpu.memory_space<vmem_shared>>)
      tpu.yield
    }) : () -> ()
    %mul3A_30 = arith.constant 640 : i32
    %mul3A_31 = arith.muli %arg1, %mul3A_30 : i32
    %add3A_32 = arith.constant 480 : i32
    %add3A_33 = arith.addi %mul3A_31, %add3A_32 : i32
    "tpu.region"() ({
      %run_scoped3A = tpu.sem_alloc : memref<!tpu.dma_semaphore, #tpu.memory_space<semaphore_mem>>
      %dma_start3A_632 = arith.constant 0 : i32
      %dma_start3A_633 = tpu.memref_slice %arg10[%add3A_33, %dma_start3A_632] : memref<10240x128xf32, #tpu.memory_space<vmem_shared>> -> memref<80x128xf32, #tpu.memory_space<vmem_shared>>
      %dma_start3A_634 = arith.constant 0 : i32
      %dma_start3A_635 = tpu.memref_slice %arg10[%add3A_33, %dma_start3A_634] : memref<10240x128xf32, #tpu.memory_space<vmem_shared>> -> memref<80x128xf32, #tpu.memory_space<vmem_shared>>
      tpu.enqueue_dma source(%arg19 : memref<80x128xf32, #tpu.memory_space<vmem>>) target(%dma_start3A_635 : memref<80x128xf32, #tpu.memory_space<vmem_shared>>) target_semaphore(%run_scoped3A : memref<!tpu.dma_semaphore, #tpu.memory_space<semaphore_mem>>)
      %dma_wait3A_636 = arith.constant 0 : i32
      %dma_wait3A_637 = tpu.memref_slice %arg10[%add3A_33, %dma_wait3A_636] : memref<10240x128xf32, #tpu.memory_space<vmem_shared>> -> memref<80x128xf32, #tpu.memory_space<vmem_shared>>
      %dma_wait3A_638 = arith.constant 0 : i32
      %dma_wait3A_639 = tpu.memref_slice %arg10[%add3A_33, %dma_wait3A_638] : memref<10240x128xf32, #tpu.memory_space<vmem_shared>> -> memref<80x128xf32, #tpu.memory_space<vmem_shared>>
      tpu.wait_dma2 semaphore(%run_scoped3A : memref<!tpu.dma_semaphore, #tpu.memory_space<semaphore_mem>>) src(%arg19 : memref<80x128xf32, #tpu.memory_space<vmem>>) dst(%dma_wait3A_639 : memref<80x128xf32, #tpu.memory_space<vmem_shared>>)
      tpu.yield
    }) : () -> ()
    %mul3A_34 = arith.constant 640 : i32
    %mul3A_35 = arith.muli %arg1, %mul3A_34 : i32
    %add3A_36 = arith.constant 560 : i32
    %add3A_37 = arith.addi %mul3A_35, %add3A_36 : i32
    "tpu.region"() ({
      %run_scoped3A = tpu.sem_alloc : memref<!tpu.dma_semaphore, #tpu.memory_space<semaphore_mem>>
      %dma_start3A_632 = arith.constant 0 : i32
      %dma_start3A_633 = tpu.memref_slice %arg10[%add3A_37, %dma_start3A_632] : memref<10240x128xf32, #tpu.memory_space<vmem_shared>> -> memref<80x128xf32, #tpu.memory_space<vmem_shared>>
      %dma_start3A_634 = arith.constant 0 : i32
      %dma_start3A_635 = tpu.memref_slice %arg10[%add3A_37, %dma_start3A_634] : memref<10240x128xf32, #tpu.memory_space<vmem_shared>> -> memref<80x128xf32, #tpu.memory_space<vmem_shared>>
      tpu.enqueue_dma source(%arg19 : memref<80x128xf32, #tpu.memory_space<vmem>>) target(%dma_start3A_635 : memref<80x128xf32, #tpu.memory_space<vmem_shared>>) target_semaphore(%run_scoped3A : memref<!tpu.dma_semaphore, #tpu.memory_space<semaphore_mem>>)
      %dma_wait3A_636 = arith.constant 0 : i32
      %dma_wait3A_637 = tpu.memref_slice %arg10[%add3A_37, %dma_wait3A_636] : memref<10240x128xf32, #tpu.memory_space<vmem_shared>> -> memref<80x128xf32, #tpu.memory_space<vmem_shared>>
      %dma_wait3A_638 = arith.constant 0 : i32
      %dma_wait3A_639 = tpu.memref_slice %arg10[%add3A_37, %dma_wait3A_638] : memref<10240x128xf32, #tpu.memory_space<vmem_shared>> -> memref<80x128xf32, #tpu.memory_space<vmem_shared>>
      tpu.wait_dma2 semaphore(%run_scoped3A : memref<!tpu.dma_semaphore, #tpu.memory_space<semaphore_mem>>) src(%arg19 : memref<80x128xf32, #tpu.memory_space<vmem>>) dst(%dma_wait3A_639 : memref<80x128xf32, #tpu.memory_space<vmem_shared>>)
      tpu.yield
    }) : () -> ()
    %barrier3A = arith.constant 0 : index
    tpu.barrier barrier_id(%barrier3A)
    %mul3A_38 = arith.constant 10160 : i32
    %mul3A_39 = arith.muli %add3A, %mul3A_38 : i32
    %add3A_40 = arith.constant 0 : i32
    %add3A_41 = arith.addi %mul3A_39, %add3A_40 : i32
    %dma_start3A = tpu.memref_slice %arg5[%add3A_41] : memref<325120xi32, #tpu.memory_space<hbm>> -> memref<80xi32, #tpu.memory_space<hbm>>
    %dma_start3A_42 = tpu.memref_slice %arg5[%add3A_41] : memref<325120xi32, #tpu.memory_space<hbm>> -> memref<80xi32, #tpu.memory_space<hbm>>
    tpu.enqueue_dma source(%dma_start3A_42 : memref<80xi32, #tpu.memory_space<hbm>>) target(%arg11 : memref<80xi32, #tpu.memory_space<vmem>>) target_semaphore(%arg27 : memref<!tpu.dma_semaphore, #tpu.memory_space<semaphore_mem>>)
    %dma_start3A_43 = tpu.memref_slice %arg6[%add3A_41] : memref<325120xi32, #tpu.memory_space<hbm>> -> memref<80xi32, #tpu.memory_space<hbm>>
    %dma_start3A_44 = tpu.memref_slice %arg6[%add3A_41] : memref<325120xi32, #tpu.memory_space<hbm>> -> memref<80xi32, #tpu.memory_space<hbm>>
    tpu.enqueue_dma source(%dma_start3A_44 : memref<80xi32, #tpu.memory_space<hbm>>) target(%arg13 : memref<80xi32, #tpu.memory_space<vmem>>) target_semaphore(%arg27 : memref<!tpu.dma_semaphore, #tpu.memory_space<semaphore_mem>>)
    %mul3A_45 = arith.constant 10160 : i32
    %mul3A_46 = arith.muli %add3A, %mul3A_45 : i32
    %add3A_47 = arith.constant 80 : i32
    %add3A_48 = arith.addi %mul3A_46, %add3A_47 : i32
    %dma_start3A_49 = tpu.memref_slice %arg5[%add3A_48] : memref<325120xi32, #tpu.memory_space<hbm>> -> memref<80xi32, #tpu.memory_space<hbm>>
    %dma_start3A_50 = tpu.memref_slice %arg5[%add3A_48] : memref<325120xi32, #tpu.memory_space<hbm>> -> memref<80xi32, #tpu.memory_space<hbm>>
    tpu.enqueue_dma source(%dma_start3A_50 : memref<80xi32, #tpu.memory_space<hbm>>) target(%arg12 : memref<80xi32, #tpu.memory_space<vmem>>) target_semaphore(%arg28 : memref<!tpu.dma_semaphore, #tpu.memory_space<semaphore_mem>>)
    %dma_start3A_51 = tpu.memref_slice %arg6[%add3A_48] : memref<325120xi32, #tpu.memory_space<hbm>> -> memref<80xi32, #tpu.memory_space<hbm>>
    %dma_start3A_52 = tpu.memref_slice %arg6[%add3A_48] : memref<325120xi32, #tpu.memory_space<hbm>> -> memref<80xi32, #tpu.memory_space<hbm>>
    tpu.enqueue_dma source(%dma_start3A_52 : memref<80xi32, #tpu.memory_space<hbm>>) target(%arg14 : memref<80xi32, #tpu.memory_space<vmem>>) target_semaphore(%arg28 : memref<!tpu.dma_semaphore, #tpu.memory_space<semaphore_mem>>)
    %mul3A_53 = arith.constant 10160 : i32
    %mul3A_54 = arith.muli %add3A, %mul3A_53 : i32
    %add3A_55 = arith.constant 0 : i32
    %add3A_56 = arith.addi %mul3A_54, %add3A_55 : i32
    %dma_wait3A = tpu.memref_slice %arg5[%add3A_56] : memref<325120xi32, #tpu.memory_space<hbm>> -> memref<80xi32, #tpu.memory_space<hbm>>
    %dma_wait3A_57 = tpu.memref_slice %arg5[%add3A_56] : memref<325120xi32, #tpu.memory_space<hbm>> -> memref<80xi32, #tpu.memory_space<hbm>>
    tpu.wait_dma2 semaphore(%arg27 : memref<!tpu.dma_semaphore, #tpu.memory_space<semaphore_mem>>) src(%dma_wait3A_57 : memref<80xi32, #tpu.memory_space<hbm>>) dst(%arg11 : memref<80xi32, #tpu.memory_space<vmem>>)
    %dma_wait3A_58 = tpu.memref_slice %arg6[%add3A_56] : memref<325120xi32, #tpu.memory_space<hbm>> -> memref<80xi32, #tpu.memory_space<hbm>>
    %dma_wait3A_59 = tpu.memref_slice %arg6[%add3A_56] : memref<325120xi32, #tpu.memory_space<hbm>> -> memref<80xi32, #tpu.memory_space<hbm>>
    tpu.wait_dma2 semaphore(%arg27 : memref<!tpu.dma_semaphore, #tpu.memory_space<semaphore_mem>>) src(%dma_wait3A_59 : memref<80xi32, #tpu.memory_space<hbm>>) dst(%arg13 : memref<80xi32, #tpu.memory_space<vmem>>)
    %dma_start3A_60 = arith.constant 0 : i32
    %dma_start3A_61 = arith.constant 0 : i32
    %dma_start3A_62 = tpu.memref_slice %arg2[%dma_start3A_60, %dma_start3A_61] : memref<10240x64xi32, #tpu.memory_space<hbm>> -> memref<10240x64xi32, #tpu.memory_space<hbm>>
    tpu.enqueue_indirect_dma source(%dma_start3A_62 : memref<10240x64xi32, #tpu.memory_space<hbm>>) target(%arg15 : memref<80x64xi32, #tpu.memory_space<vmem>>) offsets(%arg11 : memref<80xi32, #tpu.memory_space<vmem>>) semaphore(%arg25 : memref<!tpu.dma_semaphore, #tpu.memory_space<semaphore_mem>>)
    %dma_start3A_63 = arith.constant 0 : i32
    %dma_start3A_64 = arith.constant 0 : i32
    %dma_start3A_65 = tpu.memref_slice %arg3[%dma_start3A_63, %dma_start3A_64] : memref<10240x64xi32, #tpu.memory_space<hbm>> -> memref<10240x64xi32, #tpu.memory_space<hbm>>
    tpu.enqueue_indirect_dma source(%dma_start3A_65 : memref<10240x64xi32, #tpu.memory_space<hbm>>) target(%arg17 : memref<80x64xi32, #tpu.memory_space<vmem>>) offsets(%arg13 : memref<80xi32, #tpu.memory_space<vmem>>) semaphore(%arg25 : memref<!tpu.dma_semaphore, #tpu.memory_space<semaphore_mem>>)
    %dma_start3A_66 = arith.constant 0 : i32
    %dma_start3A_67 = arith.constant 0 : i32
    %dma_start3A_68 = tpu.memref_slice %arg4[%dma_start3A_66, %dma_start3A_67] : memref<10240x128xf32, #tpu.memory_space<hbm>> -> memref<10240x128xf32, #tpu.memory_space<hbm>>
    tpu.enqueue_indirect_dma source(%dma_start3A_68 : memref<10240x128xf32, #tpu.memory_space<hbm>>) target(%arg19 : memref<80x128xf32, #tpu.memory_space<vmem>>) offsets(%arg13 : memref<80xi32, #tpu.memory_space<vmem>>) semaphore(%arg25 : memref<!tpu.dma_semaphore, #tpu.memory_space<semaphore_mem>>)
    %scan3A_69 = arith.constant 0 : i32
    %scan3A_70 = arith.constant 0 : i32
    %scan3A_71 = arith.constant 62 : i32
    %scan3A_72 = arith.addi %scan3A_70, %scan3A_71 : i32
    %scan3A_73 = arith.constant 1 : i32
    scf.for %scan3A_632 = %scan3A_70 to %scan3A_72 step %scan3A_73  : i32 {
      %mul3A_633 = arith.constant 2 : i32
      %mul3A_634 = arith.muli %mul3A_633, %scan3A_632 : i32
      %add3A_635 = arith.constant 0 : i32
      %add3A_636 = arith.addi %mul3A_634, %add3A_635 : i32
      %add3A_637 = arith.constant 1 : i32
      %add3A_638 = arith.addi %add3A_636, %add3A_637 : i32
      %mul3A_639 = arith.constant 10160 : i32
      %mul3A_640 = arith.muli %add3A, %mul3A_639 : i32
      %mul3A_641 = arith.constant 80 : i32
      %mul3A_642 = arith.muli %add3A_638, %mul3A_641 : i32
      %add3A_643 = arith.addi %mul3A_640, %mul3A_642 : i32
      %dma_wait3A_644 = tpu.memref_slice %arg5[%add3A_643] : memref<325120xi32, #tpu.memory_space<hbm>> -> memref<80xi32, #tpu.memory_space<hbm>>
      %dma_wait3A_645 = tpu.memref_slice %arg5[%add3A_643] : memref<325120xi32, #tpu.memory_space<hbm>> -> memref<80xi32, #tpu.memory_space<hbm>>
      tpu.wait_dma2 semaphore(%arg28 : memref<!tpu.dma_semaphore, #tpu.memory_space<semaphore_mem>>) src(%dma_wait3A_645 : memref<80xi32, #tpu.memory_space<hbm>>) dst(%arg12 : memref<80xi32, #tpu.memory_space<vmem>>)
      %dma_wait3A_646 = tpu.memref_slice %arg6[%add3A_643] : memref<325120xi32, #tpu.memory_space<hbm>> -> memref<80xi32, #tpu.memory_space<hbm>>
      %dma_wait3A_647 = tpu.memref_slice %arg6[%add3A_643] : memref<325120xi32, #tpu.memory_space<hbm>> -> memref<80xi32, #tpu.memory_space<hbm>>
      tpu.wait_dma2 semaphore(%arg28 : memref<!tpu.dma_semaphore, #tpu.memory_space<semaphore_mem>>) src(%dma_wait3A_647 : memref<80xi32, #tpu.memory_space<hbm>>) dst(%arg14 : memref<80xi32, #tpu.memory_space<vmem>>)
      %dma_start3A_648 = arith.constant 0 : i32
      %dma_start3A_649 = arith.constant 0 : i32
      %dma_start3A_650 = tpu.memref_slice %arg2[%dma_start3A_648, %dma_start3A_649] : memref<10240x64xi32, #tpu.memory_space<hbm>> -> memref<10240x64xi32, #tpu.memory_space<hbm>>
      tpu.enqueue_indirect_dma source(%dma_start3A_650 : memref<10240x64xi32, #tpu.memory_space<hbm>>) target(%arg16 : memref<80x64xi32, #tpu.memory_space<vmem>>) offsets(%arg12 : memref<80xi32, #tpu.memory_space<vmem>>) semaphore(%arg26 : memref<!tpu.dma_semaphore, #tpu.memory_space<semaphore_mem>>)
      %dma_start3A_651 = arith.constant 0 : i32
      %dma_start3A_652 = arith.constant 0 : i32
      %dma_start3A_653 = tpu.memref_slice %arg3[%dma_start3A_651, %dma_start3A_652] : memref<10240x64xi32, #tpu.memory_space<hbm>> -> memref<10240x64xi32, #tpu.memory_space<hbm>>
      tpu.enqueue_indirect_dma source(%dma_start3A_653 : memref<10240x64xi32, #tpu.memory_space<hbm>>) target(%arg18 : memref<80x64xi32, #tpu.memory_space<vmem>>) offsets(%arg14 : memref<80xi32, #tpu.memory_space<vmem>>) semaphore(%arg26 : memref<!tpu.dma_semaphore, #tpu.memory_space<semaphore_mem>>)
      %dma_start3A_654 = arith.constant 0 : i32
      %dma_start3A_655 = arith.constant 0 : i32
      %dma_start3A_656 = tpu.memref_slice %arg4[%dma_start3A_654, %dma_start3A_655] : memref<10240x128xf32, #tpu.memory_space<hbm>> -> memref<10240x128xf32, #tpu.memory_space<hbm>>
      tpu.enqueue_indirect_dma source(%dma_start3A_656 : memref<10240x128xf32, #tpu.memory_space<hbm>>) target(%arg20 : memref<80x128xf32, #tpu.memory_space<vmem>>) offsets(%arg14 : memref<80xi32, #tpu.memory_space<vmem>>) semaphore(%arg26 : memref<!tpu.dma_semaphore, #tpu.memory_space<semaphore_mem>>)
      %dma_wait3A_657 = arith.constant 0 : i32
      %dma_wait3A_658 = arith.constant 0 : i32
      %dma_wait3A_659 = tpu.memref_slice %arg2[%dma_wait3A_657, %dma_wait3A_658] : memref<10240x64xi32, #tpu.memory_space<hbm>> -> memref<10240x64xi32, #tpu.memory_space<hbm>>
      tpu.wait_indirect_dma semaphore(%arg25 : memref<!tpu.dma_semaphore, #tpu.memory_space<semaphore_mem>>) src(%dma_wait3A_659 : memref<10240x64xi32, #tpu.memory_space<hbm>>) dst(%arg15 : memref<80x64xi32, #tpu.memory_space<vmem>>)
      %dma_wait3A_660 = arith.constant 0 : i32
      %dma_wait3A_661 = arith.constant 0 : i32
      %dma_wait3A_662 = tpu.memref_slice %arg3[%dma_wait3A_660, %dma_wait3A_661] : memref<10240x64xi32, #tpu.memory_space<hbm>> -> memref<10240x64xi32, #tpu.memory_space<hbm>>
      tpu.wait_indirect_dma semaphore(%arg25 : memref<!tpu.dma_semaphore, #tpu.memory_space<semaphore_mem>>) src(%dma_wait3A_662 : memref<10240x64xi32, #tpu.memory_space<hbm>>) dst(%arg17 : memref<80x64xi32, #tpu.memory_space<vmem>>)
      %dma_wait3A_663 = arith.constant 0 : i32
      %dma_wait3A_664 = arith.constant 0 : i32
      %dma_wait3A_665 = tpu.memref_slice %arg4[%dma_wait3A_663, %dma_wait3A_664] : memref<10240x128xf32, #tpu.memory_space<hbm>> -> memref<10240x128xf32, #tpu.memory_space<hbm>>
      tpu.wait_indirect_dma semaphore(%arg25 : memref<!tpu.dma_semaphore, #tpu.memory_space<semaphore_mem>>) src(%dma_wait3A_665 : memref<10240x128xf32, #tpu.memory_space<hbm>>) dst(%arg19 : memref<80x128xf32, #tpu.memory_space<vmem>>)
      %get3A_666 = arith.constant 0 : index
      %get3A_667 = tpu.vector_load %arg21[%get3A_666] {strides = array<i32>} : memref<128xbf16, #tpu.memory_space<vmem>>, vector<32xbf16>,
      %get3A_668 = arith.constant 32 : index
      %get3A_669 = tpu.vector_load %arg21[%get3A_668] {strides = array<i32>} : memref<128xbf16, #tpu.memory_space<vmem>>, vector<32xbf16>,
      %get3A_670 = arith.constant 64 : index
      %get3A_671 = tpu.vector_load %arg21[%get3A_670] {strides = array<i32>} : memref<128xbf16, #tpu.memory_space<vmem>>, vector<32xbf16>,
      %get3A_672 = arith.constant 96 : index
      %get3A_673 = tpu.vector_load %arg21[%get3A_672] {strides = array<i32>} : memref<128xbf16, #tpu.memory_space<vmem>>, vector<32xbf16>,
      %iota3A_674 = tpu.iota {dimensions = array<i32: 0>} : vector<16xi32>
      %broadcast_in_dim3A_675 = arith.constant 0.000000e+00 : bf16
      %broadcast_in_dim3A_676 = vector.broadcast %broadcast_in_dim3A_675 : bf16 to vector<32xbf16>
      %parallel_loop3A_677 = arith.constant 0 : i32
      %parallel_loop3A_678 = arith.constant 80 : i32
      %parallel_loop3A_679 = arith.constant 1 : i32
      scf.for %parallel_loop3A_1685 = %parallel_loop3A_677 to %parallel_loop3A_678 step %parallel_loop3A_679  : i32 {
        %parallel_loop3A_1686 = arith.index_cast %parallel_loop3A_1685 : i32 to index
        %parallel_loop3A_1687 = arith.constant 0 : index
        %parallel_loop3A_1688 = tpu.vector_load %arg15[%parallel_loop3A_1686, %parallel_loop3A_1687] {strides = array<i32>} : memref<80x64xi32, #tpu.memory_space<vmem>>, vector<16xi32>,
        %parallel_loop3A_1689 = vector.bitcast %parallel_loop3A_1688 : vector<16xi32> to vector<32xbf16>
        %parallel_loop3A_1690 = arith.index_cast %parallel_loop3A_1685 : i32 to index
        %parallel_loop3A_1691 = arith.constant 0 : index
        %parallel_loop3A_1692 = tpu.vector_load %arg17[%parallel_loop3A_1690, %parallel_loop3A_1691] {strides = array<i32>} : memref<80x64xi32, #tpu.memory_space<vmem>>, vector<16xi32>,
        %parallel_loop3A_1693 = vector.bitcast %parallel_loop3A_1692 : vector<16xi32> to vector<32xbf16>
        %parallel_loop3A_1694 = arith.addf %parallel_loop3A_1689, %parallel_loop3A_1693 : vector<32xbf16>
        %parallel_loop3A_1695 = arith.maximumf %parallel_loop3A_1694, %broadcast_in_dim3A_676 : vector<32xbf16>
        %parallel_loop3A_1696 = arith.mulf %parallel_loop3A_1695, %get3A_667 : vector<32xbf16>
        %parallel_loop3A_1697 = arith.index_cast %parallel_loop3A_1685 : i32 to index
        %parallel_loop3A_1698 = arith.constant 16 : index
        %parallel_loop3A_1699 = tpu.vector_load %arg15[%parallel_loop3A_1697, %parallel_loop3A_1698] {strides = array<i32>} : memref<80x64xi32, #tpu.memory_space<vmem>>, vector<16xi32>,
        %parallel_loop3A_1700 = vector.bitcast %parallel_loop3A_1699 : vector<16xi32> to vector<32xbf16>
        %parallel_loop3A_1701 = arith.index_cast %parallel_loop3A_1685 : i32 to index
        %parallel_loop3A_1702 = arith.constant 16 : index
        %parallel_loop3A_1703 = tpu.vector_load %arg17[%parallel_loop3A_1701, %parallel_loop3A_1702] {strides = array<i32>} : memref<80x64xi32, #tpu.memory_space<vmem>>, vector<16xi32>,
        %parallel_loop3A_1704 = vector.bitcast %parallel_loop3A_1703 : vector<16xi32> to vector<32xbf16>
        %parallel_loop3A_1705 = arith.addf %parallel_loop3A_1700, %parallel_loop3A_1704 : vector<32xbf16>
        %parallel_loop3A_1706 = arith.maximumf %parallel_loop3A_1705, %broadcast_in_dim3A_676 : vector<32xbf16>
        %parallel_loop3A_1707 = arith.mulf %parallel_loop3A_1706, %get3A_669 : vector<32xbf16>
        %parallel_loop3A_1708 = arith.index_cast %parallel_loop3A_1685 : i32 to index
        %parallel_loop3A_1709 = arith.constant 32 : index
        %parallel_loop3A_1710 = tpu.vector_load %arg15[%parallel_loop3A_1708, %parallel_loop3A_1709] {strides = array<i32>} : memref<80x64xi32, #tpu.memory_space<vmem>>, vector<16xi32>,
        %parallel_loop3A_1711 = vector.bitcast %parallel_loop3A_1710 : vector<16xi32> to vector<32xbf16>
        %parallel_loop3A_1712 = arith.index_cast %parallel_loop3A_1685 : i32 to index
        %parallel_loop3A_1713 = arith.constant 32 : index
        %parallel_loop3A_1714 = tpu.vector_load %arg17[%parallel_loop3A_1712, %parallel_loop3A_1713] {strides = array<i32>} : memref<80x64xi32, #tpu.memory_space<vmem>>, vector<16xi32>,
        %parallel_loop3A_1715 = vector.bitcast %parallel_loop3A_1714 : vector<16xi32> to vector<32xbf16>
        %parallel_loop3A_1716 = arith.addf %parallel_loop3A_1711, %parallel_loop3A_1715 : vector<32xbf16>
        %parallel_loop3A_1717 = arith.maximumf %parallel_loop3A_1716, %broadcast_in_dim3A_676 : vector<32xbf16>
        %parallel_loop3A_1718 = arith.mulf %parallel_loop3A_1717, %get3A_671 : vector<32xbf16>
        %parallel_loop3A_1719 = arith.index_cast %parallel_loop3A_1685 : i32 to index
        %parallel_loop3A_1720 = arith.constant 48 : index
        %parallel_loop3A_1721 = tpu.vector_load %arg15[%parallel_loop3A_1719, %parallel_loop3A_1720] {strides = array<i32>} : memref<80x64xi32, #tpu.memory_space<vmem>>, vector<16xi32>,
        %parallel_loop3A_1722 = vector.bitcast %parallel_loop3A_1721 : vector<16xi32> to vector<32xbf16>
        %parallel_loop3A_1723 = arith.index_cast %parallel_loop3A_1685 : i32 to index
        %parallel_loop3A_1724 = arith.constant 48 : index
        %parallel_loop3A_1725 = tpu.vector_load %arg17[%parallel_loop3A_1723, %parallel_loop3A_1724] {strides = array<i32>} : memref<80x64xi32, #tpu.memory_space<vmem>>, vector<16xi32>,
        %parallel_loop3A_1726 = vector.bitcast %parallel_loop3A_1725 : vector<16xi32> to vector<32xbf16>
        %parallel_loop3A_1727 = arith.addf %parallel_loop3A_1722, %parallel_loop3A_1726 : vector<32xbf16>
        %parallel_loop3A_1728 = arith.maximumf %parallel_loop3A_1727, %broadcast_in_dim3A_676 : vector<32xbf16>
        %parallel_loop3A_1729 = arith.mulf %parallel_loop3A_1728, %get3A_673 : vector<32xbf16>
        %parallel_loop3A_1730 = arith.addf %parallel_loop3A_1696, %parallel_loop3A_1707 : vector<32xbf16>
        %parallel_loop3A_1731 = arith.addf %parallel_loop3A_1718, %parallel_loop3A_1729 : vector<32xbf16>
        %parallel_loop3A_1732 = arith.addf %parallel_loop3A_1730, %parallel_loop3A_1731 : vector<32xbf16>
        %parallel_loop3A_1733 = tpu.unpack_subelements %parallel_loop3A_1732, 0 {pack_format = #tpu.pack_format<interleaved>} : vector<32xbf16> -> vector<16xf32>
        %parallel_loop3A_1734 = tpu.unpack_subelements %parallel_loop3A_1732, 1 {pack_format = #tpu.pack_format<interleaved>} : vector<32xbf16> -> vector<16xf32>
        %parallel_loop3A_1735 = arith.addf %parallel_loop3A_1733, %parallel_loop3A_1734 : vector<16xf32>
        %parallel_loop3A_1736 = arith.constant 16 : i32
        %parallel_loop3A_1737 = arith.muli %parallel_loop3A_1685, %parallel_loop3A_1736 : i32
        %parallel_loop3A_1738 = arith.index_cast %parallel_loop3A_1737 : i32 to index
        %parallel_loop3A_1739 = tpu.vector_load %arg23[%parallel_loop3A_1738] {strides = array<i32>} : memref<1280xf32, #tpu.memory_space<vmem>>, vector<16xf32>,
        tpu.vector_store %arg23[%parallel_loop3A_1738], %parallel_loop3A_1735 {strides = array<i32>} : memref<1280xf32, #tpu.memory_space<vmem>>, vector<16xf32>,
      } {sc.loop_unroll_factor = 4 : i64, sc.parallel_access}
      %get3A_680 = arith.constant 0 : index
      %get3A_681 = tpu.vector_load %arg22[%get3A_680] {strides = array<i32>} : memref<16xf32, #tpu.memory_space<vmem>>, vector<16xf32>,
      %mul3A_682 = arith.constant 16 : i32
      %mul3A_683 = vector.broadcast %mul3A_682 : i32 to vector<16xi32>
      %mul3A_684 = arith.muli %iota3A_674, %mul3A_683 : vector<16xi32>
      %add3A_685 = arith.constant 0 : i32
      %add3A_686 = vector.broadcast %add3A_685 : i32 to vector<16xi32>
      %add3A_687 = arith.addi %mul3A_684, %add3A_686 : vector<16xi32>
      %gather3A_688 = tpu.vector_load_idx %arg23[%add3A_687] : memref<1280xf32, #tpu.memory_space<vmem>>[vector<16xi32>], vector<16xf32>,
      %add3A_689 = arith.constant 1 : i32
      %add3A_690 = vector.broadcast %add3A_689 : i32 to vector<16xi32>
      %add3A_691 = arith.addi %mul3A_684, %add3A_690 : vector<16xi32>
      %gather3A_692 = tpu.vector_load_idx %arg23[%add3A_691] : memref<1280xf32, #tpu.memory_space<vmem>>[vector<16xi32>], vector<16xf32>,
      %add3A_693 = arith.constant 2 : i32
      %add3A_694 = vector.broadcast %add3A_693 : i32 to vector<16xi32>
      %add3A_695 = arith.addi %mul3A_684, %add3A_694 : vector<16xi32>
      %gather3A_696 = tpu.vector_load_idx %arg23[%add3A_695] : memref<1280xf32, #tpu.memory_space<vmem>>[vector<16xi32>], vector<16xf32>,
      %add3A_697 = arith.constant 3 : i32
      %add3A_698 = vector.broadcast %add3A_697 : i32 to vector<16xi32>
      %add3A_699 = arith.addi %mul3A_684, %add3A_698 : vector<16xi32>
      %gather3A_700 = tpu.vector_load_idx %arg23[%add3A_699] : memref<1280xf32, #tpu.memory_space<vmem>>[vector<16xi32>], vector<16xf32>,
      %add3A_701 = arith.constant 4 : i32
      %add3A_702 = vector.broadcast %add3A_701 : i32 to vector<16xi32>
      %add3A_703 = arith.addi %mul3A_684, %add3A_702 : vector<16xi32>
      %gather3A_704 = tpu.vector_load_idx %arg23[%add3A_703] : memref<1280xf32, #tpu.memory_space<vmem>>[vector<16xi32>], vector<16xf32>,
      %add3A_705 = arith.constant 5 : i32
      %add3A_706 = vector.broadcast %add3A_705 : i32 to vector<16xi32>
      %add3A_707 = arith.addi %mul3A_684, %add3A_706 : vector<16xi32>
      %gather3A_708 = tpu.vector_load_idx %arg23[%add3A_707] : memref<1280xf32, #tpu.memory_space<vmem>>[vector<16xi32>], vector<16xf32>,
      %add3A_709 = arith.constant 6 : i32
      %add3A_710 = vector.broadcast %add3A_709 : i32 to vector<16xi32>
      %add3A_711 = arith.addi %mul3A_684, %add3A_710 : vector<16xi32>
      %gather3A_712 = tpu.vector_load_idx %arg23[%add3A_711] : memref<1280xf32, #tpu.memory_space<vmem>>[vector<16xi32>], vector<16xf32>,
      %add3A_713 = arith.constant 7 : i32
      %add3A_714 = vector.broadcast %add3A_713 : i32 to vector<16xi32>
      %add3A_715 = arith.addi %mul3A_684, %add3A_714 : vector<16xi32>
      %gather3A_716 = tpu.vector_load_idx %arg23[%add3A_715] : memref<1280xf32, #tpu.memory_space<vmem>>[vector<16xi32>], vector<16xf32>,
      %add3A_717 = arith.constant 8 : i32
      %add3A_718 = vector.broadcast %add3A_717 : i32 to vector<16xi32>
      %add3A_719 = arith.addi %mul3A_684, %add3A_718 : vector<16xi32>
      %gather3A_720 = tpu.vector_load_idx %arg23[%add3A_719] : memref<1280xf32, #tpu.memory_space<vmem>>[vector<16xi32>], vector<16xf32>,
      %add3A_721 = arith.constant 9 : i32
      %add3A_722 = vector.broadcast %add3A_721 : i32 to vector<16xi32>
      %add3A_723 = arith.addi %mul3A_684, %add3A_722 : vector<16xi32>
      %gather3A_724 = tpu.vector_load_idx %arg23[%add3A_723] : memref<1280xf32, #tpu.memory_space<vmem>>[vector<16xi32>], vector<16xf32>,
      %add3A_725 = arith.constant 10 : i32
      %add3A_726 = vector.broadcast %add3A_725 : i32 to vector<16xi32>
      %add3A_727 = arith.addi %mul3A_684, %add3A_726 : vector<16xi32>
      %gather3A_728 = tpu.vector_load_idx %arg23[%add3A_727] : memref<1280xf32, #tpu.memory_space<vmem>>[vector<16xi32>], vector<16xf32>,
      %add3A_729 = arith.constant 11 : i32
      %add3A_730 = vector.broadcast %add3A_729 : i32 to vector<16xi32>
      %add3A_731 = arith.addi %mul3A_684, %add3A_730 : vector<16xi32>
      %gather3A_732 = tpu.vector_load_idx %arg23[%add3A_731] : memref<1280xf32, #tpu.memory_space<vmem>>[vector<16xi32>], vector<16xf32>,
      %add3A_733 = arith.constant 12 : i32
      %add3A_734 = vector.broadcast %add3A_733 : i32 to vector<16xi32>
      %add3A_735 = arith.addi %mul3A_684, %add3A_734 : vector<16xi32>
      %gather3A_736 = tpu.vector_load_idx %arg23[%add3A_735] : memref<1280xf32, #tpu.memory_space<vmem>>[vector<16xi32>], vector<16xf32>,
      %add3A_737 = arith.constant 13 : i32
      %add3A_738 = vector.broadcast %add3A_737 : i32 to vector<16xi32>
      %add3A_739 = arith.addi %mul3A_684, %add3A_738 : vector<16xi32>
      %gather3A_740 = tpu.vector_load_idx %arg23[%add3A_739] : memref<1280xf32, #tpu.memory_space<vmem>>[vector<16xi32>], vector<16xf32>,
      %add3A_741 = arith.constant 14 : i32
      %add3A_742 = vector.broadcast %add3A_741 : i32 to vector<16xi32>
      %add3A_743 = arith.addi %mul3A_684, %add3A_742 : vector<16xi32>
      %gather3A_744 = tpu.vector_load_idx %arg23[%add3A_743] : memref<1280xf32, #tpu.memory_space<vmem>>[vector<16xi32>], vector<16xf32>,
      %add3A_745 = arith.constant 15 : i32
      %add3A_746 = vector.broadcast %add3A_745 : i32 to vector<16xi32>
      %add3A_747 = arith.addi %mul3A_684, %add3A_746 : vector<16xi32>
      %gather3A_748 = tpu.vector_load_idx %arg23[%add3A_747] : memref<1280xf32, #tpu.memory_space<vmem>>[vector<16xi32>], vector<16xf32>,
      %add3A_749 = arith.addf %gather3A_688, %gather3A_692 : vector<16xf32>
      %add3A_750 = arith.addf %gather3A_696, %gather3A_700 : vector<16xf32>
      %add3A_751 = arith.addf %gather3A_704, %gather3A_708 : vector<16xf32>
      %add3A_752 = arith.addf %gather3A_712, %gather3A_716 : vector<16xf32>
      %add3A_753 = arith.addf %gather3A_720, %gather3A_724 : vector<16xf32>
      %add3A_754 = arith.addf %gather3A_728, %gather3A_732 : vector<16xf32>
      %add3A_755 = arith.addf %gather3A_736, %gather3A_740 : vector<16xf32>
      %add3A_756 = arith.addf %gather3A_744, %gather3A_748 : vector<16xf32>
      %add3A_757 = arith.addf %add3A_749, %add3A_750 : vector<16xf32>
      %add3A_758 = arith.addf %add3A_751, %add3A_752 : vector<16xf32>
      %add3A_759 = arith.addf %add3A_753, %add3A_754 : vector<16xf32>
      %add3A_760 = arith.addf %add3A_755, %add3A_756 : vector<16xf32>
      %add3A_761 = arith.addf %add3A_757, %add3A_758 : vector<16xf32>
      %add3A_762 = arith.addf %add3A_759, %add3A_760 : vector<16xf32>
      %add3A_763 = arith.addf %add3A_761, %add3A_762 : vector<16xf32>
      %add3A_764 = arith.addf %get3A_681, %add3A_763 : vector<16xf32>
      %neg3A_765 = arith.constant 0.000000e+00 : f32
      %neg3A_766 = vector.broadcast %neg3A_765 : f32 to vector<16xf32>
      %neg3A_767 = arith.subf %neg3A_766, %add3A_764 : vector<16xf32>
      %exp3A_768 = math.exp %neg3A_767 : vector<16xf32>
      %add3A_769 = arith.constant 1.000000e+00 : f32
      %add3A_770 = vector.broadcast %add3A_769 : f32 to vector<16xf32>
      %add3A_771 = arith.addf %add3A_770, %exp3A_768 : vector<16xf32>
      %div3A_772 = arith.constant 1.000000e+00 : f32
      %div3A_773 = vector.broadcast %div3A_772 : f32 to vector<16xf32>
      %div3A_774 = arith.divf %div3A_773, %add3A_771 : vector<16xf32>
      %swap3A_775 = arith.constant 0 : index
      %swap3A_776 = tpu.vector_load %arg24[%swap3A_775] {strides = array<i32>} : memref<80xf32, #tpu.memory_space<vmem>>, vector<16xf32>,
      tpu.vector_store %arg24[%swap3A_775], %div3A_774 {strides = array<i32>} : memref<80xf32, #tpu.memory_space<vmem>>, vector<16xf32>,
      %add3A_777 = arith.constant 256 : i32
      %add3A_778 = vector.broadcast %add3A_777 : i32 to vector<16xi32>
      %add3A_779 = arith.addi %mul3A_684, %add3A_778 : vector<16xi32>
      %gather3A_780 = tpu.vector_load_idx %arg23[%add3A_779] : memref<1280xf32, #tpu.memory_space<vmem>>[vector<16xi32>], vector<16xf32>,
      %add3A_781 = arith.constant 257 : i32
      %add3A_782 = vector.broadcast %add3A_781 : i32 to vector<16xi32>
      %add3A_783 = arith.addi %mul3A_684, %add3A_782 : vector<16xi32>
      %gather3A_784 = tpu.vector_load_idx %arg23[%add3A_783] : memref<1280xf32, #tpu.memory_space<vmem>>[vector<16xi32>], vector<16xf32>,
      %add3A_785 = arith.constant 258 : i32
      %add3A_786 = vector.broadcast %add3A_785 : i32 to vector<16xi32>
      %add3A_787 = arith.addi %mul3A_684, %add3A_786 : vector<16xi32>
      %gather3A_788 = tpu.vector_load_idx %arg23[%add3A_787] : memref<1280xf32, #tpu.memory_space<vmem>>[vector<16xi32>], vector<16xf32>,
      %add3A_789 = arith.constant 259 : i32
      %add3A_790 = vector.broadcast %add3A_789 : i32 to vector<16xi32>
      %add3A_791 = arith.addi %mul3A_684, %add3A_790 : vector<16xi32>
      %gather3A_792 = tpu.vector_load_idx %arg23[%add3A_791] : memref<1280xf32, #tpu.memory_space<vmem>>[vector<16xi32>], vector<16xf32>,
      %add3A_793 = arith.constant 260 : i32
      %add3A_794 = vector.broadcast %add3A_793 : i32 to vector<16xi32>
      %add3A_795 = arith.addi %mul3A_684, %add3A_794 : vector<16xi32>
      %gather3A_796 = tpu.vector_load_idx %arg23[%add3A_795] : memref<1280xf32, #tpu.memory_space<vmem>>[vector<16xi32>], vector<16xf32>,
      %add3A_797 = arith.constant 261 : i32
      %add3A_798 = vector.broadcast %add3A_797 : i32 to vector<16xi32>
      %add3A_799 = arith.addi %mul3A_684, %add3A_798 : vector<16xi32>
      %gather3A_800 = tpu.vector_load_idx %arg23[%add3A_799] : memref<1280xf32, #tpu.memory_space<vmem>>[vector<16xi32>], vector<16xf32>,
      %add3A_801 = arith.constant 262 : i32
      %add3A_802 = vector.broadcast %add3A_801 : i32 to vector<16xi32>
      %add3A_803 = arith.addi %mul3A_684, %add3A_802 : vector<16xi32>
      %gather3A_804 = tpu.vector_load_idx %arg23[%add3A_803] : memref<1280xf32, #tpu.memory_space<vmem>>[vector<16xi32>], vector<16xf32>,
      %add3A_805 = arith.constant 263 : i32
      %add3A_806 = vector.broadcast %add3A_805 : i32 to vector<16xi32>
      %add3A_807 = arith.addi %mul3A_684, %add3A_806 : vector<16xi32>
      %gather3A_808 = tpu.vector_load_idx %arg23[%add3A_807] : memref<1280xf32, #tpu.memory_space<vmem>>[vector<16xi32>], vector<16xf32>,
      %add3A_809 = arith.constant 264 : i32
      %add3A_810 = vector.broadcast %add3A_809 : i32 to vector<16xi32>
      %add3A_811 = arith.addi %mul3A_684, %add3A_810 : vector<16xi32>
      %gather3A_812 = tpu.vector_load_idx %arg23[%add3A_811] : memref<1280xf32, #tpu.memory_space<vmem>>[vector<16xi32>], vector<16xf32>,
      %add3A_813 = arith.constant 265 : i32
      %add3A_814 = vector.broadcast %add3A_813 : i32 to vector<16xi32>
      %add3A_815 = arith.addi %mul3A_684, %add3A_814 : vector<16xi32>
      %gather3A_816 = tpu.vector_load_idx %arg23[%add3A_815] : memref<1280xf32, #tpu.memory_space<vmem>>[vector<16xi32>], vector<16xf32>,
      %add3A_817 = arith.constant 266 : i32
      %add3A_818 = vector.broadcast %add3A_817 : i32 to vector<16xi32>
      %add3A_819 = arith.addi %mul3A_684, %add3A_818 : vector<16xi32>
      %gather3A_820 = tpu.vector_load_idx %arg23[%add3A_819] : memref<1280xf32, #tpu.memory_space<vmem>>[vector<16xi32>], vector<16xf32>,
      %add3A_821 = arith.constant 267 : i32
      %add3A_822 = vector.broadcast %add3A_821 : i32 to vector<16xi32>
      %add3A_823 = arith.addi %mul3A_684, %add3A_822 : vector<16xi32>
      %gather3A_824 = tpu.vector_load_idx %arg23[%add3A_823] : memref<1280xf32, #tpu.memory_space<vmem>>[vector<16xi32>], vector<16xf32>,
      %add3A_825 = arith.constant 268 : i32
      %add3A_826 = vector.broadcast %add3A_825 : i32 to vector<16xi32>
      %add3A_827 = arith.addi %mul3A_684, %add3A_826 : vector<16xi32>
      %gather3A_828 = tpu.vector_load_idx %arg23[%add3A_827] : memref<1280xf32, #tpu.memory_space<vmem>>[vector<16xi32>], vector<16xf32>,
      %add3A_829 = arith.constant 269 : i32
      %add3A_830 = vector.broadcast %add3A_829 : i32 to vector<16xi32>
      %add3A_831 = arith.addi %mul3A_684, %add3A_830 : vector<16xi32>
      %gather3A_832 = tpu.vector_load_idx %arg23[%add3A_831] : memref<1280xf32, #tpu.memory_space<vmem>>[vector<16xi32>], vector<16xf32>,
      %add3A_833 = arith.constant 270 : i32
      %add3A_834 = vector.broadcast %add3A_833 : i32 to vector<16xi32>
      %add3A_835 = arith.addi %mul3A_684, %add3A_834 : vector<16xi32>
      %gather3A_836 = tpu.vector_load_idx %arg23[%add3A_835] : memref<1280xf32, #tpu.memory_space<vmem>>[vector<16xi32>], vector<16xf32>,
      %add3A_837 = arith.constant 271 : i32
      %add3A_838 = vector.broadcast %add3A_837 : i32 to vector<16xi32>
      %add3A_839 = arith.addi %mul3A_684, %add3A_838 : vector<16xi32>
      %gather3A_840 = tpu.vector_load_idx %arg23[%add3A_839] : memref<1280xf32, #tpu.memory_space<vmem>>[vector<16xi32>], vector<16xf32>,
      %add3A_841 = arith.addf %gather3A_780, %gather3A_784 : vector<16xf32>
      %add3A_842 = arith.addf %gather3A_788, %gather3A_792 : vector<16xf32>
      %add3A_843 = arith.addf %gather3A_796, %gather3A_800 : vector<16xf32>
      %add3A_844 = arith.addf %gather3A_804, %gather3A_808 : vector<16xf32>
      %add3A_845 = arith.addf %gather3A_812, %gather3A_816 : vector<16xf32>
      %add3A_846 = arith.addf %gather3A_820, %gather3A_824 : vector<16xf32>
      %add3A_847 = arith.addf %gather3A_828, %gather3A_832 : vector<16xf32>
      %add3A_848 = arith.addf %gather3A_836, %gather3A_840 : vector<16xf32>
      %add3A_849 = arith.addf %add3A_841, %add3A_842 : vector<16xf32>
      %add3A_850 = arith.addf %add3A_843, %add3A_844 : vector<16xf32>
      %add3A_851 = arith.addf %add3A_845, %add3A_846 : vector<16xf32>
      %add3A_852 = arith.addf %add3A_847, %add3A_848 : vector<16xf32>
      %add3A_853 = arith.addf %add3A_849, %add3A_850 : vector<16xf32>
      %add3A_854 = arith.addf %add3A_851, %add3A_852 : vector<16xf32>
      %add3A_855 = arith.addf %add3A_853, %add3A_854 : vector<16xf32>
      %add3A_856 = arith.addf %get3A_681, %add3A_855 : vector<16xf32>
      %neg3A_857 = arith.constant 0.000000e+00 : f32
      %neg3A_858 = vector.broadcast %neg3A_857 : f32 to vector<16xf32>
      %neg3A_859 = arith.subf %neg3A_858, %add3A_856 : vector<16xf32>
      %exp3A_860 = math.exp %neg3A_859 : vector<16xf32>
      %add3A_861 = arith.constant 1.000000e+00 : f32
      %add3A_862 = vector.broadcast %add3A_861 : f32 to vector<16xf32>
      %add3A_863 = arith.addf %add3A_862, %exp3A_860 : vector<16xf32>
      %div3A_864 = arith.constant 1.000000e+00 : f32
      %div3A_865 = vector.broadcast %div3A_864 : f32 to vector<16xf32>
      %div3A_866 = arith.divf %div3A_865, %add3A_863 : vector<16xf32>
      %swap3A_867 = arith.constant 16 : index
      %swap3A_868 = tpu.vector_load %arg24[%swap3A_867] {strides = array<i32>} : memref<80xf32, #tpu.memory_space<vmem>>, vector<16xf32>,
      tpu.vector_store %arg24[%swap3A_867], %div3A_866 {strides = array<i32>} : memref<80xf32, #tpu.memory_space<vmem>>, vector<16xf32>,
      %add3A_869 = arith.constant 512 : i32
      %add3A_870 = vector.broadcast %add3A_869 : i32 to vector<16xi32>
      %add3A_871 = arith.addi %mul3A_684, %add3A_870 : vector<16xi32>
      %gather3A_872 = tpu.vector_load_idx %arg23[%add3A_871] : memref<1280xf32, #tpu.memory_space<vmem>>[vector<16xi32>], vector<16xf32>,
      %add3A_873 = arith.constant 513 : i32
      %add3A_874 = vector.broadcast %add3A_873 : i32 to vector<16xi32>
      %add3A_875 = arith.addi %mul3A_684, %add3A_874 : vector<16xi32>
      %gather3A_876 = tpu.vector_load_idx %arg23[%add3A_875] : memref<1280xf32, #tpu.memory_space<vmem>>[vector<16xi32>], vector<16xf32>,
      %add3A_877 = arith.constant 514 : i32
      %add3A_878 = vector.broadcast %add3A_877 : i32 to vector<16xi32>
      %add3A_879 = arith.addi %mul3A_684, %add3A_878 : vector<16xi32>
      %gather3A_880 = tpu.vector_load_idx %arg23[%add3A_879] : memref<1280xf32, #tpu.memory_space<vmem>>[vector<16xi32>], vector<16xf32>,
      %add3A_881 = arith.constant 515 : i32
      %add3A_882 = vector.broadcast %add3A_881 : i32 to vector<16xi32>
      %add3A_883 = arith.addi %mul3A_684, %add3A_882 : vector<16xi32>
      %gather3A_884 = tpu.vector_load_idx %arg23[%add3A_883] : memref<1280xf32, #tpu.memory_space<vmem>>[vector<16xi32>], vector<16xf32>,
      %add3A_885 = arith.constant 516 : i32
      %add3A_886 = vector.broadcast %add3A_885 : i32 to vector<16xi32>
      %add3A_887 = arith.addi %mul3A_684, %add3A_886 : vector<16xi32>
      %gather3A_888 = tpu.vector_load_idx %arg23[%add3A_887] : memref<1280xf32, #tpu.memory_space<vmem>>[vector<16xi32>], vector<16xf32>,
      %add3A_889 = arith.constant 517 : i32
      %add3A_890 = vector.broadcast %add3A_889 : i32 to vector<16xi32>
      %add3A_891 = arith.addi %mul3A_684, %add3A_890 : vector<16xi32>
      %gather3A_892 = tpu.vector_load_idx %arg23[%add3A_891] : memref<1280xf32, #tpu.memory_space<vmem>>[vector<16xi32>], vector<16xf32>,
      %add3A_893 = arith.constant 518 : i32
      %add3A_894 = vector.broadcast %add3A_893 : i32 to vector<16xi32>
      %add3A_895 = arith.addi %mul3A_684, %add3A_894 : vector<16xi32>
      %gather3A_896 = tpu.vector_load_idx %arg23[%add3A_895] : memref<1280xf32, #tpu.memory_space<vmem>>[vector<16xi32>], vector<16xf32>,
      %add3A_897 = arith.constant 519 : i32
      %add3A_898 = vector.broadcast %add3A_897 : i32 to vector<16xi32>
      %add3A_899 = arith.addi %mul3A_684, %add3A_898 : vector<16xi32>
      %gather3A_900 = tpu.vector_load_idx %arg23[%add3A_899] : memref<1280xf32, #tpu.memory_space<vmem>>[vector<16xi32>], vector<16xf32>,
      %add3A_901 = arith.constant 520 : i32
      %add3A_902 = vector.broadcast %add3A_901 : i32 to vector<16xi32>
      %add3A_903 = arith.addi %mul3A_684, %add3A_902 : vector<16xi32>
      %gather3A_904 = tpu.vector_load_idx %arg23[%add3A_903] : memref<1280xf32, #tpu.memory_space<vmem>>[vector<16xi32>], vector<16xf32>,
      %add3A_905 = arith.constant 521 : i32
      %add3A_906 = vector.broadcast %add3A_905 : i32 to vector<16xi32>
      %add3A_907 = arith.addi %mul3A_684, %add3A_906 : vector<16xi32>
      %gather3A_908 = tpu.vector_load_idx %arg23[%add3A_907] : memref<1280xf32, #tpu.memory_space<vmem>>[vector<16xi32>], vector<16xf32>,
      %add3A_909 = arith.constant 522 : i32
      %add3A_910 = vector.broadcast %add3A_909 : i32 to vector<16xi32>
      %add3A_911 = arith.addi %mul3A_684, %add3A_910 : vector<16xi32>
      %gather3A_912 = tpu.vector_load_idx %arg23[%add3A_911] : memref<1280xf32, #tpu.memory_space<vmem>>[vector<16xi32>], vector<16xf32>,
      %add3A_913 = arith.constant 523 : i32
      %add3A_914 = vector.broadcast %add3A_913 : i32 to vector<16xi32>
      %add3A_915 = arith.addi %mul3A_684, %add3A_914 : vector<16xi32>
      %gather3A_916 = tpu.vector_load_idx %arg23[%add3A_915] : memref<1280xf32, #tpu.memory_space<vmem>>[vector<16xi32>], vector<16xf32>,
      %add3A_917 = arith.constant 524 : i32
      %add3A_918 = vector.broadcast %add3A_917 : i32 to vector<16xi32>
      %add3A_919 = arith.addi %mul3A_684, %add3A_918 : vector<16xi32>
      %gather3A_920 = tpu.vector_load_idx %arg23[%add3A_919] : memref<1280xf32, #tpu.memory_space<vmem>>[vector<16xi32>], vector<16xf32>,
      %add3A_921 = arith.constant 525 : i32
      %add3A_922 = vector.broadcast %add3A_921 : i32 to vector<16xi32>
      %add3A_923 = arith.addi %mul3A_684, %add3A_922 : vector<16xi32>
      %gather3A_924 = tpu.vector_load_idx %arg23[%add3A_923] : memref<1280xf32, #tpu.memory_space<vmem>>[vector<16xi32>], vector<16xf32>,
      %add3A_925 = arith.constant 526 : i32
      %add3A_926 = vector.broadcast %add3A_925 : i32 to vector<16xi32>
      %add3A_927 = arith.addi %mul3A_684, %add3A_926 : vector<16xi32>
      %gather3A_928 = tpu.vector_load_idx %arg23[%add3A_927] : memref<1280xf32, #tpu.memory_space<vmem>>[vector<16xi32>], vector<16xf32>,
      %add3A_929 = arith.constant 527 : i32
      %add3A_930 = vector.broadcast %add3A_929 : i32 to vector<16xi32>
      %add3A_931 = arith.addi %mul3A_684, %add3A_930 : vector<16xi32>
      %gather3A_932 = tpu.vector_load_idx %arg23[%add3A_931] : memref<1280xf32, #tpu.memory_space<vmem>>[vector<16xi32>], vector<16xf32>,
      %add3A_933 = arith.addf %gather3A_872, %gather3A_876 : vector<16xf32>
      %add3A_934 = arith.addf %gather3A_880, %gather3A_884 : vector<16xf32>
      %add3A_935 = arith.addf %gather3A_888, %gather3A_892 : vector<16xf32>
      %add3A_936 = arith.addf %gather3A_896, %gather3A_900 : vector<16xf32>
      %add3A_937 = arith.addf %gather3A_904, %gather3A_908 : vector<16xf32>
      %add3A_938 = arith.addf %gather3A_912, %gather3A_916 : vector<16xf32>
      %add3A_939 = arith.addf %gather3A_920, %gather3A_924 : vector<16xf32>
      %add3A_940 = arith.addf %gather3A_928, %gather3A_932 : vector<16xf32>
      %add3A_941 = arith.addf %add3A_933, %add3A_934 : vector<16xf32>
      %add3A_942 = arith.addf %add3A_935, %add3A_936 : vector<16xf32>
      %add3A_943 = arith.addf %add3A_937, %add3A_938 : vector<16xf32>
      %add3A_944 = arith.addf %add3A_939, %add3A_940 : vector<16xf32>
      %add3A_945 = arith.addf %add3A_941, %add3A_942 : vector<16xf32>
      %add3A_946 = arith.addf %add3A_943, %add3A_944 : vector<16xf32>
      %add3A_947 = arith.addf %add3A_945, %add3A_946 : vector<16xf32>
      %add3A_948 = arith.addf %get3A_681, %add3A_947 : vector<16xf32>
      %neg3A_949 = arith.constant 0.000000e+00 : f32
      %neg3A_950 = vector.broadcast %neg3A_949 : f32 to vector<16xf32>
      %neg3A_951 = arith.subf %neg3A_950, %add3A_948 : vector<16xf32>
      %exp3A_952 = math.exp %neg3A_951 : vector<16xf32>
      %add3A_953 = arith.constant 1.000000e+00 : f32
      %add3A_954 = vector.broadcast %add3A_953 : f32 to vector<16xf32>
      %add3A_955 = arith.addf %add3A_954, %exp3A_952 : vector<16xf32>
      %div3A_956 = arith.constant 1.000000e+00 : f32
      %div3A_957 = vector.broadcast %div3A_956 : f32 to vector<16xf32>
      %div3A_958 = arith.divf %div3A_957, %add3A_955 : vector<16xf32>
      %swap3A_959 = arith.constant 32 : index
      %swap3A_960 = tpu.vector_load %arg24[%swap3A_959] {strides = array<i32>} : memref<80xf32, #tpu.memory_space<vmem>>, vector<16xf32>,
      tpu.vector_store %arg24[%swap3A_959], %div3A_958 {strides = array<i32>} : memref<80xf32, #tpu.memory_space<vmem>>, vector<16xf32>,
      %add3A_961 = arith.constant 768 : i32
      %add3A_962 = vector.broadcast %add3A_961 : i32 to vector<16xi32>
      %add3A_963 = arith.addi %mul3A_684, %add3A_962 : vector<16xi32>
      %gather3A_964 = tpu.vector_load_idx %arg23[%add3A_963] : memref<1280xf32, #tpu.memory_space<vmem>>[vector<16xi32>], vector<16xf32>,
      %add3A_965 = arith.constant 769 : i32
      %add3A_966 = vector.broadcast %add3A_965 : i32 to vector<16xi32>
      %add3A_967 = arith.addi %mul3A_684, %add3A_966 : vector<16xi32>
      %gather3A_968 = tpu.vector_load_idx %arg23[%add3A_967] : memref<1280xf32, #tpu.memory_space<vmem>>[vector<16xi32>], vector<16xf32>,
      %add3A_969 = arith.constant 770 : i32
      %add3A_970 = vector.broadcast %add3A_969 : i32 to vector<16xi32>
      %add3A_971 = arith.addi %mul3A_684, %add3A_970 : vector<16xi32>
      %gather3A_972 = tpu.vector_load_idx %arg23[%add3A_971] : memref<1280xf32, #tpu.memory_space<vmem>>[vector<16xi32>], vector<16xf32>,
      %add3A_973 = arith.constant 771 : i32
      %add3A_974 = vector.broadcast %add3A_973 : i32 to vector<16xi32>
      %add3A_975 = arith.addi %mul3A_684, %add3A_974 : vector<16xi32>
      %gather3A_976 = tpu.vector_load_idx %arg23[%add3A_975] : memref<1280xf32, #tpu.memory_space<vmem>>[vector<16xi32>], vector<16xf32>,
      %add3A_977 = arith.constant 772 : i32
      %add3A_978 = vector.broadcast %add3A_977 : i32 to vector<16xi32>
      %add3A_979 = arith.addi %mul3A_684, %add3A_978 : vector<16xi32>
      %gather3A_980 = tpu.vector_load_idx %arg23[%add3A_979] : memref<1280xf32, #tpu.memory_space<vmem>>[vector<16xi32>], vector<16xf32>,
      %add3A_981 = arith.constant 773 : i32
      %add3A_982 = vector.broadcast %add3A_981 : i32 to vector<16xi32>
      %add3A_983 = arith.addi %mul3A_684, %add3A_982 : vector<16xi32>
      %gather3A_984 = tpu.vector_load_idx %arg23[%add3A_983] : memref<1280xf32, #tpu.memory_space<vmem>>[vector<16xi32>], vector<16xf32>,
      %add3A_985 = arith.constant 774 : i32
      %add3A_986 = vector.broadcast %add3A_985 : i32 to vector<16xi32>
      %add3A_987 = arith.addi %mul3A_684, %add3A_986 : vector<16xi32>
      %gather3A_988 = tpu.vector_load_idx %arg23[%add3A_987] : memref<1280xf32, #tpu.memory_space<vmem>>[vector<16xi32>], vector<16xf32>,
      %add3A_989 = arith.constant 775 : i32
      %add3A_990 = vector.broadcast %add3A_989 : i32 to vector<16xi32>
      %add3A_991 = arith.addi %mul3A_684, %add3A_990 : vector<16xi32>
      %gather3A_992 = tpu.vector_load_idx %arg23[%add3A_991] : memref<1280xf32, #tpu.memory_space<vmem>>[vector<16xi32>], vector<16xf32>,
      %add3A_993 = arith.constant 776 : i32
      %add3A_994 = vector.broadcast %add3A_993 : i32 to vector<16xi32>
      %add3A_995 = arith.addi %mul3A_684, %add3A_994 : vector<16xi32>
      %gather3A_996 = tpu.vector_load_idx %arg23[%add3A_995] : memref<1280xf32, #tpu.memory_space<vmem>>[vector<16xi32>], vector<16xf32>,
      %add3A_997 = arith.constant 777 : i32
      %add3A_998 = vector.broadcast %add3A_997 : i32 to vector<16xi32>
      %add3A_999 = arith.addi %mul3A_684, %add3A_998 : vector<16xi32>
      %gather3A_1000 = tpu.vector_load_idx %arg23[%add3A_999] : memref<1280xf32, #tpu.memory_space<vmem>>[vector<16xi32>], vector<16xf32>,
      %add3A_1001 = arith.constant 778 : i32
      %add3A_1002 = vector.broadcast %add3A_1001 : i32 to vector<16xi32>
      %add3A_1003 = arith.addi %mul3A_684, %add3A_1002 : vector<16xi32>
      %gather3A_1004 = tpu.vector_load_idx %arg23[%add3A_1003] : memref<1280xf32, #tpu.memory_space<vmem>>[vector<16xi32>], vector<16xf32>,
      %add3A_1005 = arith.constant 779 : i32
      %add3A_1006 = vector.broadcast %add3A_1005 : i32 to vector<16xi32>
      %add3A_1007 = arith.addi %mul3A_684, %add3A_1006 : vector<16xi32>
      %gather3A_1008 = tpu.vector_load_idx %arg23[%add3A_1007] : memref<1280xf32, #tpu.memory_space<vmem>>[vector<16xi32>], vector<16xf32>,
      %add3A_1009 = arith.constant 780 : i32
      %add3A_1010 = vector.broadcast %add3A_1009 : i32 to vector<16xi32>
      %add3A_1011 = arith.addi %mul3A_684, %add3A_1010 : vector<16xi32>
      %gather3A_1012 = tpu.vector_load_idx %arg23[%add3A_1011] : memref<1280xf32, #tpu.memory_space<vmem>>[vector<16xi32>], vector<16xf32>,
      %add3A_1013 = arith.constant 781 : i32
      %add3A_1014 = vector.broadcast %add3A_1013 : i32 to vector<16xi32>
      %add3A_1015 = arith.addi %mul3A_684, %add3A_1014 : vector<16xi32>
      %gather3A_1016 = tpu.vector_load_idx %arg23[%add3A_1015] : memref<1280xf32, #tpu.memory_space<vmem>>[vector<16xi32>], vector<16xf32>,
      %add3A_1017 = arith.constant 782 : i32
      %add3A_1018 = vector.broadcast %add3A_1017 : i32 to vector<16xi32>
      %add3A_1019 = arith.addi %mul3A_684, %add3A_1018 : vector<16xi32>
      %gather3A_1020 = tpu.vector_load_idx %arg23[%add3A_1019] : memref<1280xf32, #tpu.memory_space<vmem>>[vector<16xi32>], vector<16xf32>,
      %add3A_1021 = arith.constant 783 : i32
      %add3A_1022 = vector.broadcast %add3A_1021 : i32 to vector<16xi32>
      %add3A_1023 = arith.addi %mul3A_684, %add3A_1022 : vector<16xi32>
      %gather3A_1024 = tpu.vector_load_idx %arg23[%add3A_1023] : memref<1280xf32, #tpu.memory_space<vmem>>[vector<16xi32>], vector<16xf32>,
      %add3A_1025 = arith.addf %gather3A_964, %gather3A_968 : vector<16xf32>
      %add3A_1026 = arith.addf %gather3A_972, %gather3A_976 : vector<16xf32>
      %add3A_1027 = arith.addf %gather3A_980, %gather3A_984 : vector<16xf32>
      %add3A_1028 = arith.addf %gather3A_988, %gather3A_992 : vector<16xf32>
      %add3A_1029 = arith.addf %gather3A_996, %gather3A_1000 : vector<16xf32>
      %add3A_1030 = arith.addf %gather3A_1004, %gather3A_1008 : vector<16xf32>
      %add3A_1031 = arith.addf %gather3A_1012, %gather3A_1016 : vector<16xf32>
      %add3A_1032 = arith.addf %gather3A_1020, %gather3A_1024 : vector<16xf32>
      %add3A_1033 = arith.addf %add3A_1025, %add3A_1026 : vector<16xf32>
      %add3A_1034 = arith.addf %add3A_1027, %add3A_1028 : vector<16xf32>
      %add3A_1035 = arith.addf %add3A_1029, %add3A_1030 : vector<16xf32>
      %add3A_1036 = arith.addf %add3A_1031, %add3A_1032 : vector<16xf32>
      %add3A_1037 = arith.addf %add3A_1033, %add3A_1034 : vector<16xf32>
      %add3A_1038 = arith.addf %add3A_1035, %add3A_1036 : vector<16xf32>
      %add3A_1039 = arith.addf %add3A_1037, %add3A_1038 : vector<16xf32>
      %add3A_1040 = arith.addf %get3A_681, %add3A_1039 : vector<16xf32>
      %neg3A_1041 = arith.constant 0.000000e+00 : f32
      %neg3A_1042 = vector.broadcast %neg3A_1041 : f32 to vector<16xf32>
      %neg3A_1043 = arith.subf %neg3A_1042, %add3A_1040 : vector<16xf32>
      %exp3A_1044 = math.exp %neg3A_1043 : vector<16xf32>
      %add3A_1045 = arith.constant 1.000000e+00 : f32
      %add3A_1046 = vector.broadcast %add3A_1045 : f32 to vector<16xf32>
      %add3A_1047 = arith.addf %add3A_1046, %exp3A_1044 : vector<16xf32>
      %div3A_1048 = arith.constant 1.000000e+00 : f32
      %div3A_1049 = vector.broadcast %div3A_1048 : f32 to vector<16xf32>
      %div3A_1050 = arith.divf %div3A_1049, %add3A_1047 : vector<16xf32>
      %swap3A_1051 = arith.constant 48 : index
      %swap3A_1052 = tpu.vector_load %arg24[%swap3A_1051] {strides = array<i32>} : memref<80xf32, #tpu.memory_space<vmem>>, vector<16xf32>,
      tpu.vector_store %arg24[%swap3A_1051], %div3A_1050 {strides = array<i32>} : memref<80xf32, #tpu.memory_space<vmem>>, vector<16xf32>,
      %add3A_1053 = arith.constant 1024 : i32
      %add3A_1054 = vector.broadcast %add3A_1053 : i32 to vector<16xi32>
      %add3A_1055 = arith.addi %mul3A_684, %add3A_1054 : vector<16xi32>
      %gather3A_1056 = tpu.vector_load_idx %arg23[%add3A_1055] : memref<1280xf32, #tpu.memory_space<vmem>>[vector<16xi32>], vector<16xf32>,
      %add3A_1057 = arith.constant 1025 : i32
      %add3A_1058 = vector.broadcast %add3A_1057 : i32 to vector<16xi32>
      %add3A_1059 = arith.addi %mul3A_684, %add3A_1058 : vector<16xi32>
      %gather3A_1060 = tpu.vector_load_idx %arg23[%add3A_1059] : memref<1280xf32, #tpu.memory_space<vmem>>[vector<16xi32>], vector<16xf32>,
      %add3A_1061 = arith.constant 1026 : i32
      %add3A_1062 = vector.broadcast %add3A_1061 : i32 to vector<16xi32>
      %add3A_1063 = arith.addi %mul3A_684, %add3A_1062 : vector<16xi32>
      %gather3A_1064 = tpu.vector_load_idx %arg23[%add3A_1063] : memref<1280xf32, #tpu.memory_space<vmem>>[vector<16xi32>], vector<16xf32>,
      %add3A_1065 = arith.constant 1027 : i32
      %add3A_1066 = vector.broadcast %add3A_1065 : i32 to vector<16xi32>
      %add3A_1067 = arith.addi %mul3A_684, %add3A_1066 : vector<16xi32>
      %gather3A_1068 = tpu.vector_load_idx %arg23[%add3A_1067] : memref<1280xf32, #tpu.memory_space<vmem>>[vector<16xi32>], vector<16xf32>,
      %add3A_1069 = arith.constant 1028 : i32
      %add3A_1070 = vector.broadcast %add3A_1069 : i32 to vector<16xi32>
      %add3A_1071 = arith.addi %mul3A_684, %add3A_1070 : vector<16xi32>
      %gather3A_1072 = tpu.vector_load_idx %arg23[%add3A_1071] : memref<1280xf32, #tpu.memory_space<vmem>>[vector<16xi32>], vector<16xf32>,
      %add3A_1073 = arith.constant 1029 : i32
      %add3A_1074 = vector.broadcast %add3A_1073 : i32 to vector<16xi32>
      %add3A_1075 = arith.addi %mul3A_684, %add3A_1074 : vector<16xi32>
      %gather3A_1076 = tpu.vector_load_idx %arg23[%add3A_1075] : memref<1280xf32, #tpu.memory_space<vmem>>[vector<16xi32>], vector<16xf32>,
      %add3A_1077 = arith.constant 1030 : i32
      %add3A_1078 = vector.broadcast %add3A_1077 : i32 to vector<16xi32>
      %add3A_1079 = arith.addi %mul3A_684, %add3A_1078 : vector<16xi32>
      %gather3A_1080 = tpu.vector_load_idx %arg23[%add3A_1079] : memref<1280xf32, #tpu.memory_space<vmem>>[vector<16xi32>], vector<16xf32>,
      %add3A_1081 = arith.constant 1031 : i32
      %add3A_1082 = vector.broadcast %add3A_1081 : i32 to vector<16xi32>
      %add3A_1083 = arith.addi %mul3A_684, %add3A_1082 : vector<16xi32>
      %gather3A_1084 = tpu.vector_load_idx %arg23[%add3A_1083] : memref<1280xf32, #tpu.memory_space<vmem>>[vector<16xi32>], vector<16xf32>,
      %add3A_1085 = arith.constant 1032 : i32
      %add3A_1086 = vector.broadcast %add3A_1085 : i32 to vector<16xi32>
      %add3A_1087 = arith.addi %mul3A_684, %add3A_1086 : vector<16xi32>
      %gather3A_1088 = tpu.vector_load_idx %arg23[%add3A_1087] : memref<1280xf32, #tpu.memory_space<vmem>>[vector<16xi32>], vector<16xf32>,
      %add3A_1089 = arith.constant 1033 : i32
      %add3A_1090 = vector.broadcast %add3A_1089 : i32 to vector<16xi32>
      %add3A_1091 = arith.addi %mul3A_684, %add3A_1090 : vector<16xi32>
      %gather3A_1092 = tpu.vector_load_idx %arg23[%add3A_1091] : memref<1280xf32, #tpu.memory_space<vmem>>[vector<16xi32>], vector<16xf32>,
      %add3A_1093 = arith.constant 1034 : i32
      %add3A_1094 = vector.broadcast %add3A_1093 : i32 to vector<16xi32>
      %add3A_1095 = arith.addi %mul3A_684, %add3A_1094 : vector<16xi32>
      %gather3A_1096 = tpu.vector_load_idx %arg23[%add3A_1095] : memref<1280xf32, #tpu.memory_space<vmem>>[vector<16xi32>], vector<16xf32>,
      %add3A_1097 = arith.constant 1035 : i32
      %add3A_1098 = vector.broadcast %add3A_1097 : i32 to vector<16xi32>
      %add3A_1099 = arith.addi %mul3A_684, %add3A_1098 : vector<16xi32>
      %gather3A_1100 = tpu.vector_load_idx %arg23[%add3A_1099] : memref<1280xf32, #tpu.memory_space<vmem>>[vector<16xi32>], vector<16xf32>,
      %add3A_1101 = arith.constant 1036 : i32
      %add3A_1102 = vector.broadcast %add3A_1101 : i32 to vector<16xi32>
      %add3A_1103 = arith.addi %mul3A_684, %add3A_1102 : vector<16xi32>
      %gather3A_1104 = tpu.vector_load_idx %arg23[%add3A_1103] : memref<1280xf32, #tpu.memory_space<vmem>>[vector<16xi32>], vector<16xf32>,
      %add3A_1105 = arith.constant 1037 : i32
      %add3A_1106 = vector.broadcast %add3A_1105 : i32 to vector<16xi32>
      %add3A_1107 = arith.addi %mul3A_684, %add3A_1106 : vector<16xi32>
      %gather3A_1108 = tpu.vector_load_idx %arg23[%add3A_1107] : memref<1280xf32, #tpu.memory_space<vmem>>[vector<16xi32>], vector<16xf32>,
      %add3A_1109 = arith.constant 1038 : i32
      %add3A_1110 = vector.broadcast %add3A_1109 : i32 to vector<16xi32>
      %add3A_1111 = arith.addi %mul3A_684, %add3A_1110 : vector<16xi32>
      %gather3A_1112 = tpu.vector_load_idx %arg23[%add3A_1111] : memref<1280xf32, #tpu.memory_space<vmem>>[vector<16xi32>], vector<16xf32>,
      %add3A_1113 = arith.constant 1039 : i32
      %add3A_1114 = vector.broadcast %add3A_1113 : i32 to vector<16xi32>
      %add3A_1115 = arith.addi %mul3A_684, %add3A_1114 : vector<16xi32>
      %gather3A_1116 = tpu.vector_load_idx %arg23[%add3A_1115] : memref<1280xf32, #tpu.memory_space<vmem>>[vector<16xi32>], vector<16xf32>,
      %add3A_1117 = arith.addf %gather3A_1056, %gather3A_1060 : vector<16xf32>
      %add3A_1118 = arith.addf %gather3A_1064, %gather3A_1068 : vector<16xf32>
      %add3A_1119 = arith.addf %gather3A_1072, %gather3A_1076 : vector<16xf32>
      %add3A_1120 = arith.addf %gather3A_1080, %gather3A_1084 : vector<16xf32>
      %add3A_1121 = arith.addf %gather3A_1088, %gather3A_1092 : vector<16xf32>
      %add3A_1122 = arith.addf %gather3A_1096, %gather3A_1100 : vector<16xf32>
      %add3A_1123 = arith.addf %gather3A_1104, %gather3A_1108 : vector<16xf32>
      %add3A_1124 = arith.addf %gather3A_1112, %gather3A_1116 : vector<16xf32>
      %add3A_1125 = arith.addf %add3A_1117, %add3A_1118 : vector<16xf32>
      %add3A_1126 = arith.addf %add3A_1119, %add3A_1120 : vector<16xf32>
      %add3A_1127 = arith.addf %add3A_1121, %add3A_1122 : vector<16xf32>
      %add3A_1128 = arith.addf %add3A_1123, %add3A_1124 : vector<16xf32>
      %add3A_1129 = arith.addf %add3A_1125, %add3A_1126 : vector<16xf32>
      %add3A_1130 = arith.addf %add3A_1127, %add3A_1128 : vector<16xf32>
      %add3A_1131 = arith.addf %add3A_1129, %add3A_1130 : vector<16xf32>
      %add3A_1132 = arith.addf %get3A_681, %add3A_1131 : vector<16xf32>
      %neg3A_1133 = arith.constant 0.000000e+00 : f32
      %neg3A_1134 = vector.broadcast %neg3A_1133 : f32 to vector<16xf32>
      %neg3A_1135 = arith.subf %neg3A_1134, %add3A_1132 : vector<16xf32>
      %exp3A_1136 = math.exp %neg3A_1135 : vector<16xf32>
      %add3A_1137 = arith.constant 1.000000e+00 : f32
      %add3A_1138 = vector.broadcast %add3A_1137 : f32 to vector<16xf32>
      %add3A_1139 = arith.addf %add3A_1138, %exp3A_1136 : vector<16xf32>
      %div3A_1140 = arith.constant 1.000000e+00 : f32
      %div3A_1141 = vector.broadcast %div3A_1140 : f32 to vector<16xf32>
      %div3A_1142 = arith.divf %div3A_1141, %add3A_1139 : vector<16xf32>
      %swap3A_1143 = arith.constant 64 : index
      %swap3A_1144 = tpu.vector_load %arg24[%swap3A_1143] {strides = array<i32>} : memref<80xf32, #tpu.memory_space<vmem>>, vector<16xf32>,
      tpu.vector_store %arg24[%swap3A_1143], %div3A_1142 {strides = array<i32>} : memref<80xf32, #tpu.memory_space<vmem>>, vector<16xf32>,
      %parallel_loop3A_1145 = arith.constant 0 : i32
      %parallel_loop3A_1146 = arith.constant 80 : i32
      %parallel_loop3A_1147 = arith.constant 1 : i32
      scf.for %parallel_loop3A_1685 = %parallel_loop3A_1145 to %parallel_loop3A_1146 step %parallel_loop3A_1147  : i32 {
        %parallel_loop3A_1686 = vector.broadcast %parallel_loop3A_1685 : i32 to vector<16xi32>
        %parallel_loop3A_1687 = tpu.vector_load_idx %arg24[%parallel_loop3A_1686] : memref<80xf32, #tpu.memory_space<vmem>>[vector<16xi32>], vector<16xf32>,
        %parallel_loop3A_1688 = arith.index_cast %parallel_loop3A_1685 : i32 to index
        %parallel_loop3A_1689 = arith.constant 0 : index
        %parallel_loop3A_1690 = tpu.vector_load %arg19[%parallel_loop3A_1688, %parallel_loop3A_1689] {strides = array<i32>} : memref<80x128xf32, #tpu.memory_space<vmem>>, vector<16xf32>,
        %parallel_loop3A_1691 = arith.mulf %parallel_loop3A_1687, %parallel_loop3A_1690 : vector<16xf32>
        %parallel_loop3A_1692 = arith.index_cast %parallel_loop3A_1685 : i32 to index
        %parallel_loop3A_1693 = arith.constant 0 : index
        %parallel_loop3A_1694 = tpu.vector_load %arg19[%parallel_loop3A_1692, %parallel_loop3A_1693] {strides = array<i32>} : memref<80x128xf32, #tpu.memory_space<vmem>>, vector<16xf32>,
        tpu.vector_store %arg19[%parallel_loop3A_1692, %parallel_loop3A_1693], %parallel_loop3A_1691 {strides = array<i32>} : memref<80x128xf32, #tpu.memory_space<vmem>>, vector<16xf32>,
        %parallel_loop3A_1695 = arith.index_cast %parallel_loop3A_1685 : i32 to index
        %parallel_loop3A_1696 = arith.constant 16 : index
        %parallel_loop3A_1697 = tpu.vector_load %arg19[%parallel_loop3A_1695, %parallel_loop3A_1696] {strides = array<i32>} : memref<80x128xf32, #tpu.memory_space<vmem>>, vector<16xf32>,
        %parallel_loop3A_1698 = arith.mulf %parallel_loop3A_1687, %parallel_loop3A_1697 : vector<16xf32>
        %parallel_loop3A_1699 = arith.index_cast %parallel_loop3A_1685 : i32 to index
        %parallel_loop3A_1700 = arith.constant 16 : index
        %parallel_loop3A_1701 = tpu.vector_load %arg19[%parallel_loop3A_1699, %parallel_loop3A_1700] {strides = array<i32>} : memref<80x128xf32, #tpu.memory_space<vmem>>, vector<16xf32>,
        tpu.vector_store %arg19[%parallel_loop3A_1699, %parallel_loop3A_1700], %parallel_loop3A_1698 {strides = array<i32>} : memref<80x128xf32, #tpu.memory_space<vmem>>, vector<16xf32>,
        %parallel_loop3A_1702 = arith.index_cast %parallel_loop3A_1685 : i32 to index
        %parallel_loop3A_1703 = arith.constant 32 : index
        %parallel_loop3A_1704 = tpu.vector_load %arg19[%parallel_loop3A_1702, %parallel_loop3A_1703] {strides = array<i32>} : memref<80x128xf32, #tpu.memory_space<vmem>>, vector<16xf32>,
        %parallel_loop3A_1705 = arith.mulf %parallel_loop3A_1687, %parallel_loop3A_1704 : vector<16xf32>
        %parallel_loop3A_1706 = arith.index_cast %parallel_loop3A_1685 : i32 to index
        %parallel_loop3A_1707 = arith.constant 32 : index
        %parallel_loop3A_1708 = tpu.vector_load %arg19[%parallel_loop3A_1706, %parallel_loop3A_1707] {strides = array<i32>} : memref<80x128xf32, #tpu.memory_space<vmem>>, vector<16xf32>,
        tpu.vector_store %arg19[%parallel_loop3A_1706, %parallel_loop3A_1707], %parallel_loop3A_1705 {strides = array<i32>} : memref<80x128xf32, #tpu.memory_space<vmem>>, vector<16xf32>,
        %parallel_loop3A_1709 = arith.index_cast %parallel_loop3A_1685 : i32 to index
        %parallel_loop3A_1710 = arith.constant 48 : index
        %parallel_loop3A_1711 = tpu.vector_load %arg19[%parallel_loop3A_1709, %parallel_loop3A_1710] {strides = array<i32>} : memref<80x128xf32, #tpu.memory_space<vmem>>, vector<16xf32>,
        %parallel_loop3A_1712 = arith.mulf %parallel_loop3A_1687, %parallel_loop3A_1711 : vector<16xf32>
        %parallel_loop3A_1713 = arith.index_cast %parallel_loop3A_1685 : i32 to index
        %parallel_loop3A_1714 = arith.constant 48 : index
        %parallel_loop3A_1715 = tpu.vector_load %arg19[%parallel_loop3A_1713, %parallel_loop3A_1714] {strides = array<i32>} : memref<80x128xf32, #tpu.memory_space<vmem>>, vector<16xf32>,
        tpu.vector_store %arg19[%parallel_loop3A_1713, %parallel_loop3A_1714], %parallel_loop3A_1712 {strides = array<i32>} : memref<80x128xf32, #tpu.memory_space<vmem>>, vector<16xf32>,
        %parallel_loop3A_1716 = arith.index_cast %parallel_loop3A_1685 : i32 to index
        %parallel_loop3A_1717 = arith.constant 64 : index
        %parallel_loop3A_1718 = tpu.vector_load %arg19[%parallel_loop3A_1716, %parallel_loop3A_1717] {strides = array<i32>} : memref<80x128xf32, #tpu.memory_space<vmem>>, vector<16xf32>,
        %parallel_loop3A_1719 = arith.mulf %parallel_loop3A_1687, %parallel_loop3A_1718 : vector<16xf32>
        %parallel_loop3A_1720 = arith.index_cast %parallel_loop3A_1685 : i32 to index
        %parallel_loop3A_1721 = arith.constant 64 : index
        %parallel_loop3A_1722 = tpu.vector_load %arg19[%parallel_loop3A_1720, %parallel_loop3A_1721] {strides = array<i32>} : memref<80x128xf32, #tpu.memory_space<vmem>>, vector<16xf32>,
        tpu.vector_store %arg19[%parallel_loop3A_1720, %parallel_loop3A_1721], %parallel_loop3A_1719 {strides = array<i32>} : memref<80x128xf32, #tpu.memory_space<vmem>>, vector<16xf32>,
        %parallel_loop3A_1723 = arith.index_cast %parallel_loop3A_1685 : i32 to index
        %parallel_loop3A_1724 = arith.constant 80 : index
        %parallel_loop3A_1725 = tpu.vector_load %arg19[%parallel_loop3A_1723, %parallel_loop3A_1724] {strides = array<i32>} : memref<80x128xf32, #tpu.memory_space<vmem>>, vector<16xf32>,
        %parallel_loop3A_1726 = arith.mulf %parallel_loop3A_1687, %parallel_loop3A_1725 : vector<16xf32>
        %parallel_loop3A_1727 = arith.index_cast %parallel_loop3A_1685 : i32 to index
        %parallel_loop3A_1728 = arith.constant 80 : index
        %parallel_loop3A_1729 = tpu.vector_load %arg19[%parallel_loop3A_1727, %parallel_loop3A_1728] {strides = array<i32>} : memref<80x128xf32, #tpu.memory_space<vmem>>, vector<16xf32>,
        tpu.vector_store %arg19[%parallel_loop3A_1727, %parallel_loop3A_1728], %parallel_loop3A_1726 {strides = array<i32>} : memref<80x128xf32, #tpu.memory_space<vmem>>, vector<16xf32>,
        %parallel_loop3A_1730 = arith.index_cast %parallel_loop3A_1685 : i32 to index
        %parallel_loop3A_1731 = arith.constant 96 : index
        %parallel_loop3A_1732 = tpu.vector_load %arg19[%parallel_loop3A_1730, %parallel_loop3A_1731] {strides = array<i32>} : memref<80x128xf32, #tpu.memory_space<vmem>>, vector<16xf32>,
        %parallel_loop3A_1733 = arith.mulf %parallel_loop3A_1687, %parallel_loop3A_1732 : vector<16xf32>
        %parallel_loop3A_1734 = arith.index_cast %parallel_loop3A_1685 : i32 to index
        %parallel_loop3A_1735 = arith.constant 96 : index
        %parallel_loop3A_1736 = tpu.vector_load %arg19[%parallel_loop3A_1734, %parallel_loop3A_1735] {strides = array<i32>} : memref<80x128xf32, #tpu.memory_space<vmem>>, vector<16xf32>,
        tpu.vector_store %arg19[%parallel_loop3A_1734, %parallel_loop3A_1735], %parallel_loop3A_1733 {strides = array<i32>} : memref<80x128xf32, #tpu.memory_space<vmem>>, vector<16xf32>,
        %parallel_loop3A_1737 = arith.index_cast %parallel_loop3A_1685 : i32 to index
        %parallel_loop3A_1738 = arith.constant 112 : index
        %parallel_loop3A_1739 = tpu.vector_load %arg19[%parallel_loop3A_1737, %parallel_loop3A_1738] {strides = array<i32>} : memref<80x128xf32, #tpu.memory_space<vmem>>, vector<16xf32>,
        %parallel_loop3A_1740 = arith.mulf %parallel_loop3A_1687, %parallel_loop3A_1739 : vector<16xf32>
        %parallel_loop3A_1741 = arith.index_cast %parallel_loop3A_1685 : i32 to index
        %parallel_loop3A_1742 = arith.constant 112 : index
        %parallel_loop3A_1743 = tpu.vector_load %arg19[%parallel_loop3A_1741, %parallel_loop3A_1742] {strides = array<i32>} : memref<80x128xf32, #tpu.memory_space<vmem>>, vector<16xf32>,
        tpu.vector_store %arg19[%parallel_loop3A_1741, %parallel_loop3A_1742], %parallel_loop3A_1740 {strides = array<i32>} : memref<80x128xf32, #tpu.memory_space<vmem>>, vector<16xf32>,
      } {sc.loop_unroll_factor = 4 : i64, sc.parallel_access}
      "tpu.region"() ({
        %run_scoped3A = tpu.sem_alloc : memref<!tpu.dma_semaphore, #tpu.memory_space<semaphore_mem>>
        %dma_start3A_1685 = arith.constant 0 : i32
        %dma_start3A_1686 = arith.constant 0 : i32
        %dma_start3A_1687 = tpu.memref_slice %arg10[%dma_start3A_1685, %dma_start3A_1686] : memref<10240x128xf32, #tpu.memory_space<vmem_shared>> -> memref<10240x128xf32, #tpu.memory_space<vmem_shared>>
        tpu.enqueue_indirect_dma source(%arg19 : memref<80x128xf32, #tpu.memory_space<vmem>>) target(%dma_start3A_1687 : memref<10240x128xf32, #tpu.memory_space<vmem_shared>>) offsets(%arg11 : memref<80xi32, #tpu.memory_space<vmem>>) semaphore(%run_scoped3A : memref<!tpu.dma_semaphore, #tpu.memory_space<semaphore_mem>>) {add = true}
        %dma_wait3A_1688 = arith.constant 0 : i32
        %dma_wait3A_1689 = arith.constant 0 : i32
        %dma_wait3A_1690 = tpu.memref_slice %arg10[%dma_wait3A_1688, %dma_wait3A_1689] : memref<10240x128xf32, #tpu.memory_space<vmem_shared>> -> memref<10240x128xf32, #tpu.memory_space<vmem_shared>>
        tpu.wait_indirect_dma semaphore(%run_scoped3A : memref<!tpu.dma_semaphore, #tpu.memory_space<semaphore_mem>>) src(%arg19 : memref<80x128xf32, #tpu.memory_space<vmem>>) dst(%dma_wait3A_1690 : memref<10240x128xf32, #tpu.memory_space<vmem_shared>>)
        tpu.yield
      }) : () -> ()
      %add3A_1148 = arith.constant 2 : i32
      %add3A_1149 = arith.addi %add3A_636, %add3A_1148 : i32
      %mul3A_1150 = arith.constant 10160 : i32
      %mul3A_1151 = arith.muli %add3A, %mul3A_1150 : i32
      %mul3A_1152 = arith.constant 80 : i32
      %mul3A_1153 = arith.muli %add3A_1149, %mul3A_1152 : i32
      %add3A_1154 = arith.addi %mul3A_1151, %mul3A_1153 : i32
      %dma_start3A_1155 = tpu.memref_slice %arg5[%add3A_1154] : memref<325120xi32, #tpu.memory_space<hbm>> -> memref<80xi32, #tpu.memory_space<hbm>>
      %dma_start3A_1156 = tpu.memref_slice %arg5[%add3A_1154] : memref<325120xi32, #tpu.memory_space<hbm>> -> memref<80xi32, #tpu.memory_space<hbm>>
      tpu.enqueue_dma source(%dma_start3A_1156 : memref<80xi32, #tpu.memory_space<hbm>>) target(%arg11 : memref<80xi32, #tpu.memory_space<vmem>>) target_semaphore(%arg27 : memref<!tpu.dma_semaphore, #tpu.memory_space<semaphore_mem>>)
      %dma_start3A_1157 = tpu.memref_slice %arg6[%add3A_1154] : memref<325120xi32, #tpu.memory_space<hbm>> -> memref<80xi32, #tpu.memory_space<hbm>>
      %dma_start3A_1158 = tpu.memref_slice %arg6[%add3A_1154] : memref<325120xi32, #tpu.memory_space<hbm>> -> memref<80xi32, #tpu.memory_space<hbm>>
      tpu.enqueue_dma source(%dma_start3A_1158 : memref<80xi32, #tpu.memory_space<hbm>>) target(%arg13 : memref<80xi32, #tpu.memory_space<vmem>>) target_semaphore(%arg27 : memref<!tpu.dma_semaphore, #tpu.memory_space<semaphore_mem>>)
      %mul3A_1159 = arith.constant 2 : i32
      %mul3A_1160 = arith.muli %mul3A_1159, %scan3A_632 : i32
      %add3A_1161 = arith.constant 1 : i32
      %add3A_1162 = arith.addi %mul3A_1160, %add3A_1161 : i32
      %add3A_1163 = arith.constant 1 : i32
      %add3A_1164 = arith.addi %add3A_1162, %add3A_1163 : i32
      %mul3A_1165 = arith.constant 10160 : i32
      %mul3A_1166 = arith.muli %add3A, %mul3A_1165 : i32
      %mul3A_1167 = arith.constant 80 : i32
      %mul3A_1168 = arith.muli %add3A_1164, %mul3A_1167 : i32
      %add3A_1169 = arith.addi %mul3A_1166, %mul3A_1168 : i32
      %dma_wait3A_1170 = tpu.memref_slice %arg5[%add3A_1169] : memref<325120xi32, #tpu.memory_space<hbm>> -> memref<80xi32, #tpu.memory_space<hbm>>
      %dma_wait3A_1171 = tpu.memref_slice %arg5[%add3A_1169] : memref<325120xi32, #tpu.memory_space<hbm>> -> memref<80xi32, #tpu.memory_space<hbm>>
      tpu.wait_dma2 semaphore(%arg27 : memref<!tpu.dma_semaphore, #tpu.memory_space<semaphore_mem>>) src(%dma_wait3A_1171 : memref<80xi32, #tpu.memory_space<hbm>>) dst(%arg11 : memref<80xi32, #tpu.memory_space<vmem>>)
      %dma_wait3A_1172 = tpu.memref_slice %arg6[%add3A_1169] : memref<325120xi32, #tpu.memory_space<hbm>> -> memref<80xi32, #tpu.memory_space<hbm>>
      %dma_wait3A_1173 = tpu.memref_slice %arg6[%add3A_1169] : memref<325120xi32, #tpu.memory_space<hbm>> -> memref<80xi32, #tpu.memory_space<hbm>>
      tpu.wait_dma2 semaphore(%arg27 : memref<!tpu.dma_semaphore, #tpu.memory_space<semaphore_mem>>) src(%dma_wait3A_1173 : memref<80xi32, #tpu.memory_space<hbm>>) dst(%arg13 : memref<80xi32, #tpu.memory_space<vmem>>)
      %dma_start3A_1174 = arith.constant 0 : i32
      %dma_start3A_1175 = arith.constant 0 : i32
      %dma_start3A_1176 = tpu.memref_slice %arg2[%dma_start3A_1174, %dma_start3A_1175] : memref<10240x64xi32, #tpu.memory_space<hbm>> -> memref<10240x64xi32, #tpu.memory_space<hbm>>
      tpu.enqueue_indirect_dma source(%dma_start3A_1176 : memref<10240x64xi32, #tpu.memory_space<hbm>>) target(%arg15 : memref<80x64xi32, #tpu.memory_space<vmem>>) offsets(%arg11 : memref<80xi32, #tpu.memory_space<vmem>>) semaphore(%arg25 : memref<!tpu.dma_semaphore, #tpu.memory_space<semaphore_mem>>)
      %dma_start3A_1177 = arith.constant 0 : i32
      %dma_start3A_1178 = arith.constant 0 : i32
      %dma_start3A_1179 = tpu.memref_slice %arg3[%dma_start3A_1177, %dma_start3A_1178] : memref<10240x64xi32, #tpu.memory_space<hbm>> -> memref<10240x64xi32, #tpu.memory_space<hbm>>
      tpu.enqueue_indirect_dma source(%dma_start3A_1179 : memref<10240x64xi32, #tpu.memory_space<hbm>>) target(%arg17 : memref<80x64xi32, #tpu.memory_space<vmem>>) offsets(%arg13 : memref<80xi32, #tpu.memory_space<vmem>>) semaphore(%arg25 : memref<!tpu.dma_semaphore, #tpu.memory_space<semaphore_mem>>)
      %dma_start3A_1180 = arith.constant 0 : i32
      %dma_start3A_1181 = arith.constant 0 : i32
      %dma_start3A_1182 = tpu.memref_slice %arg4[%dma_start3A_1180, %dma_start3A_1181] : memref<10240x128xf32, #tpu.memory_space<hbm>> -> memref<10240x128xf32, #tpu.memory_space<hbm>>
      tpu.enqueue_indirect_dma source(%dma_start3A_1182 : memref<10240x128xf32, #tpu.memory_space<hbm>>) target(%arg19 : memref<80x128xf32, #tpu.memory_space<vmem>>) offsets(%arg13 : memref<80xi32, #tpu.memory_space<vmem>>) semaphore(%arg25 : memref<!tpu.dma_semaphore, #tpu.memory_space<semaphore_mem>>)
      %dma_wait3A_1183 = arith.constant 0 : i32
      %dma_wait3A_1184 = arith.constant 0 : i32
      %dma_wait3A_1185 = tpu.memref_slice %arg2[%dma_wait3A_1183, %dma_wait3A_1184] : memref<10240x64xi32, #tpu.memory_space<hbm>> -> memref<10240x64xi32, #tpu.memory_space<hbm>>
      tpu.wait_indirect_dma semaphore(%arg26 : memref<!tpu.dma_semaphore, #tpu.memory_space<semaphore_mem>>) src(%dma_wait3A_1185 : memref<10240x64xi32, #tpu.memory_space<hbm>>) dst(%arg16 : memref<80x64xi32, #tpu.memory_space<vmem>>)
      %dma_wait3A_1186 = arith.constant 0 : i32
      %dma_wait3A_1187 = arith.constant 0 : i32
      %dma_wait3A_1188 = tpu.memref_slice %arg3[%dma_wait3A_1186, %dma_wait3A_1187] : memref<10240x64xi32, #tpu.memory_space<hbm>> -> memref<10240x64xi32, #tpu.memory_space<hbm>>
      tpu.wait_indirect_dma semaphore(%arg26 : memref<!tpu.dma_semaphore, #tpu.memory_space<semaphore_mem>>) src(%dma_wait3A_1188 : memref<10240x64xi32, #tpu.memory_space<hbm>>) dst(%arg18 : memref<80x64xi32, #tpu.memory_space<vmem>>)
      %dma_wait3A_1189 = arith.constant 0 : i32
      %dma_wait3A_1190 = arith.constant 0 : i32
      %dma_wait3A_1191 = tpu.memref_slice %arg4[%dma_wait3A_1189, %dma_wait3A_1190] : memref<10240x128xf32, #tpu.memory_space<hbm>> -> memref<10240x128xf32, #tpu.memory_space<hbm>>
      tpu.wait_indirect_dma semaphore(%arg26 : memref<!tpu.dma_semaphore, #tpu.memory_space<semaphore_mem>>) src(%dma_wait3A_1191 : memref<10240x128xf32, #tpu.memory_space<hbm>>) dst(%arg20 : memref<80x128xf32, #tpu.memory_space<vmem>>)
      %get3A_1192 = arith.constant 0 : index
      %get3A_1193 = tpu.vector_load %arg21[%get3A_1192] {strides = array<i32>} : memref<128xbf16, #tpu.memory_space<vmem>>, vector<32xbf16>,
      %get3A_1194 = arith.constant 32 : index
      %get3A_1195 = tpu.vector_load %arg21[%get3A_1194] {strides = array<i32>} : memref<128xbf16, #tpu.memory_space<vmem>>, vector<32xbf16>,
      %get3A_1196 = arith.constant 64 : index
      %get3A_1197 = tpu.vector_load %arg21[%get3A_1196] {strides = array<i32>} : memref<128xbf16, #tpu.memory_space<vmem>>, vector<32xbf16>,
      %get3A_1198 = arith.constant 96 : index
      %get3A_1199 = tpu.vector_load %arg21[%get3A_1198] {strides = array<i32>} : memref<128xbf16, #tpu.memory_space<vmem>>, vector<32xbf16>,
      %iota3A_1200 = tpu.iota {dimensions = array<i32: 0>} : vector<16xi32>
      %broadcast_in_dim3A_1201 = arith.constant 0.000000e+00 : bf16
      %broadcast_in_dim3A_1202 = vector.broadcast %broadcast_in_dim3A_1201 : bf16 to vector<32xbf16>
      %parallel_loop3A_1203 = arith.constant 0 : i32
      %parallel_loop3A_1204 = arith.constant 80 : i32
      %parallel_loop3A_1205 = arith.constant 1 : i32
      scf.for %parallel_loop3A_1685 = %parallel_loop3A_1203 to %parallel_loop3A_1204 step %parallel_loop3A_1205  : i32 {
        %parallel_loop3A_1686 = arith.index_cast %parallel_loop3A_1685 : i32 to index
        %parallel_loop3A_1687 = arith.constant 0 : index
        %parallel_loop3A_1688 = tpu.vector_load %arg16[%parallel_loop3A_1686, %parallel_loop3A_1687] {strides = array<i32>} : memref<80x64xi32, #tpu.memory_space<vmem>>, vector<16xi32>,
        %parallel_loop3A_1689 = vector.bitcast %parallel_loop3A_1688 : vector<16xi32> to vector<32xbf16>
        %parallel_loop3A_1690 = arith.index_cast %parallel_loop3A_1685 : i32 to index
        %parallel_loop3A_1691 = arith.constant 0 : index
        %parallel_loop3A_1692 = tpu.vector_load %arg18[%parallel_loop3A_1690, %parallel_loop3A_1691] {strides = array<i32>} : memref<80x64xi32, #tpu.memory_space<vmem>>, vector<16xi32>,
        %parallel_loop3A_1693 = vector.bitcast %parallel_loop3A_1692 : vector<16xi32> to vector<32xbf16>
        %parallel_loop3A_1694 = arith.addf %parallel_loop3A_1689, %parallel_loop3A_1693 : vector<32xbf16>
        %parallel_loop3A_1695 = arith.maximumf %parallel_loop3A_1694, %broadcast_in_dim3A_1202 : vector<32xbf16>
        %parallel_loop3A_1696 = arith.mulf %parallel_loop3A_1695, %get3A_1193 : vector<32xbf16>
        %parallel_loop3A_1697 = arith.index_cast %parallel_loop3A_1685 : i32 to index
        %parallel_loop3A_1698 = arith.constant 16 : index
        %parallel_loop3A_1699 = tpu.vector_load %arg16[%parallel_loop3A_1697, %parallel_loop3A_1698] {strides = array<i32>} : memref<80x64xi32, #tpu.memory_space<vmem>>, vector<16xi32>,
        %parallel_loop3A_1700 = vector.bitcast %parallel_loop3A_1699 : vector<16xi32> to vector<32xbf16>
        %parallel_loop3A_1701 = arith.index_cast %parallel_loop3A_1685 : i32 to index
        %parallel_loop3A_1702 = arith.constant 16 : index
        %parallel_loop3A_1703 = tpu.vector_load %arg18[%parallel_loop3A_1701, %parallel_loop3A_1702] {strides = array<i32>} : memref<80x64xi32, #tpu.memory_space<vmem>>, vector<16xi32>,
        %parallel_loop3A_1704 = vector.bitcast %parallel_loop3A_1703 : vector<16xi32> to vector<32xbf16>
        %parallel_loop3A_1705 = arith.addf %parallel_loop3A_1700, %parallel_loop3A_1704 : vector<32xbf16>
        %parallel_loop3A_1706 = arith.maximumf %parallel_loop3A_1705, %broadcast_in_dim3A_1202 : vector<32xbf16>
        %parallel_loop3A_1707 = arith.mulf %parallel_loop3A_1706, %get3A_1195 : vector<32xbf16>
        %parallel_loop3A_1708 = arith.index_cast %parallel_loop3A_1685 : i32 to index
        %parallel_loop3A_1709 = arith.constant 32 : index
        %parallel_loop3A_1710 = tpu.vector_load %arg16[%parallel_loop3A_1708, %parallel_loop3A_1709] {strides = array<i32>} : memref<80x64xi32, #tpu.memory_space<vmem>>, vector<16xi32>,
        %parallel_loop3A_1711 = vector.bitcast %parallel_loop3A_1710 : vector<16xi32> to vector<32xbf16>
        %parallel_loop3A_1712 = arith.index_cast %parallel_loop3A_1685 : i32 to index
        %parallel_loop3A_1713 = arith.constant 32 : index
        %parallel_loop3A_1714 = tpu.vector_load %arg18[%parallel_loop3A_1712, %parallel_loop3A_1713] {strides = array<i32>} : memref<80x64xi32, #tpu.memory_space<vmem>>, vector<16xi32>,
        %parallel_loop3A_1715 = vector.bitcast %parallel_loop3A_1714 : vector<16xi32> to vector<32xbf16>
        %parallel_loop3A_1716 = arith.addf %parallel_loop3A_1711, %parallel_loop3A_1715 : vector<32xbf16>
        %parallel_loop3A_1717 = arith.maximumf %parallel_loop3A_1716, %broadcast_in_dim3A_1202 : vector<32xbf16>
        %parallel_loop3A_1718 = arith.mulf %parallel_loop3A_1717, %get3A_1197 : vector<32xbf16>
        %parallel_loop3A_1719 = arith.index_cast %parallel_loop3A_1685 : i32 to index
        %parallel_loop3A_1720 = arith.constant 48 : index
        %parallel_loop3A_1721 = tpu.vector_load %arg16[%parallel_loop3A_1719, %parallel_loop3A_1720] {strides = array<i32>} : memref<80x64xi32, #tpu.memory_space<vmem>>, vector<16xi32>,
        %parallel_loop3A_1722 = vector.bitcast %parallel_loop3A_1721 : vector<16xi32> to vector<32xbf16>
        %parallel_loop3A_1723 = arith.index_cast %parallel_loop3A_1685 : i32 to index
        %parallel_loop3A_1724 = arith.constant 48 : index
        %parallel_loop3A_1725 = tpu.vector_load %arg18[%parallel_loop3A_1723, %parallel_loop3A_1724] {strides = array<i32>} : memref<80x64xi32, #tpu.memory_space<vmem>>, vector<16xi32>,
        %parallel_loop3A_1726 = vector.bitcast %parallel_loop3A_1725 : vector<16xi32> to vector<32xbf16>
        %parallel_loop3A_1727 = arith.addf %parallel_loop3A_1722, %parallel_loop3A_1726 : vector<32xbf16>
        %parallel_loop3A_1728 = arith.maximumf %parallel_loop3A_1727, %broadcast_in_dim3A_1202 : vector<32xbf16>
        %parallel_loop3A_1729 = arith.mulf %parallel_loop3A_1728, %get3A_1199 : vector<32xbf16>
        %parallel_loop3A_1730 = arith.addf %parallel_loop3A_1696, %parallel_loop3A_1707 : vector<32xbf16>
        %parallel_loop3A_1731 = arith.addf %parallel_loop3A_1718, %parallel_loop3A_1729 : vector<32xbf16>
        %parallel_loop3A_1732 = arith.addf %parallel_loop3A_1730, %parallel_loop3A_1731 : vector<32xbf16>
        %parallel_loop3A_1733 = tpu.unpack_subelements %parallel_loop3A_1732, 0 {pack_format = #tpu.pack_format<interleaved>} : vector<32xbf16> -> vector<16xf32>
        %parallel_loop3A_1734 = tpu.unpack_subelements %parallel_loop3A_1732, 1 {pack_format = #tpu.pack_format<interleaved>} : vector<32xbf16> -> vector<16xf32>
        %parallel_loop3A_1735 = arith.addf %parallel_loop3A_1733, %parallel_loop3A_1734 : vector<16xf32>
        %parallel_loop3A_1736 = arith.constant 16 : i32
        %parallel_loop3A_1737 = arith.muli %parallel_loop3A_1685, %parallel_loop3A_1736 : i32
        %parallel_loop3A_1738 = arith.index_cast %parallel_loop3A_1737 : i32 to index
        %parallel_loop3A_1739 = tpu.vector_load %arg23[%parallel_loop3A_1738] {strides = array<i32>} : memref<1280xf32, #tpu.memory_space<vmem>>, vector<16xf32>,
        tpu.vector_store %arg23[%parallel_loop3A_1738], %parallel_loop3A_1735 {strides = array<i32>} : memref<1280xf32, #tpu.memory_space<vmem>>, vector<16xf32>,
      } {sc.loop_unroll_factor = 4 : i64, sc.parallel_access}
      %get3A_1206 = arith.constant 0 : index
      %get3A_1207 = tpu.vector_load %arg22[%get3A_1206] {strides = array<i32>} : memref<16xf32, #tpu.memory_space<vmem>>, vector<16xf32>,
      %mul3A_1208 = arith.constant 16 : i32
      %mul3A_1209 = vector.broadcast %mul3A_1208 : i32 to vector<16xi32>
      %mul3A_1210 = arith.muli %iota3A_1200, %mul3A_1209 : vector<16xi32>
      %add3A_1211 = arith.constant 0 : i32
      %add3A_1212 = vector.broadcast %add3A_1211 : i32 to vector<16xi32>
      %add3A_1213 = arith.addi %mul3A_1210, %add3A_1212 : vector<16xi32>
      %gather3A_1214 = tpu.vector_load_idx %arg23[%add3A_1213] : memref<1280xf32, #tpu.memory_space<vmem>>[vector<16xi32>], vector<16xf32>,
      %add3A_1215 = arith.constant 1 : i32
      %add3A_1216 = vector.broadcast %add3A_1215 : i32 to vector<16xi32>
      %add3A_1217 = arith.addi %mul3A_1210, %add3A_1216 : vector<16xi32>
      %gather3A_1218 = tpu.vector_load_idx %arg23[%add3A_1217] : memref<1280xf32, #tpu.memory_space<vmem>>[vector<16xi32>], vector<16xf32>,
      %add3A_1219 = arith.constant 2 : i32
      %add3A_1220 = vector.broadcast %add3A_1219 : i32 to vector<16xi32>
      %add3A_1221 = arith.addi %mul3A_1210, %add3A_1220 : vector<16xi32>
      %gather3A_1222 = tpu.vector_load_idx %arg23[%add3A_1221] : memref<1280xf32, #tpu.memory_space<vmem>>[vector<16xi32>], vector<16xf32>,
      %add3A_1223 = arith.constant 3 : i32
      %add3A_1224 = vector.broadcast %add3A_1223 : i32 to vector<16xi32>
      %add3A_1225 = arith.addi %mul3A_1210, %add3A_1224 : vector<16xi32>
      %gather3A_1226 = tpu.vector_load_idx %arg23[%add3A_1225] : memref<1280xf32, #tpu.memory_space<vmem>>[vector<16xi32>], vector<16xf32>,
      %add3A_1227 = arith.constant 4 : i32
      %add3A_1228 = vector.broadcast %add3A_1227 : i32 to vector<16xi32>
      %add3A_1229 = arith.addi %mul3A_1210, %add3A_1228 : vector<16xi32>
      %gather3A_1230 = tpu.vector_load_idx %arg23[%add3A_1229] : memref<1280xf32, #tpu.memory_space<vmem>>[vector<16xi32>], vector<16xf32>,
      %add3A_1231 = arith.constant 5 : i32
      %add3A_1232 = vector.broadcast %add3A_1231 : i32 to vector<16xi32>
      %add3A_1233 = arith.addi %mul3A_1210, %add3A_1232 : vector<16xi32>
      %gather3A_1234 = tpu.vector_load_idx %arg23[%add3A_1233] : memref<1280xf32, #tpu.memory_space<vmem>>[vector<16xi32>], vector<16xf32>,
      %add3A_1235 = arith.constant 6 : i32
      %add3A_1236 = vector.broadcast %add3A_1235 : i32 to vector<16xi32>
      %add3A_1237 = arith.addi %mul3A_1210, %add3A_1236 : vector<16xi32>
      %gather3A_1238 = tpu.vector_load_idx %arg23[%add3A_1237] : memref<1280xf32, #tpu.memory_space<vmem>>[vector<16xi32>], vector<16xf32>,
      %add3A_1239 = arith.constant 7 : i32
      %add3A_1240 = vector.broadcast %add3A_1239 : i32 to vector<16xi32>
      %add3A_1241 = arith.addi %mul3A_1210, %add3A_1240 : vector<16xi32>
      %gather3A_1242 = tpu.vector_load_idx %arg23[%add3A_1241] : memref<1280xf32, #tpu.memory_space<vmem>>[vector<16xi32>], vector<16xf32>,
      %add3A_1243 = arith.constant 8 : i32
      %add3A_1244 = vector.broadcast %add3A_1243 : i32 to vector<16xi32>
      %add3A_1245 = arith.addi %mul3A_1210, %add3A_1244 : vector<16xi32>
      %gather3A_1246 = tpu.vector_load_idx %arg23[%add3A_1245] : memref<1280xf32, #tpu.memory_space<vmem>>[vector<16xi32>], vector<16xf32>,
      %add3A_1247 = arith.constant 9 : i32
      %add3A_1248 = vector.broadcast %add3A_1247 : i32 to vector<16xi32>
      %add3A_1249 = arith.addi %mul3A_1210, %add3A_1248 : vector<16xi32>
      %gather3A_1250 = tpu.vector_load_idx %arg23[%add3A_1249] : memref<1280xf32, #tpu.memory_space<vmem>>[vector<16xi32>], vector<16xf32>,
      %add3A_1251 = arith.constant 10 : i32
      %add3A_1252 = vector.broadcast %add3A_1251 : i32 to vector<16xi32>
      %add3A_1253 = arith.addi %mul3A_1210, %add3A_1252 : vector<16xi32>
      %gather3A_1254 = tpu.vector_load_idx %arg23[%add3A_1253] : memref<1280xf32, #tpu.memory_space<vmem>>[vector<16xi32>], vector<16xf32>,
      %add3A_1255 = arith.constant 11 : i32
      %add3A_1256 = vector.broadcast %add3A_1255 : i32 to vector<16xi32>
      %add3A_1257 = arith.addi %mul3A_1210, %add3A_1256 : vector<16xi32>
      %gather3A_1258 = tpu.vector_load_idx %arg23[%add3A_1257] : memref<1280xf32, #tpu.memory_space<vmem>>[vector<16xi32>], vector<16xf32>,
      %add3A_1259 = arith.constant 12 : i32
      %add3A_1260 = vector.broadcast %add3A_1259 : i32 to vector<16xi32>
      %add3A_1261 = arith.addi %mul3A_1210, %add3A_1260 : vector<16xi32>
      %gather3A_1262 = tpu.vector_load_idx %arg23[%add3A_1261] : memref<1280xf32, #tpu.memory_space<vmem>>[vector<16xi32>], vector<16xf32>,
      %add3A_1263 = arith.constant 13 : i32
      %add3A_1264 = vector.broadcast %add3A_1263 : i32 to vector<16xi32>
      %add3A_1265 = arith.addi %mul3A_1210, %add3A_1264 : vector<16xi32>
      %gather3A_1266 = tpu.vector_load_idx %arg23[%add3A_1265] : memref<1280xf32, #tpu.memory_space<vmem>>[vector<16xi32>], vector<16xf32>,
      %add3A_1267 = arith.constant 14 : i32
      %add3A_1268 = vector.broadcast %add3A_1267 : i32 to vector<16xi32>
      %add3A_1269 = arith.addi %mul3A_1210, %add3A_1268 : vector<16xi32>
      %gather3A_1270 = tpu.vector_load_idx %arg23[%add3A_1269] : memref<1280xf32, #tpu.memory_space<vmem>>[vector<16xi32>], vector<16xf32>,
      %add3A_1271 = arith.constant 15 : i32
      %add3A_1272 = vector.broadcast %add3A_1271 : i32 to vector<16xi32>
      %add3A_1273 = arith.addi %mul3A_1210, %add3A_1272 : vector<16xi32>
      %gather3A_1274 = tpu.vector_load_idx %arg23[%add3A_1273] : memref<1280xf32, #tpu.memory_space<vmem>>[vector<16xi32>], vector<16xf32>,
      %add3A_1275 = arith.addf %gather3A_1214, %gather3A_1218 : vector<16xf32>
      %add3A_1276 = arith.addf %gather3A_1222, %gather3A_1226 : vector<16xf32>
      %add3A_1277 = arith.addf %gather3A_1230, %gather3A_1234 : vector<16xf32>
      %add3A_1278 = arith.addf %gather3A_1238, %gather3A_1242 : vector<16xf32>
      %add3A_1279 = arith.addf %gather3A_1246, %gather3A_1250 : vector<16xf32>
      %add3A_1280 = arith.addf %gather3A_1254, %gather3A_1258 : vector<16xf32>
      %add3A_1281 = arith.addf %gather3A_1262, %gather3A_1266 : vector<16xf32>
      %add3A_1282 = arith.addf %gather3A_1270, %gather3A_1274 : vector<16xf32>
      %add3A_1283 = arith.addf %add3A_1275, %add3A_1276 : vector<16xf32>
      %add3A_1284 = arith.addf %add3A_1277, %add3A_1278 : vector<16xf32>
      %add3A_1285 = arith.addf %add3A_1279, %add3A_1280 : vector<16xf32>
      %add3A_1286 = arith.addf %add3A_1281, %add3A_1282 : vector<16xf32>
      %add3A_1287 = arith.addf %add3A_1283, %add3A_1284 : vector<16xf32>
      %add3A_1288 = arith.addf %add3A_1285, %add3A_1286 : vector<16xf32>
      %add3A_1289 = arith.addf %add3A_1287, %add3A_1288 : vector<16xf32>
      %add3A_1290 = arith.addf %get3A_1207, %add3A_1289 : vector<16xf32>
      %neg3A_1291 = arith.constant 0.000000e+00 : f32
      %neg3A_1292 = vector.broadcast %neg3A_1291 : f32 to vector<16xf32>
      %neg3A_1293 = arith.subf %neg3A_1292, %add3A_1290 : vector<16xf32>
      %exp3A_1294 = math.exp %neg3A_1293 : vector<16xf32>
      %add3A_1295 = arith.constant 1.000000e+00 : f32
      %add3A_1296 = vector.broadcast %add3A_1295 : f32 to vector<16xf32>
      %add3A_1297 = arith.addf %add3A_1296, %exp3A_1294 : vector<16xf32>
      %div3A_1298 = arith.constant 1.000000e+00 : f32
      %div3A_1299 = vector.broadcast %div3A_1298 : f32 to vector<16xf32>
      %div3A_1300 = arith.divf %div3A_1299, %add3A_1297 : vector<16xf32>
      %swap3A_1301 = arith.constant 0 : index
      %swap3A_1302 = tpu.vector_load %arg24[%swap3A_1301] {strides = array<i32>} : memref<80xf32, #tpu.memory_space<vmem>>, vector<16xf32>,
      tpu.vector_store %arg24[%swap3A_1301], %div3A_1300 {strides = array<i32>} : memref<80xf32, #tpu.memory_space<vmem>>, vector<16xf32>,
      %add3A_1303 = arith.constant 256 : i32
      %add3A_1304 = vector.broadcast %add3A_1303 : i32 to vector<16xi32>
      %add3A_1305 = arith.addi %mul3A_1210, %add3A_1304 : vector<16xi32>
      %gather3A_1306 = tpu.vector_load_idx %arg23[%add3A_1305] : memref<1280xf32, #tpu.memory_space<vmem>>[vector<16xi32>], vector<16xf32>,
      %add3A_1307 = arith.constant 257 : i32
      %add3A_1308 = vector.broadcast %add3A_1307 : i32 to vector<16xi32>
      %add3A_1309 = arith.addi %mul3A_1210, %add3A_1308 : vector<16xi32>
      %gather3A_1310 = tpu.vector_load_idx %arg23[%add3A_1309] : memref<1280xf32, #tpu.memory_space<vmem>>[vector<16xi32>], vector<16xf32>,
      %add3A_1311 = arith.constant 258 : i32
      %add3A_1312 = vector.broadcast %add3A_1311 : i32 to vector<16xi32>
      %add3A_1313 = arith.addi %mul3A_1210, %add3A_1312 : vector<16xi32>
      %gather3A_1314 = tpu.vector_load_idx %arg23[%add3A_1313] : memref<1280xf32, #tpu.memory_space<vmem>>[vector<16xi32>], vector<16xf32>,
      %add3A_1315 = arith.constant 259 : i32
      %add3A_1316 = vector.broadcast %add3A_1315 : i32 to vector<16xi32>
      %add3A_1317 = arith.addi %mul3A_1210, %add3A_1316 : vector<16xi32>
      %gather3A_1318 = tpu.vector_load_idx %arg23[%add3A_1317] : memref<1280xf32, #tpu.memory_space<vmem>>[vector<16xi32>], vector<16xf32>,
      %add3A_1319 = arith.constant 260 : i32
      %add3A_1320 = vector.broadcast %add3A_1319 : i32 to vector<16xi32>
      %add3A_1321 = arith.addi %mul3A_1210, %add3A_1320 : vector<16xi32>
      %gather3A_1322 = tpu.vector_load_idx %arg23[%add3A_1321] : memref<1280xf32, #tpu.memory_space<vmem>>[vector<16xi32>], vector<16xf32>,
      %add3A_1323 = arith.constant 261 : i32
      %add3A_1324 = vector.broadcast %add3A_1323 : i32 to vector<16xi32>
      %add3A_1325 = arith.addi %mul3A_1210, %add3A_1324 : vector<16xi32>
      %gather3A_1326 = tpu.vector_load_idx %arg23[%add3A_1325] : memref<1280xf32, #tpu.memory_space<vmem>>[vector<16xi32>], vector<16xf32>,
      %add3A_1327 = arith.constant 262 : i32
      %add3A_1328 = vector.broadcast %add3A_1327 : i32 to vector<16xi32>
      %add3A_1329 = arith.addi %mul3A_1210, %add3A_1328 : vector<16xi32>
      %gather3A_1330 = tpu.vector_load_idx %arg23[%add3A_1329] : memref<1280xf32, #tpu.memory_space<vmem>>[vector<16xi32>], vector<16xf32>,
      %add3A_1331 = arith.constant 263 : i32
      %add3A_1332 = vector.broadcast %add3A_1331 : i32 to vector<16xi32>
      %add3A_1333 = arith.addi %mul3A_1210, %add3A_1332 : vector<16xi32>
      %gather3A_1334 = tpu.vector_load_idx %arg23[%add3A_1333] : memref<1280xf32, #tpu.memory_space<vmem>>[vector<16xi32>], vector<16xf32>,
      %add3A_1335 = arith.constant 264 : i32
      %add3A_1336 = vector.broadcast %add3A_1335 : i32 to vector<16xi32>
      %add3A_1337 = arith.addi %mul3A_1210, %add3A_1336 : vector<16xi32>
      %gather3A_1338 = tpu.vector_load_idx %arg23[%add3A_1337] : memref<1280xf32, #tpu.memory_space<vmem>>[vector<16xi32>], vector<16xf32>,
      %add3A_1339 = arith.constant 265 : i32
      %add3A_1340 = vector.broadcast %add3A_1339 : i32 to vector<16xi32>
      %add3A_1341 = arith.addi %mul3A_1210, %add3A_1340 : vector<16xi32>
      %gather3A_1342 = tpu.vector_load_idx %arg23[%add3A_1341] : memref<1280xf32, #tpu.memory_space<vmem>>[vector<16xi32>], vector<16xf32>,
      %add3A_1343 = arith.constant 266 : i32
      %add3A_1344 = vector.broadcast %add3A_1343 : i32 to vector<16xi32>
      %add3A_1345 = arith.addi %mul3A_1210, %add3A_1344 : vector<16xi32>
      %gather3A_1346 = tpu.vector_load_idx %arg23[%add3A_1345] : memref<1280xf32, #tpu.memory_space<vmem>>[vector<16xi32>], vector<16xf32>,
      %add3A_1347 = arith.constant 267 : i32
      %add3A_1348 = vector.broadcast %add3A_1347 : i32 to vector<16xi32>
      %add3A_1349 = arith.addi %mul3A_1210, %add3A_1348 : vector<16xi32>
      %gather3A_1350 = tpu.vector_load_idx %arg23[%add3A_1349] : memref<1280xf32, #tpu.memory_space<vmem>>[vector<16xi32>], vector<16xf32>,
      %add3A_1351 = arith.constant 268 : i32
      %add3A_1352 = vector.broadcast %add3A_1351 : i32 to vector<16xi32>
      %add3A_1353 = arith.addi %mul3A_1210, %add3A_1352 : vector<16xi32>
      %gather3A_1354 = tpu.vector_load_idx %arg23[%add3A_1353] : memref<1280xf32, #tpu.memory_space<vmem>>[vector<16xi32>], vector<16xf32>,
      %add3A_1355 = arith.constant 269 : i32
      %add3A_1356 = vector.broadcast %add3A_1355 : i32 to vector<16xi32>
      %add3A_1357 = arith.addi %mul3A_1210, %add3A_1356 : vector<16xi32>
      %gather3A_1358 = tpu.vector_load_idx %arg23[%add3A_1357] : memref<1280xf32, #tpu.memory_space<vmem>>[vector<16xi32>], vector<16xf32>,
      %add3A_1359 = arith.constant 270 : i32
      %add3A_1360 = vector.broadcast %add3A_1359 : i32 to vector<16xi32>
      %add3A_1361 = arith.addi %mul3A_1210, %add3A_1360 : vector<16xi32>
      %gather3A_1362 = tpu.vector_load_idx %arg23[%add3A_1361] : memref<1280xf32, #tpu.memory_space<vmem>>[vector<16xi32>], vector<16xf32>,
      %add3A_1363 = arith.constant 271 : i32
      %add3A_1364 = vector.broadcast %add3A_1363 : i32 to vector<16xi32>
      %add3A_1365 = arith.addi %mul3A_1210, %add3A_1364 : vector<16xi32>
      %gather3A_1366 = tpu.vector_load_idx %arg23[%add3A_1365] : memref<1280xf32, #tpu.memory_space<vmem>>[vector<16xi32>], vector<16xf32>,
      %add3A_1367 = arith.addf %gather3A_1306, %gather3A_1310 : vector<16xf32>
      %add3A_1368 = arith.addf %gather3A_1314, %gather3A_1318 : vector<16xf32>
      %add3A_1369 = arith.addf %gather3A_1322, %gather3A_1326 : vector<16xf32>
      %add3A_1370 = arith.addf %gather3A_1330, %gather3A_1334 : vector<16xf32>
      %add3A_1371 = arith.addf %gather3A_1338, %gather3A_1342 : vector<16xf32>
      %add3A_1372 = arith.addf %gather3A_1346, %gather3A_1350 : vector<16xf32>
      %add3A_1373 = arith.addf %gather3A_1354, %gather3A_1358 : vector<16xf32>
      %add3A_1374 = arith.addf %gather3A_1362, %gather3A_1366 : vector<16xf32>
      %add3A_1375 = arith.addf %add3A_1367, %add3A_1368 : vector<16xf32>
      %add3A_1376 = arith.addf %add3A_1369, %add3A_1370 : vector<16xf32>
      %add3A_1377 = arith.addf %add3A_1371, %add3A_1372 : vector<16xf32>
      %add3A_1378 = arith.addf %add3A_1373, %add3A_1374 : vector<16xf32>
      %add3A_1379 = arith.addf %add3A_1375, %add3A_1376 : vector<16xf32>
      %add3A_1380 = arith.addf %add3A_1377, %add3A_1378 : vector<16xf32>
      %add3A_1381 = arith.addf %add3A_1379, %add3A_1380 : vector<16xf32>
      %add3A_1382 = arith.addf %get3A_1207, %add3A_1381 : vector<16xf32>
      %neg3A_1383 = arith.constant 0.000000e+00 : f32
      %neg3A_1384 = vector.broadcast %neg3A_1383 : f32 to vector<16xf32>
      %neg3A_1385 = arith.subf %neg3A_1384, %add3A_1382 : vector<16xf32>
      %exp3A_1386 = math.exp %neg3A_1385 : vector<16xf32>
      %add3A_1387 = arith.constant 1.000000e+00 : f32
      %add3A_1388 = vector.broadcast %add3A_1387 : f32 to vector<16xf32>
      %add3A_1389 = arith.addf %add3A_1388, %exp3A_1386 : vector<16xf32>
      %div3A_1390 = arith.constant 1.000000e+00 : f32
      %div3A_1391 = vector.broadcast %div3A_1390 : f32 to vector<16xf32>
      %div3A_1392 = arith.divf %div3A_1391, %add3A_1389 : vector<16xf32>
      %swap3A_1393 = arith.constant 16 : index
      %swap3A_1394 = tpu.vector_load %arg24[%swap3A_1393] {strides = array<i32>} : memref<80xf32, #tpu.memory_space<vmem>>, vector<16xf32>,
      tpu.vector_store %arg24[%swap3A_1393], %div3A_1392 {strides = array<i32>} : memref<80xf32, #tpu.memory_space<vmem>>, vector<16xf32>,
      %add3A_1395 = arith.constant 512 : i32
      %add3A_1396 = vector.broadcast %add3A_1395 : i32 to vector<16xi32>
      %add3A_1397 = arith.addi %mul3A_1210, %add3A_1396 : vector<16xi32>
      %gather3A_1398 = tpu.vector_load_idx %arg23[%add3A_1397] : memref<1280xf32, #tpu.memory_space<vmem>>[vector<16xi32>], vector<16xf32>,
      %add3A_1399 = arith.constant 513 : i32
      %add3A_1400 = vector.broadcast %add3A_1399 : i32 to vector<16xi32>
      %add3A_1401 = arith.addi %mul3A_1210, %add3A_1400 : vector<16xi32>
      %gather3A_1402 = tpu.vector_load_idx %arg23[%add3A_1401] : memref<1280xf32, #tpu.memory_space<vmem>>[vector<16xi32>], vector<16xf32>,
      %add3A_1403 = arith.constant 514 : i32
      %add3A_1404 = vector.broadcast %add3A_1403 : i32 to vector<16xi32>
      %add3A_1405 = arith.addi %mul3A_1210, %add3A_1404 : vector<16xi32>
      %gather3A_1406 = tpu.vector_load_idx %arg23[%add3A_1405] : memref<1280xf32, #tpu.memory_space<vmem>>[vector<16xi32>], vector<16xf32>,
      %add3A_1407 = arith.constant 515 : i32
      %add3A_1408 = vector.broadcast %add3A_1407 : i32 to vector<16xi32>
      %add3A_1409 = arith.addi %mul3A_1210, %add3A_1408 : vector<16xi32>
      %gather3A_1410 = tpu.vector_load_idx %arg23[%add3A_1409] : memref<1280xf32, #tpu.memory_space<vmem>>[vector<16xi32>], vector<16xf32>,
      %add3A_1411 = arith.constant 516 : i32
      %add3A_1412 = vector.broadcast %add3A_1411 : i32 to vector<16xi32>
      %add3A_1413 = arith.addi %mul3A_1210, %add3A_1412 : vector<16xi32>
      %gather3A_1414 = tpu.vector_load_idx %arg23[%add3A_1413] : memref<1280xf32, #tpu.memory_space<vmem>>[vector<16xi32>], vector<16xf32>,
      %add3A_1415 = arith.constant 517 : i32
      %add3A_1416 = vector.broadcast %add3A_1415 : i32 to vector<16xi32>
      %add3A_1417 = arith.addi %mul3A_1210, %add3A_1416 : vector<16xi32>
      %gather3A_1418 = tpu.vector_load_idx %arg23[%add3A_1417] : memref<1280xf32, #tpu.memory_space<vmem>>[vector<16xi32>], vector<16xf32>,
      %add3A_1419 = arith.constant 518 : i32
      %add3A_1420 = vector.broadcast %add3A_1419 : i32 to vector<16xi32>
      %add3A_1421 = arith.addi %mul3A_1210, %add3A_1420 : vector<16xi32>
      %gather3A_1422 = tpu.vector_load_idx %arg23[%add3A_1421] : memref<1280xf32, #tpu.memory_space<vmem>>[vector<16xi32>], vector<16xf32>,
      %add3A_1423 = arith.constant 519 : i32
      %add3A_1424 = vector.broadcast %add3A_1423 : i32 to vector<16xi32>
      %add3A_1425 = arith.addi %mul3A_1210, %add3A_1424 : vector<16xi32>
      %gather3A_1426 = tpu.vector_load_idx %arg23[%add3A_1425] : memref<1280xf32, #tpu.memory_space<vmem>>[vector<16xi32>], vector<16xf32>,
      %add3A_1427 = arith.constant 520 : i32
      %add3A_1428 = vector.broadcast %add3A_1427 : i32 to vector<16xi32>
      %add3A_1429 = arith.addi %mul3A_1210, %add3A_1428 : vector<16xi32>
      %gather3A_1430 = tpu.vector_load_idx %arg23[%add3A_1429] : memref<1280xf32, #tpu.memory_space<vmem>>[vector<16xi32>], vector<16xf32>,
      %add3A_1431 = arith.constant 521 : i32
      %add3A_1432 = vector.broadcast %add3A_1431 : i32 to vector<16xi32>
      %add3A_1433 = arith.addi %mul3A_1210, %add3A_1432 : vector<16xi32>
      %gather3A_1434 = tpu.vector_load_idx %arg23[%add3A_1433] : memref<1280xf32, #tpu.memory_space<vmem>>[vector<16xi32>], vector<16xf32>,
      %add3A_1435 = arith.constant 522 : i32
      %add3A_1436 = vector.broadcast %add3A_1435 : i32 to vector<16xi32>
      %add3A_1437 = arith.addi %mul3A_1210, %add3A_1436 : vector<16xi32>
      %gather3A_1438 = tpu.vector_load_idx %arg23[%add3A_1437] : memref<1280xf32, #tpu.memory_space<vmem>>[vector<16xi32>], vector<16xf32>,
      %add3A_1439 = arith.constant 523 : i32
      %add3A_1440 = vector.broadcast %add3A_1439 : i32 to vector<16xi32>
      %add3A_1441 = arith.addi %mul3A_1210, %add3A_1440 : vector<16xi32>
      %gather3A_1442 = tpu.vector_load_idx %arg23[%add3A_1441] : memref<1280xf32, #tpu.memory_space<vmem>>[vector<16xi32>], vector<16xf32>,
      %add3A_1443 = arith.constant 524 : i32
      %add3A_1444 = vector.broadcast %add3A_1443 : i32 to vector<16xi32>
      %add3A_1445 = arith.addi %mul3A_1210, %add3A_1444 : vector<16xi32>
      %gather3A_1446 = tpu.vector_load_idx %arg23[%add3A_1445] : memref<1280xf32, #tpu.memory_space<vmem>>[vector<16xi32>], vector<16xf32>,
      %add3A_1447 = arith.constant 525 : i32
      %add3A_1448 = vector.broadcast %add3A_1447 : i32 to vector<16xi32>
      %add3A_1449 = arith.addi %mul3A_1210, %add3A_1448 : vector<16xi32>
      %gather3A_1450 = tpu.vector_load_idx %arg23[%add3A_1449] : memref<1280xf32, #tpu.memory_space<vmem>>[vector<16xi32>], vector<16xf32>,
      %add3A_1451 = arith.constant 526 : i32
      %add3A_1452 = vector.broadcast %add3A_1451 : i32 to vector<16xi32>
      %add3A_1453 = arith.addi %mul3A_1210, %add3A_1452 : vector<16xi32>
      %gather3A_1454 = tpu.vector_load_idx %arg23[%add3A_1453] : memref<1280xf32, #tpu.memory_space<vmem>>[vector<16xi32>], vector<16xf32>,
      %add3A_1455 = arith.constant 527 : i32
      %add3A_1456 = vector.broadcast %add3A_1455 : i32 to vector<16xi32>
      %add3A_1457 = arith.addi %mul3A_1210, %add3A_1456 : vector<16xi32>
      %gather3A_1458 = tpu.vector_load_idx %arg23[%add3A_1457] : memref<1280xf32, #tpu.memory_space<vmem>>[vector<16xi32>], vector<16xf32>,
      %add3A_1459 = arith.addf %gather3A_1398, %gather3A_1402 : vector<16xf32>
      %add3A_1460 = arith.addf %gather3A_1406, %gather3A_1410 : vector<16xf32>
      %add3A_1461 = arith.addf %gather3A_1414, %gather3A_1418 : vector<16xf32>
      %add3A_1462 = arith.addf %gather3A_1422, %gather3A_1426 : vector<16xf32>
      %add3A_1463 = arith.addf %gather3A_1430, %gather3A_1434 : vector<16xf32>
      %add3A_1464 = arith.addf %gather3A_1438, %gather3A_1442 : vector<16xf32>
      %add3A_1465 = arith.addf %gather3A_1446, %gather3A_1450 : vector<16xf32>
      %add3A_1466 = arith.addf %gather3A_1454, %gather3A_1458 : vector<16xf32>
      %add3A_1467 = arith.addf %add3A_1459, %add3A_1460 : vector<16xf32>
      %add3A_1468 = arith.addf %add3A_1461, %add3A_1462 : vector<16xf32>
      %add3A_1469 = arith.addf %add3A_1463, %add3A_1464 : vector<16xf32>
      %add3A_1470 = arith.addf %add3A_1465, %add3A_1466 : vector<16xf32>
      %add3A_1471 = arith.addf %add3A_1467, %add3A_1468 : vector<16xf32>
      %add3A_1472 = arith.addf %add3A_1469, %add3A_1470 : vector<16xf32>
      %add3A_1473 = arith.addf %add3A_1471, %add3A_1472 : vector<16xf32>
      %add3A_1474 = arith.addf %get3A_1207, %add3A_1473 : vector<16xf32>
      %neg3A_1475 = arith.constant 0.000000e+00 : f32
      %neg3A_1476 = vector.broadcast %neg3A_1475 : f32 to vector<16xf32>
      %neg3A_1477 = arith.subf %neg3A_1476, %add3A_1474 : vector<16xf32>
      %exp3A_1478 = math.exp %neg3A_1477 : vector<16xf32>
      %add3A_1479 = arith.constant 1.000000e+00 : f32
      %add3A_1480 = vector.broadcast %add3A_1479 : f32 to vector<16xf32>
      %add3A_1481 = arith.addf %add3A_1480, %exp3A_1478 : vector<16xf32>
      %div3A_1482 = arith.constant 1.000000e+00 : f32
      %div3A_1483 = vector.broadcast %div3A_1482 : f32 to vector<16xf32>
      %div3A_1484 = arith.divf %div3A_1483, %add3A_1481 : vector<16xf32>
      %swap3A_1485 = arith.constant 32 : index
      %swap3A_1486 = tpu.vector_load %arg24[%swap3A_1485] {strides = array<i32>} : memref<80xf32, #tpu.memory_space<vmem>>, vector<16xf32>,
      tpu.vector_store %arg24[%swap3A_1485], %div3A_1484 {strides = array<i32>} : memref<80xf32, #tpu.memory_space<vmem>>, vector<16xf32>,
      %add3A_1487 = arith.constant 768 : i32
      %add3A_1488 = vector.broadcast %add3A_1487 : i32 to vector<16xi32>
      %add3A_1489 = arith.addi %mul3A_1210, %add3A_1488 : vector<16xi32>
      %gather3A_1490 = tpu.vector_load_idx %arg23[%add3A_1489] : memref<1280xf32, #tpu.memory_space<vmem>>[vector<16xi32>], vector<16xf32>,
      %add3A_1491 = arith.constant 769 : i32
      %add3A_1492 = vector.broadcast %add3A_1491 : i32 to vector<16xi32>
      %add3A_1493 = arith.addi %mul3A_1210, %add3A_1492 : vector<16xi32>
      %gather3A_1494 = tpu.vector_load_idx %arg23[%add3A_1493] : memref<1280xf32, #tpu.memory_space<vmem>>[vector<16xi32>], vector<16xf32>,
      %add3A_1495 = arith.constant 770 : i32
      %add3A_1496 = vector.broadcast %add3A_1495 : i32 to vector<16xi32>
      %add3A_1497 = arith.addi %mul3A_1210, %add3A_1496 : vector<16xi32>
      %gather3A_1498 = tpu.vector_load_idx %arg23[%add3A_1497] : memref<1280xf32, #tpu.memory_space<vmem>>[vector<16xi32>], vector<16xf32>,
      %add3A_1499 = arith.constant 771 : i32
      %add3A_1500 = vector.broadcast %add3A_1499 : i32 to vector<16xi32>
      %add3A_1501 = arith.addi %mul3A_1210, %add3A_1500 : vector<16xi32>
      %gather3A_1502 = tpu.vector_load_idx %arg23[%add3A_1501] : memref<1280xf32, #tpu.memory_space<vmem>>[vector<16xi32>], vector<16xf32>,
      %add3A_1503 = arith.constant 772 : i32
      %add3A_1504 = vector.broadcast %add3A_1503 : i32 to vector<16xi32>
      %add3A_1505 = arith.addi %mul3A_1210, %add3A_1504 : vector<16xi32>
      %gather3A_1506 = tpu.vector_load_idx %arg23[%add3A_1505] : memref<1280xf32, #tpu.memory_space<vmem>>[vector<16xi32>], vector<16xf32>,
      %add3A_1507 = arith.constant 773 : i32
      %add3A_1508 = vector.broadcast %add3A_1507 : i32 to vector<16xi32>
      %add3A_1509 = arith.addi %mul3A_1210, %add3A_1508 : vector<16xi32>
      %gather3A_1510 = tpu.vector_load_idx %arg23[%add3A_1509] : memref<1280xf32, #tpu.memory_space<vmem>>[vector<16xi32>], vector<16xf32>,
      %add3A_1511 = arith.constant 774 : i32
      %add3A_1512 = vector.broadcast %add3A_1511 : i32 to vector<16xi32>
      %add3A_1513 = arith.addi %mul3A_1210, %add3A_1512 : vector<16xi32>
      %gather3A_1514 = tpu.vector_load_idx %arg23[%add3A_1513] : memref<1280xf32, #tpu.memory_space<vmem>>[vector<16xi32>], vector<16xf32>,
      %add3A_1515 = arith.constant 775 : i32
      %add3A_1516 = vector.broadcast %add3A_1515 : i32 to vector<16xi32>
      %add3A_1517 = arith.addi %mul3A_1210, %add3A_1516 : vector<16xi32>
      %gather3A_1518 = tpu.vector_load_idx %arg23[%add3A_1517] : memref<1280xf32, #tpu.memory_space<vmem>>[vector<16xi32>], vector<16xf32>,
      %add3A_1519 = arith.constant 776 : i32
      %add3A_1520 = vector.broadcast %add3A_1519 : i32 to vector<16xi32>
      %add3A_1521 = arith.addi %mul3A_1210, %add3A_1520 : vector<16xi32>
      %gather3A_1522 = tpu.vector_load_idx %arg23[%add3A_1521] : memref<1280xf32, #tpu.memory_space<vmem>>[vector<16xi32>], vector<16xf32>,
      %add3A_1523 = arith.constant 777 : i32
      %add3A_1524 = vector.broadcast %add3A_1523 : i32 to vector<16xi32>
      %add3A_1525 = arith.addi %mul3A_1210, %add3A_1524 : vector<16xi32>
      %gather3A_1526 = tpu.vector_load_idx %arg23[%add3A_1525] : memref<1280xf32, #tpu.memory_space<vmem>>[vector<16xi32>], vector<16xf32>,
      %add3A_1527 = arith.constant 778 : i32
      %add3A_1528 = vector.broadcast %add3A_1527 : i32 to vector<16xi32>
      %add3A_1529 = arith.addi %mul3A_1210, %add3A_1528 : vector<16xi32>
      %gather3A_1530 = tpu.vector_load_idx %arg23[%add3A_1529] : memref<1280xf32, #tpu.memory_space<vmem>>[vector<16xi32>], vector<16xf32>,
      %add3A_1531 = arith.constant 779 : i32
      %add3A_1532 = vector.broadcast %add3A_1531 : i32 to vector<16xi32>
      %add3A_1533 = arith.addi %mul3A_1210, %add3A_1532 : vector<16xi32>
      %gather3A_1534 = tpu.vector_load_idx %arg23[%add3A_1533] : memref<1280xf32, #tpu.memory_space<vmem>>[vector<16xi32>], vector<16xf32>,
      %add3A_1535 = arith.constant 780 : i32
      %add3A_1536 = vector.broadcast %add3A_1535 : i32 to vector<16xi32>
      %add3A_1537 = arith.addi %mul3A_1210, %add3A_1536 : vector<16xi32>
      %gather3A_1538 = tpu.vector_load_idx %arg23[%add3A_1537] : memref<1280xf32, #tpu.memory_space<vmem>>[vector<16xi32>], vector<16xf32>,
      %add3A_1539 = arith.constant 781 : i32
      %add3A_1540 = vector.broadcast %add3A_1539 : i32 to vector<16xi32>
      %add3A_1541 = arith.addi %mul3A_1210, %add3A_1540 : vector<16xi32>
      %gather3A_1542 = tpu.vector_load_idx %arg23[%add3A_1541] : memref<1280xf32, #tpu.memory_space<vmem>>[vector<16xi32>], vector<16xf32>,
      %add3A_1543 = arith.constant 782 : i32
      %add3A_1544 = vector.broadcast %add3A_1543 : i32 to vector<16xi32>
      %add3A_1545 = arith.addi %mul3A_1210, %add3A_1544 : vector<16xi32>
      %gather3A_1546 = tpu.vector_load_idx %arg23[%add3A_1545] : memref<1280xf32, #tpu.memory_space<vmem>>[vector<16xi32>], vector<16xf32>,
      %add3A_1547 = arith.constant 783 : i32
      %add3A_1548 = vector.broadcast %add3A_1547 : i32 to vector<16xi32>
      %add3A_1549 = arith.addi %mul3A_1210, %add3A_1548 : vector<16xi32>
      %gather3A_1550 = tpu.vector_load_idx %arg23[%add3A_1549] : memref<1280xf32, #tpu.memory_space<vmem>>[vector<16xi32>], vector<16xf32>,
      %add3A_1551 = arith.addf %gather3A_1490, %gather3A_1494 : vector<16xf32>
      %add3A_1552 = arith.addf %gather3A_1498, %gather3A_1502 : vector<16xf32>
      %add3A_1553 = arith.addf %gather3A_1506, %gather3A_1510 : vector<16xf32>
      %add3A_1554 = arith.addf %gather3A_1514, %gather3A_1518 : vector<16xf32>
      %add3A_1555 = arith.addf %gather3A_1522, %gather3A_1526 : vector<16xf32>
      %add3A_1556 = arith.addf %gather3A_1530, %gather3A_1534 : vector<16xf32>
      %add3A_1557 = arith.addf %gather3A_1538, %gather3A_1542 : vector<16xf32>
      %add3A_1558 = arith.addf %gather3A_1546, %gather3A_1550 : vector<16xf32>
      %add3A_1559 = arith.addf %add3A_1551, %add3A_1552 : vector<16xf32>
      %add3A_1560 = arith.addf %add3A_1553, %add3A_1554 : vector<16xf32>
      %add3A_1561 = arith.addf %add3A_1555, %add3A_1556 : vector<16xf32>
      %add3A_1562 = arith.addf %add3A_1557, %add3A_1558 : vector<16xf32>
      %add3A_1563 = arith.addf %add3A_1559, %add3A_1560 : vector<16xf32>
      %add3A_1564 = arith.addf %add3A_1561, %add3A_1562 : vector<16xf32>
      %add3A_1565 = arith.addf %add3A_1563, %add3A_1564 : vector<16xf32>
      %add3A_1566 = arith.addf %get3A_1207, %add3A_1565 : vector<16xf32>
      %neg3A_1567 = arith.constant 0.000000e+00 : f32
      %neg3A_1568 = vector.broadcast %neg3A_1567 : f32 to vector<16xf32>
      %neg3A_1569 = arith.subf %neg3A_1568, %add3A_1566 : vector<16xf32>
      %exp3A_1570 = math.exp %neg3A_1569 : vector<16xf32>
      %add3A_1571 = arith.constant 1.000000e+00 : f32
      %add3A_1572 = vector.broadcast %add3A_1571 : f32 to vector<16xf32>
      %add3A_1573 = arith.addf %add3A_1572, %exp3A_1570 : vector<16xf32>
      %div3A_1574 = arith.constant 1.000000e+00 : f32
      %div3A_1575 = vector.broadcast %div3A_1574 : f32 to vector<16xf32>
      %div3A_1576 = arith.divf %div3A_1575, %add3A_1573 : vector<16xf32>
      %swap3A_1577 = arith.constant 48 : index
      %swap3A_1578 = tpu.vector_load %arg24[%swap3A_1577] {strides = array<i32>} : memref<80xf32, #tpu.memory_space<vmem>>, vector<16xf32>,
      tpu.vector_store %arg24[%swap3A_1577], %div3A_1576 {strides = array<i32>} : memref<80xf32, #tpu.memory_space<vmem>>, vector<16xf32>,
      %add3A_1579 = arith.constant 1024 : i32
      %add3A_1580 = vector.broadcast %add3A_1579 : i32 to vector<16xi32>
      %add3A_1581 = arith.addi %mul3A_1210, %add3A_1580 : vector<16xi32>
      %gather3A_1582 = tpu.vector_load_idx %arg23[%add3A_1581] : memref<1280xf32, #tpu.memory_space<vmem>>[vector<16xi32>], vector<16xf32>,
      %add3A_1583 = arith.constant 1025 : i32
      %add3A_1584 = vector.broadcast %add3A_1583 : i32 to vector<16xi32>
      %add3A_1585 = arith.addi %mul3A_1210, %add3A_1584 : vector<16xi32>
      %gather3A_1586 = tpu.vector_load_idx %arg23[%add3A_1585] : memref<1280xf32, #tpu.memory_space<vmem>>[vector<16xi32>], vector<16xf32>,
      %add3A_1587 = arith.constant 1026 : i32
      %add3A_1588 = vector.broadcast %add3A_1587 : i32 to vector<16xi32>
      %add3A_1589 = arith.addi %mul3A_1210, %add3A_1588 : vector<16xi32>
      %gather3A_1590 = tpu.vector_load_idx %arg23[%add3A_1589] : memref<1280xf32, #tpu.memory_space<vmem>>[vector<16xi32>], vector<16xf32>,
      %add3A_1591 = arith.constant 1027 : i32
      %add3A_1592 = vector.broadcast %add3A_1591 : i32 to vector<16xi32>
      %add3A_1593 = arith.addi %mul3A_1210, %add3A_1592 : vector<16xi32>
      %gather3A_1594 = tpu.vector_load_idx %arg23[%add3A_1593] : memref<1280xf32, #tpu.memory_space<vmem>>[vector<16xi32>], vector<16xf32>,
      %add3A_1595 = arith.constant 1028 : i32
      %add3A_1596 = vector.broadcast %add3A_1595 : i32 to vector<16xi32>
      %add3A_1597 = arith.addi %mul3A_1210, %add3A_1596 : vector<16xi32>
      %gather3A_1598 = tpu.vector_load_idx %arg23[%add3A_1597] : memref<1280xf32, #tpu.memory_space<vmem>>[vector<16xi32>], vector<16xf32>,
      %add3A_1599 = arith.constant 1029 : i32
      %add3A_1600 = vector.broadcast %add3A_1599 : i32 to vector<16xi32>
      %add3A_1601 = arith.addi %mul3A_1210, %add3A_1600 : vector<16xi32>
      %gather3A_1602 = tpu.vector_load_idx %arg23[%add3A_1601] : memref<1280xf32, #tpu.memory_space<vmem>>[vector<16xi32>], vector<16xf32>,
      %add3A_1603 = arith.constant 1030 : i32
      %add3A_1604 = vector.broadcast %add3A_1603 : i32 to vector<16xi32>
      %add3A_1605 = arith.addi %mul3A_1210, %add3A_1604 : vector<16xi32>
      %gather3A_1606 = tpu.vector_load_idx %arg23[%add3A_1605] : memref<1280xf32, #tpu.memory_space<vmem>>[vector<16xi32>], vector<16xf32>,
      %add3A_1607 = arith.constant 1031 : i32
      %add3A_1608 = vector.broadcast %add3A_1607 : i32 to vector<16xi32>
      %add3A_1609 = arith.addi %mul3A_1210, %add3A_1608 : vector<16xi32>
      %gather3A_1610 = tpu.vector_load_idx %arg23[%add3A_1609] : memref<1280xf32, #tpu.memory_space<vmem>>[vector<16xi32>], vector<16xf32>,
      %add3A_1611 = arith.constant 1032 : i32
      %add3A_1612 = vector.broadcast %add3A_1611 : i32 to vector<16xi32>
      %add3A_1613 = arith.addi %mul3A_1210, %add3A_1612 : vector<16xi32>
      %gather3A_1614 = tpu.vector_load_idx %arg23[%add3A_1613] : memref<1280xf32, #tpu.memory_space<vmem>>[vector<16xi32>], vector<16xf32>,
      %add3A_1615 = arith.constant 1033 : i32
      %add3A_1616 = vector.broadcast %add3A_1615 : i32 to vector<16xi32>
      %add3A_1617 = arith.addi %mul3A_1210, %add3A_1616 : vector<16xi32>
      %gather3A_1618 = tpu.vector_load_idx %arg23[%add3A_1617] : memref<1280xf32, #tpu.memory_space<vmem>>[vector<16xi32>], vector<16xf32>,
      %add3A_1619 = arith.constant 1034 : i32
      %add3A_1620 = vector.broadcast %add3A_1619 : i32 to vector<16xi32>
      %add3A_1621 = arith.addi %mul3A_1210, %add3A_1620 : vector<16xi32>
      %gather3A_1622 = tpu.vector_load_idx %arg23[%add3A_1621] : memref<1280xf32, #tpu.memory_space<vmem>>[vector<16xi32>], vector<16xf32>,
      %add3A_1623 = arith.constant 1035 : i32
      %add3A_1624 = vector.broadcast %add3A_1623 : i32 to vector<16xi32>
      %add3A_1625 = arith.addi %mul3A_1210, %add3A_1624 : vector<16xi32>
      %gather3A_1626 = tpu.vector_load_idx %arg23[%add3A_1625] : memref<1280xf32, #tpu.memory_space<vmem>>[vector<16xi32>], vector<16xf32>,
      %add3A_1627 = arith.constant 1036 : i32
      %add3A_1628 = vector.broadcast %add3A_1627 : i32 to vector<16xi32>
      %add3A_1629 = arith.addi %mul3A_1210, %add3A_1628 : vector<16xi32>
      %gather3A_1630 = tpu.vector_load_idx %arg23[%add3A_1629] : memref<1280xf32, #tpu.memory_space<vmem>>[vector<16xi32>], vector<16xf32>,
      %add3A_1631 = arith.constant 1037 : i32
      %add3A_1632 = vector.broadcast %add3A_1631 : i32 to vector<16xi32>
      %add3A_1633 = arith.addi %mul3A_1210, %add3A_1632 : vector<16xi32>
      %gather3A_1634 = tpu.vector_load_idx %arg23[%add3A_1633] : memref<1280xf32, #tpu.memory_space<vmem>>[vector<16xi32>], vector<16xf32>,
      %add3A_1635 = arith.constant 1038 : i32
      %add3A_1636 = vector.broadcast %add3A_1635 : i32 to vector<16xi32>
      %add3A_1637 = arith.addi %mul3A_1210, %add3A_1636 : vector<16xi32>
      %gather3A_1638 = tpu.vector_load_idx %arg23[%add3A_1637] : memref<1280xf32, #tpu.memory_space<vmem>>[vector<16xi32>], vector<16xf32>,
      %add3A_1639 = arith.constant 1039 : i32
      %add3A_1640 = vector.broadcast %add3A_1639 : i32 to vector<16xi32>
      %add3A_1641 = arith.addi %mul3A_1210, %add3A_1640 : vector<16xi32>
      %gather3A_1642 = tpu.vector_load_idx %arg23[%add3A_1641] : memref<1280xf32, #tpu.memory_space<vmem>>[vector<16xi32>], vector<16xf32>,
      %add3A_1643 = arith.addf %gather3A_1582, %gather3A_1586 : vector<16xf32>
      %add3A_1644 = arith.addf %gather3A_1590, %gather3A_1594 : vector<16xf32>
      %add3A_1645 = arith.addf %gather3A_1598, %gather3A_1602 : vector<16xf32>
      %add3A_1646 = arith.addf %gather3A_1606, %gather3A_1610 : vector<16xf32>
      %add3A_1647 = arith.addf %gather3A_1614, %gather3A_1618 : vector<16xf32>
      %add3A_1648 = arith.addf %gather3A_1622, %gather3A_1626 : vector<16xf32>
      %add3A_1649 = arith.addf %gather3A_1630, %gather3A_1634 : vector<16xf32>
      %add3A_1650 = arith.addf %gather3A_1638, %gather3A_1642 : vector<16xf32>
      %add3A_1651 = arith.addf %add3A_1643, %add3A_1644 : vector<16xf32>
      %add3A_1652 = arith.addf %add3A_1645, %add3A_1646 : vector<16xf32>
      %add3A_1653 = arith.addf %add3A_1647, %add3A_1648 : vector<16xf32>
      %add3A_1654 = arith.addf %add3A_1649, %add3A_1650 : vector<16xf32>
      %add3A_1655 = arith.addf %add3A_1651, %add3A_1652 : vector<16xf32>
      %add3A_1656 = arith.addf %add3A_1653, %add3A_1654 : vector<16xf32>
      %add3A_1657 = arith.addf %add3A_1655, %add3A_1656 : vector<16xf32>
      %add3A_1658 = arith.addf %get3A_1207, %add3A_1657 : vector<16xf32>
      %neg3A_1659 = arith.constant 0.000000e+00 : f32
      %neg3A_1660 = vector.broadcast %neg3A_1659 : f32 to vector<16xf32>
      %neg3A_1661 = arith.subf %neg3A_1660, %add3A_1658 : vector<16xf32>
      %exp3A_1662 = math.exp %neg3A_1661 : vector<16xf32>
      %add3A_1663 = arith.constant 1.000000e+00 : f32
      %add3A_1664 = vector.broadcast %add3A_1663 : f32 to vector<16xf32>
      %add3A_1665 = arith.addf %add3A_1664, %exp3A_1662 : vector<16xf32>
      %div3A_1666 = arith.constant 1.000000e+00 : f32
      %div3A_1667 = vector.broadcast %div3A_1666 : f32 to vector<16xf32>
      %div3A_1668 = arith.divf %div3A_1667, %add3A_1665 : vector<16xf32>
      %swap3A_1669 = arith.constant 64 : index
      %swap3A_1670 = tpu.vector_load %arg24[%swap3A_1669] {strides = array<i32>} : memref<80xf32, #tpu.memory_space<vmem>>, vector<16xf32>,
      tpu.vector_store %arg24[%swap3A_1669], %div3A_1668 {strides = array<i32>} : memref<80xf32, #tpu.memory_space<vmem>>, vector<16xf32>,
      %parallel_loop3A_1671 = arith.constant 0 : i32
      %parallel_loop3A_1672 = arith.constant 80 : i32
      %parallel_loop3A_1673 = arith.constant 1 : i32
      scf.for %parallel_loop3A_1685 = %parallel_loop3A_1671 to %parallel_loop3A_1672 step %parallel_loop3A_1673  : i32 {
        %parallel_loop3A_1686 = vector.broadcast %parallel_loop3A_1685 : i32 to vector<16xi32>
        %parallel_loop3A_1687 = tpu.vector_load_idx %arg24[%parallel_loop3A_1686] : memref<80xf32, #tpu.memory_space<vmem>>[vector<16xi32>], vector<16xf32>,
        %parallel_loop3A_1688 = arith.index_cast %parallel_loop3A_1685 : i32 to index
        %parallel_loop3A_1689 = arith.constant 0 : index
        %parallel_loop3A_1690 = tpu.vector_load %arg20[%parallel_loop3A_1688, %parallel_loop3A_1689] {strides = array<i32>} : memref<80x128xf32, #tpu.memory_space<vmem>>, vector<16xf32>,
        %parallel_loop3A_1691 = arith.mulf %parallel_loop3A_1687, %parallel_loop3A_1690 : vector<16xf32>
        %parallel_loop3A_1692 = arith.index_cast %parallel_loop3A_1685 : i32 to index
        %parallel_loop3A_1693 = arith.constant 0 : index
        %parallel_loop3A_1694 = tpu.vector_load %arg20[%parallel_loop3A_1692, %parallel_loop3A_1693] {strides = array<i32>} : memref<80x128xf32, #tpu.memory_space<vmem>>, vector<16xf32>,
        tpu.vector_store %arg20[%parallel_loop3A_1692, %parallel_loop3A_1693], %parallel_loop3A_1691 {strides = array<i32>} : memref<80x128xf32, #tpu.memory_space<vmem>>, vector<16xf32>,
        %parallel_loop3A_1695 = arith.index_cast %parallel_loop3A_1685 : i32 to index
        %parallel_loop3A_1696 = arith.constant 16 : index
        %parallel_loop3A_1697 = tpu.vector_load %arg20[%parallel_loop3A_1695, %parallel_loop3A_1696] {strides = array<i32>} : memref<80x128xf32, #tpu.memory_space<vmem>>, vector<16xf32>,
        %parallel_loop3A_1698 = arith.mulf %parallel_loop3A_1687, %parallel_loop3A_1697 : vector<16xf32>
        %parallel_loop3A_1699 = arith.index_cast %parallel_loop3A_1685 : i32 to index
        %parallel_loop3A_1700 = arith.constant 16 : index
        %parallel_loop3A_1701 = tpu.vector_load %arg20[%parallel_loop3A_1699, %parallel_loop3A_1700] {strides = array<i32>} : memref<80x128xf32, #tpu.memory_space<vmem>>, vector<16xf32>,
        tpu.vector_store %arg20[%parallel_loop3A_1699, %parallel_loop3A_1700], %parallel_loop3A_1698 {strides = array<i32>} : memref<80x128xf32, #tpu.memory_space<vmem>>, vector<16xf32>,
        %parallel_loop3A_1702 = arith.index_cast %parallel_loop3A_1685 : i32 to index
        %parallel_loop3A_1703 = arith.constant 32 : index
        %parallel_loop3A_1704 = tpu.vector_load %arg20[%parallel_loop3A_1702, %parallel_loop3A_1703] {strides = array<i32>} : memref<80x128xf32, #tpu.memory_space<vmem>>, vector<16xf32>,
        %parallel_loop3A_1705 = arith.mulf %parallel_loop3A_1687, %parallel_loop3A_1704 : vector<16xf32>
        %parallel_loop3A_1706 = arith.index_cast %parallel_loop3A_1685 : i32 to index
        %parallel_loop3A_1707 = arith.constant 32 : index
        %parallel_loop3A_1708 = tpu.vector_load %arg20[%parallel_loop3A_1706, %parallel_loop3A_1707] {strides = array<i32>} : memref<80x128xf32, #tpu.memory_space<vmem>>, vector<16xf32>,
        tpu.vector_store %arg20[%parallel_loop3A_1706, %parallel_loop3A_1707], %parallel_loop3A_1705 {strides = array<i32>} : memref<80x128xf32, #tpu.memory_space<vmem>>, vector<16xf32>,
        %parallel_loop3A_1709 = arith.index_cast %parallel_loop3A_1685 : i32 to index
        %parallel_loop3A_1710 = arith.constant 48 : index
        %parallel_loop3A_1711 = tpu.vector_load %arg20[%parallel_loop3A_1709, %parallel_loop3A_1710] {strides = array<i32>} : memref<80x128xf32, #tpu.memory_space<vmem>>, vector<16xf32>,
        %parallel_loop3A_1712 = arith.mulf %parallel_loop3A_1687, %parallel_loop3A_1711 : vector<16xf32>
        %parallel_loop3A_1713 = arith.index_cast %parallel_loop3A_1685 : i32 to index
        %parallel_loop3A_1714 = arith.constant 48 : index
        %parallel_loop3A_1715 = tpu.vector_load %arg20[%parallel_loop3A_1713, %parallel_loop3A_1714] {strides = array<i32>} : memref<80x128xf32, #tpu.memory_space<vmem>>, vector<16xf32>,
        tpu.vector_store %arg20[%parallel_loop3A_1713, %parallel_loop3A_1714], %parallel_loop3A_1712 {strides = array<i32>} : memref<80x128xf32, #tpu.memory_space<vmem>>, vector<16xf32>,
        %parallel_loop3A_1716 = arith.index_cast %parallel_loop3A_1685 : i32 to index
        %parallel_loop3A_1717 = arith.constant 64 : index
        %parallel_loop3A_1718 = tpu.vector_load %arg20[%parallel_loop3A_1716, %parallel_loop3A_1717] {strides = array<i32>} : memref<80x128xf32, #tpu.memory_space<vmem>>, vector<16xf32>,
        %parallel_loop3A_1719 = arith.mulf %parallel_loop3A_1687, %parallel_loop3A_1718 : vector<16xf32>
        %parallel_loop3A_1720 = arith.index_cast %parallel_loop3A_1685 : i32 to index
        %parallel_loop3A_1721 = arith.constant 64 : index
        %parallel_loop3A_1722 = tpu.vector_load %arg20[%parallel_loop3A_1720, %parallel_loop3A_1721] {strides = array<i32>} : memref<80x128xf32, #tpu.memory_space<vmem>>, vector<16xf32>,
        tpu.vector_store %arg20[%parallel_loop3A_1720, %parallel_loop3A_1721], %parallel_loop3A_1719 {strides = array<i32>} : memref<80x128xf32, #tpu.memory_space<vmem>>, vector<16xf32>,
        %parallel_loop3A_1723 = arith.index_cast %parallel_loop3A_1685 : i32 to index
        %parallel_loop3A_1724 = arith.constant 80 : index
        %parallel_loop3A_1725 = tpu.vector_load %arg20[%parallel_loop3A_1723, %parallel_loop3A_1724] {strides = array<i32>} : memref<80x128xf32, #tpu.memory_space<vmem>>, vector<16xf32>,
        %parallel_loop3A_1726 = arith.mulf %parallel_loop3A_1687, %parallel_loop3A_1725 : vector<16xf32>
        %parallel_loop3A_1727 = arith.index_cast %parallel_loop3A_1685 : i32 to index
        %parallel_loop3A_1728 = arith.constant 80 : index
        %parallel_loop3A_1729 = tpu.vector_load %arg20[%parallel_loop3A_1727, %parallel_loop3A_1728] {strides = array<i32>} : memref<80x128xf32, #tpu.memory_space<vmem>>, vector<16xf32>,
        tpu.vector_store %arg20[%parallel_loop3A_1727, %parallel_loop3A_1728], %parallel_loop3A_1726 {strides = array<i32>} : memref<80x128xf32, #tpu.memory_space<vmem>>, vector<16xf32>,
        %parallel_loop3A_1730 = arith.index_cast %parallel_loop3A_1685 : i32 to index
        %parallel_loop3A_1731 = arith.constant 96 : index
        %parallel_loop3A_1732 = tpu.vector_load %arg20[%parallel_loop3A_1730, %parallel_loop3A_1731] {strides = array<i32>} : memref<80x128xf32, #tpu.memory_space<vmem>>, vector<16xf32>,
        %parallel_loop3A_1733 = arith.mulf %parallel_loop3A_1687, %parallel_loop3A_1732 : vector<16xf32>
        %parallel_loop3A_1734 = arith.index_cast %parallel_loop3A_1685 : i32 to index
        %parallel_loop3A_1735 = arith.constant 96 : index
        %parallel_loop3A_1736 = tpu.vector_load %arg20[%parallel_loop3A_1734, %parallel_loop3A_1735] {strides = array<i32>} : memref<80x128xf32, #tpu.memory_space<vmem>>, vector<16xf32>,
        tpu.vector_store %arg20[%parallel_loop3A_1734, %parallel_loop3A_1735], %parallel_loop3A_1733 {strides = array<i32>} : memref<80x128xf32, #tpu.memory_space<vmem>>, vector<16xf32>,
        %parallel_loop3A_1737 = arith.index_cast %parallel_loop3A_1685 : i32 to index
        %parallel_loop3A_1738 = arith.constant 112 : index
        %parallel_loop3A_1739 = tpu.vector_load %arg20[%parallel_loop3A_1737, %parallel_loop3A_1738] {strides = array<i32>} : memref<80x128xf32, #tpu.memory_space<vmem>>, vector<16xf32>,
        %parallel_loop3A_1740 = arith.mulf %parallel_loop3A_1687, %parallel_loop3A_1739 : vector<16xf32>
        %parallel_loop3A_1741 = arith.index_cast %parallel_loop3A_1685 : i32 to index
        %parallel_loop3A_1742 = arith.constant 112 : index
        %parallel_loop3A_1743 = tpu.vector_load %arg20[%parallel_loop3A_1741, %parallel_loop3A_1742] {strides = array<i32>} : memref<80x128xf32, #tpu.memory_space<vmem>>, vector<16xf32>,
        tpu.vector_store %arg20[%parallel_loop3A_1741, %parallel_loop3A_1742], %parallel_loop3A_1740 {strides = array<i32>} : memref<80x128xf32, #tpu.memory_space<vmem>>, vector<16xf32>,
      } {sc.loop_unroll_factor = 4 : i64, sc.parallel_access}
      "tpu.region"() ({
        %run_scoped3A = tpu.sem_alloc : memref<!tpu.dma_semaphore, #tpu.memory_space<semaphore_mem>>
        %dma_start3A_1685 = arith.constant 0 : i32
        %dma_start3A_1686 = arith.constant 0 : i32
        %dma_start3A_1687 = tpu.memref_slice %arg10[%dma_start3A_1685, %dma_start3A_1686] : memref<10240x128xf32, #tpu.memory_space<vmem_shared>> -> memref<10240x128xf32, #tpu.memory_space<vmem_shared>>
        tpu.enqueue_indirect_dma source(%arg20 : memref<80x128xf32, #tpu.memory_space<vmem>>) target(%dma_start3A_1687 : memref<10240x128xf32, #tpu.memory_space<vmem_shared>>) offsets(%arg12 : memref<80xi32, #tpu.memory_space<vmem>>) semaphore(%run_scoped3A : memref<!tpu.dma_semaphore, #tpu.memory_space<semaphore_mem>>) {add = true}
        %dma_wait3A_1688 = arith.constant 0 : i32
        %dma_wait3A_1689 = arith.constant 0 : i32
        %dma_wait3A_1690 = tpu.memref_slice %arg10[%dma_wait3A_1688, %dma_wait3A_1689] : memref<10240x128xf32, #tpu.memory_space<vmem_shared>> -> memref<10240x128xf32, #tpu.memory_space<vmem_shared>>
        tpu.wait_indirect_dma semaphore(%run_scoped3A : memref<!tpu.dma_semaphore, #tpu.memory_space<semaphore_mem>>) src(%arg20 : memref<80x128xf32, #tpu.memory_space<vmem>>) dst(%dma_wait3A_1690 : memref<10240x128xf32, #tpu.memory_space<vmem_shared>>)
        tpu.yield
      }) : () -> ()
      %add3A_1674 = arith.constant 2 : i32
      %add3A_1675 = arith.addi %add3A_1162, %add3A_1674 : i32
      %mul3A_1676 = arith.constant 10160 : i32
      %mul3A_1677 = arith.muli %add3A, %mul3A_1676 : i32
      %mul3A_1678 = arith.constant 80 : i32
      %mul3A_1679 = arith.muli %add3A_1675, %mul3A_1678 : i32
      %add3A_1680 = arith.addi %mul3A_1677, %mul3A_1679 : i32
      %dma_start3A_1681 = tpu.memref_slice %arg5[%add3A_1680] : memref<325120xi32, #tpu.memory_space<hbm>> -> memref<80xi32, #tpu.memory_space<hbm>>
      %dma_start3A_1682 = tpu.memref_slice %arg5[%add3A_1680] : memref<325120xi32, #tpu.memory_space<hbm>> -> memref<80xi32, #tpu.memory_space<hbm>>
      tpu.enqueue_dma source(%dma_start3A_1682 : memref<80xi32, #tpu.memory_space<hbm>>) target(%arg12 : memref<80xi32, #tpu.memory_space<vmem>>) target_semaphore(%arg28 : memref<!tpu.dma_semaphore, #tpu.memory_space<semaphore_mem>>)
      %dma_start3A_1683 = tpu.memref_slice %arg6[%add3A_1680] : memref<325120xi32, #tpu.memory_space<hbm>> -> memref<80xi32, #tpu.memory_space<hbm>>
      %dma_start3A_1684 = tpu.memref_slice %arg6[%add3A_1680] : memref<325120xi32, #tpu.memory_space<hbm>> -> memref<80xi32, #tpu.memory_space<hbm>>
      tpu.enqueue_dma source(%dma_start3A_1684 : memref<80xi32, #tpu.memory_space<hbm>>) target(%arg14 : memref<80xi32, #tpu.memory_space<vmem>>) target_semaphore(%arg28 : memref<!tpu.dma_semaphore, #tpu.memory_space<semaphore_mem>>)
    }
    %scan3A_74 = arith.constant 62 : i32
    %mul3A_75 = arith.constant 10160 : i32
    %mul3A_76 = arith.muli %add3A, %mul3A_75 : i32
    %add3A_77 = arith.constant 10000 : i32
    %add3A_78 = arith.addi %mul3A_76, %add3A_77 : i32
    %dma_wait3A_79 = tpu.memref_slice %arg5[%add3A_78] : memref<325120xi32, #tpu.memory_space<hbm>> -> memref<80xi32, #tpu.memory_space<hbm>>
    %dma_wait3A_80 = tpu.memref_slice %arg5[%add3A_78] : memref<325120xi32, #tpu.memory_space<hbm>> -> memref<80xi32, #tpu.memory_space<hbm>>
    tpu.wait_dma2 semaphore(%arg28 : memref<!tpu.dma_semaphore, #tpu.memory_space<semaphore_mem>>) src(%dma_wait3A_80 : memref<80xi32, #tpu.memory_space<hbm>>) dst(%arg12 : memref<80xi32, #tpu.memory_space<vmem>>)
    %dma_wait3A_81 = tpu.memref_slice %arg6[%add3A_78] : memref<325120xi32, #tpu.memory_space<hbm>> -> memref<80xi32, #tpu.memory_space<hbm>>
    %dma_wait3A_82 = tpu.memref_slice %arg6[%add3A_78] : memref<325120xi32, #tpu.memory_space<hbm>> -> memref<80xi32, #tpu.memory_space<hbm>>
    tpu.wait_dma2 semaphore(%arg28 : memref<!tpu.dma_semaphore, #tpu.memory_space<semaphore_mem>>) src(%dma_wait3A_82 : memref<80xi32, #tpu.memory_space<hbm>>) dst(%arg14 : memref<80xi32, #tpu.memory_space<vmem>>)
    %dma_start3A_83 = arith.constant 0 : i32
    %dma_start3A_84 = arith.constant 0 : i32
    %dma_start3A_85 = tpu.memref_slice %arg2[%dma_start3A_83, %dma_start3A_84] : memref<10240x64xi32, #tpu.memory_space<hbm>> -> memref<10240x64xi32, #tpu.memory_space<hbm>>
    tpu.enqueue_indirect_dma source(%dma_start3A_85 : memref<10240x64xi32, #tpu.memory_space<hbm>>) target(%arg16 : memref<80x64xi32, #tpu.memory_space<vmem>>) offsets(%arg12 : memref<80xi32, #tpu.memory_space<vmem>>) semaphore(%arg26 : memref<!tpu.dma_semaphore, #tpu.memory_space<semaphore_mem>>)
    %dma_start3A_86 = arith.constant 0 : i32
    %dma_start3A_87 = arith.constant 0 : i32
    %dma_start3A_88 = tpu.memref_slice %arg3[%dma_start3A_86, %dma_start3A_87] : memref<10240x64xi32, #tpu.memory_space<hbm>> -> memref<10240x64xi32, #tpu.memory_space<hbm>>
    tpu.enqueue_indirect_dma source(%dma_start3A_88 : memref<10240x64xi32, #tpu.memory_space<hbm>>) target(%arg18 : memref<80x64xi32, #tpu.memory_space<vmem>>) offsets(%arg14 : memref<80xi32, #tpu.memory_space<vmem>>) semaphore(%arg26 : memref<!tpu.dma_semaphore, #tpu.memory_space<semaphore_mem>>)
    %dma_start3A_89 = arith.constant 0 : i32
    %dma_start3A_90 = arith.constant 0 : i32
    %dma_start3A_91 = tpu.memref_slice %arg4[%dma_start3A_89, %dma_start3A_90] : memref<10240x128xf32, #tpu.memory_space<hbm>> -> memref<10240x128xf32, #tpu.memory_space<hbm>>
    tpu.enqueue_indirect_dma source(%dma_start3A_91 : memref<10240x128xf32, #tpu.memory_space<hbm>>) target(%arg20 : memref<80x128xf32, #tpu.memory_space<vmem>>) offsets(%arg14 : memref<80xi32, #tpu.memory_space<vmem>>) semaphore(%arg26 : memref<!tpu.dma_semaphore, #tpu.memory_space<semaphore_mem>>)
    %dma_wait3A_92 = arith.constant 0 : i32
    %dma_wait3A_93 = arith.constant 0 : i32
    %dma_wait3A_94 = tpu.memref_slice %arg2[%dma_wait3A_92, %dma_wait3A_93] : memref<10240x64xi32, #tpu.memory_space<hbm>> -> memref<10240x64xi32, #tpu.memory_space<hbm>>
    tpu.wait_indirect_dma semaphore(%arg25 : memref<!tpu.dma_semaphore, #tpu.memory_space<semaphore_mem>>) src(%dma_wait3A_94 : memref<10240x64xi32, #tpu.memory_space<hbm>>) dst(%arg15 : memref<80x64xi32, #tpu.memory_space<vmem>>)
    %dma_wait3A_95 = arith.constant 0 : i32
    %dma_wait3A_96 = arith.constant 0 : i32
    %dma_wait3A_97 = tpu.memref_slice %arg3[%dma_wait3A_95, %dma_wait3A_96] : memref<10240x64xi32, #tpu.memory_space<hbm>> -> memref<10240x64xi32, #tpu.memory_space<hbm>>
    tpu.wait_indirect_dma semaphore(%arg25 : memref<!tpu.dma_semaphore, #tpu.memory_space<semaphore_mem>>) src(%dma_wait3A_97 : memref<10240x64xi32, #tpu.memory_space<hbm>>) dst(%arg17 : memref<80x64xi32, #tpu.memory_space<vmem>>)
    %dma_wait3A_98 = arith.constant 0 : i32
    %dma_wait3A_99 = arith.constant 0 : i32
    %dma_wait3A_100 = tpu.memref_slice %arg4[%dma_wait3A_98, %dma_wait3A_99] : memref<10240x128xf32, #tpu.memory_space<hbm>> -> memref<10240x128xf32, #tpu.memory_space<hbm>>
    tpu.wait_indirect_dma semaphore(%arg25 : memref<!tpu.dma_semaphore, #tpu.memory_space<semaphore_mem>>) src(%dma_wait3A_100 : memref<10240x128xf32, #tpu.memory_space<hbm>>) dst(%arg19 : memref<80x128xf32, #tpu.memory_space<vmem>>)
    %get3A = arith.constant 0 : index
    %get3A_101 = tpu.vector_load %arg21[%get3A] {strides = array<i32>} : memref<128xbf16, #tpu.memory_space<vmem>>, vector<32xbf16>,
    %get3A_102 = arith.constant 32 : index
    %get3A_103 = tpu.vector_load %arg21[%get3A_102] {strides = array<i32>} : memref<128xbf16, #tpu.memory_space<vmem>>, vector<32xbf16>,
    %get3A_104 = arith.constant 64 : index
    %get3A_105 = tpu.vector_load %arg21[%get3A_104] {strides = array<i32>} : memref<128xbf16, #tpu.memory_space<vmem>>, vector<32xbf16>,
    %get3A_106 = arith.constant 96 : index
    %get3A_107 = tpu.vector_load %arg21[%get3A_106] {strides = array<i32>} : memref<128xbf16, #tpu.memory_space<vmem>>, vector<32xbf16>,
    %iota3A = tpu.iota {dimensions = array<i32: 0>} : vector<16xi32>
    %broadcast_in_dim3A = arith.constant 0.000000e+00 : bf16
    %broadcast_in_dim3A_108 = vector.broadcast %broadcast_in_dim3A : bf16 to vector<32xbf16>
    %parallel_loop3A = arith.constant 0 : i32
    %parallel_loop3A_109 = arith.constant 80 : i32
    %parallel_loop3A_110 = arith.constant 1 : i32
    scf.for %parallel_loop3A_632 = %parallel_loop3A to %parallel_loop3A_109 step %parallel_loop3A_110  : i32 {
      %parallel_loop3A_633 = arith.index_cast %parallel_loop3A_632 : i32 to index
      %parallel_loop3A_634 = arith.constant 0 : index
      %parallel_loop3A_635 = tpu.vector_load %arg15[%parallel_loop3A_633, %parallel_loop3A_634] {strides = array<i32>} : memref<80x64xi32, #tpu.memory_space<vmem>>, vector<16xi32>,
      %parallel_loop3A_636 = vector.bitcast %parallel_loop3A_635 : vector<16xi32> to vector<32xbf16>
      %parallel_loop3A_637 = arith.index_cast %parallel_loop3A_632 : i32 to index
      %parallel_loop3A_638 = arith.constant 0 : index
      %parallel_loop3A_639 = tpu.vector_load %arg17[%parallel_loop3A_637, %parallel_loop3A_638] {strides = array<i32>} : memref<80x64xi32, #tpu.memory_space<vmem>>, vector<16xi32>,
      %parallel_loop3A_640 = vector.bitcast %parallel_loop3A_639 : vector<16xi32> to vector<32xbf16>
      %parallel_loop3A_641 = arith.addf %parallel_loop3A_636, %parallel_loop3A_640 : vector<32xbf16>
      %parallel_loop3A_642 = arith.maximumf %parallel_loop3A_641, %broadcast_in_dim3A_108 : vector<32xbf16>
      %parallel_loop3A_643 = arith.mulf %parallel_loop3A_642, %get3A_101 : vector<32xbf16>
      %parallel_loop3A_644 = arith.index_cast %parallel_loop3A_632 : i32 to index
      %parallel_loop3A_645 = arith.constant 16 : index
      %parallel_loop3A_646 = tpu.vector_load %arg15[%parallel_loop3A_644, %parallel_loop3A_645] {strides = array<i32>} : memref<80x64xi32, #tpu.memory_space<vmem>>, vector<16xi32>,
      %parallel_loop3A_647 = vector.bitcast %parallel_loop3A_646 : vector<16xi32> to vector<32xbf16>
      %parallel_loop3A_648 = arith.index_cast %parallel_loop3A_632 : i32 to index
      %parallel_loop3A_649 = arith.constant 16 : index
      %parallel_loop3A_650 = tpu.vector_load %arg17[%parallel_loop3A_648, %parallel_loop3A_649] {strides = array<i32>} : memref<80x64xi32, #tpu.memory_space<vmem>>, vector<16xi32>,
      %parallel_loop3A_651 = vector.bitcast %parallel_loop3A_650 : vector<16xi32> to vector<32xbf16>
      %parallel_loop3A_652 = arith.addf %parallel_loop3A_647, %parallel_loop3A_651 : vector<32xbf16>
      %parallel_loop3A_653 = arith.maximumf %parallel_loop3A_652, %broadcast_in_dim3A_108 : vector<32xbf16>
      %parallel_loop3A_654 = arith.mulf %parallel_loop3A_653, %get3A_103 : vector<32xbf16>
      %parallel_loop3A_655 = arith.index_cast %parallel_loop3A_632 : i32 to index
      %parallel_loop3A_656 = arith.constant 32 : index
      %parallel_loop3A_657 = tpu.vector_load %arg15[%parallel_loop3A_655, %parallel_loop3A_656] {strides = array<i32>} : memref<80x64xi32, #tpu.memory_space<vmem>>, vector<16xi32>,
      %parallel_loop3A_658 = vector.bitcast %parallel_loop3A_657 : vector<16xi32> to vector<32xbf16>
      %parallel_loop3A_659 = arith.index_cast %parallel_loop3A_632 : i32 to index
      %parallel_loop3A_660 = arith.constant 32 : index
      %parallel_loop3A_661 = tpu.vector_load %arg17[%parallel_loop3A_659, %parallel_loop3A_660] {strides = array<i32>} : memref<80x64xi32, #tpu.memory_space<vmem>>, vector<16xi32>,
      %parallel_loop3A_662 = vector.bitcast %parallel_loop3A_661 : vector<16xi32> to vector<32xbf16>
      %parallel_loop3A_663 = arith.addf %parallel_loop3A_658, %parallel_loop3A_662 : vector<32xbf16>
      %parallel_loop3A_664 = arith.maximumf %parallel_loop3A_663, %broadcast_in_dim3A_108 : vector<32xbf16>
      %parallel_loop3A_665 = arith.mulf %parallel_loop3A_664, %get3A_105 : vector<32xbf16>
      %parallel_loop3A_666 = arith.index_cast %parallel_loop3A_632 : i32 to index
      %parallel_loop3A_667 = arith.constant 48 : index
      %parallel_loop3A_668 = tpu.vector_load %arg15[%parallel_loop3A_666, %parallel_loop3A_667] {strides = array<i32>} : memref<80x64xi32, #tpu.memory_space<vmem>>, vector<16xi32>,
      %parallel_loop3A_669 = vector.bitcast %parallel_loop3A_668 : vector<16xi32> to vector<32xbf16>
      %parallel_loop3A_670 = arith.index_cast %parallel_loop3A_632 : i32 to index
      %parallel_loop3A_671 = arith.constant 48 : index
      %parallel_loop3A_672 = tpu.vector_load %arg17[%parallel_loop3A_670, %parallel_loop3A_671] {strides = array<i32>} : memref<80x64xi32, #tpu.memory_space<vmem>>, vector<16xi32>,
      %parallel_loop3A_673 = vector.bitcast %parallel_loop3A_672 : vector<16xi32> to vector<32xbf16>
      %parallel_loop3A_674 = arith.addf %parallel_loop3A_669, %parallel_loop3A_673 : vector<32xbf16>
      %parallel_loop3A_675 = arith.maximumf %parallel_loop3A_674, %broadcast_in_dim3A_108 : vector<32xbf16>
      %parallel_loop3A_676 = arith.mulf %parallel_loop3A_675, %get3A_107 : vector<32xbf16>
      %parallel_loop3A_677 = arith.addf %parallel_loop3A_643, %parallel_loop3A_654 : vector<32xbf16>
      %parallel_loop3A_678 = arith.addf %parallel_loop3A_665, %parallel_loop3A_676 : vector<32xbf16>
      %parallel_loop3A_679 = arith.addf %parallel_loop3A_677, %parallel_loop3A_678 : vector<32xbf16>
      %parallel_loop3A_680 = tpu.unpack_subelements %parallel_loop3A_679, 0 {pack_format = #tpu.pack_format<interleaved>} : vector<32xbf16> -> vector<16xf32>
      %parallel_loop3A_681 = tpu.unpack_subelements %parallel_loop3A_679, 1 {pack_format = #tpu.pack_format<interleaved>} : vector<32xbf16> -> vector<16xf32>
      %parallel_loop3A_682 = arith.addf %parallel_loop3A_680, %parallel_loop3A_681 : vector<16xf32>
      %parallel_loop3A_683 = arith.constant 16 : i32
      %parallel_loop3A_684 = arith.muli %parallel_loop3A_632, %parallel_loop3A_683 : i32
      %parallel_loop3A_685 = arith.index_cast %parallel_loop3A_684 : i32 to index
      %parallel_loop3A_686 = tpu.vector_load %arg23[%parallel_loop3A_685] {strides = array<i32>} : memref<1280xf32, #tpu.memory_space<vmem>>, vector<16xf32>,
      tpu.vector_store %arg23[%parallel_loop3A_685], %parallel_loop3A_682 {strides = array<i32>} : memref<1280xf32, #tpu.memory_space<vmem>>, vector<16xf32>,
    } {sc.loop_unroll_factor = 4 : i64, sc.parallel_access}
    %get3A_111 = arith.constant 0 : index
    %get3A_112 = tpu.vector_load %arg22[%get3A_111] {strides = array<i32>} : memref<16xf32, #tpu.memory_space<vmem>>, vector<16xf32>,
    %mul3A_113 = arith.constant 16 : i32
    %mul3A_114 = vector.broadcast %mul3A_113 : i32 to vector<16xi32>
    %mul3A_115 = arith.muli %iota3A, %mul3A_114 : vector<16xi32>
    %add3A_116 = arith.constant 0 : i32
    %add3A_117 = vector.broadcast %add3A_116 : i32 to vector<16xi32>
    %add3A_118 = arith.addi %mul3A_115, %add3A_117 : vector<16xi32>
    %gather3A = tpu.vector_load_idx %arg23[%add3A_118] : memref<1280xf32, #tpu.memory_space<vmem>>[vector<16xi32>], vector<16xf32>,
    %add3A_119 = arith.constant 1 : i32
    %add3A_120 = vector.broadcast %add3A_119 : i32 to vector<16xi32>
    %add3A_121 = arith.addi %mul3A_115, %add3A_120 : vector<16xi32>
    %gather3A_122 = tpu.vector_load_idx %arg23[%add3A_121] : memref<1280xf32, #tpu.memory_space<vmem>>[vector<16xi32>], vector<16xf32>,
    %add3A_123 = arith.constant 2 : i32
    %add3A_124 = vector.broadcast %add3A_123 : i32 to vector<16xi32>
    %add3A_125 = arith.addi %mul3A_115, %add3A_124 : vector<16xi32>
    %gather3A_126 = tpu.vector_load_idx %arg23[%add3A_125] : memref<1280xf32, #tpu.memory_space<vmem>>[vector<16xi32>], vector<16xf32>,
    %add3A_127 = arith.constant 3 : i32
    %add3A_128 = vector.broadcast %add3A_127 : i32 to vector<16xi32>
    %add3A_129 = arith.addi %mul3A_115, %add3A_128 : vector<16xi32>
    %gather3A_130 = tpu.vector_load_idx %arg23[%add3A_129] : memref<1280xf32, #tpu.memory_space<vmem>>[vector<16xi32>], vector<16xf32>,
    %add3A_131 = arith.constant 4 : i32
    %add3A_132 = vector.broadcast %add3A_131 : i32 to vector<16xi32>
    %add3A_133 = arith.addi %mul3A_115, %add3A_132 : vector<16xi32>
    %gather3A_134 = tpu.vector_load_idx %arg23[%add3A_133] : memref<1280xf32, #tpu.memory_space<vmem>>[vector<16xi32>], vector<16xf32>,
    %add3A_135 = arith.constant 5 : i32
    %add3A_136 = vector.broadcast %add3A_135 : i32 to vector<16xi32>
    %add3A_137 = arith.addi %mul3A_115, %add3A_136 : vector<16xi32>
    %gather3A_138 = tpu.vector_load_idx %arg23[%add3A_137] : memref<1280xf32, #tpu.memory_space<vmem>>[vector<16xi32>], vector<16xf32>,
    %add3A_139 = arith.constant 6 : i32
    %add3A_140 = vector.broadcast %add3A_139 : i32 to vector<16xi32>
    %add3A_141 = arith.addi %mul3A_115, %add3A_140 : vector<16xi32>
    %gather3A_142 = tpu.vector_load_idx %arg23[%add3A_141] : memref<1280xf32, #tpu.memory_space<vmem>>[vector<16xi32>], vector<16xf32>,
    %add3A_143 = arith.constant 7 : i32
    %add3A_144 = vector.broadcast %add3A_143 : i32 to vector<16xi32>
    %add3A_145 = arith.addi %mul3A_115, %add3A_144 : vector<16xi32>
    %gather3A_146 = tpu.vector_load_idx %arg23[%add3A_145] : memref<1280xf32, #tpu.memory_space<vmem>>[vector<16xi32>], vector<16xf32>,
    %add3A_147 = arith.constant 8 : i32
    %add3A_148 = vector.broadcast %add3A_147 : i32 to vector<16xi32>
    %add3A_149 = arith.addi %mul3A_115, %add3A_148 : vector<16xi32>
    %gather3A_150 = tpu.vector_load_idx %arg23[%add3A_149] : memref<1280xf32, #tpu.memory_space<vmem>>[vector<16xi32>], vector<16xf32>,
    %add3A_151 = arith.constant 9 : i32
    %add3A_152 = vector.broadcast %add3A_151 : i32 to vector<16xi32>
    %add3A_153 = arith.addi %mul3A_115, %add3A_152 : vector<16xi32>
    %gather3A_154 = tpu.vector_load_idx %arg23[%add3A_153] : memref<1280xf32, #tpu.memory_space<vmem>>[vector<16xi32>], vector<16xf32>,
    %add3A_155 = arith.constant 10 : i32
    %add3A_156 = vector.broadcast %add3A_155 : i32 to vector<16xi32>
    %add3A_157 = arith.addi %mul3A_115, %add3A_156 : vector<16xi32>
    %gather3A_158 = tpu.vector_load_idx %arg23[%add3A_157] : memref<1280xf32, #tpu.memory_space<vmem>>[vector<16xi32>], vector<16xf32>,
    %add3A_159 = arith.constant 11 : i32
    %add3A_160 = vector.broadcast %add3A_159 : i32 to vector<16xi32>
    %add3A_161 = arith.addi %mul3A_115, %add3A_160 : vector<16xi32>
    %gather3A_162 = tpu.vector_load_idx %arg23[%add3A_161] : memref<1280xf32, #tpu.memory_space<vmem>>[vector<16xi32>], vector<16xf32>,
    %add3A_163 = arith.constant 12 : i32
    %add3A_164 = vector.broadcast %add3A_163 : i32 to vector<16xi32>
    %add3A_165 = arith.addi %mul3A_115, %add3A_164 : vector<16xi32>
    %gather3A_166 = tpu.vector_load_idx %arg23[%add3A_165] : memref<1280xf32, #tpu.memory_space<vmem>>[vector<16xi32>], vector<16xf32>,
    %add3A_167 = arith.constant 13 : i32
    %add3A_168 = vector.broadcast %add3A_167 : i32 to vector<16xi32>
    %add3A_169 = arith.addi %mul3A_115, %add3A_168 : vector<16xi32>
    %gather3A_170 = tpu.vector_load_idx %arg23[%add3A_169] : memref<1280xf32, #tpu.memory_space<vmem>>[vector<16xi32>], vector<16xf32>,
    %add3A_171 = arith.constant 14 : i32
    %add3A_172 = vector.broadcast %add3A_171 : i32 to vector<16xi32>
    %add3A_173 = arith.addi %mul3A_115, %add3A_172 : vector<16xi32>
    %gather3A_174 = tpu.vector_load_idx %arg23[%add3A_173] : memref<1280xf32, #tpu.memory_space<vmem>>[vector<16xi32>], vector<16xf32>,
    %add3A_175 = arith.constant 15 : i32
    %add3A_176 = vector.broadcast %add3A_175 : i32 to vector<16xi32>
    %add3A_177 = arith.addi %mul3A_115, %add3A_176 : vector<16xi32>
    %gather3A_178 = tpu.vector_load_idx %arg23[%add3A_177] : memref<1280xf32, #tpu.memory_space<vmem>>[vector<16xi32>], vector<16xf32>,
    %add3A_179 = arith.addf %gather3A, %gather3A_122 : vector<16xf32>
    %add3A_180 = arith.addf %gather3A_126, %gather3A_130 : vector<16xf32>
    %add3A_181 = arith.addf %gather3A_134, %gather3A_138 : vector<16xf32>
    %add3A_182 = arith.addf %gather3A_142, %gather3A_146 : vector<16xf32>
    %add3A_183 = arith.addf %gather3A_150, %gather3A_154 : vector<16xf32>
    %add3A_184 = arith.addf %gather3A_158, %gather3A_162 : vector<16xf32>
    %add3A_185 = arith.addf %gather3A_166, %gather3A_170 : vector<16xf32>
    %add3A_186 = arith.addf %gather3A_174, %gather3A_178 : vector<16xf32>
    %add3A_187 = arith.addf %add3A_179, %add3A_180 : vector<16xf32>
    %add3A_188 = arith.addf %add3A_181, %add3A_182 : vector<16xf32>
    %add3A_189 = arith.addf %add3A_183, %add3A_184 : vector<16xf32>
    %add3A_190 = arith.addf %add3A_185, %add3A_186 : vector<16xf32>
    %add3A_191 = arith.addf %add3A_187, %add3A_188 : vector<16xf32>
    %add3A_192 = arith.addf %add3A_189, %add3A_190 : vector<16xf32>
    %add3A_193 = arith.addf %add3A_191, %add3A_192 : vector<16xf32>
    %add3A_194 = arith.addf %get3A_112, %add3A_193 : vector<16xf32>
    %neg3A = arith.constant 0.000000e+00 : f32
    %neg3A_195 = vector.broadcast %neg3A : f32 to vector<16xf32>
    %neg3A_196 = arith.subf %neg3A_195, %add3A_194 : vector<16xf32>
    %exp3A = math.exp %neg3A_196 : vector<16xf32>
    %add3A_197 = arith.constant 1.000000e+00 : f32
    %add3A_198 = vector.broadcast %add3A_197 : f32 to vector<16xf32>
    %add3A_199 = arith.addf %add3A_198, %exp3A : vector<16xf32>
    %div3A = arith.constant 1.000000e+00 : f32
    %div3A_200 = vector.broadcast %div3A : f32 to vector<16xf32>
    %div3A_201 = arith.divf %div3A_200, %add3A_199 : vector<16xf32>
    %swap3A = arith.constant 0 : index
    %swap3A_202 = tpu.vector_load %arg24[%swap3A] {strides = array<i32>} : memref<80xf32, #tpu.memory_space<vmem>>, vector<16xf32>,
    tpu.vector_store %arg24[%swap3A], %div3A_201 {strides = array<i32>} : memref<80xf32, #tpu.memory_space<vmem>>, vector<16xf32>,
    %add3A_203 = arith.constant 256 : i32
    %add3A_204 = vector.broadcast %add3A_203 : i32 to vector<16xi32>
    %add3A_205 = arith.addi %mul3A_115, %add3A_204 : vector<16xi32>
    %gather3A_206 = tpu.vector_load_idx %arg23[%add3A_205] : memref<1280xf32, #tpu.memory_space<vmem>>[vector<16xi32>], vector<16xf32>,
    %add3A_207 = arith.constant 257 : i32
    %add3A_208 = vector.broadcast %add3A_207 : i32 to vector<16xi32>
    %add3A_209 = arith.addi %mul3A_115, %add3A_208 : vector<16xi32>
    %gather3A_210 = tpu.vector_load_idx %arg23[%add3A_209] : memref<1280xf32, #tpu.memory_space<vmem>>[vector<16xi32>], vector<16xf32>,
    %add3A_211 = arith.constant 258 : i32
    %add3A_212 = vector.broadcast %add3A_211 : i32 to vector<16xi32>
    %add3A_213 = arith.addi %mul3A_115, %add3A_212 : vector<16xi32>
    %gather3A_214 = tpu.vector_load_idx %arg23[%add3A_213] : memref<1280xf32, #tpu.memory_space<vmem>>[vector<16xi32>], vector<16xf32>,
    %add3A_215 = arith.constant 259 : i32
    %add3A_216 = vector.broadcast %add3A_215 : i32 to vector<16xi32>
    %add3A_217 = arith.addi %mul3A_115, %add3A_216 : vector<16xi32>
    %gather3A_218 = tpu.vector_load_idx %arg23[%add3A_217] : memref<1280xf32, #tpu.memory_space<vmem>>[vector<16xi32>], vector<16xf32>,
    %add3A_219 = arith.constant 260 : i32
    %add3A_220 = vector.broadcast %add3A_219 : i32 to vector<16xi32>
    %add3A_221 = arith.addi %mul3A_115, %add3A_220 : vector<16xi32>
    %gather3A_222 = tpu.vector_load_idx %arg23[%add3A_221] : memref<1280xf32, #tpu.memory_space<vmem>>[vector<16xi32>], vector<16xf32>,
    %add3A_223 = arith.constant 261 : i32
    %add3A_224 = vector.broadcast %add3A_223 : i32 to vector<16xi32>
    %add3A_225 = arith.addi %mul3A_115, %add3A_224 : vector<16xi32>
    %gather3A_226 = tpu.vector_load_idx %arg23[%add3A_225] : memref<1280xf32, #tpu.memory_space<vmem>>[vector<16xi32>], vector<16xf32>,
    %add3A_227 = arith.constant 262 : i32
    %add3A_228 = vector.broadcast %add3A_227 : i32 to vector<16xi32>
    %add3A_229 = arith.addi %mul3A_115, %add3A_228 : vector<16xi32>
    %gather3A_230 = tpu.vector_load_idx %arg23[%add3A_229] : memref<1280xf32, #tpu.memory_space<vmem>>[vector<16xi32>], vector<16xf32>,
    %add3A_231 = arith.constant 263 : i32
    %add3A_232 = vector.broadcast %add3A_231 : i32 to vector<16xi32>
    %add3A_233 = arith.addi %mul3A_115, %add3A_232 : vector<16xi32>
    %gather3A_234 = tpu.vector_load_idx %arg23[%add3A_233] : memref<1280xf32, #tpu.memory_space<vmem>>[vector<16xi32>], vector<16xf32>,
    %add3A_235 = arith.constant 264 : i32
    %add3A_236 = vector.broadcast %add3A_235 : i32 to vector<16xi32>
    %add3A_237 = arith.addi %mul3A_115, %add3A_236 : vector<16xi32>
    %gather3A_238 = tpu.vector_load_idx %arg23[%add3A_237] : memref<1280xf32, #tpu.memory_space<vmem>>[vector<16xi32>], vector<16xf32>,
    %add3A_239 = arith.constant 265 : i32
    %add3A_240 = vector.broadcast %add3A_239 : i32 to vector<16xi32>
    %add3A_241 = arith.addi %mul3A_115, %add3A_240 : vector<16xi32>
    %gather3A_242 = tpu.vector_load_idx %arg23[%add3A_241] : memref<1280xf32, #tpu.memory_space<vmem>>[vector<16xi32>], vector<16xf32>,
    %add3A_243 = arith.constant 266 : i32
    %add3A_244 = vector.broadcast %add3A_243 : i32 to vector<16xi32>
    %add3A_245 = arith.addi %mul3A_115, %add3A_244 : vector<16xi32>
    %gather3A_246 = tpu.vector_load_idx %arg23[%add3A_245] : memref<1280xf32, #tpu.memory_space<vmem>>[vector<16xi32>], vector<16xf32>,
    %add3A_247 = arith.constant 267 : i32
    %add3A_248 = vector.broadcast %add3A_247 : i32 to vector<16xi32>
    %add3A_249 = arith.addi %mul3A_115, %add3A_248 : vector<16xi32>
    %gather3A_250 = tpu.vector_load_idx %arg23[%add3A_249] : memref<1280xf32, #tpu.memory_space<vmem>>[vector<16xi32>], vector<16xf32>,
    %add3A_251 = arith.constant 268 : i32
    %add3A_252 = vector.broadcast %add3A_251 : i32 to vector<16xi32>
    %add3A_253 = arith.addi %mul3A_115, %add3A_252 : vector<16xi32>
    %gather3A_254 = tpu.vector_load_idx %arg23[%add3A_253] : memref<1280xf32, #tpu.memory_space<vmem>>[vector<16xi32>], vector<16xf32>,
    %add3A_255 = arith.constant 269 : i32
    %add3A_256 = vector.broadcast %add3A_255 : i32 to vector<16xi32>
    %add3A_257 = arith.addi %mul3A_115, %add3A_256 : vector<16xi32>
    %gather3A_258 = tpu.vector_load_idx %arg23[%add3A_257] : memref<1280xf32, #tpu.memory_space<vmem>>[vector<16xi32>], vector<16xf32>,
    %add3A_259 = arith.constant 270 : i32
    %add3A_260 = vector.broadcast %add3A_259 : i32 to vector<16xi32>
    %add3A_261 = arith.addi %mul3A_115, %add3A_260 : vector<16xi32>
    %gather3A_262 = tpu.vector_load_idx %arg23[%add3A_261] : memref<1280xf32, #tpu.memory_space<vmem>>[vector<16xi32>], vector<16xf32>,
    %add3A_263 = arith.constant 271 : i32
    %add3A_264 = vector.broadcast %add3A_263 : i32 to vector<16xi32>
    %add3A_265 = arith.addi %mul3A_115, %add3A_264 : vector<16xi32>
    %gather3A_266 = tpu.vector_load_idx %arg23[%add3A_265] : memref<1280xf32, #tpu.memory_space<vmem>>[vector<16xi32>], vector<16xf32>,
    %add3A_267 = arith.addf %gather3A_206, %gather3A_210 : vector<16xf32>
    %add3A_268 = arith.addf %gather3A_214, %gather3A_218 : vector<16xf32>
    %add3A_269 = arith.addf %gather3A_222, %gather3A_226 : vector<16xf32>
    %add3A_270 = arith.addf %gather3A_230, %gather3A_234 : vector<16xf32>
    %add3A_271 = arith.addf %gather3A_238, %gather3A_242 : vector<16xf32>
    %add3A_272 = arith.addf %gather3A_246, %gather3A_250 : vector<16xf32>
    %add3A_273 = arith.addf %gather3A_254, %gather3A_258 : vector<16xf32>
    %add3A_274 = arith.addf %gather3A_262, %gather3A_266 : vector<16xf32>
    %add3A_275 = arith.addf %add3A_267, %add3A_268 : vector<16xf32>
    %add3A_276 = arith.addf %add3A_269, %add3A_270 : vector<16xf32>
    %add3A_277 = arith.addf %add3A_271, %add3A_272 : vector<16xf32>
    %add3A_278 = arith.addf %add3A_273, %add3A_274 : vector<16xf32>
    %add3A_279 = arith.addf %add3A_275, %add3A_276 : vector<16xf32>
    %add3A_280 = arith.addf %add3A_277, %add3A_278 : vector<16xf32>
    %add3A_281 = arith.addf %add3A_279, %add3A_280 : vector<16xf32>
    %add3A_282 = arith.addf %get3A_112, %add3A_281 : vector<16xf32>
    %neg3A_283 = arith.constant 0.000000e+00 : f32
    %neg3A_284 = vector.broadcast %neg3A_283 : f32 to vector<16xf32>
    %neg3A_285 = arith.subf %neg3A_284, %add3A_282 : vector<16xf32>
    %exp3A_286 = math.exp %neg3A_285 : vector<16xf32>
    %add3A_287 = arith.constant 1.000000e+00 : f32
    %add3A_288 = vector.broadcast %add3A_287 : f32 to vector<16xf32>
    %add3A_289 = arith.addf %add3A_288, %exp3A_286 : vector<16xf32>
    %div3A_290 = arith.constant 1.000000e+00 : f32
    %div3A_291 = vector.broadcast %div3A_290 : f32 to vector<16xf32>
    %div3A_292 = arith.divf %div3A_291, %add3A_289 : vector<16xf32>
    %swap3A_293 = arith.constant 16 : index
    %swap3A_294 = tpu.vector_load %arg24[%swap3A_293] {strides = array<i32>} : memref<80xf32, #tpu.memory_space<vmem>>, vector<16xf32>,
    tpu.vector_store %arg24[%swap3A_293], %div3A_292 {strides = array<i32>} : memref<80xf32, #tpu.memory_space<vmem>>, vector<16xf32>,
    %add3A_295 = arith.constant 512 : i32
    %add3A_296 = vector.broadcast %add3A_295 : i32 to vector<16xi32>
    %add3A_297 = arith.addi %mul3A_115, %add3A_296 : vector<16xi32>
    %gather3A_298 = tpu.vector_load_idx %arg23[%add3A_297] : memref<1280xf32, #tpu.memory_space<vmem>>[vector<16xi32>], vector<16xf32>,
    %add3A_299 = arith.constant 513 : i32
    %add3A_300 = vector.broadcast %add3A_299 : i32 to vector<16xi32>
    %add3A_301 = arith.addi %mul3A_115, %add3A_300 : vector<16xi32>
    %gather3A_302 = tpu.vector_load_idx %arg23[%add3A_301] : memref<1280xf32, #tpu.memory_space<vmem>>[vector<16xi32>], vector<16xf32>,
    %add3A_303 = arith.constant 514 : i32
    %add3A_304 = vector.broadcast %add3A_303 : i32 to vector<16xi32>
    %add3A_305 = arith.addi %mul3A_115, %add3A_304 : vector<16xi32>
    %gather3A_306 = tpu.vector_load_idx %arg23[%add3A_305] : memref<1280xf32, #tpu.memory_space<vmem>>[vector<16xi32>], vector<16xf32>,
    %add3A_307 = arith.constant 515 : i32
    %add3A_308 = vector.broadcast %add3A_307 : i32 to vector<16xi32>
    %add3A_309 = arith.addi %mul3A_115, %add3A_308 : vector<16xi32>
    %gather3A_310 = tpu.vector_load_idx %arg23[%add3A_309] : memref<1280xf32, #tpu.memory_space<vmem>>[vector<16xi32>], vector<16xf32>,
    %add3A_311 = arith.constant 516 : i32
    %add3A_312 = vector.broadcast %add3A_311 : i32 to vector<16xi32>
    %add3A_313 = arith.addi %mul3A_115, %add3A_312 : vector<16xi32>
    %gather3A_314 = tpu.vector_load_idx %arg23[%add3A_313] : memref<1280xf32, #tpu.memory_space<vmem>>[vector<16xi32>], vector<16xf32>,
    %add3A_315 = arith.constant 517 : i32
    %add3A_316 = vector.broadcast %add3A_315 : i32 to vector<16xi32>
    %add3A_317 = arith.addi %mul3A_115, %add3A_316 : vector<16xi32>
    %gather3A_318 = tpu.vector_load_idx %arg23[%add3A_317] : memref<1280xf32, #tpu.memory_space<vmem>>[vector<16xi32>], vector<16xf32>,
    %add3A_319 = arith.constant 518 : i32
    %add3A_320 = vector.broadcast %add3A_319 : i32 to vector<16xi32>
    %add3A_321 = arith.addi %mul3A_115, %add3A_320 : vector<16xi32>
    %gather3A_322 = tpu.vector_load_idx %arg23[%add3A_321] : memref<1280xf32, #tpu.memory_space<vmem>>[vector<16xi32>], vector<16xf32>,
    %add3A_323 = arith.constant 519 : i32
    %add3A_324 = vector.broadcast %add3A_323 : i32 to vector<16xi32>
    %add3A_325 = arith.addi %mul3A_115, %add3A_324 : vector<16xi32>
    %gather3A_326 = tpu.vector_load_idx %arg23[%add3A_325] : memref<1280xf32, #tpu.memory_space<vmem>>[vector<16xi32>], vector<16xf32>,
    %add3A_327 = arith.constant 520 : i32
    %add3A_328 = vector.broadcast %add3A_327 : i32 to vector<16xi32>
    %add3A_329 = arith.addi %mul3A_115, %add3A_328 : vector<16xi32>
    %gather3A_330 = tpu.vector_load_idx %arg23[%add3A_329] : memref<1280xf32, #tpu.memory_space<vmem>>[vector<16xi32>], vector<16xf32>,
    %add3A_331 = arith.constant 521 : i32
    %add3A_332 = vector.broadcast %add3A_331 : i32 to vector<16xi32>
    %add3A_333 = arith.addi %mul3A_115, %add3A_332 : vector<16xi32>
    %gather3A_334 = tpu.vector_load_idx %arg23[%add3A_333] : memref<1280xf32, #tpu.memory_space<vmem>>[vector<16xi32>], vector<16xf32>,
    %add3A_335 = arith.constant 522 : i32
    %add3A_336 = vector.broadcast %add3A_335 : i32 to vector<16xi32>
    %add3A_337 = arith.addi %mul3A_115, %add3A_336 : vector<16xi32>
    %gather3A_338 = tpu.vector_load_idx %arg23[%add3A_337] : memref<1280xf32, #tpu.memory_space<vmem>>[vector<16xi32>], vector<16xf32>,
    %add3A_339 = arith.constant 523 : i32
    %add3A_340 = vector.broadcast %add3A_339 : i32 to vector<16xi32>
    %add3A_341 = arith.addi %mul3A_115, %add3A_340 : vector<16xi32>
    %gather3A_342 = tpu.vector_load_idx %arg23[%add3A_341] : memref<1280xf32, #tpu.memory_space<vmem>>[vector<16xi32>], vector<16xf32>,
    %add3A_343 = arith.constant 524 : i32
    %add3A_344 = vector.broadcast %add3A_343 : i32 to vector<16xi32>
    %add3A_345 = arith.addi %mul3A_115, %add3A_344 : vector<16xi32>
    %gather3A_346 = tpu.vector_load_idx %arg23[%add3A_345] : memref<1280xf32, #tpu.memory_space<vmem>>[vector<16xi32>], vector<16xf32>,
    %add3A_347 = arith.constant 525 : i32
    %add3A_348 = vector.broadcast %add3A_347 : i32 to vector<16xi32>
    %add3A_349 = arith.addi %mul3A_115, %add3A_348 : vector<16xi32>
    %gather3A_350 = tpu.vector_load_idx %arg23[%add3A_349] : memref<1280xf32, #tpu.memory_space<vmem>>[vector<16xi32>], vector<16xf32>,
    %add3A_351 = arith.constant 526 : i32
    %add3A_352 = vector.broadcast %add3A_351 : i32 to vector<16xi32>
    %add3A_353 = arith.addi %mul3A_115, %add3A_352 : vector<16xi32>
    %gather3A_354 = tpu.vector_load_idx %arg23[%add3A_353] : memref<1280xf32, #tpu.memory_space<vmem>>[vector<16xi32>], vector<16xf32>,
    %add3A_355 = arith.constant 527 : i32
    %add3A_356 = vector.broadcast %add3A_355 : i32 to vector<16xi32>
    %add3A_357 = arith.addi %mul3A_115, %add3A_356 : vector<16xi32>
    %gather3A_358 = tpu.vector_load_idx %arg23[%add3A_357] : memref<1280xf32, #tpu.memory_space<vmem>>[vector<16xi32>], vector<16xf32>,
    %add3A_359 = arith.addf %gather3A_298, %gather3A_302 : vector<16xf32>
    %add3A_360 = arith.addf %gather3A_306, %gather3A_310 : vector<16xf32>
    %add3A_361 = arith.addf %gather3A_314, %gather3A_318 : vector<16xf32>
    %add3A_362 = arith.addf %gather3A_322, %gather3A_326 : vector<16xf32>
    %add3A_363 = arith.addf %gather3A_330, %gather3A_334 : vector<16xf32>
    %add3A_364 = arith.addf %gather3A_338, %gather3A_342 : vector<16xf32>
    %add3A_365 = arith.addf %gather3A_346, %gather3A_350 : vector<16xf32>
    %add3A_366 = arith.addf %gather3A_354, %gather3A_358 : vector<16xf32>
    %add3A_367 = arith.addf %add3A_359, %add3A_360 : vector<16xf32>
    %add3A_368 = arith.addf %add3A_361, %add3A_362 : vector<16xf32>
    %add3A_369 = arith.addf %add3A_363, %add3A_364 : vector<16xf32>
    %add3A_370 = arith.addf %add3A_365, %add3A_366 : vector<16xf32>
    %add3A_371 = arith.addf %add3A_367, %add3A_368 : vector<16xf32>
    %add3A_372 = arith.addf %add3A_369, %add3A_370 : vector<16xf32>
    %add3A_373 = arith.addf %add3A_371, %add3A_372 : vector<16xf32>
    %add3A_374 = arith.addf %get3A_112, %add3A_373 : vector<16xf32>
    %neg3A_375 = arith.constant 0.000000e+00 : f32
    %neg3A_376 = vector.broadcast %neg3A_375 : f32 to vector<16xf32>
    %neg3A_377 = arith.subf %neg3A_376, %add3A_374 : vector<16xf32>
    %exp3A_378 = math.exp %neg3A_377 : vector<16xf32>
    %add3A_379 = arith.constant 1.000000e+00 : f32
    %add3A_380 = vector.broadcast %add3A_379 : f32 to vector<16xf32>
    %add3A_381 = arith.addf %add3A_380, %exp3A_378 : vector<16xf32>
    %div3A_382 = arith.constant 1.000000e+00 : f32
    %div3A_383 = vector.broadcast %div3A_382 : f32 to vector<16xf32>
    %div3A_384 = arith.divf %div3A_383, %add3A_381 : vector<16xf32>
    %swap3A_385 = arith.constant 32 : index
    %swap3A_386 = tpu.vector_load %arg24[%swap3A_385] {strides = array<i32>} : memref<80xf32, #tpu.memory_space<vmem>>, vector<16xf32>,
    tpu.vector_store %arg24[%swap3A_385], %div3A_384 {strides = array<i32>} : memref<80xf32, #tpu.memory_space<vmem>>, vector<16xf32>,
    %add3A_387 = arith.constant 768 : i32
    %add3A_388 = vector.broadcast %add3A_387 : i32 to vector<16xi32>
    %add3A_389 = arith.addi %mul3A_115, %add3A_388 : vector<16xi32>
    %gather3A_390 = tpu.vector_load_idx %arg23[%add3A_389] : memref<1280xf32, #tpu.memory_space<vmem>>[vector<16xi32>], vector<16xf32>,
    %add3A_391 = arith.constant 769 : i32
    %add3A_392 = vector.broadcast %add3A_391 : i32 to vector<16xi32>
    %add3A_393 = arith.addi %mul3A_115, %add3A_392 : vector<16xi32>
    %gather3A_394 = tpu.vector_load_idx %arg23[%add3A_393] : memref<1280xf32, #tpu.memory_space<vmem>>[vector<16xi32>], vector<16xf32>,
    %add3A_395 = arith.constant 770 : i32
    %add3A_396 = vector.broadcast %add3A_395 : i32 to vector<16xi32>
    %add3A_397 = arith.addi %mul3A_115, %add3A_396 : vector<16xi32>
    %gather3A_398 = tpu.vector_load_idx %arg23[%add3A_397] : memref<1280xf32, #tpu.memory_space<vmem>>[vector<16xi32>], vector<16xf32>,
    %add3A_399 = arith.constant 771 : i32
    %add3A_400 = vector.broadcast %add3A_399 : i32 to vector<16xi32>
    %add3A_401 = arith.addi %mul3A_115, %add3A_400 : vector<16xi32>
    %gather3A_402 = tpu.vector_load_idx %arg23[%add3A_401] : memref<1280xf32, #tpu.memory_space<vmem>>[vector<16xi32>], vector<16xf32>,
    %add3A_403 = arith.constant 772 : i32
    %add3A_404 = vector.broadcast %add3A_403 : i32 to vector<16xi32>
    %add3A_405 = arith.addi %mul3A_115, %add3A_404 : vector<16xi32>
    %gather3A_406 = tpu.vector_load_idx %arg23[%add3A_405] : memref<1280xf32, #tpu.memory_space<vmem>>[vector<16xi32>], vector<16xf32>,
    %add3A_407 = arith.constant 773 : i32
    %add3A_408 = vector.broadcast %add3A_407 : i32 to vector<16xi32>
    %add3A_409 = arith.addi %mul3A_115, %add3A_408 : vector<16xi32>
    %gather3A_410 = tpu.vector_load_idx %arg23[%add3A_409] : memref<1280xf32, #tpu.memory_space<vmem>>[vector<16xi32>], vector<16xf32>,
    %add3A_411 = arith.constant 774 : i32
    %add3A_412 = vector.broadcast %add3A_411 : i32 to vector<16xi32>
    %add3A_413 = arith.addi %mul3A_115, %add3A_412 : vector<16xi32>
    %gather3A_414 = tpu.vector_load_idx %arg23[%add3A_413] : memref<1280xf32, #tpu.memory_space<vmem>>[vector<16xi32>], vector<16xf32>,
    %add3A_415 = arith.constant 775 : i32
    %add3A_416 = vector.broadcast %add3A_415 : i32 to vector<16xi32>
    %add3A_417 = arith.addi %mul3A_115, %add3A_416 : vector<16xi32>
    %gather3A_418 = tpu.vector_load_idx %arg23[%add3A_417] : memref<1280xf32, #tpu.memory_space<vmem>>[vector<16xi32>], vector<16xf32>,
    %add3A_419 = arith.constant 776 : i32
    %add3A_420 = vector.broadcast %add3A_419 : i32 to vector<16xi32>
    %add3A_421 = arith.addi %mul3A_115, %add3A_420 : vector<16xi32>
    %gather3A_422 = tpu.vector_load_idx %arg23[%add3A_421] : memref<1280xf32, #tpu.memory_space<vmem>>[vector<16xi32>], vector<16xf32>,
    %add3A_423 = arith.constant 777 : i32
    %add3A_424 = vector.broadcast %add3A_423 : i32 to vector<16xi32>
    %add3A_425 = arith.addi %mul3A_115, %add3A_424 : vector<16xi32>
    %gather3A_426 = tpu.vector_load_idx %arg23[%add3A_425] : memref<1280xf32, #tpu.memory_space<vmem>>[vector<16xi32>], vector<16xf32>,
    %add3A_427 = arith.constant 778 : i32
    %add3A_428 = vector.broadcast %add3A_427 : i32 to vector<16xi32>
    %add3A_429 = arith.addi %mul3A_115, %add3A_428 : vector<16xi32>
    %gather3A_430 = tpu.vector_load_idx %arg23[%add3A_429] : memref<1280xf32, #tpu.memory_space<vmem>>[vector<16xi32>], vector<16xf32>,
    %add3A_431 = arith.constant 779 : i32
    %add3A_432 = vector.broadcast %add3A_431 : i32 to vector<16xi32>
    %add3A_433 = arith.addi %mul3A_115, %add3A_432 : vector<16xi32>
    %gather3A_434 = tpu.vector_load_idx %arg23[%add3A_433] : memref<1280xf32, #tpu.memory_space<vmem>>[vector<16xi32>], vector<16xf32>,
    %add3A_435 = arith.constant 780 : i32
    %add3A_436 = vector.broadcast %add3A_435 : i32 to vector<16xi32>
    %add3A_437 = arith.addi %mul3A_115, %add3A_436 : vector<16xi32>
    %gather3A_438 = tpu.vector_load_idx %arg23[%add3A_437] : memref<1280xf32, #tpu.memory_space<vmem>>[vector<16xi32>], vector<16xf32>,
    %add3A_439 = arith.constant 781 : i32
    %add3A_440 = vector.broadcast %add3A_439 : i32 to vector<16xi32>
    %add3A_441 = arith.addi %mul3A_115, %add3A_440 : vector<16xi32>
    %gather3A_442 = tpu.vector_load_idx %arg23[%add3A_441] : memref<1280xf32, #tpu.memory_space<vmem>>[vector<16xi32>], vector<16xf32>,
    %add3A_443 = arith.constant 782 : i32
    %add3A_444 = vector.broadcast %add3A_443 : i32 to vector<16xi32>
    %add3A_445 = arith.addi %mul3A_115, %add3A_444 : vector<16xi32>
    %gather3A_446 = tpu.vector_load_idx %arg23[%add3A_445] : memref<1280xf32, #tpu.memory_space<vmem>>[vector<16xi32>], vector<16xf32>,
    %add3A_447 = arith.constant 783 : i32
    %add3A_448 = vector.broadcast %add3A_447 : i32 to vector<16xi32>
    %add3A_449 = arith.addi %mul3A_115, %add3A_448 : vector<16xi32>
    %gather3A_450 = tpu.vector_load_idx %arg23[%add3A_449] : memref<1280xf32, #tpu.memory_space<vmem>>[vector<16xi32>], vector<16xf32>,
    %add3A_451 = arith.addf %gather3A_390, %gather3A_394 : vector<16xf32>
    %add3A_452 = arith.addf %gather3A_398, %gather3A_402 : vector<16xf32>
    %add3A_453 = arith.addf %gather3A_406, %gather3A_410 : vector<16xf32>
    %add3A_454 = arith.addf %gather3A_414, %gather3A_418 : vector<16xf32>
    %add3A_455 = arith.addf %gather3A_422, %gather3A_426 : vector<16xf32>
    %add3A_456 = arith.addf %gather3A_430, %gather3A_434 : vector<16xf32>
    %add3A_457 = arith.addf %gather3A_438, %gather3A_442 : vector<16xf32>
    %add3A_458 = arith.addf %gather3A_446, %gather3A_450 : vector<16xf32>
    %add3A_459 = arith.addf %add3A_451, %add3A_452 : vector<16xf32>
    %add3A_460 = arith.addf %add3A_453, %add3A_454 : vector<16xf32>
    %add3A_461 = arith.addf %add3A_455, %add3A_456 : vector<16xf32>
    %add3A_462 = arith.addf %add3A_457, %add3A_458 : vector<16xf32>
    %add3A_463 = arith.addf %add3A_459, %add3A_460 : vector<16xf32>
    %add3A_464 = arith.addf %add3A_461, %add3A_462 : vector<16xf32>
    %add3A_465 = arith.addf %add3A_463, %add3A_464 : vector<16xf32>
    %add3A_466 = arith.addf %get3A_112, %add3A_465 : vector<16xf32>
    %neg3A_467 = arith.constant 0.000000e+00 : f32
    %neg3A_468 = vector.broadcast %neg3A_467 : f32 to vector<16xf32>
    %neg3A_469 = arith.subf %neg3A_468, %add3A_466 : vector<16xf32>
    %exp3A_470 = math.exp %neg3A_469 : vector<16xf32>
    %add3A_471 = arith.constant 1.000000e+00 : f32
    %add3A_472 = vector.broadcast %add3A_471 : f32 to vector<16xf32>
    %add3A_473 = arith.addf %add3A_472, %exp3A_470 : vector<16xf32>
    %div3A_474 = arith.constant 1.000000e+00 : f32
    %div3A_475 = vector.broadcast %div3A_474 : f32 to vector<16xf32>
    %div3A_476 = arith.divf %div3A_475, %add3A_473 : vector<16xf32>
    %swap3A_477 = arith.constant 48 : index
    %swap3A_478 = tpu.vector_load %arg24[%swap3A_477] {strides = array<i32>} : memref<80xf32, #tpu.memory_space<vmem>>, vector<16xf32>,
    tpu.vector_store %arg24[%swap3A_477], %div3A_476 {strides = array<i32>} : memref<80xf32, #tpu.memory_space<vmem>>, vector<16xf32>,
    %add3A_479 = arith.constant 1024 : i32
    %add3A_480 = vector.broadcast %add3A_479 : i32 to vector<16xi32>
    %add3A_481 = arith.addi %mul3A_115, %add3A_480 : vector<16xi32>
    %gather3A_482 = tpu.vector_load_idx %arg23[%add3A_481] : memref<1280xf32, #tpu.memory_space<vmem>>[vector<16xi32>], vector<16xf32>,
    %add3A_483 = arith.constant 1025 : i32
    %add3A_484 = vector.broadcast %add3A_483 : i32 to vector<16xi32>
    %add3A_485 = arith.addi %mul3A_115, %add3A_484 : vector<16xi32>
    %gather3A_486 = tpu.vector_load_idx %arg23[%add3A_485] : memref<1280xf32, #tpu.memory_space<vmem>>[vector<16xi32>], vector<16xf32>,
    %add3A_487 = arith.constant 1026 : i32
    %add3A_488 = vector.broadcast %add3A_487 : i32 to vector<16xi32>
    %add3A_489 = arith.addi %mul3A_115, %add3A_488 : vector<16xi32>
    %gather3A_490 = tpu.vector_load_idx %arg23[%add3A_489] : memref<1280xf32, #tpu.memory_space<vmem>>[vector<16xi32>], vector<16xf32>,
    %add3A_491 = arith.constant 1027 : i32
    %add3A_492 = vector.broadcast %add3A_491 : i32 to vector<16xi32>
    %add3A_493 = arith.addi %mul3A_115, %add3A_492 : vector<16xi32>
    %gather3A_494 = tpu.vector_load_idx %arg23[%add3A_493] : memref<1280xf32, #tpu.memory_space<vmem>>[vector<16xi32>], vector<16xf32>,
    %add3A_495 = arith.constant 1028 : i32
    %add3A_496 = vector.broadcast %add3A_495 : i32 to vector<16xi32>
    %add3A_497 = arith.addi %mul3A_115, %add3A_496 : vector<16xi32>
    %gather3A_498 = tpu.vector_load_idx %arg23[%add3A_497] : memref<1280xf32, #tpu.memory_space<vmem>>[vector<16xi32>], vector<16xf32>,
    %add3A_499 = arith.constant 1029 : i32
    %add3A_500 = vector.broadcast %add3A_499 : i32 to vector<16xi32>
    %add3A_501 = arith.addi %mul3A_115, %add3A_500 : vector<16xi32>
    %gather3A_502 = tpu.vector_load_idx %arg23[%add3A_501] : memref<1280xf32, #tpu.memory_space<vmem>>[vector<16xi32>], vector<16xf32>,
    %add3A_503 = arith.constant 1030 : i32
    %add3A_504 = vector.broadcast %add3A_503 : i32 to vector<16xi32>
    %add3A_505 = arith.addi %mul3A_115, %add3A_504 : vector<16xi32>
    %gather3A_506 = tpu.vector_load_idx %arg23[%add3A_505] : memref<1280xf32, #tpu.memory_space<vmem>>[vector<16xi32>], vector<16xf32>,
    %add3A_507 = arith.constant 1031 : i32
    %add3A_508 = vector.broadcast %add3A_507 : i32 to vector<16xi32>
    %add3A_509 = arith.addi %mul3A_115, %add3A_508 : vector<16xi32>
    %gather3A_510 = tpu.vector_load_idx %arg23[%add3A_509] : memref<1280xf32, #tpu.memory_space<vmem>>[vector<16xi32>], vector<16xf32>,
    %add3A_511 = arith.constant 1032 : i32
    %add3A_512 = vector.broadcast %add3A_511 : i32 to vector<16xi32>
    %add3A_513 = arith.addi %mul3A_115, %add3A_512 : vector<16xi32>
    %gather3A_514 = tpu.vector_load_idx %arg23[%add3A_513] : memref<1280xf32, #tpu.memory_space<vmem>>[vector<16xi32>], vector<16xf32>,
    %add3A_515 = arith.constant 1033 : i32
    %add3A_516 = vector.broadcast %add3A_515 : i32 to vector<16xi32>
    %add3A_517 = arith.addi %mul3A_115, %add3A_516 : vector<16xi32>
    %gather3A_518 = tpu.vector_load_idx %arg23[%add3A_517] : memref<1280xf32, #tpu.memory_space<vmem>>[vector<16xi32>], vector<16xf32>,
    %add3A_519 = arith.constant 1034 : i32
    %add3A_520 = vector.broadcast %add3A_519 : i32 to vector<16xi32>
    %add3A_521 = arith.addi %mul3A_115, %add3A_520 : vector<16xi32>
    %gather3A_522 = tpu.vector_load_idx %arg23[%add3A_521] : memref<1280xf32, #tpu.memory_space<vmem>>[vector<16xi32>], vector<16xf32>,
    %add3A_523 = arith.constant 1035 : i32
    %add3A_524 = vector.broadcast %add3A_523 : i32 to vector<16xi32>
    %add3A_525 = arith.addi %mul3A_115, %add3A_524 : vector<16xi32>
    %gather3A_526 = tpu.vector_load_idx %arg23[%add3A_525] : memref<1280xf32, #tpu.memory_space<vmem>>[vector<16xi32>], vector<16xf32>,
    %add3A_527 = arith.constant 1036 : i32
    %add3A_528 = vector.broadcast %add3A_527 : i32 to vector<16xi32>
    %add3A_529 = arith.addi %mul3A_115, %add3A_528 : vector<16xi32>
    %gather3A_530 = tpu.vector_load_idx %arg23[%add3A_529] : memref<1280xf32, #tpu.memory_space<vmem>>[vector<16xi32>], vector<16xf32>,
    %add3A_531 = arith.constant 1037 : i32
    %add3A_532 = vector.broadcast %add3A_531 : i32 to vector<16xi32>
    %add3A_533 = arith.addi %mul3A_115, %add3A_532 : vector<16xi32>
    %gather3A_534 = tpu.vector_load_idx %arg23[%add3A_533] : memref<1280xf32, #tpu.memory_space<vmem>>[vector<16xi32>], vector<16xf32>,
    %add3A_535 = arith.constant 1038 : i32
    %add3A_536 = vector.broadcast %add3A_535 : i32 to vector<16xi32>
    %add3A_537 = arith.addi %mul3A_115, %add3A_536 : vector<16xi32>
    %gather3A_538 = tpu.vector_load_idx %arg23[%add3A_537] : memref<1280xf32, #tpu.memory_space<vmem>>[vector<16xi32>], vector<16xf32>,
    %add3A_539 = arith.constant 1039 : i32
    %add3A_540 = vector.broadcast %add3A_539 : i32 to vector<16xi32>
    %add3A_541 = arith.addi %mul3A_115, %add3A_540 : vector<16xi32>
    %gather3A_542 = tpu.vector_load_idx %arg23[%add3A_541] : memref<1280xf32, #tpu.memory_space<vmem>>[vector<16xi32>], vector<16xf32>,
    %add3A_543 = arith.addf %gather3A_482, %gather3A_486 : vector<16xf32>
    %add3A_544 = arith.addf %gather3A_490, %gather3A_494 : vector<16xf32>
    %add3A_545 = arith.addf %gather3A_498, %gather3A_502 : vector<16xf32>
    %add3A_546 = arith.addf %gather3A_506, %gather3A_510 : vector<16xf32>
    %add3A_547 = arith.addf %gather3A_514, %gather3A_518 : vector<16xf32>
    %add3A_548 = arith.addf %gather3A_522, %gather3A_526 : vector<16xf32>
    %add3A_549 = arith.addf %gather3A_530, %gather3A_534 : vector<16xf32>
    %add3A_550 = arith.addf %gather3A_538, %gather3A_542 : vector<16xf32>
    %add3A_551 = arith.addf %add3A_543, %add3A_544 : vector<16xf32>
    %add3A_552 = arith.addf %add3A_545, %add3A_546 : vector<16xf32>
    %add3A_553 = arith.addf %add3A_547, %add3A_548 : vector<16xf32>
    %add3A_554 = arith.addf %add3A_549, %add3A_550 : vector<16xf32>
    %add3A_555 = arith.addf %add3A_551, %add3A_552 : vector<16xf32>
    %add3A_556 = arith.addf %add3A_553, %add3A_554 : vector<16xf32>
    %add3A_557 = arith.addf %add3A_555, %add3A_556 : vector<16xf32>
    %add3A_558 = arith.addf %get3A_112, %add3A_557 : vector<16xf32>
    %neg3A_559 = arith.constant 0.000000e+00 : f32
    %neg3A_560 = vector.broadcast %neg3A_559 : f32 to vector<16xf32>
    %neg3A_561 = arith.subf %neg3A_560, %add3A_558 : vector<16xf32>
    %exp3A_562 = math.exp %neg3A_561 : vector<16xf32>
    %add3A_563 = arith.constant 1.000000e+00 : f32
    %add3A_564 = vector.broadcast %add3A_563 : f32 to vector<16xf32>
    %add3A_565 = arith.addf %add3A_564, %exp3A_562 : vector<16xf32>
    %div3A_566 = arith.constant 1.000000e+00 : f32
    %div3A_567 = vector.broadcast %div3A_566 : f32 to vector<16xf32>
    %div3A_568 = arith.divf %div3A_567, %add3A_565 : vector<16xf32>
    %swap3A_569 = arith.constant 64 : index
    %swap3A_570 = tpu.vector_load %arg24[%swap3A_569] {strides = array<i32>} : memref<80xf32, #tpu.memory_space<vmem>>, vector<16xf32>,
    tpu.vector_store %arg24[%swap3A_569], %div3A_568 {strides = array<i32>} : memref<80xf32, #tpu.memory_space<vmem>>, vector<16xf32>,
    %parallel_loop3A_571 = arith.constant 0 : i32
    %parallel_loop3A_572 = arith.constant 80 : i32
    %parallel_loop3A_573 = arith.constant 1 : i32
    scf.for %parallel_loop3A_632 = %parallel_loop3A_571 to %parallel_loop3A_572 step %parallel_loop3A_573  : i32 {
      %parallel_loop3A_633 = vector.broadcast %parallel_loop3A_632 : i32 to vector<16xi32>
      %parallel_loop3A_634 = tpu.vector_load_idx %arg24[%parallel_loop3A_633] : memref<80xf32, #tpu.memory_space<vmem>>[vector<16xi32>], vector<16xf32>,
      %parallel_loop3A_635 = arith.index_cast %parallel_loop3A_632 : i32 to index
      %parallel_loop3A_636 = arith.constant 0 : index
      %parallel_loop3A_637 = tpu.vector_load %arg19[%parallel_loop3A_635, %parallel_loop3A_636] {strides = array<i32>} : memref<80x128xf32, #tpu.memory_space<vmem>>, vector<16xf32>,
      %parallel_loop3A_638 = arith.mulf %parallel_loop3A_634, %parallel_loop3A_637 : vector<16xf32>
      %parallel_loop3A_639 = arith.index_cast %parallel_loop3A_632 : i32 to index
      %parallel_loop3A_640 = arith.constant 0 : index
      %parallel_loop3A_641 = tpu.vector_load %arg19[%parallel_loop3A_639, %parallel_loop3A_640] {strides = array<i32>} : memref<80x128xf32, #tpu.memory_space<vmem>>, vector<16xf32>,
      tpu.vector_store %arg19[%parallel_loop3A_639, %parallel_loop3A_640], %parallel_loop3A_638 {strides = array<i32>} : memref<80x128xf32, #tpu.memory_space<vmem>>, vector<16xf32>,
      %parallel_loop3A_642 = arith.index_cast %parallel_loop3A_632 : i32 to index
      %parallel_loop3A_643 = arith.constant 16 : index
      %parallel_loop3A_644 = tpu.vector_load %arg19[%parallel_loop3A_642, %parallel_loop3A_643] {strides = array<i32>} : memref<80x128xf32, #tpu.memory_space<vmem>>, vector<16xf32>,
      %parallel_loop3A_645 = arith.mulf %parallel_loop3A_634, %parallel_loop3A_644 : vector<16xf32>
      %parallel_loop3A_646 = arith.index_cast %parallel_loop3A_632 : i32 to index
      %parallel_loop3A_647 = arith.constant 16 : index
      %parallel_loop3A_648 = tpu.vector_load %arg19[%parallel_loop3A_646, %parallel_loop3A_647] {strides = array<i32>} : memref<80x128xf32, #tpu.memory_space<vmem>>, vector<16xf32>,
      tpu.vector_store %arg19[%parallel_loop3A_646, %parallel_loop3A_647], %parallel_loop3A_645 {strides = array<i32>} : memref<80x128xf32, #tpu.memory_space<vmem>>, vector<16xf32>,
      %parallel_loop3A_649 = arith.index_cast %parallel_loop3A_632 : i32 to index
      %parallel_loop3A_650 = arith.constant 32 : index
      %parallel_loop3A_651 = tpu.vector_load %arg19[%parallel_loop3A_649, %parallel_loop3A_650] {strides = array<i32>} : memref<80x128xf32, #tpu.memory_space<vmem>>, vector<16xf32>,
      %parallel_loop3A_652 = arith.mulf %parallel_loop3A_634, %parallel_loop3A_651 : vector<16xf32>
      %parallel_loop3A_653 = arith.index_cast %parallel_loop3A_632 : i32 to index
      %parallel_loop3A_654 = arith.constant 32 : index
      %parallel_loop3A_655 = tpu.vector_load %arg19[%parallel_loop3A_653, %parallel_loop3A_654] {strides = array<i32>} : memref<80x128xf32, #tpu.memory_space<vmem>>, vector<16xf32>,
      tpu.vector_store %arg19[%parallel_loop3A_653, %parallel_loop3A_654], %parallel_loop3A_652 {strides = array<i32>} : memref<80x128xf32, #tpu.memory_space<vmem>>, vector<16xf32>,
      %parallel_loop3A_656 = arith.index_cast %parallel_loop3A_632 : i32 to index
      %parallel_loop3A_657 = arith.constant 48 : index
      %parallel_loop3A_658 = tpu.vector_load %arg19[%parallel_loop3A_656, %parallel_loop3A_657] {strides = array<i32>} : memref<80x128xf32, #tpu.memory_space<vmem>>, vector<16xf32>,
      %parallel_loop3A_659 = arith.mulf %parallel_loop3A_634, %parallel_loop3A_658 : vector<16xf32>
      %parallel_loop3A_660 = arith.index_cast %parallel_loop3A_632 : i32 to index
      %parallel_loop3A_661 = arith.constant 48 : index
      %parallel_loop3A_662 = tpu.vector_load %arg19[%parallel_loop3A_660, %parallel_loop3A_661] {strides = array<i32>} : memref<80x128xf32, #tpu.memory_space<vmem>>, vector<16xf32>,
      tpu.vector_store %arg19[%parallel_loop3A_660, %parallel_loop3A_661], %parallel_loop3A_659 {strides = array<i32>} : memref<80x128xf32, #tpu.memory_space<vmem>>, vector<16xf32>,
      %parallel_loop3A_663 = arith.index_cast %parallel_loop3A_632 : i32 to index
      %parallel_loop3A_664 = arith.constant 64 : index
      %parallel_loop3A_665 = tpu.vector_load %arg19[%parallel_loop3A_663, %parallel_loop3A_664] {strides = array<i32>} : memref<80x128xf32, #tpu.memory_space<vmem>>, vector<16xf32>,
      %parallel_loop3A_666 = arith.mulf %parallel_loop3A_634, %parallel_loop3A_665 : vector<16xf32>
      %parallel_loop3A_667 = arith.index_cast %parallel_loop3A_632 : i32 to index
      %parallel_loop3A_668 = arith.constant 64 : index
      %parallel_loop3A_669 = tpu.vector_load %arg19[%parallel_loop3A_667, %parallel_loop3A_668] {strides = array<i32>} : memref<80x128xf32, #tpu.memory_space<vmem>>, vector<16xf32>,
      tpu.vector_store %arg19[%parallel_loop3A_667, %parallel_loop3A_668], %parallel_loop3A_666 {strides = array<i32>} : memref<80x128xf32, #tpu.memory_space<vmem>>, vector<16xf32>,
      %parallel_loop3A_670 = arith.index_cast %parallel_loop3A_632 : i32 to index
      %parallel_loop3A_671 = arith.constant 80 : index
      %parallel_loop3A_672 = tpu.vector_load %arg19[%parallel_loop3A_670, %parallel_loop3A_671] {strides = array<i32>} : memref<80x128xf32, #tpu.memory_space<vmem>>, vector<16xf32>,
      %parallel_loop3A_673 = arith.mulf %parallel_loop3A_634, %parallel_loop3A_672 : vector<16xf32>
      %parallel_loop3A_674 = arith.index_cast %parallel_loop3A_632 : i32 to index
      %parallel_loop3A_675 = arith.constant 80 : index
      %parallel_loop3A_676 = tpu.vector_load %arg19[%parallel_loop3A_674, %parallel_loop3A_675] {strides = array<i32>} : memref<80x128xf32, #tpu.memory_space<vmem>>, vector<16xf32>,
      tpu.vector_store %arg19[%parallel_loop3A_674, %parallel_loop3A_675], %parallel_loop3A_673 {strides = array<i32>} : memref<80x128xf32, #tpu.memory_space<vmem>>, vector<16xf32>,
      %parallel_loop3A_677 = arith.index_cast %parallel_loop3A_632 : i32 to index
      %parallel_loop3A_678 = arith.constant 96 : index
      %parallel_loop3A_679 = tpu.vector_load %arg19[%parallel_loop3A_677, %parallel_loop3A_678] {strides = array<i32>} : memref<80x128xf32, #tpu.memory_space<vmem>>, vector<16xf32>,
      %parallel_loop3A_680 = arith.mulf %parallel_loop3A_634, %parallel_loop3A_679 : vector<16xf32>
      %parallel_loop3A_681 = arith.index_cast %parallel_loop3A_632 : i32 to index
      %parallel_loop3A_682 = arith.constant 96 : index
      %parallel_loop3A_683 = tpu.vector_load %arg19[%parallel_loop3A_681, %parallel_loop3A_682] {strides = array<i32>} : memref<80x128xf32, #tpu.memory_space<vmem>>, vector<16xf32>,
      tpu.vector_store %arg19[%parallel_loop3A_681, %parallel_loop3A_682], %parallel_loop3A_680 {strides = array<i32>} : memref<80x128xf32, #tpu.memory_space<vmem>>, vector<16xf32>,
      %parallel_loop3A_684 = arith.index_cast %parallel_loop3A_632 : i32 to index
      %parallel_loop3A_685 = arith.constant 112 : index
      %parallel_loop3A_686 = tpu.vector_load %arg19[%parallel_loop3A_684, %parallel_loop3A_685] {strides = array<i32>} : memref<80x128xf32, #tpu.memory_space<vmem>>, vector<16xf32>,
      %parallel_loop3A_687 = arith.mulf %parallel_loop3A_634, %parallel_loop3A_686 : vector<16xf32>
      %parallel_loop3A_688 = arith.index_cast %parallel_loop3A_632 : i32 to index
      %parallel_loop3A_689 = arith.constant 112 : index
      %parallel_loop3A_690 = tpu.vector_load %arg19[%parallel_loop3A_688, %parallel_loop3A_689] {strides = array<i32>} : memref<80x128xf32, #tpu.memory_space<vmem>>, vector<16xf32>,
      tpu.vector_store %arg19[%parallel_loop3A_688, %parallel_loop3A_689], %parallel_loop3A_687 {strides = array<i32>} : memref<80x128xf32, #tpu.memory_space<vmem>>, vector<16xf32>,
    } {sc.loop_unroll_factor = 4 : i64, sc.parallel_access}
    "tpu.region"() ({
      %run_scoped3A = tpu.sem_alloc : memref<!tpu.dma_semaphore, #tpu.memory_space<semaphore_mem>>
      %dma_start3A_632 = arith.constant 0 : i32
      %dma_start3A_633 = arith.constant 0 : i32
      %dma_start3A_634 = tpu.memref_slice %arg10[%dma_start3A_632, %dma_start3A_633] : memref<10240x128xf32, #tpu.memory_space<vmem_shared>> -> memref<10240x128xf32, #tpu.memory_space<vmem_shared>>
      tpu.enqueue_indirect_dma source(%arg19 : memref<80x128xf32, #tpu.memory_space<vmem>>) target(%dma_start3A_634 : memref<10240x128xf32, #tpu.memory_space<vmem_shared>>) offsets(%arg11 : memref<80xi32, #tpu.memory_space<vmem>>) semaphore(%run_scoped3A : memref<!tpu.dma_semaphore, #tpu.memory_space<semaphore_mem>>) {add = true}
      %dma_wait3A_635 = arith.constant 0 : i32
      %dma_wait3A_636 = arith.constant 0 : i32
      %dma_wait3A_637 = tpu.memref_slice %arg10[%dma_wait3A_635, %dma_wait3A_636] : memref<10240x128xf32, #tpu.memory_space<vmem_shared>> -> memref<10240x128xf32, #tpu.memory_space<vmem_shared>>
      tpu.wait_indirect_dma semaphore(%run_scoped3A : memref<!tpu.dma_semaphore, #tpu.memory_space<semaphore_mem>>) src(%arg19 : memref<80x128xf32, #tpu.memory_space<vmem>>) dst(%dma_wait3A_637 : memref<10240x128xf32, #tpu.memory_space<vmem_shared>>)
      tpu.yield
    }) : () -> ()
    %mul3A_574 = arith.constant 10160 : i32
    %mul3A_575 = arith.muli %add3A, %mul3A_574 : i32
    %add3A_576 = arith.constant 10080 : i32
    %add3A_577 = arith.addi %mul3A_575, %add3A_576 : i32
    %dma_start3A_578 = tpu.memref_slice %arg5[%add3A_577] : memref<325120xi32, #tpu.memory_space<hbm>> -> memref<80xi32, #tpu.memory_space<hbm>>
    %dma_start3A_579 = tpu.memref_slice %arg5[%add3A_577] : memref<325120xi32, #tpu.memory_space<hbm>> -> memref<80xi32, #tpu.memory_space<hbm>>
    tpu.enqueue_dma source(%dma_start3A_579 : memref<80xi32, #tpu.memory_space<hbm>>) target(%arg11 : memref<80xi32, #tpu.memory_space<vmem>>) target_semaphore(%arg27 : memref<!tpu.dma_semaphore, #tpu.memory_space<semaphore_mem>>)
    %dma_start3A_580 = tpu.memref_slice %arg6[%add3A_577] : memref<325120xi32, #tpu.memory_space<hbm>> -> memref<80xi32, #tpu.memory_space<hbm>>
    %dma_start3A_581 = tpu.memref_slice %arg6[%add3A_577] : memref<325120xi32, #tpu.memory_space<hbm>> -> memref<80xi32, #tpu.memory_space<hbm>>
    tpu.enqueue_dma source(%dma_start3A_581 : memref<80xi32, #tpu.memory_space<hbm>>) target(%arg13 : memref<80xi32, #tpu.memory_space<vmem>>) target_semaphore(%arg27 : memref<!tpu.dma_semaphore, #tpu.memory_space<semaphore_mem>>)
    %dma_wait3A_582 = arith.constant 0 : i32
    %dma_wait3A_583 = arith.constant 0 : i32
    %dma_wait3A_584 = tpu.memref_slice %arg2[%dma_wait3A_582, %dma_wait3A_583] : memref<10240x64xi32, #tpu.memory_space<hbm>> -> memref<10240x64xi32, #tpu.memory_space<hbm>>
    tpu.wait_indirect_dma semaphore(%arg26 : memref<!tpu.dma_semaphore, #tpu.memory_space<semaphore_mem>>) src(%dma_wait3A_584 : memref<10240x64xi32, #tpu.memory_space<hbm>>) dst(%arg16 : memref<80x64xi32, #tpu.memory_space<vmem>>)
    %dma_wait3A_585 = arith.constant 0 : i32
    %dma_wait3A_586 = arith.constant 0 : i32
    %dma_wait3A_587 = tpu.memref_slice %arg3[%dma_wait3A_585, %dma_wait3A_586] : memref<10240x64xi32, #tpu.memory_space<hbm>> -> memref<10240x64xi32, #tpu.memory_space<hbm>>
    tpu.wait_indirect_dma semaphore(%arg26 : memref<!tpu.dma_semaphore, #tpu.memory_space<semaphore_mem>>) src(%dma_wait3A_587 : memref<10240x64xi32, #tpu.memory_space<hbm>>) dst(%arg18 : memref<80x64xi32, #tpu.memory_space<vmem>>)
    %dma_wait3A_588 = arith.constant 0 : i32
    %dma_wait3A_589 = arith.constant 0 : i32
    %dma_wait3A_590 = tpu.memref_slice %arg4[%dma_wait3A_588, %dma_wait3A_589] : memref<10240x128xf32, #tpu.memory_space<hbm>> -> memref<10240x128xf32, #tpu.memory_space<hbm>>
    tpu.wait_indirect_dma semaphore(%arg26 : memref<!tpu.dma_semaphore, #tpu.memory_space<semaphore_mem>>) src(%dma_wait3A_590 : memref<10240x128xf32, #tpu.memory_space<hbm>>) dst(%arg20 : memref<80x128xf32, #tpu.memory_space<vmem>>)
    %mul3A_591 = arith.constant 10160 : i32
    %mul3A_592 = arith.muli %add3A, %mul3A_591 : i32
    %add3A_593 = arith.constant 10080 : i32
    %add3A_594 = arith.addi %mul3A_592, %add3A_593 : i32
    %dma_wait3A_595 = tpu.memref_slice %arg5[%add3A_594] : memref<325120xi32, #tpu.memory_space<hbm>> -> memref<80xi32, #tpu.memory_space<hbm>>
    %dma_wait3A_596 = tpu.memref_slice %arg5[%add3A_594] : memref<325120xi32, #tpu.memory_space<hbm>> -> memref<80xi32, #tpu.memory_space<hbm>>
    tpu.wait_dma2 semaphore(%arg27 : memref<!tpu.dma_semaphore, #tpu.memory_space<semaphore_mem>>) src(%dma_wait3A_596 : memref<80xi32, #tpu.memory_space<hbm>>) dst(%arg11 : memref<80xi32, #tpu.memory_space<vmem>>)
    %dma_wait3A_597 = tpu.memref_slice %arg6[%add3A_594] : memref<325120xi32, #tpu.memory_space<hbm>> -> memref<80xi32, #tpu.memory_space<hbm>>
    %dma_wait3A_598 = tpu.memref_slice %arg6[%add3A_594] : memref<325120xi32, #tpu.memory_space<hbm>> -> memref<80xi32, #tpu.memory_space<hbm>>
    tpu.wait_dma2 semaphore(%arg27 : memref<!tpu.dma_semaphore, #tpu.memory_space<semaphore_mem>>) src(%dma_wait3A_598 : memref<80xi32, #tpu.memory_space<hbm>>) dst(%arg13 : memref<80xi32, #tpu.memory_space<vmem>>)
    %barrier3A_599 = arith.constant 0 : index
    tpu.barrier barrier_id(%barrier3A_599)
    %mul3A_600 = arith.constant 640 : i32
    %mul3A_601 = arith.muli %arg1, %mul3A_600 : i32
    %add3A_602 = arith.constant 0 : i32
    %add3A_603 = arith.addi %mul3A_601, %add3A_602 : i32
    "tpu.region"() ({
      %run_scoped3A = tpu.sem_alloc : memref<!tpu.dma_semaphore, #tpu.memory_space<semaphore_mem>>
      %dma_start3A_632 = arith.constant 0 : i32
      %dma_start3A_633 = tpu.memref_slice %arg10[%add3A_603, %dma_start3A_632] : memref<10240x128xf32, #tpu.memory_space<vmem_shared>> -> memref<80x128xf32, #tpu.memory_space<vmem_shared>>
      %dma_start3A_634 = arith.constant 0 : i32
      %dma_start3A_635 = tpu.memref_slice %arg10[%add3A_603, %dma_start3A_634] : memref<10240x128xf32, #tpu.memory_space<vmem_shared>> -> memref<80x128xf32, #tpu.memory_space<vmem_shared>>
      tpu.enqueue_dma source(%dma_start3A_635 : memref<80x128xf32, #tpu.memory_space<vmem_shared>>) target(%arg19 : memref<80x128xf32, #tpu.memory_space<vmem>>) target_semaphore(%run_scoped3A : memref<!tpu.dma_semaphore, #tpu.memory_space<semaphore_mem>>)
      %dma_wait3A_636 = arith.constant 0 : i32
      %dma_wait3A_637 = tpu.memref_slice %arg10[%add3A_603, %dma_wait3A_636] : memref<10240x128xf32, #tpu.memory_space<vmem_shared>> -> memref<80x128xf32, #tpu.memory_space<vmem_shared>>
      %dma_wait3A_638 = arith.constant 0 : i32
      %dma_wait3A_639 = tpu.memref_slice %arg10[%add3A_603, %dma_wait3A_638] : memref<10240x128xf32, #tpu.memory_space<vmem_shared>> -> memref<80x128xf32, #tpu.memory_space<vmem_shared>>
      tpu.wait_dma2 semaphore(%run_scoped3A : memref<!tpu.dma_semaphore, #tpu.memory_space<semaphore_mem>>) src(%dma_wait3A_639 : memref<80x128xf32, #tpu.memory_space<vmem_shared>>) dst(%arg19 : memref<80x128xf32, #tpu.memory_space<vmem>>)
      tpu.yield
    }) : () -> ()
    "tpu.region"() ({
      %run_scoped3A = tpu.sem_alloc : memref<!tpu.dma_semaphore, #tpu.memory_space<semaphore_mem>>
      %dma_start3A_632 = arith.constant 0 : i32
      %dma_start3A_633 = tpu.memref_slice %arg9[%arg0, %add3A_603, %dma_start3A_632] : memref<2x10240x128xf32, #tpu.memory_space<hbm>> -> memref<1x80x128xf32, #tpu.memory_space<hbm>>
      %dma_start3A_634 = tpu.memref_squeeze %dma_start3A_633 : memref<1x80x128xf32, #tpu.memory_space<hbm>> -> memref<80x128xf32, #tpu.memory_space<hbm>>
      %dma_start3A_635 = arith.constant 0 : i32
      %dma_start3A_636 = tpu.memref_slice %arg9[%arg0, %add3A_603, %dma_start3A_635] : memref<2x10240x128xf32, #tpu.memory_space<hbm>> -> memref<1x80x128xf32, #tpu.memory_space<hbm>>
      %dma_start3A_637 = tpu.memref_squeeze %dma_start3A_636 : memref<1x80x128xf32, #tpu.memory_space<hbm>> -> memref<80x128xf32, #tpu.memory_space<hbm>>
      tpu.enqueue_dma source(%arg19 : memref<80x128xf32, #tpu.memory_space<vmem>>) target(%dma_start3A_637 : memref<80x128xf32, #tpu.memory_space<hbm>>) target_semaphore(%run_scoped3A : memref<!tpu.dma_semaphore, #tpu.memory_space<semaphore_mem>>)
      %dma_wait3A_638 = arith.constant 0 : i32
      %dma_wait3A_639 = tpu.memref_slice %arg9[%arg0, %add3A_603, %dma_wait3A_638] : memref<2x10240x128xf32, #tpu.memory_space<hbm>> -> memref<1x80x128xf32, #tpu.memory_space<hbm>>
      %dma_wait3A_640 = tpu.memref_squeeze %dma_wait3A_639 : memref<1x80x128xf32, #tpu.memory_space<hbm>> -> memref<80x128xf32, #tpu.memory_space<hbm>>
      %dma_wait3A_641 = arith.constant 0 : i32
      %dma_wait3A_642 = tpu.memref_slice %arg9[%arg0, %add3A_603, %dma_wait3A_641] : memref<2x10240x128xf32, #tpu.memory_space<hbm>> -> memref<1x80x128xf32, #tpu.memory_space<hbm>>
      %dma_wait3A_643 = tpu.memref_squeeze %dma_wait3A_642 : memref<1x80x128xf32, #tpu.memory_space<hbm>> -> memref<80x128xf32, #tpu.memory_space<hbm>>
      tpu.wait_dma2 semaphore(%run_scoped3A : memref<!tpu.dma_semaphore, #tpu.memory_space<semaphore_mem>>) src(%arg19 : memref<80x128xf32, #tpu.memory_space<vmem>>) dst(%dma_wait3A_643 : memref<80x128xf32, #tpu.memory_space<hbm>>)
      tpu.yield
    }) : () -> ()
    %mul3A_604 = arith.constant 640 : i32
    %mul3A_605 = arith.muli %arg1, %mul3A_604 : i32
    %add3A_606 = arith.constant 80 : i32
    %add3A_607 = arith.addi %mul3A_605, %add3A_606 : i32
    "tpu.region"() ({
      %run_scoped3A = tpu.sem_alloc : memref<!tpu.dma_semaphore, #tpu.memory_space<semaphore_mem>>
      %dma_start3A_632 = arith.constant 0 : i32
      %dma_start3A_633 = tpu.memref_slice %arg10[%add3A_607, %dma_start3A_632] : memref<10240x128xf32, #tpu.memory_space<vmem_shared>> -> memref<80x128xf32, #tpu.memory_space<vmem_shared>>
      %dma_start3A_634 = arith.constant 0 : i32
      %dma_start3A_635 = tpu.memref_slice %arg10[%add3A_607, %dma_start3A_634] : memref<10240x128xf32, #tpu.memory_space<vmem_shared>> -> memref<80x128xf32, #tpu.memory_space<vmem_shared>>
      tpu.enqueue_dma source(%dma_start3A_635 : memref<80x128xf32, #tpu.memory_space<vmem_shared>>) target(%arg19 : memref<80x128xf32, #tpu.memory_space<vmem>>) target_semaphore(%run_scoped3A : memref<!tpu.dma_semaphore, #tpu.memory_space<semaphore_mem>>)
      %dma_wait3A_636 = arith.constant 0 : i32
      %dma_wait3A_637 = tpu.memref_slice %arg10[%add3A_607, %dma_wait3A_636] : memref<10240x128xf32, #tpu.memory_space<vmem_shared>> -> memref<80x128xf32, #tpu.memory_space<vmem_shared>>
      %dma_wait3A_638 = arith.constant 0 : i32
      %dma_wait3A_639 = tpu.memref_slice %arg10[%add3A_607, %dma_wait3A_638] : memref<10240x128xf32, #tpu.memory_space<vmem_shared>> -> memref<80x128xf32, #tpu.memory_space<vmem_shared>>
      tpu.wait_dma2 semaphore(%run_scoped3A : memref<!tpu.dma_semaphore, #tpu.memory_space<semaphore_mem>>) src(%dma_wait3A_639 : memref<80x128xf32, #tpu.memory_space<vmem_shared>>) dst(%arg19 : memref<80x128xf32, #tpu.memory_space<vmem>>)
      tpu.yield
    }) : () -> ()
    "tpu.region"() ({
      %run_scoped3A = tpu.sem_alloc : memref<!tpu.dma_semaphore, #tpu.memory_space<semaphore_mem>>
      %dma_start3A_632 = arith.constant 0 : i32
      %dma_start3A_633 = tpu.memref_slice %arg9[%arg0, %add3A_607, %dma_start3A_632] : memref<2x10240x128xf32, #tpu.memory_space<hbm>> -> memref<1x80x128xf32, #tpu.memory_space<hbm>>
      %dma_start3A_634 = tpu.memref_squeeze %dma_start3A_633 : memref<1x80x128xf32, #tpu.memory_space<hbm>> -> memref<80x128xf32, #tpu.memory_space<hbm>>
      %dma_start3A_635 = arith.constant 0 : i32
      %dma_start3A_636 = tpu.memref_slice %arg9[%arg0, %add3A_607, %dma_start3A_635] : memref<2x10240x128xf32, #tpu.memory_space<hbm>> -> memref<1x80x128xf32, #tpu.memory_space<hbm>>
      %dma_start3A_637 = tpu.memref_squeeze %dma_start3A_636 : memref<1x80x128xf32, #tpu.memory_space<hbm>> -> memref<80x128xf32, #tpu.memory_space<hbm>>
      tpu.enqueue_dma source(%arg19 : memref<80x128xf32, #tpu.memory_space<vmem>>) target(%dma_start3A_637 : memref<80x128xf32, #tpu.memory_space<hbm>>) target_semaphore(%run_scoped3A : memref<!tpu.dma_semaphore, #tpu.memory_space<semaphore_mem>>)
      %dma_wait3A_638 = arith.constant 0 : i32
      %dma_wait3A_639 = tpu.memref_slice %arg9[%arg0, %add3A_607, %dma_wait3A_638] : memref<2x10240x128xf32, #tpu.memory_space<hbm>> -> memref<1x80x128xf32, #tpu.memory_space<hbm>>
      %dma_wait3A_640 = tpu.memref_squeeze %dma_wait3A_639 : memref<1x80x128xf32, #tpu.memory_space<hbm>> -> memref<80x128xf32, #tpu.memory_space<hbm>>
      %dma_wait3A_641 = arith.constant 0 : i32
      %dma_wait3A_642 = tpu.memref_slice %arg9[%arg0, %add3A_607, %dma_wait3A_641] : memref<2x10240x128xf32, #tpu.memory_space<hbm>> -> memref<1x80x128xf32, #tpu.memory_space<hbm>>
      %dma_wait3A_643 = tpu.memref_squeeze %dma_wait3A_642 : memref<1x80x128xf32, #tpu.memory_space<hbm>> -> memref<80x128xf32, #tpu.memory_space<hbm>>
      tpu.wait_dma2 semaphore(%run_scoped3A : memref<!tpu.dma_semaphore, #tpu.memory_space<semaphore_mem>>) src(%arg19 : memref<80x128xf32, #tpu.memory_space<vmem>>) dst(%dma_wait3A_643 : memref<80x128xf32, #tpu.memory_space<hbm>>)
      tpu.yield
    }) : () -> ()
    %mul3A_608 = arith.constant 640 : i32
    %mul3A_609 = arith.muli %arg1, %mul3A_608 : i32
    %add3A_610 = arith.constant 160 : i32
    %add3A_611 = arith.addi %mul3A_609, %add3A_610 : i32
    "tpu.region"() ({
      %run_scoped3A = tpu.sem_alloc : memref<!tpu.dma_semaphore, #tpu.memory_space<semaphore_mem>>
      %dma_start3A_632 = arith.constant 0 : i32
      %dma_start3A_633 = tpu.memref_slice %arg10[%add3A_611, %dma_start3A_632] : memref<10240x128xf32, #tpu.memory_space<vmem_shared>> -> memref<80x128xf32, #tpu.memory_space<vmem_shared>>
      %dma_start3A_634 = arith.constant 0 : i32
      %dma_start3A_635 = tpu.memref_slice %arg10[%add3A_611, %dma_start3A_634] : memref<10240x128xf32, #tpu.memory_space<vmem_shared>> -> memref<80x128xf32, #tpu.memory_space<vmem_shared>>
      tpu.enqueue_dma source(%dma_start3A_635 : memref<80x128xf32, #tpu.memory_space<vmem_shared>>) target(%arg19 : memref<80x128xf32, #tpu.memory_space<vmem>>) target_semaphore(%run_scoped3A : memref<!tpu.dma_semaphore, #tpu.memory_space<semaphore_mem>>)
      %dma_wait3A_636 = arith.constant 0 : i32
      %dma_wait3A_637 = tpu.memref_slice %arg10[%add3A_611, %dma_wait3A_636] : memref<10240x128xf32, #tpu.memory_space<vmem_shared>> -> memref<80x128xf32, #tpu.memory_space<vmem_shared>>
      %dma_wait3A_638 = arith.constant 0 : i32
      %dma_wait3A_639 = tpu.memref_slice %arg10[%add3A_611, %dma_wait3A_638] : memref<10240x128xf32, #tpu.memory_space<vmem_shared>> -> memref<80x128xf32, #tpu.memory_space<vmem_shared>>
      tpu.wait_dma2 semaphore(%run_scoped3A : memref<!tpu.dma_semaphore, #tpu.memory_space<semaphore_mem>>) src(%dma_wait3A_639 : memref<80x128xf32, #tpu.memory_space<vmem_shared>>) dst(%arg19 : memref<80x128xf32, #tpu.memory_space<vmem>>)
      tpu.yield
    }) : () -> ()
    "tpu.region"() ({
      %run_scoped3A = tpu.sem_alloc : memref<!tpu.dma_semaphore, #tpu.memory_space<semaphore_mem>>
      %dma_start3A_632 = arith.constant 0 : i32
      %dma_start3A_633 = tpu.memref_slice %arg9[%arg0, %add3A_611, %dma_start3A_632] : memref<2x10240x128xf32, #tpu.memory_space<hbm>> -> memref<1x80x128xf32, #tpu.memory_space<hbm>>
      %dma_start3A_634 = tpu.memref_squeeze %dma_start3A_633 : memref<1x80x128xf32, #tpu.memory_space<hbm>> -> memref<80x128xf32, #tpu.memory_space<hbm>>
      %dma_start3A_635 = arith.constant 0 : i32
      %dma_start3A_636 = tpu.memref_slice %arg9[%arg0, %add3A_611, %dma_start3A_635] : memref<2x10240x128xf32, #tpu.memory_space<hbm>> -> memref<1x80x128xf32, #tpu.memory_space<hbm>>
      %dma_start3A_637 = tpu.memref_squeeze %dma_start3A_636 : memref<1x80x128xf32, #tpu.memory_space<hbm>> -> memref<80x128xf32, #tpu.memory_space<hbm>>
      tpu.enqueue_dma source(%arg19 : memref<80x128xf32, #tpu.memory_space<vmem>>) target(%dma_start3A_637 : memref<80x128xf32, #tpu.memory_space<hbm>>) target_semaphore(%run_scoped3A : memref<!tpu.dma_semaphore, #tpu.memory_space<semaphore_mem>>)
      %dma_wait3A_638 = arith.constant 0 : i32
      %dma_wait3A_639 = tpu.memref_slice %arg9[%arg0, %add3A_611, %dma_wait3A_638] : memref<2x10240x128xf32, #tpu.memory_space<hbm>> -> memref<1x80x128xf32, #tpu.memory_space<hbm>>
      %dma_wait3A_640 = tpu.memref_squeeze %dma_wait3A_639 : memref<1x80x128xf32, #tpu.memory_space<hbm>> -> memref<80x128xf32, #tpu.memory_space<hbm>>
      %dma_wait3A_641 = arith.constant 0 : i32
      %dma_wait3A_642 = tpu.memref_slice %arg9[%arg0, %add3A_611, %dma_wait3A_641] : memref<2x10240x128xf32, #tpu.memory_space<hbm>> -> memref<1x80x128xf32, #tpu.memory_space<hbm>>
      %dma_wait3A_643 = tpu.memref_squeeze %dma_wait3A_642 : memref<1x80x128xf32, #tpu.memory_space<hbm>> -> memref<80x128xf32, #tpu.memory_space<hbm>>
      tpu.wait_dma2 semaphore(%run_scoped3A : memref<!tpu.dma_semaphore, #tpu.memory_space<semaphore_mem>>) src(%arg19 : memref<80x128xf32, #tpu.memory_space<vmem>>) dst(%dma_wait3A_643 : memref<80x128xf32, #tpu.memory_space<hbm>>)
      tpu.yield
    }) : () -> ()
    %mul3A_612 = arith.constant 640 : i32
    %mul3A_613 = arith.muli %arg1, %mul3A_612 : i32
    %add3A_614 = arith.constant 240 : i32
    %add3A_615 = arith.addi %mul3A_613, %add3A_614 : i32
    "tpu.region"() ({
      %run_scoped3A = tpu.sem_alloc : memref<!tpu.dma_semaphore, #tpu.memory_space<semaphore_mem>>
      %dma_start3A_632 = arith.constant 0 : i32
      %dma_start3A_633 = tpu.memref_slice %arg10[%add3A_615, %dma_start3A_632] : memref<10240x128xf32, #tpu.memory_space<vmem_shared>> -> memref<80x128xf32, #tpu.memory_space<vmem_shared>>
      %dma_start3A_634 = arith.constant 0 : i32
      %dma_start3A_635 = tpu.memref_slice %arg10[%add3A_615, %dma_start3A_634] : memref<10240x128xf32, #tpu.memory_space<vmem_shared>> -> memref<80x128xf32, #tpu.memory_space<vmem_shared>>
      tpu.enqueue_dma source(%dma_start3A_635 : memref<80x128xf32, #tpu.memory_space<vmem_shared>>) target(%arg19 : memref<80x128xf32, #tpu.memory_space<vmem>>) target_semaphore(%run_scoped3A : memref<!tpu.dma_semaphore, #tpu.memory_space<semaphore_mem>>)
      %dma_wait3A_636 = arith.constant 0 : i32
      %dma_wait3A_637 = tpu.memref_slice %arg10[%add3A_615, %dma_wait3A_636] : memref<10240x128xf32, #tpu.memory_space<vmem_shared>> -> memref<80x128xf32, #tpu.memory_space<vmem_shared>>
      %dma_wait3A_638 = arith.constant 0 : i32
      %dma_wait3A_639 = tpu.memref_slice %arg10[%add3A_615, %dma_wait3A_638] : memref<10240x128xf32, #tpu.memory_space<vmem_shared>> -> memref<80x128xf32, #tpu.memory_space<vmem_shared>>
      tpu.wait_dma2 semaphore(%run_scoped3A : memref<!tpu.dma_semaphore, #tpu.memory_space<semaphore_mem>>) src(%dma_wait3A_639 : memref<80x128xf32, #tpu.memory_space<vmem_shared>>) dst(%arg19 : memref<80x128xf32, #tpu.memory_space<vmem>>)
      tpu.yield
    }) : () -> ()
    "tpu.region"() ({
      %run_scoped3A = tpu.sem_alloc : memref<!tpu.dma_semaphore, #tpu.memory_space<semaphore_mem>>
      %dma_start3A_632 = arith.constant 0 : i32
      %dma_start3A_633 = tpu.memref_slice %arg9[%arg0, %add3A_615, %dma_start3A_632] : memref<2x10240x128xf32, #tpu.memory_space<hbm>> -> memref<1x80x128xf32, #tpu.memory_space<hbm>>
      %dma_start3A_634 = tpu.memref_squeeze %dma_start3A_633 : memref<1x80x128xf32, #tpu.memory_space<hbm>> -> memref<80x128xf32, #tpu.memory_space<hbm>>
      %dma_start3A_635 = arith.constant 0 : i32
      %dma_start3A_636 = tpu.memref_slice %arg9[%arg0, %add3A_615, %dma_start3A_635] : memref<2x10240x128xf32, #tpu.memory_space<hbm>> -> memref<1x80x128xf32, #tpu.memory_space<hbm>>
      %dma_start3A_637 = tpu.memref_squeeze %dma_start3A_636 : memref<1x80x128xf32, #tpu.memory_space<hbm>> -> memref<80x128xf32, #tpu.memory_space<hbm>>
      tpu.enqueue_dma source(%arg19 : memref<80x128xf32, #tpu.memory_space<vmem>>) target(%dma_start3A_637 : memref<80x128xf32, #tpu.memory_space<hbm>>) target_semaphore(%run_scoped3A : memref<!tpu.dma_semaphore, #tpu.memory_space<semaphore_mem>>)
      %dma_wait3A_638 = arith.constant 0 : i32
      %dma_wait3A_639 = tpu.memref_slice %arg9[%arg0, %add3A_615, %dma_wait3A_638] : memref<2x10240x128xf32, #tpu.memory_space<hbm>> -> memref<1x80x128xf32, #tpu.memory_space<hbm>>
      %dma_wait3A_640 = tpu.memref_squeeze %dma_wait3A_639 : memref<1x80x128xf32, #tpu.memory_space<hbm>> -> memref<80x128xf32, #tpu.memory_space<hbm>>
      %dma_wait3A_641 = arith.constant 0 : i32
      %dma_wait3A_642 = tpu.memref_slice %arg9[%arg0, %add3A_615, %dma_wait3A_641] : memref<2x10240x128xf32, #tpu.memory_space<hbm>> -> memref<1x80x128xf32, #tpu.memory_space<hbm>>
      %dma_wait3A_643 = tpu.memref_squeeze %dma_wait3A_642 : memref<1x80x128xf32, #tpu.memory_space<hbm>> -> memref<80x128xf32, #tpu.memory_space<hbm>>
      tpu.wait_dma2 semaphore(%run_scoped3A : memref<!tpu.dma_semaphore, #tpu.memory_space<semaphore_mem>>) src(%arg19 : memref<80x128xf32, #tpu.memory_space<vmem>>) dst(%dma_wait3A_643 : memref<80x128xf32, #tpu.memory_space<hbm>>)
      tpu.yield
    }) : () -> ()
    %mul3A_616 = arith.constant 640 : i32
    %mul3A_617 = arith.muli %arg1, %mul3A_616 : i32
    %add3A_618 = arith.constant 320 : i32
    %add3A_619 = arith.addi %mul3A_617, %add3A_618 : i32
    "tpu.region"() ({
      %run_scoped3A = tpu.sem_alloc : memref<!tpu.dma_semaphore, #tpu.memory_space<semaphore_mem>>
      %dma_start3A_632 = arith.constant 0 : i32
      %dma_start3A_633 = tpu.memref_slice %arg10[%add3A_619, %dma_start3A_632] : memref<10240x128xf32, #tpu.memory_space<vmem_shared>> -> memref<80x128xf32, #tpu.memory_space<vmem_shared>>
      %dma_start3A_634 = arith.constant 0 : i32
      %dma_start3A_635 = tpu.memref_slice %arg10[%add3A_619, %dma_start3A_634] : memref<10240x128xf32, #tpu.memory_space<vmem_shared>> -> memref<80x128xf32, #tpu.memory_space<vmem_shared>>
      tpu.enqueue_dma source(%dma_start3A_635 : memref<80x128xf32, #tpu.memory_space<vmem_shared>>) target(%arg19 : memref<80x128xf32, #tpu.memory_space<vmem>>) target_semaphore(%run_scoped3A : memref<!tpu.dma_semaphore, #tpu.memory_space<semaphore_mem>>)
      %dma_wait3A_636 = arith.constant 0 : i32
      %dma_wait3A_637 = tpu.memref_slice %arg10[%add3A_619, %dma_wait3A_636] : memref<10240x128xf32, #tpu.memory_space<vmem_shared>> -> memref<80x128xf32, #tpu.memory_space<vmem_shared>>
      %dma_wait3A_638 = arith.constant 0 : i32
      %dma_wait3A_639 = tpu.memref_slice %arg10[%add3A_619, %dma_wait3A_638] : memref<10240x128xf32, #tpu.memory_space<vmem_shared>> -> memref<80x128xf32, #tpu.memory_space<vmem_shared>>
      tpu.wait_dma2 semaphore(%run_scoped3A : memref<!tpu.dma_semaphore, #tpu.memory_space<semaphore_mem>>) src(%dma_wait3A_639 : memref<80x128xf32, #tpu.memory_space<vmem_shared>>) dst(%arg19 : memref<80x128xf32, #tpu.memory_space<vmem>>)
      tpu.yield
    }) : () -> ()
    "tpu.region"() ({
      %run_scoped3A = tpu.sem_alloc : memref<!tpu.dma_semaphore, #tpu.memory_space<semaphore_mem>>
      %dma_start3A_632 = arith.constant 0 : i32
      %dma_start3A_633 = tpu.memref_slice %arg9[%arg0, %add3A_619, %dma_start3A_632] : memref<2x10240x128xf32, #tpu.memory_space<hbm>> -> memref<1x80x128xf32, #tpu.memory_space<hbm>>
      %dma_start3A_634 = tpu.memref_squeeze %dma_start3A_633 : memref<1x80x128xf32, #tpu.memory_space<hbm>> -> memref<80x128xf32, #tpu.memory_space<hbm>>
      %dma_start3A_635 = arith.constant 0 : i32
      %dma_start3A_636 = tpu.memref_slice %arg9[%arg0, %add3A_619, %dma_start3A_635] : memref<2x10240x128xf32, #tpu.memory_space<hbm>> -> memref<1x80x128xf32, #tpu.memory_space<hbm>>
      %dma_start3A_637 = tpu.memref_squeeze %dma_start3A_636 : memref<1x80x128xf32, #tpu.memory_space<hbm>> -> memref<80x128xf32, #tpu.memory_space<hbm>>
      tpu.enqueue_dma source(%arg19 : memref<80x128xf32, #tpu.memory_space<vmem>>) target(%dma_start3A_637 : memref<80x128xf32, #tpu.memory_space<hbm>>) target_semaphore(%run_scoped3A : memref<!tpu.dma_semaphore, #tpu.memory_space<semaphore_mem>>)
      %dma_wait3A_638 = arith.constant 0 : i32
      %dma_wait3A_639 = tpu.memref_slice %arg9[%arg0, %add3A_619, %dma_wait3A_638] : memref<2x10240x128xf32, #tpu.memory_space<hbm>> -> memref<1x80x128xf32, #tpu.memory_space<hbm>>
      %dma_wait3A_640 = tpu.memref_squeeze %dma_wait3A_639 : memref<1x80x128xf32, #tpu.memory_space<hbm>> -> memref<80x128xf32, #tpu.memory_space<hbm>>
      %dma_wait3A_641 = arith.constant 0 : i32
      %dma_wait3A_642 = tpu.memref_slice %arg9[%arg0, %add3A_619, %dma_wait3A_641] : memref<2x10240x128xf32, #tpu.memory_space<hbm>> -> memref<1x80x128xf32, #tpu.memory_space<hbm>>
      %dma_wait3A_643 = tpu.memref_squeeze %dma_wait3A_642 : memref<1x80x128xf32, #tpu.memory_space<hbm>> -> memref<80x128xf32, #tpu.memory_space<hbm>>
      tpu.wait_dma2 semaphore(%run_scoped3A : memref<!tpu.dma_semaphore, #tpu.memory_space<semaphore_mem>>) src(%arg19 : memref<80x128xf32, #tpu.memory_space<vmem>>) dst(%dma_wait3A_643 : memref<80x128xf32, #tpu.memory_space<hbm>>)
      tpu.yield
    }) : () -> ()
    %mul3A_620 = arith.constant 640 : i32
    %mul3A_621 = arith.muli %arg1, %mul3A_620 : i32
    %add3A_622 = arith.constant 400 : i32
    %add3A_623 = arith.addi %mul3A_621, %add3A_622 : i32
    "tpu.region"() ({
      %run_scoped3A = tpu.sem_alloc : memref<!tpu.dma_semaphore, #tpu.memory_space<semaphore_mem>>
      %dma_start3A_632 = arith.constant 0 : i32
      %dma_start3A_633 = tpu.memref_slice %arg10[%add3A_623, %dma_start3A_632] : memref<10240x128xf32, #tpu.memory_space<vmem_shared>> -> memref<80x128xf32, #tpu.memory_space<vmem_shared>>
      %dma_start3A_634 = arith.constant 0 : i32
      %dma_start3A_635 = tpu.memref_slice %arg10[%add3A_623, %dma_start3A_634] : memref<10240x128xf32, #tpu.memory_space<vmem_shared>> -> memref<80x128xf32, #tpu.memory_space<vmem_shared>>
      tpu.enqueue_dma source(%dma_start3A_635 : memref<80x128xf32, #tpu.memory_space<vmem_shared>>) target(%arg19 : memref<80x128xf32, #tpu.memory_space<vmem>>) target_semaphore(%run_scoped3A : memref<!tpu.dma_semaphore, #tpu.memory_space<semaphore_mem>>)
      %dma_wait3A_636 = arith.constant 0 : i32
      %dma_wait3A_637 = tpu.memref_slice %arg10[%add3A_623, %dma_wait3A_636] : memref<10240x128xf32, #tpu.memory_space<vmem_shared>> -> memref<80x128xf32, #tpu.memory_space<vmem_shared>>
      %dma_wait3A_638 = arith.constant 0 : i32
      %dma_wait3A_639 = tpu.memref_slice %arg10[%add3A_623, %dma_wait3A_638] : memref<10240x128xf32, #tpu.memory_space<vmem_shared>> -> memref<80x128xf32, #tpu.memory_space<vmem_shared>>
      tpu.wait_dma2 semaphore(%run_scoped3A : memref<!tpu.dma_semaphore, #tpu.memory_space<semaphore_mem>>) src(%dma_wait3A_639 : memref<80x128xf32, #tpu.memory_space<vmem_shared>>) dst(%arg19 : memref<80x128xf32, #tpu.memory_space<vmem>>)
      tpu.yield
    }) : () -> ()
    "tpu.region"() ({
      %run_scoped3A = tpu.sem_alloc : memref<!tpu.dma_semaphore, #tpu.memory_space<semaphore_mem>>
      %dma_start3A_632 = arith.constant 0 : i32
      %dma_start3A_633 = tpu.memref_slice %arg9[%arg0, %add3A_623, %dma_start3A_632] : memref<2x10240x128xf32, #tpu.memory_space<hbm>> -> memref<1x80x128xf32, #tpu.memory_space<hbm>>
      %dma_start3A_634 = tpu.memref_squeeze %dma_start3A_633 : memref<1x80x128xf32, #tpu.memory_space<hbm>> -> memref<80x128xf32, #tpu.memory_space<hbm>>
      %dma_start3A_635 = arith.constant 0 : i32
      %dma_start3A_636 = tpu.memref_slice %arg9[%arg0, %add3A_623, %dma_start3A_635] : memref<2x10240x128xf32, #tpu.memory_space<hbm>> -> memref<1x80x128xf32, #tpu.memory_space<hbm>>
      %dma_start3A_637 = tpu.memref_squeeze %dma_start3A_636 : memref<1x80x128xf32, #tpu.memory_space<hbm>> -> memref<80x128xf32, #tpu.memory_space<hbm>>
      tpu.enqueue_dma source(%arg19 : memref<80x128xf32, #tpu.memory_space<vmem>>) target(%dma_start3A_637 : memref<80x128xf32, #tpu.memory_space<hbm>>) target_semaphore(%run_scoped3A : memref<!tpu.dma_semaphore, #tpu.memory_space<semaphore_mem>>)
      %dma_wait3A_638 = arith.constant 0 : i32
      %dma_wait3A_639 = tpu.memref_slice %arg9[%arg0, %add3A_623, %dma_wait3A_638] : memref<2x10240x128xf32, #tpu.memory_space<hbm>> -> memref<1x80x128xf32, #tpu.memory_space<hbm>>
      %dma_wait3A_640 = tpu.memref_squeeze %dma_wait3A_639 : memref<1x80x128xf32, #tpu.memory_space<hbm>> -> memref<80x128xf32, #tpu.memory_space<hbm>>
      %dma_wait3A_641 = arith.constant 0 : i32
      %dma_wait3A_642 = tpu.memref_slice %arg9[%arg0, %add3A_623, %dma_wait3A_641] : memref<2x10240x128xf32, #tpu.memory_space<hbm>> -> memref<1x80x128xf32, #tpu.memory_space<hbm>>
      %dma_wait3A_643 = tpu.memref_squeeze %dma_wait3A_642 : memref<1x80x128xf32, #tpu.memory_space<hbm>> -> memref<80x128xf32, #tpu.memory_space<hbm>>
      tpu.wait_dma2 semaphore(%run_scoped3A : memref<!tpu.dma_semaphore, #tpu.memory_space<semaphore_mem>>) src(%arg19 : memref<80x128xf32, #tpu.memory_space<vmem>>) dst(%dma_wait3A_643 : memref<80x128xf32, #tpu.memory_space<hbm>>)
      tpu.yield
    }) : () -> ()
    %mul3A_624 = arith.constant 640 : i32
    %mul3A_625 = arith.muli %arg1, %mul3A_624 : i32
    %add3A_626 = arith.constant 480 : i32
    %add3A_627 = arith.addi %mul3A_625, %add3A_626 : i32
    "tpu.region"() ({
      %run_scoped3A = tpu.sem_alloc : memref<!tpu.dma_semaphore, #tpu.memory_space<semaphore_mem>>
      %dma_start3A_632 = arith.constant 0 : i32
      %dma_start3A_633 = tpu.memref_slice %arg10[%add3A_627, %dma_start3A_632] : memref<10240x128xf32, #tpu.memory_space<vmem_shared>> -> memref<80x128xf32, #tpu.memory_space<vmem_shared>>
      %dma_start3A_634 = arith.constant 0 : i32
      %dma_start3A_635 = tpu.memref_slice %arg10[%add3A_627, %dma_start3A_634] : memref<10240x128xf32, #tpu.memory_space<vmem_shared>> -> memref<80x128xf32, #tpu.memory_space<vmem_shared>>
      tpu.enqueue_dma source(%dma_start3A_635 : memref<80x128xf32, #tpu.memory_space<vmem_shared>>) target(%arg19 : memref<80x128xf32, #tpu.memory_space<vmem>>) target_semaphore(%run_scoped3A : memref<!tpu.dma_semaphore, #tpu.memory_space<semaphore_mem>>)
      %dma_wait3A_636 = arith.constant 0 : i32
      %dma_wait3A_637 = tpu.memref_slice %arg10[%add3A_627, %dma_wait3A_636] : memref<10240x128xf32, #tpu.memory_space<vmem_shared>> -> memref<80x128xf32, #tpu.memory_space<vmem_shared>>
      %dma_wait3A_638 = arith.constant 0 : i32
      %dma_wait3A_639 = tpu.memref_slice %arg10[%add3A_627, %dma_wait3A_638] : memref<10240x128xf32, #tpu.memory_space<vmem_shared>> -> memref<80x128xf32, #tpu.memory_space<vmem_shared>>
      tpu.wait_dma2 semaphore(%run_scoped3A : memref<!tpu.dma_semaphore, #tpu.memory_space<semaphore_mem>>) src(%dma_wait3A_639 : memref<80x128xf32, #tpu.memory_space<vmem_shared>>) dst(%arg19 : memref<80x128xf32, #tpu.memory_space<vmem>>)
      tpu.yield
    }) : () -> ()
    "tpu.region"() ({
      %run_scoped3A = tpu.sem_alloc : memref<!tpu.dma_semaphore, #tpu.memory_space<semaphore_mem>>
      %dma_start3A_632 = arith.constant 0 : i32
      %dma_start3A_633 = tpu.memref_slice %arg9[%arg0, %add3A_627, %dma_start3A_632] : memref<2x10240x128xf32, #tpu.memory_space<hbm>> -> memref<1x80x128xf32, #tpu.memory_space<hbm>>
      %dma_start3A_634 = tpu.memref_squeeze %dma_start3A_633 : memref<1x80x128xf32, #tpu.memory_space<hbm>> -> memref<80x128xf32, #tpu.memory_space<hbm>>
      %dma_start3A_635 = arith.constant 0 : i32
      %dma_start3A_636 = tpu.memref_slice %arg9[%arg0, %add3A_627, %dma_start3A_635] : memref<2x10240x128xf32, #tpu.memory_space<hbm>> -> memref<1x80x128xf32, #tpu.memory_space<hbm>>
      %dma_start3A_637 = tpu.memref_squeeze %dma_start3A_636 : memref<1x80x128xf32, #tpu.memory_space<hbm>> -> memref<80x128xf32, #tpu.memory_space<hbm>>
      tpu.enqueue_dma source(%arg19 : memref<80x128xf32, #tpu.memory_space<vmem>>) target(%dma_start3A_637 : memref<80x128xf32, #tpu.memory_space<hbm>>) target_semaphore(%run_scoped3A : memref<!tpu.dma_semaphore, #tpu.memory_space<semaphore_mem>>)
      %dma_wait3A_638 = arith.constant 0 : i32
      %dma_wait3A_639 = tpu.memref_slice %arg9[%arg0, %add3A_627, %dma_wait3A_638] : memref<2x10240x128xf32, #tpu.memory_space<hbm>> -> memref<1x80x128xf32, #tpu.memory_space<hbm>>
      %dma_wait3A_640 = tpu.memref_squeeze %dma_wait3A_639 : memref<1x80x128xf32, #tpu.memory_space<hbm>> -> memref<80x128xf32, #tpu.memory_space<hbm>>
      %dma_wait3A_641 = arith.constant 0 : i32
      %dma_wait3A_642 = tpu.memref_slice %arg9[%arg0, %add3A_627, %dma_wait3A_641] : memref<2x10240x128xf32, #tpu.memory_space<hbm>> -> memref<1x80x128xf32, #tpu.memory_space<hbm>>
      %dma_wait3A_643 = tpu.memref_squeeze %dma_wait3A_642 : memref<1x80x128xf32, #tpu.memory_space<hbm>> -> memref<80x128xf32, #tpu.memory_space<hbm>>
      tpu.wait_dma2 semaphore(%run_scoped3A : memref<!tpu.dma_semaphore, #tpu.memory_space<semaphore_mem>>) src(%arg19 : memref<80x128xf32, #tpu.memory_space<vmem>>) dst(%dma_wait3A_643 : memref<80x128xf32, #tpu.memory_space<hbm>>)
      tpu.yield
    }) : () -> ()
    %mul3A_628 = arith.constant 640 : i32
    %mul3A_629 = arith.muli %arg1, %mul3A_628 : i32
    %add3A_630 = arith.constant 560 : i32
    %add3A_631 = arith.addi %mul3A_629, %add3A_630 : i32
    "tpu.region"() ({
      %run_scoped3A = tpu.sem_alloc : memref<!tpu.dma_semaphore, #tpu.memory_space<semaphore_mem>>
      %dma_start3A_632 = arith.constant 0 : i32
      %dma_start3A_633 = tpu.memref_slice %arg10[%add3A_631, %dma_start3A_632] : memref<10240x128xf32, #tpu.memory_space<vmem_shared>> -> memref<80x128xf32, #tpu.memory_space<vmem_shared>>
      %dma_start3A_634 = arith.constant 0 : i32
      %dma_start3A_635 = tpu.memref_slice %arg10[%add3A_631, %dma_start3A_634] : memref<10240x128xf32, #tpu.memory_space<vmem_shared>> -> memref<80x128xf32, #tpu.memory_space<vmem_shared>>
      tpu.enqueue_dma source(%dma_start3A_635 : memref<80x128xf32, #tpu.memory_space<vmem_shared>>) target(%arg19 : memref<80x128xf32, #tpu.memory_space<vmem>>) target_semaphore(%run_scoped3A : memref<!tpu.dma_semaphore, #tpu.memory_space<semaphore_mem>>)
      %dma_wait3A_636 = arith.constant 0 : i32
      %dma_wait3A_637 = tpu.memref_slice %arg10[%add3A_631, %dma_wait3A_636] : memref<10240x128xf32, #tpu.memory_space<vmem_shared>> -> memref<80x128xf32, #tpu.memory_space<vmem_shared>>
      %dma_wait3A_638 = arith.constant 0 : i32
      %dma_wait3A_639 = tpu.memref_slice %arg10[%add3A_631, %dma_wait3A_638] : memref<10240x128xf32, #tpu.memory_space<vmem_shared>> -> memref<80x128xf32, #tpu.memory_space<vmem_shared>>
      tpu.wait_dma2 semaphore(%run_scoped3A : memref<!tpu.dma_semaphore, #tpu.memory_space<semaphore_mem>>) src(%dma_wait3A_639 : memref<80x128xf32, #tpu.memory_space<vmem_shared>>) dst(%arg19 : memref<80x128xf32, #tpu.memory_space<vmem>>)
      tpu.yield
    }) : () -> ()
    "tpu.region"() ({
      %run_scoped3A = tpu.sem_alloc : memref<!tpu.dma_semaphore, #tpu.memory_space<semaphore_mem>>
      %dma_start3A_632 = arith.constant 0 : i32
      %dma_start3A_633 = tpu.memref_slice %arg9[%arg0, %add3A_631, %dma_start3A_632] : memref<2x10240x128xf32, #tpu.memory_space<hbm>> -> memref<1x80x128xf32, #tpu.memory_space<hbm>>
      %dma_start3A_634 = tpu.memref_squeeze %dma_start3A_633 : memref<1x80x128xf32, #tpu.memory_space<hbm>> -> memref<80x128xf32, #tpu.memory_space<hbm>>
      %dma_start3A_635 = arith.constant 0 : i32
      %dma_start3A_636 = tpu.memref_slice %arg9[%arg0, %add3A_631, %dma_start3A_635] : memref<2x10240x128xf32, #tpu.memory_space<hbm>> -> memref<1x80x128xf32, #tpu.memory_space<hbm>>
      %dma_start3A_637 = tpu.memref_squeeze %dma_start3A_636 : memref<1x80x128xf32, #tpu.memory_space<hbm>> -> memref<80x128xf32, #tpu.memory_space<hbm>>
      tpu.enqueue_dma source(%arg19 : memref<80x128xf32, #tpu.memory_space<vmem>>) target(%dma_start3A_637 : memref<80x128xf32, #tpu.memory_space<hbm>>) target_semaphore(%run_scoped3A : memref<!tpu.dma_semaphore, #tpu.memory_space<semaphore_mem>>)
      %dma_wait3A_638 = arith.constant 0 : i32
      %dma_wait3A_639 = tpu.memref_slice %arg9[%arg0, %add3A_631, %dma_wait3A_638] : memref<2x10240x128xf32, #tpu.memory_space<hbm>> -> memref<1x80x128xf32, #tpu.memory_space<hbm>>
      %dma_wait3A_640 = tpu.memref_squeeze %dma_wait3A_639 : memref<1x80x128xf32, #tpu.memory_space<hbm>> -> memref<80x128xf32, #tpu.memory_space<hbm>>
      %dma_wait3A_641 = arith.constant 0 : i32
      %dma_wait3A_642 = tpu.memref_slice %arg9[%arg0, %add3A_631, %dma_wait3A_641] : memref<2x10240x128xf32, #tpu.memory_space<hbm>> -> memref<1x80x128xf32, #tpu.memory_space<hbm>>
      %dma_wait3A_643 = tpu.memref_squeeze %dma_wait3A_642 : memref<1x80x128xf32, #tpu.memory_space<hbm>> -> memref<80x128xf32, #tpu.memory_space<hbm>>
      tpu.wait_dma2 semaphore(%run_scoped3A : memref<!tpu.dma_semaphore, #tpu.memory_space<semaphore_mem>>) src(%arg19 : memref<80x128xf32, #tpu.memory_space<vmem>>) dst(%dma_wait3A_643 : memref<80x128xf32, #tpu.memory_space<hbm>>)
      tpu.yield
    }) : () -> ()
    return
  }
}

module attributes {stable_mosaic.version = 14 : i64} {
  func.func @_stage1_body(%arg0: i32, %arg1: memref<1280x128xf32, #tpu.memory_space<vmem>>, %arg2: memref<128x128xf32, #tpu.memory_space<vmem>>, %arg3: memref<128x128xf32, #tpu.memory_space<vmem>>, %arg4: memref<1x128xf32, #tpu.memory_space<vmem>>, %arg5: memref<1280x128xbf16, #tpu.memory_space<vmem>>, %arg6: memref<1280x128xbf16, #tpu.memory_space<vmem>>) attributes {dimension_semantics = [#tpu.dimension_semantics<arbitrary>], iteration_bounds = array<i64: 8>, scalar_prefetch = 0 : i64, scratch_operands = 0 : i64, tpu.core_type = #tpu.core_type<tc>, window_params = [{transform_indices = @transform_0, window_bounds = array<i64: 1280, 128>}, {pipeline_mode = #tpu.pipeline_mode<synchronous>, transform_indices = @transform_1, window_bounds = array<i64: 128, 128>}, {pipeline_mode = #tpu.pipeline_mode<synchronous>, transform_indices = @transform_2, window_bounds = array<i64: 128, 128>}, {pipeline_mode = #tpu.pipeline_mode<synchronous>, transform_indices = @transform_3, window_bounds = array<i64: 1, 128>}, {transform_indices = @transform_4, window_bounds = array<i64: 1280, 128>}, {transform_indices = @transform_5, window_bounds = array<i64: 1280, 128>}]} {
    %get3A = arith.constant 0 : index
    %get3A_0 = arith.constant 0 : index
    %get3A_1 = vector.load %arg1[%get3A, %get3A_0] : memref<1280x128xf32, #tpu.memory_space<vmem>>, vector<1280x128xf32>
    %get3A_2 = arith.constant 0 : index
    %get3A_3 = arith.constant 0 : index
    %get3A_4 = vector.load %arg2[%get3A_2, %get3A_3] : memref<128x128xf32, #tpu.memory_space<vmem>>, vector<128x128xf32>
    %dot_general3A = arith.constant dense<0.000000e+00> : vector<1280x128xf32>
    %dot_general3A_5 = tpu.matmul %get3A_1, %get3A_4, %dot_general3A {dimension_numbers = #tpu.dot_dimension_numbers<[1], [0], [0], [1], [0, 0, 1, 1], [], []>, transpose_lhs_hint = false} : vector<1280x128xf32>, vector<128x128xf32>, vector<1280x128xf32> -> vector<1280x128xf32>
    %convert_element_type3A = arith.truncf %dot_general3A_5 : vector<1280x128xf32> to vector<1280x128xbf16>
    %swap3A = arith.constant 0 : index
    %swap3A_6 = arith.constant 0 : index
    %swap3A_7 = vector.load %arg5[%swap3A, %swap3A_6] : memref<1280x128xbf16, #tpu.memory_space<vmem>>, vector<1280x128xbf16>
    tpu.vector_store %arg5[%swap3A, %swap3A_6], %convert_element_type3A {strides = array<i32>} : memref<1280x128xbf16, #tpu.memory_space<vmem>>, vector<1280x128xbf16>,
    %get3A_8 = arith.constant 0 : index
    %get3A_9 = arith.constant 0 : index
    %get3A_10 = vector.load %arg3[%get3A_8, %get3A_9] : memref<128x128xf32, #tpu.memory_space<vmem>>, vector<128x128xf32>
    %dot_general3A_11 = arith.constant dense<0.000000e+00> : vector<1280x128xf32>
    %dot_general3A_12 = tpu.matmul %get3A_1, %get3A_10, %dot_general3A_11 {dimension_numbers = #tpu.dot_dimension_numbers<[1], [0], [0], [1], [0, 0, 1, 1], [], []>, transpose_lhs_hint = false} : vector<1280x128xf32>, vector<128x128xf32>, vector<1280x128xf32> -> vector<1280x128xf32>
    %get3A_13 = arith.constant 0 : index
    %get3A_14 = arith.constant 0 : index
    %get3A_15 = vector.load %arg4[%get3A_13, %get3A_14] : memref<1x128xf32, #tpu.memory_space<vmem>>, vector<1x128xf32>
    %add3A = vector.broadcast %get3A_15 : vector<1x128xf32> to vector<1280x128xf32>
    %add3A_16 = arith.addf %dot_general3A_12, %add3A : vector<1280x128xf32>
    %convert_element_type3A_17 = arith.truncf %add3A_16 : vector<1280x128xf32> to vector<1280x128xbf16>
    %swap3A_18 = arith.constant 0 : index
    %swap3A_19 = arith.constant 0 : index
    %swap3A_20 = vector.load %arg6[%swap3A_18, %swap3A_19] : memref<1280x128xbf16, #tpu.memory_space<vmem>>, vector<1280x128xbf16>
    tpu.vector_store %arg6[%swap3A_18, %swap3A_19], %convert_element_type3A_17 {strides = array<i32>} : memref<1280x128xbf16, #tpu.memory_space<vmem>>, vector<1280x128xbf16>,
    return
  }
  func.func @transform_0(%arg0: i32) -> (i32, i32) {
    %c0_i32 = arith.constant 0 : i32
    %c0_i32_0 = arith.constant 0 : i32
    return %arg0, %c0_i32 : i32, i32
  }
  func.func @transform_1(%arg0: i32) -> (i32, i32) {
    %c0_i32 = arith.constant 0 : i32
    %c0_i32_0 = arith.constant 0 : i32
    %c0_i32_1 = arith.constant 0 : i32
    return %c0_i32, %c0_i32_0 : i32, i32
  }
  func.func @transform_2(%arg0: i32) -> (i32, i32) {
    %c0_i32 = arith.constant 0 : i32
    %c0_i32_0 = arith.constant 0 : i32
    %c0_i32_1 = arith.constant 0 : i32
    return %c0_i32, %c0_i32_0 : i32, i32
  }
  func.func @transform_3(%arg0: i32) -> (i32, i32) {
    %c0_i32 = arith.constant 0 : i32
    %c0_i32_0 = arith.constant 0 : i32
    %c0_i32_1 = arith.constant 0 : i32
    return %c0_i32, %c0_i32_0 : i32, i32
  }
  func.func @transform_4(%arg0: i32) -> (i32, i32) {
    %c0_i32 = arith.constant 0 : i32
    %c0_i32_0 = arith.constant 0 : i32
    return %arg0, %c0_i32 : i32, i32
  }
  func.func @transform_5(%arg0: i32) -> (i32, i32) {
    %c0_i32 = arith.constant 0 : i32
    %c0_i32_0 = arith.constant 0 : i32
    return %arg0, %c0_i32 : i32, i32
  }
}

module attributes {stable_mosaic.version = 14 : i64} {
  func.func @_stage3_body(%arg0: i32, %arg1: memref<1000x128xf32, #tpu.memory_space<vmem>>, %arg2: memref<1000x128xf32, #tpu.memory_space<vmem>>, %arg3: memref<1000x128xf32, #tpu.memory_space<vmem>>) attributes {dimension_semantics = [#tpu.dimension_semantics<arbitrary>], iteration_bounds = array<i64: 10>, scalar_prefetch = 0 : i64, scratch_operands = 0 : i64, tpu.core_type = #tpu.core_type<tc>, window_params = [{transform_indices = @transform_0, window_bounds = array<i64: 1000, 128>}, {transform_indices = @transform_1, window_bounds = array<i64: 1000, 128>}, {transform_indices = @transform_2, window_bounds = array<i64: 1000, 128>}]} {
    %get3A = arith.constant 0 : index
    %get3A_0 = arith.constant 0 : index
    %get3A_1 = vector.load %arg1[%get3A, %get3A_0] : memref<1000x128xf32, #tpu.memory_space<vmem>>, vector<1000x128xf32>
    %get3A_2 = arith.constant 0 : index
    %get3A_3 = arith.constant 0 : index
    %get3A_4 = vector.load %arg2[%get3A_2, %get3A_3] : memref<1000x128xf32, #tpu.memory_space<vmem>>, vector<1000x128xf32>
    %add3A = arith.addf %get3A_1, %get3A_4 : vector<1000x128xf32>
    %swap3A = arith.constant 0 : index
    %swap3A_5 = arith.constant 0 : index
    %swap3A_6 = vector.load %arg3[%swap3A, %swap3A_5] : memref<1000x128xf32, #tpu.memory_space<vmem>>, vector<1000x128xf32>
    tpu.vector_store %arg3[%swap3A, %swap3A_5], %add3A {strides = array<i32>} : memref<1000x128xf32, #tpu.memory_space<vmem>>, vector<1000x128xf32>,
    return
  }
  func.func @transform_0(%arg0: i32) -> (i32, i32) {
    %c0_i32 = arith.constant 0 : i32
    %c0_i32_0 = arith.constant 0 : i32
    return %arg0, %c0_i32 : i32, i32
  }
  func.func @transform_1(%arg0: i32) -> (i32, i32) {
    %c0_i32 = arith.constant 0 : i32
    %c0_i32_0 = arith.constant 0 : i32
    return %arg0, %c0_i32 : i32, i32
  }
  func.func @transform_2(%arg0: i32) -> (i32, i32) {
    %c0_i32 = arith.constant 0 : i32
    %c0_i32_0 = arith.constant 0 : i32
    return %arg0, %c0_i32 : i32, i32
  }
}

</mosaic_0001>

<sc_bundles>
// kernel: kernel.5.cloned.1.call-start
scs
__scs_entry_jumppad:
0x0: {  	(pc) =	sbr.rel $0x88, $3  }
0x1: {  	(tag) =	ssettag $0x0;
	lr =	simm.s32 $0x1  }
0x2: {  	[smem:$0x3F9B] =	sst lr;
	_ =	strace $0xD0000000  }
0x3: {  	_ = 	snop  }
0x4: {  	_ = 	snop  }
0x5: {  	_ = 	snop  }
0x6: {  	_ = 	snop  }
0x7: {  	_ = 	snop  }
__scs_overlays_trampoline_lowered:
0x8: {  	[smem:$0x3FAA] =	sst s0  }
0x9: {  	[smem:$0x3FAB] =	sst s1  }
0xa: {  	[smem:$0x3FAC] =	sst s2  }
0xb: {  	[smem:$0x3FAD] =	sst s3  }
0xc: {  	[smem:$0x3FAE] =	sst s4  }
0xd: {  	[smem:$0x3FAF] =	sst s5  }
0xe: {  	[smem:$0x3FB0] =	sst s6  }
0xf: {  	[smem:$0x3FB1] =	sst s7  }
0x10: {  	[smem:$0x3FB2] =	sst s8  }
0x11: {  	[smem:$0x3FB3] =	sst s9;
	s0 =	simm.s32 @!p0 $0x0  }
0x12: {  	s1 =	sld [smem:$0x3F99];
	s0 =	simm.s32 @p0 $0x1  }
0x13: {  	[smem:$0x3FB4] =	sst s0;
	s0 =	simm.s32 @!p1 $0x0  }
0x14: {  	s2 =	sld [smem:$0x3F98];
	s0 =	simm.s32 @p1 $0x1  }
0x15: {  	[smem:$0x3FB5] =	sst s0;
	s0 =	simm.s32 @!p2 $0x0  }
0x16: {  	s3 =	sld [smem:$0x3FDB];
	s0 =	simm.s32 @p2 $0x1  }
0x17: {  	s4 =	simm.s32 $0x1BF5;
	[smem:$0x3FB7] =	sst s0  }
0x18: {  	s0 =	sld [smem:$0x3F9A];
	_ =	swait.ge [sflag:s4], $0x0  }
0x19: {  	s7 =	sld [smem:$0x3F9B]  }
0x1a: {  	s8 =	sadd.s32 $0xFFFFE003, lr  }
0x1b: {  	s9 =	sadd.s32 $0xFFFFFEF7, lr;
	s5 =	simm.s32 $0xFFFFFFFF;
	p2 =	slt.u32 s8, $0xFFFFF086  }
0x1c: {  	p1 =	slt.u32 s9, $0xF7A;
	s5 =	simm.s32 @!p2 $0x0  }
0x1d: {  	s5 =	simm.s32 @p1 $0x1;
	p0 =	seq.s32 s7, s2  }
0x1e: {  	s7 =	smul.u32 @!p0 $0xF7A, s2;
	p2 =	seq.s32 @!p0 s5, $0x0  }
0x1f: {  	s9 =	smul.u32 $0xF7A, s1;
	s8 =	simm.s32 @!p0 $0x1BF5;
	p2 =	por !p2, p0  }
0x20: {  	[sflag:s8] =	ssyncset.s32 @!p0 $0xFFFFF086;
	s6 =	sadd.s32 @!p0 s3, s7;
	s7 =	simm.s32 @!p0 $0x108  }
0x21: {  	s3 =	sadd.s32 s3, s9;
	s6 =	sadd.s32 @!p0 $0x88, s6;
	s7 =	simm.s32 @p2 $0x1082  }
0x22: {  	[simem:s7], [sflag:s8] =	dma.local @!p0 [hbm:s6], $0xF7A  }
0x23: {  	s9 =	sor.u32 $0xD0000000, s2;
	s6 =	simm.s32 $0x108;
	_ =	swait.ge @!p0 [sflag:s8], $0x0  }
0x24: {  	s3 =	sadd.s32 $0x88, s3;
	s6 =	simm.s32 @!p1 $0x1082;
	[sflag:s4] =	ssyncset.s32 $0xFFFFF086  }
0x25: {  	[simem:s6], [sflag:s4] =	dma.local [hbm:s3], $0xF7A  }
0x26: {  	[smem:$0x3F9B] =	sst s1;
	(tag) =	ssettag s2;
	_ =	strace s9  }
0x27: {  	s1 =	sld [smem:$0x3FAB]  }
0x28: {  	s2 =	sld [smem:$0x3FAC]  }
0x29: {  	s4 =	sld [smem:$0x3FAE]  }
0x2a: {  	p0 =	seq.s32 s5, $0x0;
	s5 =	sld [smem:$0x3FAF]  }
0x2b: {  	s6 =	sld [smem:$0x3FB0]  }
0x2c: {  	s7 =	sld [smem:$0x3FB1]  }
0x2d: {  	s3 =	simm.s32 $0x108;
	s8 =	sld [smem:$0x3FB2]  }
0x2e: {  	s3 =	simm.s32 @!p0 $0x1082;
	s9 =	sld [smem:$0x3FB3]  }
0x2f: {  	lr =	sadd.s32 s0, s3;
	s0 =	sld [smem:$0x3FAA]  }
0x30: {  	s3 =	sld [smem:$0x3FAD]  }
0x31: {  	[smem:$0x3FB6] =	sst s10  }
0x32: {  	s10 =	sld [smem:$0x3FB4];
	_ =	sdelay $0x3  }
0x33: {  	p0 =	seq.s32 s10, $0x1;
	s10 =	sld [smem:$0x3FB6];
	_ =	sdelay $0x3  }
0x34: {  	[smem:$0x3FB6] =	sst s10  }
0x35: {  	s10 =	sld [smem:$0x3FB5];
	_ =	sdelay $0x3  }
0x36: {  	p1 =	seq.s32 s10, $0x1;
	s10 =	sld [smem:$0x3FB6];
	_ =	sdelay $0x3  }
0x37: {  	[smem:$0x3FB6] =	sst s10  }
0x38: {  	s10 =	sld [smem:$0x3FB7]  }
0x39: {  	_ = 	snop;
	(pc) =	sbr.ind lr, $3  }
0x3a: {  	_ = 	snop  }
0x3b: {  	_ = 	snop  }
0x3c: {  	p2 =	seq.s32 s10, $0x1;
	s10 =	sld [smem:$0x3FB6]  }
0x3d: {  	_ =	shalt  }
0x3e: {  	_ =	shalt  }
0x3f: {  	_ =	shalt  }
0x40: {  	_ =	shalt  }
0x41: {  	_ =	shalt  }
0x42: {  	_ =	shalt  }
0x43: {  	_ =	shalt  }
0x44: {  	_ =	shalt  }
0x45: {  	_ =	shalt  }
0x46: {  	_ =	shalt  }
0x47: {  	_ =	shalt  }
0x48: {  	_ =	shalt  }
0x49: {  	_ =	shalt  }
0x4a: {  	_ =	shalt  }
0x4b: {  	_ =	shalt  }
0x4c: {  	_ =	shalt  }
0x4d: {  	_ =	shalt  }
0x4e: {  	_ =	shalt  }
0x4f: {  	_ =	shalt  }
0x50: {  	_ =	shalt  }
0x51: {  	_ =	shalt  }
0x52: {  	_ =	shalt  }
0x53: {  	_ =	shalt  }
0x54: {  	_ =	shalt  }
0x55: {  	_ =	shalt  }
0x56: {  	_ =	shalt  }
0x57: {  	_ =	shalt  }
0x58: {  	_ =	shalt  }
0x59: {  	_ =	shalt  }
0x5a: {  	_ =	shalt  }
0x5b: {  	_ =	shalt  }
0x5c: {  	_ =	shalt  }
0x5d: {  	_ =	shalt  }
0x5e: {  	_ =	shalt  }
0x5f: {  	_ =	shalt  }
0x60: {  	_ =	shalt  }
0x61: {  	_ =	shalt  }
0x62: {  	_ =	shalt  }
0x63: {  	_ =	shalt  }
0x64: {  	_ =	shalt  }
0x65: {  	_ =	shalt  }
0x66: {  	_ =	shalt  }
0x67: {  	_ =	shalt  }
0x68: {  	_ =	shalt  }
0x69: {  	_ =	shalt  }
0x6a: {  	_ =	shalt  }
0x6b: {  	_ =	shalt  }
0x6c: {  	_ =	shalt  }
0x6d: {  	_ =	shalt  }
0x6e: {  	_ =	shalt  }
0x6f: {  	_ =	shalt  }
0x70: {  	_ =	shalt  }
0x71: {  	_ =	shalt  }
0x72: {  	_ =	shalt  }
0x73: {  	_ =	shalt  }
0x74: {  	_ =	shalt  }
0x75: {  	_ =	shalt  }
0x76: {  	_ =	shalt  }
0x77: {  	_ =	shalt  }
0x78: {  	_ =	shalt  }
0x79: {  	_ =	shalt  }
0x7a: {  	_ =	shalt  }
0x7b: {  	_ =	shalt  }
0x7c: {  	_ =	shalt  }
0x7d: {  	_ =	shalt  }
0x7e: {  	_ =	shalt  }
0x7f: {  	_ =	shalt  }
0x80: {  	_ =	shalt  }
0x81: {  	_ =	shalt  }
0x82: {  	_ =	shalt  }
0x83: {  	_ =	shalt  }
0x84: {  	_ =	shalt  }
0x85: {  	_ =	shalt  }
0x86: {  	_ =	shalt  }
0x87: {  	_ =	shalt  }
.Lfunc_end0:
.L_simem_size_0:
called_computation_lowered:
.L_overlay_start_0:
0x88: {  	s2 =	sld [smem:$0x3FD9]  }
0x89: {  	s3 =	sld [smem:$0x3FFE];
	_ =	sdelay $0x1  }
0x8a: {  	s1 =	srdreg.scid  }
0x8b: {  	s0 =	sand.u32 $0x1, s1  }
0x8c: {  	s17 =	sshll.u32 s0, $0xA;
	s2 =	sadd.s32 s3, s2  }
0x8d: {  	s2 =	sadd.s32 s2, s17  }
0x8e: {  	[smem:$0x3FC2] =	sst s2  }
0x8f: {  	_ = 	snop  }
0x90: {  	s2 =	sld [smem:$0x3FD0];
	(tm) =	ssettm $0x1  }
0x91: {  	s18 =	sld [smem:$0x3FFB];
	_ =	sdelay $0x3  }
0x92: {  	_ =	strace s18  }
0x93: {  	s3 =	sld [smem:$0x3FFC];
	_ =	sdelay $0x3  }
0x94: {  	_ =	strace s3  }
0x95: {  	s3 =	sld [smem:$0x3FFD];
	_ =	sdelay $0x3  }
0x96: {  	_ =	strace s3  }
0x97: {  	_ =	strace $0x8FFFFFFF  }
0x98: {  	s19 =	sld [smem:$0x3FDB];
	_ =	sdelay $0x1  }
0x99: {  	s4 =	simm.s32 $_scs_section_size  }
0x9a: {  	s5 =	simm.s32 $_size__tile_overlayer_lowered;
	s6 =	simm.s32 $_tile_overlayer_lowered  }
0x9b: {  	s22 =	simm.s32 $0x1BFF;
	s21 =	sshll.u32 s6, $0x1;
	s3 =	sadd.s32 s4, s19  }
0x9c: {  	s7 =	simm.s32 $0x0;
	s20 =	sshll.u32 s5, $0x1;
	s5 =	sadd.s32 s21, s3  }
0x9d: {  	[timem:s7], [sflag:s22] =	dma.local [hbm:s5], s20  }
0x9e: {  	_ =	swait.ge [sflag:s22], s20  }
0x9f: {  	s4 =	ssub.s32 $0x0, s20;
	[sflag:s22] =	ssyncset.done $0x0  }
0xa0: {  	[sflag:s22] =	ssyncadd.s32 s4;
	_ =	sdelay $0x1  }
0xa1: {  	s23 =	simm.s32 $0x1B8B  }
0xa2: {  	_ =	swait.ge [sflag:s23], $0x1  }
0xa3: {  	[sflag:s23] =	ssyncset.done $0x0  }
0xa4: {  	s25 =	simm.s32 $0x1B8E;
	s24 =	sld [smem:$0x3FFE];
	[sflag:s23] =	ssyncadd.s32 $0xFFFFFFFF  }
0xa5: {  	s26 =	simm.s32 $execute0_lowered;
	[smem:$0x3FD2] =	sst s25  }
0xa6: {  	s5 =	sshll.u32 s26, $0x1;
	_ =	strace $0x80000046;
	[dreg:$0x1] =	wrdreg $0xFFFFFFFF  }
0xa7: {  	s28 =	simm.s32 $_size_execute0_lowered;
	s3 =	sadd.s32 s3, s5;
	[dreg:$0x0] =	wrdreg $0x0  }
0xa8: {  	s5 =	sshll.u32 s28, $0x1;
	[dreg:$0x2] =	wrdreg s3  }
0xa9: {  	[dreg:$0x3] =	wrdreg s5  }
0xaa: {  	[dreg:$0x4] =	wrdreg $0xC0  }
0xab: {  	_ =	task [dreg:s7], $0x5FFFF  }
0xac: {  	[dreg:$0x1] =	wrdreg $0xFFFFFFFF  }
0xad: {  	[dreg:$0x0] =	wrdreg $0x60  }
0xae: {  	[dreg:$0x2] =	wrdreg s2  }
0xaf: {  	[dreg:$0x3] =	wrdreg s24  }
0xb0: {  	[dreg:$0x4] =	wrdreg $0x0  }
0xb1: {  	[dreg:$0x5] =	wrdreg $0x9  }
0xb2: {  	_ =	task.clear_ibuf [dreg:s7], $0x6FFFF;
	_ =	strace $0x90000046  }
0xb3: {  	s29 =	simm.s32 $0x9;
	_ =	strace $0x80000048  }
0xb4: {  	_ =	swait.ge [sflag:s29], $0x1  }
0xb5: {  	[sflag:s29] =	ssyncadd.s32 $0xFFFFFFFF  }
0xb6: {  	_ =	strace $0x90000048  }
0xb7: {  	_ =	sfence  }
0xb8: {  	s30 =	sld [smem:$0x0];
	_ =	sdelay $0x2  }
0xb9: {  	s31 =	sshll.u32 s1, $0xD;
	s1 =	sshrl.u32 s1, $0x2  }
0xba: {  	s3 =	sand.u32 $0x4000, s31;
	s1 =	sadd.s32 s1, s30  }
0xbb: {  	s0 =	sor.u32 s3, s0;
	s1 =	sshll.u32 s1, $0x11  }
0xbc: {  	s0 =	sor.u32 s1, s0  }
0xbd: {  	s0 =	sadd.s32 $0x8F2B, s0  }
0xbe: {  	[sflag:s0] =	ssyncadd.remote.s32 $0x1  }
0xbf: {  	_ =	sfence.sel $0xFFFF  }
0xc0: {  	[dreg:$0x0] =	wrdreg $0xFFFFFFFF;
	(pc) =	sbr.abs _section_cstart, $3  }
0xc1: {  	[dreg:$0x1] =	wrdreg $0xFFFFFFFF  }
0xc2: {  	_ =	task.clear_ibuf [dreg:s7], $0x2FFFF;
	_ =	strace $0x9FFFFFFF  }
0xc3: {  	(tm) =	ssettm $0x7FFFFFFF  }
tec
execute0_lowered:
.L_overlay_start_1:
0x0: {  	(tag) =	ssettag $0x1  }
0x1: {  	v0 =	vlaneseq.u32  }
0x2: {  	s1 =	rddreg [dreg:$0x0];
	v0 =	vmul.u32 $0x10, v0  }
0x3: {  	s4 =	rddreg [dreg:$0x1];
	s3 =	simm.s32 $0x0  }
0x4: {  	[smem:$0x7FF] =	sst s3;
	v3 =	vor.u32 $0x1, v0  }
0x5: {  	s2 =	rddreg [dreg:$0x2];
	_ =	strace $0x80000047;
	[tilespmem:$0x1FD90] =	vst v3;
	v3 =	vor.u32 $0x2, v0  }
0x6: {  	[tilespmem:$0x1FDA0] =	vst v3;
	v3 =	vor.u32 $0x3, v0  }
0x7: {  	s0 =	srdreg.scid;
	s11 =	stileid.u32;
	[tilespmem:$0x1FDB0] =	vst v3;
	v3 =	vor.u32 $0x4, v0  }
0x8: {  	s28 =	simm.s32 $0x50;
	s5 =	sadd.s32 $0x3C400, s4;
	s6 =	sand.u32 $0x1, s0;
	[tilespmem:$0x1FDC0] =	vst v3;
	v3 =	vor.u32 $0x5, v0  }
0x9: {  	s7 =	sadd.s32 $0x50600, s4;
	s10 =	smul.u32 $0x14000, s11;
	s0 =	ssub.s32 $0x2, s6;
	[tilespmem:$0x1FDD0] =	vst v3;
	v3 =	vor.u32 $0x6, v0  }
0xa: {  	s9 =	sshll.u32 s6, $0x4;
	s23 =	smul.u32 $0x140000, s6;
	s8 =	sshrl.u32 s0, $0x1;
	[tilespmem:$0x1FDE0] =	vst v3;
	v3 =	vor.u32 $0x7, v0  }
0xb: {  	s12 =	sadd.s32 $0x5000, s10;
	s13 =	sadd.s32 $0x7800, s10;
	s17 =	sadd.s32 $0xA000, s10;
	[tilespmem:$0x1FDF0] =	vst v3;
	v3 =	vor.u32 $0x8, v0  }
0xc: {  	s18 =	sadd.s32 $0xC800, s10;
	s6 =	sadd.s32 $0xF000, s10;
	s19 =	sadd.s32 $0x11800, s10;
	[tilespmem:$0x1FE00] =	vst v3;
	v3 =	vor.u32 $0x9, v0  }
0xd: {  	s0 =	ssub.s32 s0, s8;
	s8 =	sor.u32 s11, s9;
	s11 =	sor.u32 $0x2800, s10;
	[tilespmem:$0x1FE10] =	vst v3;
	v3 =	vor.u32 $0xA, v0  }
0xe: {  	s14 =	sadd.s32 s10, s23;
	s25 =	sadd.s32 s23, s12;
	s26 =	sadd.s32 s23, s13;
	[tilespmem:$0x1FE20] =	vst v3;
	v3 =	vor.u32 $0xB, v0  }
0xf: {  	s16 =	sadd.s32 s23, s17;
	s20 =	sadd.s32 s23, s18;
	s21 =	sadd.s32 s23, s6;
	[tilespmem:$0x1FE30] =	vst v3;
	v3 =	vor.u32 $0xC, v0  }
0x10: {  	s9 =	sadd.s32 s23, s19;
	s29 =	sadd.s32 s13, s2;
	s13 =	sadd.s32 s18, s2;
	[tilespmem:$0x1FE40] =	vst v3;
	v3 =	vor.u32 $0xD, v0  }
0x11: {  	s6 =	sadd.s32 s6, s2;
	s18 =	sadd.s32 s19, s2;
	s14 =	sshrl.u32 s14, $0x3;
	[tilespmem:$0x1FE50] =	vst v3;
	v3 =	vor.u32 $0xE, v0  }
0x12: {  	s15 =	sadd.s32 s23, s11;
	s16 =	sshrl.u32 s16, $0x3;
	[dreg:$0x13] =	wrdreg s13;
	[tilespmem:$0x1FE60] =	vst v3;
	v3 =	vor.u32 $0xF, v0  }
0x13: {  	s9 =	sshrl.u32 s9, $0x3;
	s23 =	smul.u32 $0x27B0, s8;
	[dreg:$0x14] =	wrdreg s6;
	[tilespmem:$0x1FE70] =	vst v3;
	v3 =	vor.u32 $0x100, v0  }
0x14: {  	[dreg:$0x15] =	wrdreg s18;
	s0 =	smax.u32 s0, $0x1;
	s13 =	simm.s32 $0x14050;
	[tilespmem:$0x1FE80] =	vst v3;
	v3 =	vor.u32 $0x101, v0  }
0x15: {  	s18 =	simm.s32 $0x3;
	s8 =	simm.s32 $0x1B940;
	s6 =	simm.s32 $0x0;
	[tilespmem:$0x1FE90] =	vst v3;
	v3 =	vor.u32 $0x102, v0  }
0x16: {  	[dreg:$0x11] =	wrdreg s29;
	s14 =	sadd.s32 s7, s14;
	s24 =	sshrl.u32 s15, $0x3;
	[tilespmem:$0x1FEA0] =	vst v3;
	v3 =	vor.u32 $0x103, v0  }
0x17: {  	s15 =	sshrl.u32 s26, $0x3;
	s26 =	sadd.s32 s12, s2;
	[dreg:$0x1c] =	wrdreg s0;
	[tilespmem:$0x1FEB0] =	vst v3;
	v3 =	vor.u32 $0x104, v0  }
0x18: {  	s12 =	sadd.s32 s17, s2;
	[dreg:$0x4] =	wrdreg s14;
	s14 =	sadd.s32 s7, s24;
	[tilespmem:$0x1FEC0] =	vst v3;
	v3 =	vor.u32 $0x105, v0  }
0x19: {  	s15 =	sadd.s32 s7, s15;
	s24 =	sadd.s32 s10, s2;
	[dreg:$0x12] =	wrdreg s12;
	[tilespmem:$0x1FED0] =	vst v3;
	v3 =	vor.u32 $0x106, v0  }
0x1a: {  	s30 =	sadd.s32 $0xA0, s23;
	s31 =	sadd.s32 $0xF0, s23;
	[dreg:$0x10] =	wrdreg s26;
	[tilespmem:$0x1FEE0] =	vst v3;
	v3 =	vor.u32 $0x107, v0  }
0x1b: {  	s10 =	simm.s32 $0x19140;
	s12 =	simm.s32 $0x140A0;
	[dreg:$0x5] =	wrdreg s14;
	[tilespmem:$0x1FEF0] =	vst v3;
	v3 =	vor.u32 $0x108, v0  }
0x1c: {  	s14 =	sshrl.u32 s25, $0x3;
	[dreg:$0x7] =	wrdreg s15;
	s15 =	sshrl.u32 s21, $0x3;
	[tilespmem:$0x1FF00] =	vst v3;
	v3 =	vor.u32 $0x109, v0  }
0x1d: {  	s25 =	sadd.s32 s11, s2;
	s11 =	sshrl.u32 s23, $0x3;
	[dreg:$0xe] =	wrdreg s24;
	[tilespmem:$0x1FF10] =	vst v3;
	v3 =	vor.u32 $0x10A, v0  }
0x1e: {  	s14 =	sadd.s32 s7, s14;
	s22 =	sadd.s32 s7, s15;
	[dreg:$0xf] =	wrdreg s25;
	[tilespmem:$0x1FF20] =	vst v3;
	v3 =	vor.u32 $0x10B, v0  }
0x1f: {  	s15 =	sadd.s32 $0xA400, s4;
	s17 =	sadd.s32 $0xA, s11;
	[dreg:$0x6] =	wrdreg s14;
	[tilespmem:$0x1FF30] =	vst v3;
	v3 =	vor.u32 $0x10C, v0  }
0x20: {  	s14 =	sadd.s32 s7, s16;
	[dreg:$0xa] =	wrdreg s22;
	s16 =	sadd.s32 $0x400, s4;
	[tilespmem:$0x1FF40] =	vst v3;
	v3 =	vor.u32 $0x10D, v0  }
0x21: {  	s19 =	sadd.s32 s15, s17;
	s21 =	sadd.s32 s15, s11;
	[dreg:$0x8] =	wrdreg s14;
	[tilespmem:$0x1FF50] =	vst v3;
	v3 =	vor.u32 $0x10E, v0  }
0x22: {  	s14 =	sshrl.u32 s20, $0x3;
	[dreg:$0x16] =	wrdreg s19;
	s20 =	sadd.s32 s16, s17;
	[tilespmem:$0x1FF60] =	vst v3;
	v3 =	vor.u32 $0x10F, v0  }
0x23: {  	[dreg:$0x18] =	wrdreg s21;
	s22 =	sadd.s32 s16, s11;
	s17 =	simm.s32 $0x140F0;
	[tilespmem:$0x1FF70] =	vst v3;
	v3 =	vor.u32 $0x200, v0  }
0x24: {  	v1 =	vimm.f32 $0.0e+00;
	s19 =	simm.s32 $0x1;
	s21 =	simm.s32 $0x1E690;
	[dreg:$0x17] =	wrdreg s20;
	[tilespmem:$0x1FF80] =	vst v3;
	v3 =	vor.u32 $0x201, v0  }
0x25: {  	v2 =	vimm.bf16 $0.0e+00;
	v42 =	vor.u32 $0x208, v0;
	s14 =	sadd.s32 s7, s14;
	s7 =	sadd.s32 s7, s9;
	[dreg:$0x19] =	wrdreg s22;
	[tilespmem:$0x1FF90] =	vst v3;
	v3 =	vor.u32 $0x202, v0  }
0x26: {  	v43 =	vor.u32 $0x209, v0;
	v44 =	vor.u32 $0x20A, v0;
	s9 =	sadd.s32 $0x200, s4;
	s20 =	simm.s32 $0x1E190;
	[dreg:$0x9] =	wrdreg s14;
	[tilespmem:$0x1FFA0] =	vst v3;
	v3 =	vor.u32 $0x203, v0  }
0x27: {  	v45 =	vor.u32 $0x20B, v0;
	v46 =	vor.u32 $0x20C, v0;
	[dreg:$0xb] =	wrdreg s7;
	s14 =	sadd.s32 $0x14400, s4;
	s4 =	sadd.s32 $0x50400, s4;
	[tilespmem:$0x1FFB0] =	vst v3;
	v3 =	vor.u32 $0x204, v0  }
0x28: {  	v47 =	vor.u32 $0x20D, v0;
	v48 =	vor.u32 $0x20E, v0;
	s22 =	simm.s32 $0x2;
	[dreg:$0xd] =	wrdreg s4;
	s4 =	sadd.s32 $0x4EC, s11;
	[tilespmem:$0x1FFC0] =	vst v3;
	v3 =	vor.u32 $0x205, v0  }
0x29: {  	v49 =	vor.u32 $0x20F, v0;
	v50 =	vor.u32 $0x300, v0;
	[dreg:$0xc] =	wrdreg s9;
	s9 =	simm.s32 $0x5;
	s23 =	sadd.s32 s15, s4;
	[tilespmem:$0x1FFD0] =	vst v3;
	v3 =	vor.u32 $0x206, v0  }
0x2a: {  	v51 =	vor.u32 $0x301, v0;
	v52 =	vor.u32 $0x302, v0;
	s7 =	simm.s32 $0x17D40;
	s4 =	sadd.s32 s16, s4;
	[dreg:$0x1a] =	wrdreg s23;
	[tilespmem:$0x1FFE0] =	vst v3;
	v3 =	vor.u32 $0x207, v0  }
0x2b: {  	v53 =	vor.u32 $0x303, v0;
	v54 =	vor.u32 $0x304, v0;
	v55 =	vor.u32 $0x305, v0;
	s11 =	simm.s32 $0x14000;
	[dreg:$0x1b] =	wrdreg s4;
	s4 =	simm.s32 $0x4;
	[tilespmem:$0x1FFF0] =	vst v3  }
.LBB2_1:
0x2c: {  	[dreg:$0x1d] =	wrdreg s6  }
0x2d: {  	s0 =	rddreg [dreg:$0xc];
	s23 =	simm.s32 $0x1E140  }
0x2e: {  	[tilespmem:s23], [sflag:$0x5] =	stream.linear.gather [hbm4b:s0+s3], $0x40, $0x38;
	[tilespmem:$0x1E6E0] =	vst v63  }
0x2f: {  	_ =	swait.ge [sflag:s9], $0x40  }
0x30: {  	[sflag:s9] =	ssyncset.done $0x0  }
0x31: {  	s23 =	simm.s32 $0x1E180;
	s6 =	rddreg [dreg:$0xd];
	[sflag:s9] =	ssyncadd.s32 $0xFFFFFFC0  }
0x32: {  	[tilespmem:s23], [sflag:$0x5] =	stream.linear.gather [hbm4b:s6+s3], $0x10, $0x38;
	[tilespmem:$0x1E6E0] =	vst v63  }
0x33: {  	_ =	swait.ge [sflag:s9], $0x10  }
0x34: {  	[sflag:s9] =	ssyncset.done $0x0  }
0x35: {  	s0 =	simm.s32 $0x0;
	s23 =	simm.s32 $0x200;
	[sflag:s9] =	ssyncadd.s32 $0xFFFFFFF0  }
.LBB2_2:
0x36: {  	p0 =	sne.s32 s23, $0x9E00;
	[tilespmem:s0+$0x191B0] =	vst v1  }
0x37: {  	[tilespmem:s0+$0x19140] =	vst v1  }
0x38: {  	[tilespmem:s0+$0x19150] =	vst v1  }
.Ltmp0:
0x39: {  	[tilespmem:s0+$0x19160] =	vst v1;
	(pc) =	sbr.rel @p0 .LBB2_2-.Ltmp0, $4  }
0x3a: {  	[tilespmem:s0+$0x19170] =	vst v1  }
0x3b: {  	[tilespmem:s0+$0x19180] =	vst v1  }
0x3c: {  	[tilespmem:s0+$0x19190] =	vst v1  }
0x3d: {  	[tilespmem:s0+$0x191A0] =	vst v1;
	s0 =	sshra.s32 s23, $0x2;
	s23 =	sadd.s32 $0x200, s23  }
0x3e: {  	[tilespmem:s0+$0x191B0] =	vst v1  }
0x3f: {  	[tilespmem:s0+$0x19140] =	vst v1  }
0x40: {  	[tilespmem:s0+$0x19150] =	vst v1  }
0x41: {  	[tilespmem:s0+$0x19160] =	vst v1  }
0x42: {  	[tilespmem:s0+$0x19170] =	vst v1  }
0x43: {  	[tilespmem:s0+$0x19180] =	vst v1  }
0x44: {  	[tilespmem:s0+$0x19190] =	vst v1  }
0x45: {  	[tilespmem:s0+$0x191A0] =	vst v1  }
0x46: {  	[spmem:s24] =	stream.linear.scatter [tilespmem:s10], [sflag:$0x5], $0x2800, $0x38;
	[tilespmem:$0x1E6E0] =	vst v63  }
0x47: {  	_ =	swait.ge [sflag:s9], $0x2800  }
0x48: {  	[sflag:s9] =	ssyncset.done $0x0  }
0x49: {  	[sflag:s9] =	ssyncadd.s32 $0xFFFFD800  }
0x4a: {  	[spmem:s25] =	stream.linear.scatter [tilespmem:s10], [sflag:$0x5], $0x2800, $0x38;
	[tilespmem:$0x1E6E0] =	vst v63  }
0x4b: {  	_ =	swait.ge [sflag:s9], $0x2800  }
0x4c: {  	[sflag:s9] =	ssyncset.done $0x0  }
0x4d: {  	[sflag:s9] =	ssyncadd.s32 $0xFFFFD800  }
0x4e: {  	[spmem:s26] =	stream.linear.scatter [tilespmem:s10], [sflag:$0x5], $0x2800, $0x38;
	[tilespmem:$0x1E6E0] =	vst v63  }
0x4f: {  	_ =	swait.ge [sflag:s9], $0x2800  }
0x50: {  	[sflag:s9] =	ssyncset.done $0x0  }
0x51: {  	[sflag:s9] =	ssyncadd.s32 $0xFFFFD800  }
0x52: {  	[spmem:s29] =	stream.linear.scatter [tilespmem:s10], [sflag:$0x5], $0x2800, $0x38;
	[tilespmem:$0x1E6E0] =	vst v63  }
0x53: {  	_ =	swait.ge [sflag:s9], $0x2800  }
0x54: {  	[sflag:s9] =	ssyncset.done $0x0  }
0x55: {  	s23 =	rddreg [dreg:$0x12];
	[sflag:s9] =	ssyncadd.s32 $0xFFFFD800  }
0x56: {  	[spmem:s23] =	stream.linear.scatter [tilespmem:s10], [sflag:$0x5], $0x2800, $0x38;
	[tilespmem:$0x1E6E0] =	vst v63  }
0x57: {  	_ =	swait.ge [sflag:s9], $0x2800  }
0x58: {  	[sflag:s9] =	ssyncset.done $0x0  }
0x59: {  	s24 =	rddreg [dreg:$0x13];
	[sflag:s9] =	ssyncadd.s32 $0xFFFFD800  }
0x5a: {  	[spmem:s24] =	stream.linear.scatter [tilespmem:s10], [sflag:$0x5], $0x2800, $0x38;
	[tilespmem:$0x1E6E0] =	vst v63  }
0x5b: {  	_ =	swait.ge [sflag:s9], $0x2800  }
0x5c: {  	[sflag:s9] =	ssyncset.done $0x0  }
0x5d: {  	s25 =	rddreg [dreg:$0x14];
	[sflag:s9] =	ssyncadd.s32 $0xFFFFD800  }
0x5e: {  	[spmem:s25] =	stream.linear.scatter [tilespmem:s10], [sflag:$0x5], $0x2800, $0x38;
	[tilespmem:$0x1E6E0] =	vst v63  }
0x5f: {  	_ =	swait.ge [sflag:s9], $0x2800  }
0x60: {  	[sflag:s9] =	ssyncset.done $0x0  }
0x61: {  	s26 =	rddreg [dreg:$0x15];
	[sflag:s9] =	ssyncadd.s32 $0xFFFFD800  }
0x62: {  	[spmem:s26] =	stream.linear.scatter [tilespmem:s10], [sflag:$0x5], $0x2800, $0x38;
	[tilespmem:$0x1E6E0] =	vst v63  }
0x63: {  	_ =	swait.ge [sflag:s9], $0x2800  }
0x64: {  	[sflag:s9] =	ssyncset.done $0x0  }
0x65: {  	[sflag:s9] =	ssyncadd.s32 $0xFFFFD800  }
0x66: {  	[bflag:$0x0] =	sbarrier.arrive $0xFFFF  }
0x67: {  	s24 =	simm.s32 $0x0;
	s29 =	rddreg [dreg:$0x18]  }
0x68: {  	[tilespmem:s11], [sflag:$0x3] =	stream.linear.gather [hbm4b:s29+s24], $0x50, $0x38;
	[tilespmem:$0x1E6E0] =	vst v63  }
0x69: {  	s6 =	rddreg [dreg:$0x19]  }
0x6a: {  	[tilespmem:s12], [sflag:$0x3] =	stream.linear.gather [hbm4b:s6+s24], $0x50, $0x38;
	[tilespmem:$0x1E6E0] =	vst v63  }
0x6b: {  	s23 =	rddreg [dreg:$0x16]  }
0x6c: {  	[tilespmem:s13], [sflag:$0x4] =	stream.linear.gather [hbm4b:s23+s24], $0x50, $0x38;
	[tilespmem:$0x1E6E0] =	vst v63  }
0x6d: {  	s25 =	rddreg [dreg:$0x17]  }
0x6e: {  	[tilespmem:s17], [sflag:$0x4] =	stream.linear.gather [hbm4b:s25+s24], $0x50, $0x38;
	[tilespmem:$0x1E6E0] =	vst v63  }
0x6f: {  	_ =	swait.ge [sflag:s18], $0x50  }
0x70: {  	[sflag:s18] =	ssyncset.done $0x0  }
0x71: {  	[sflag:s18] =	ssyncadd.s32 $0xFFFFFFB0  }
0x72: {  	_ =	swait.ge [sflag:s18], $0x50  }
0x73: {  	[sflag:s18] =	ssyncset.done $0x0  }
0x74: {  	s26 =	simm.s32 $0x14140;
	[sflag:s18] =	ssyncadd.s32 $0xFFFFFFB0  }
0x75: {  	[tilespmem:s26], [sflag:$0x1] =	stream.indirect.gather [hbm4b:s1+s28], $0x40, s11, s28, $0xb8;
	[tilespmem:$0x1E6E0] =	vst v63  }
0x76: {  	s29 =	simm.s32 $0x16940  }
0x77: {  	[tilespmem:s29], [sflag:$0x1] =	stream.indirect.gather [hbm4b:s5+s28], $0x40, s12, s28, $0xb8;
	[tilespmem:$0x1E6E0] =	vst v63  }
0x78: {  	_ = 	snop  }
0x79: {  	[tilespmem:s10], [sflag:$0x1] =	stream.indirect.gather [hbm4b:s14+s28], $0x80, s12, s28, $0xb8;
	[tilespmem:$0x1E6E0] =	vst v63  }
.LBB2_4:
0x7a: {  	_ =	swait.ge [sflag:s4], $0x50  }
0x7b: {  	[sflag:s4] =	ssyncset.done $0x0  }
0x7c: {  	[sflag:s4] =	ssyncadd.s32 $0xFFFFFFB0  }
0x7d: {  	_ =	swait.ge [sflag:s4], $0x50  }
0x7e: {  	[sflag:s4] =	ssyncset.done $0x0  }
0x7f: {  	s0 =	simm.s32 $0x15540;
	[sflag:s4] =	ssyncadd.s32 $0xFFFFFFB0  }
0x80: {  	[tilespmem:s0], [sflag:$0x2] =	stream.indirect.gather [hbm4b:s1+s28], $0x40, s13, s28, $0xb8;
	[tilespmem:$0x1E6E0] =	vst v63  }
0x81: {  	_ = 	snop  }
0x82: {  	[tilespmem:s7], [sflag:$0x2] =	stream.indirect.gather [hbm4b:s5+s28], $0x40, s17, s28, $0xb8;
	[tilespmem:$0x1E6E0] =	vst v63  }
0x83: {  	_ = 	snop  }
0x84: {  	[tilespmem:s8], [sflag:$0x2] =	stream.indirect.gather [hbm4b:s14+s28], $0x80, s17, s28, $0xb8;
	[tilespmem:$0x1E6E0] =	vst v63  }
0x85: {  	_ =	swait.ge [sflag:s19], $0x1400  }
0x86: {  	[sflag:s19] =	ssyncset.done $0x0  }
0x87: {  	[sflag:s19] =	ssyncadd.s32 $0xFFFFEC00  }
0x88: {  	_ =	swait.ge [sflag:s19], $0x1400  }
0x89: {  	[sflag:s19] =	ssyncset.done $0x0  }
0x8a: {  	[sflag:s19] =	ssyncadd.s32 $0xFFFFEC00  }
0x8b: {  	_ =	swait.ge [sflag:s19], $0x2800  }
0x8c: {  	[sflag:s19] =	ssyncset.done $0x0  }
0x8d: {  	[sflag:s19] =	ssyncadd.s32 $0xFFFFD800  }
0x8e: {  	v3 =	vld [tilespmem:$0x1E140]  }
0x8f: {  	v6 =	vld [tilespmem:$0x1E150]  }
0x90: {  	v4 =	vld [tilespmem:$0x1E160]  }
0x91: {  	s6 =	simm.s32 $0x141C0;
	v5 =	vld [tilespmem:$0x1E170]  }
0x92: {  	s25 =	simm.s32 $0x169C0;
	v8 =	vld [tilespmem:s6+$0x40]  }
0x93: {  	v9 =	vld [tilespmem:s25+$0x40]  }
0x94: {  	v10 =	vld [tilespmem:s6+$0x50]  }
0x95: {  	v11 =	vld [tilespmem:s25+$0x50]  }
0x96: {  	v12 =	vld [tilespmem:s6+$0x60]  }
0x97: {  	v13 =	vld [tilespmem:s25+$0x60]  }
0x98: {  	v14 =	vld [tilespmem:s6+$0x70]  }
0x99: {  	v15 =	vld [tilespmem:s25+$0x70]  }
0x9a: {  	v16 =	vld [tilespmem:s6+$0xFFFFFF90]  }
0x9b: {  	v17 =	vld [tilespmem:s25+$0xFFFFFF90]  }
0x9c: {  	v18 =	vld [tilespmem:s6+$0xFFFFFFA0]  }
0x9d: {  	v19 =	vld [tilespmem:s25+$0xFFFFFFA0]  }
0x9e: {  	v20 =	vld [tilespmem:s6+$0xFFFFFFD0]  }
0x9f: {  	v21 =	vld [tilespmem:s25+$0xFFFFFFD0];
	v8 =	vadd.bf16 v9, v8  }
0xa0: {  	v22 =	vld [tilespmem:s6+$0xFFFFFFE0];
	v10 =	vadd.bf16 v11, v10;
	v11 =	vadd.bf16 v13, v12  }
0xa1: {  	v9 =	vld [tilespmem:s6+$0xFFFFFFB0];
	v13 =	vadd.bf16 v15, v14  }
0xa2: {  	v12 =	vld [tilespmem:s25+$0xFFFFFFB0];
	v8 =	vmax.bf16 v8, v2;
	v10 =	vmax.bf16 v10, v2;
	v11 =	vmax.bf16 v11, v2  }
0xa3: {  	v14 =	vld [tilespmem:s6+$0xFFFFFFC0];
	v13 =	vmax.bf16 v13, v2;
	v8 =	vmul.bf16 v8, v3;
	v10 =	vmul.bf16 v10, v6  }
0xa4: {  	v15 =	vld [tilespmem:s25+$0xFFFFFFC0];
	v11 =	vmul.bf16 v11, v4;
	v13 =	vmul.bf16 v13, v5  }
0xa5: {  	v16 =	vadd.bf16 v17, v16;
	v17 =	vld [tilespmem:s25+$0xFFFFFFF0];
	v8 =	vadd.bf16 v10, v8  }
0xa6: {  	v10 =	vadd.bf16 v13, v11;
	v11 =	vld [tilespmem:s25+$0xFFFFFFE0];
	v13 =	vadd.bf16 v19, v18  }
0xa7: {  	v9 =	vadd.bf16 v12, v9;
	v12 =	vld [tilespmem:s6+$0xFFFFFFF0]  }
0xa8: {  	v18 =	vld [tilespmem:s6+$0x0];
	v19 =	vadd.bf16 v21, v20;
	v8 =	vadd.bf16 v10, v8;
	v10 =	vmax.bf16 v13, v2  }
0xa9: {  	v9 =	vmax.bf16 v9, v2;
	v13 =	vadd.bf16 v15, v14;
	v14 =	vld [tilespmem:s25+$0x0];
	v10 =	vmul.bf16 v10, v4  }
0xaa: {  	v7 =	vld [tilespmem:s25+$0xFFFFFF80];
	v9 =	vmul.bf16 v9, v5;
	v15 =	vunpack.i.u.bf16.f32 v8;
	v8 =	vunpack.i.l.bf16.f32 v8  }
0xab: {  	v23 =	vld [tilespmem:s25+$0x10];
	v13 =	vmax.bf16 v13, v2;
	v63 =	vadd.f32 v8, v15;
	v8 =	vmax.bf16 v16, v2  }
0xac: {  	v20 =	vld [tilespmem:s6+$0x10];
	v9 =	vadd.bf16 v9, v10;
	v15 =	vmax.bf16 v19, v2;
	v11 =	vadd.bf16 v11, v22  }
0xad: {  	v10 =	vld [tilespmem:s6+$0x20];
	v16 =	vmul.bf16 v13, v3;
	v17 =	vadd.bf16 v17, v12;
	v19 =	vmul.bf16 v15, v6  }
0xae: {  	v13 =	vld [tilespmem:s25+$0x20];
	v11 =	vmax.bf16 v11, v2;
	v18 =	vadd.bf16 v14, v18  }
0xaf: {  	v12 =	vld [tilespmem:s6+$0x30];
	v15 =	vmul.bf16 v11, v4;
	v11 =	vadd.bf16 v19, v16;
	v16 =	vmax.bf16 v17, v2  }
0xb0: {  	s23 =	simm.s32 $0x1E1B0;
	v14 =	vld [tilespmem:s25+$0x30];
	v17 =	vmul.bf16 v16, v5  }
0xb1: {  	s26 =	simm.s32 $0x0;
	s29 =	simm.s32 $0x142C0;
	v8 =	vmul.bf16 v8, v6;
	[tilespmem:s23+$0x10] =	vst v63;
	v19 =	vadd.bf16 v23, v20;
	v16 =	vld [tilespmem:s6+$0xFFFFFF80];
	v18 =	vmax.bf16 v18, v2  }
.LBB2_5:
0xb2: {  	v20 =	vld [tilespmem:s29+$0x40];
	v15 =	vadd.bf16 v17, v15;
	v17 =	vmul.bf16 v18, v3;
	s25 =	sadd.s32 $0x100, s25  }
0xb3: {  	v18 =	vld [tilespmem:s25+$0x40];
	v19 =	vmax.bf16 v19, v2;
	v10 =	vadd.bf16 v13, v10  }
0xb4: {  	v13 =	vld [tilespmem:s29+$0x50];
	v11 =	vadd.bf16 v15, v11;
	v15 =	vmul.bf16 v19, v6  }
0xb5: {  	v19 =	vld [tilespmem:s25+$0x50];
	v10 =	vmax.bf16 v10, v2;
	v12 =	vadd.bf16 v14, v12  }
0xb6: {  	v14 =	vld [tilespmem:s29+$0x60];
	v7 =	vadd.bf16 v7, v16;
	v10 =	vmul.bf16 v10, v4;
	v15 =	vadd.bf16 v15, v17  }
0xb7: {  	v17 =	vunpack.i.u.bf16.f32 v11;
	v11 =	vunpack.i.l.bf16.f32 v11;
	v16 =	vld [tilespmem:s25+$0x60];
	v12 =	vmax.bf16 v12, v2  }
0xb8: {  	v11 =	vadd.f32 v11, v17;
	v21 =	vld [tilespmem:s29+$0x70];
	v7 =	vmax.bf16 v7, v2;
	v12 =	vmul.bf16 v12, v5  }
0xb9: {  	s26 =	sadd.s32 $0x4, s26;
	v17 =	vld [tilespmem:s25+$0x70];
	v22 =	vmul.bf16 v7, v3  }
0xba: {  	p0 =	slt.u32 s26, $0x4C;
	v7 =	vld [tilespmem:s25+$0xFFFFFF80];
	[tilespmem:s23+$0xFFFFFFF0] =	vst v11;
	v10 =	vadd.bf16 v12, v10  }
0xbb: {  	v11 =	vld [tilespmem:s29+$0xFFFFFF90];
	v8 =	vadd.bf16 v8, v22  }
0xbc: {  	v18 =	vadd.bf16 v18, v20;
	v12 =	vld [tilespmem:s25+$0xFFFFFF90];
	v10 =	vadd.bf16 v10, v15  }
0xbd: {  	v13 =	vadd.bf16 v19, v13;
	v14 =	vadd.bf16 v16, v14;
	v15 =	vld [tilespmem:s29+$0xFFFFFFA0]  }
0xbe: {  	v8 =	vadd.bf16 v9, v8;
	v16 =	vld [tilespmem:s25+$0xFFFFFFA0];
	v17 =	vadd.bf16 v17, v21;
	v9 =	vunpack.i.u.bf16.f32 v10  }
0xbf: {  	v18 =	vmax.bf16 v18, v2;
	v13 =	vmax.bf16 v13, v2;
	v14 =	vmax.bf16 v14, v2;
	v19 =	vld [tilespmem:s29+$0xFFFFFFB0]  }
0xc0: {  	v18 =	vmul.bf16 v18, v3;
	v13 =	vmul.bf16 v13, v6;
	v20 =	vld [tilespmem:s25+$0xFFFFFFB0];
	v17 =	vmax.bf16 v17, v2  }
0xc1: {  	v14 =	vmul.bf16 v14, v4;
	v11 =	vadd.bf16 v12, v11;
	v12 =	vld [tilespmem:s29+$0xFFFFFFC0];
	v17 =	vmul.bf16 v17, v5  }
0xc2: {  	v10 =	vunpack.i.l.bf16.f32 v10;
	v22 =	vunpack.i.u.bf16.f32 v8;
	v23 =	vunpack.i.l.bf16.f32 v8;
	v21 =	vld [tilespmem:s25+$0xFFFFFFC0]  }
0xc3: {  	v13 =	vadd.bf16 v13, v18;
	v8 =	vmax.bf16 v11, v2;
	v11 =	vld [tilespmem:s29+$0xFFFFFFD0];
	v14 =	vadd.bf16 v17, v14  }
0xc4: {  	v15 =	vadd.bf16 v16, v15;
	v17 =	vadd.f32 v23, v22;
	v8 =	vmul.bf16 v8, v6;
	v16 =	vld [tilespmem:s25+$0xFFFFFFD0]  }
0xc5: {  	v18 =	vadd.bf16 v20, v19;
	v19 =	vld [tilespmem:s29+$0xFFFFFFE0];
	v13 =	vadd.bf16 v14, v13  }
0xc6: {  	v9 =	vadd.f32 v10, v9;
	v14 =	vmax.bf16 v15, v2;
	v15 =	vld [tilespmem:s25+$0xFFFFFFE0];
	[tilespmem:s23+$0xFFFFFFE0] =	vst v17  }
0xc7: {  	v10 =	vadd.bf16 v21, v12;
	v12 =	vld [tilespmem:s29+$0xFFFFFFF0];
	v17 =	vunpack.i.u.bf16.f32 v13;
	v13 =	vunpack.i.l.bf16.f32 v13  }
0xc8: {  	v14 =	vmul.bf16 v14, v4;
	v18 =	vmax.bf16 v18, v2;
	v20 =	vld [tilespmem:s25+$0xFFFFFFF0];
	v13 =	vadd.f32 v13, v17;
	[tilespmem:s23+$0x0] =	vst v9  }
0xc9: {  	v9 =	vmul.bf16 v18, v5;
	s23 =	sadd.s32 $0x40, s23;
	v10 =	vmax.bf16 v10, v2;
	v11 =	vadd.bf16 v16, v11;
	v16 =	vld [tilespmem:s29+$0x0]  }
0xca: {  	v17 =	vmul.bf16 v10, v3;
	v18 =	vld [tilespmem:s25+$0x0];
	[tilespmem:s23+$0x10] =	vst v13  }
0xcb: {  	v9 =	vadd.bf16 v9, v14;
	v10 =	vmax.bf16 v11, v2;
	v11 =	vadd.bf16 v15, v19;
	v19 =	vld [tilespmem:s29+$0x10]  }
0xcc: {  	v13 =	vmul.bf16 v10, v6;
	v21 =	vld [tilespmem:s25+$0x10]  }
.Ltmp1:
0xcd: {  	v11 =	vmax.bf16 v11, v2;
	v12 =	vadd.bf16 v20, v12;
	v10 =	vld [tilespmem:s29+$0x20];
	(pc) =	sbr.rel @p0 .LBB2_5-.Ltmp1, $4  }
0xce: {  	v15 =	vmul.bf16 v11, v4;
	v11 =	vadd.bf16 v13, v17;
	v13 =	vld [tilespmem:s25+$0x20]  }
0xcf: {  	v14 =	vmax.bf16 v12, v2;
	v18 =	vadd.bf16 v18, v16;
	v12 =	vld [tilespmem:s29+$0x30]  }
0xd0: {  	v17 =	vmul.bf16 v14, v5;
	v14 =	vld [tilespmem:s25+$0x30]  }
0xd1: {  	v16 =	vld [tilespmem:s29+$0xFFFFFF80];
	v18 =	vmax.bf16 v18, v2;
	v19 =	vadd.bf16 v21, v19;
	s29 =	sadd.s32 $0x100, s29  }
0xd2: {  	_ =	sdelay $0x1  }
0xd3: {  	v10 =	vadd.bf16 v13, v10  }
0xd4: {  	v12 =	vadd.bf16 v14, v12  }
0xd5: {  	v13 =	vmul.bf16 v18, v3;
	v10 =	vmax.bf16 v10, v2;
	v7 =	vadd.bf16 v7, v16  }
0xd6: {  	v16 =	vmax.bf16 v19, v2;
	v4 =	vmul.bf16 v10, v4;
	v12 =	vmax.bf16 v12, v2  }
0xd7: {  	v6 =	vmul.bf16 v16, v6;
	v7 =	vmax.bf16 v7, v2;
	v5 =	vmul.bf16 v12, v5  }
0xd8: {  	v15 =	vadd.bf16 v17, v15;
	v3 =	vmul.bf16 v7, v3  }
0xd9: {  	v6 =	vadd.bf16 v6, v13;
	v4 =	vadd.bf16 v5, v4  }
0xda: {  	v7 =	vadd.bf16 v15, v11;
	v3 =	vadd.bf16 v8, v3  }
0xdb: {  	v4 =	vadd.bf16 v4, v6  }
0xdc: {  	v5 =	vunpack.i.u.bf16.f32 v7;
	v7 =	vunpack.i.l.bf16.f32 v7;
	v3 =	vadd.bf16 v9, v3  }
0xdd: {  	v5 =	vadd.f32 v7, v5;
	v7 =	vunpack.i.u.bf16.f32 v4;
	v4 =	vunpack.i.l.bf16.f32 v4  }
0xde: {  	v6 =	vunpack.i.u.bf16.f32 v3;
	v3 =	vunpack.i.l.bf16.f32 v3;
	v4 =	vadd.f32 v4, v7  }
0xdf: {  	[tilespmem:s23+$0xFFFFFFF0] =	vst v5;
	v3 =	vadd.f32 v3, v6  }
0xe0: {  	[tilespmem:s23+$0x0] =	vst v4  }
0xe1: {  	[tilespmem:s23+$0xFFFFFFE0] =	vst v3  }
0xe2: {  	v3 =	vld.idx.msk [tilespmem:v0+s20+$0x0], $0xffff  }
0xe3: {  	v4 =	vld [tilespmem:$0x1FD90]  }
0xe4: {  	v5 =	vld [tilespmem:$0x1FDA0]  }
0xe5: {  	v6 =	vld [tilespmem:$0x1FDB0]  }
0xe6: {  	v7 =	vld [tilespmem:$0x1FDC0]  }
0xe7: {  	v8 =	vld [tilespmem:$0x1FDD0]  }
0xe8: {  	v9 =	vld [tilespmem:$0x1FDE0]  }
0xe9: {  	v10 =	vld [tilespmem:$0x1FDF0]  }
0xea: {  	v11 =	vld [tilespmem:$0x1FE00]  }
0xeb: {  	v12 =	vld [tilespmem:$0x1FE10]  }
0xec: {  	v13 =	vld [tilespmem:$0x1FE20]  }
0xed: {  	v14 =	vld [tilespmem:$0x1FE30]  }
0xee: {  	v15 =	vld [tilespmem:$0x1FE40]  }
0xef: {  	v16 =	vld [tilespmem:$0x1FE50]  }
0xf0: {  	v17 =	vld [tilespmem:$0x1FE60]  }
0xf1: {  	v18 =	vld [tilespmem:$0x1FE70]  }
0xf2: {  	v4 =	vld.idx.msk [tilespmem:v4+s20+$0x0], $0xffff  }
0xf3: {  	v5 =	vld.idx.msk [tilespmem:v5+s20+$0x0], $0xffff  }
0xf4: {  	v6 =	vld.idx.msk [tilespmem:v6+s20+$0x0], $0xffff  }
0xf5: {  	v7 =	vld.idx.msk [tilespmem:v7+s20+$0x0], $0xffff  }
0xf6: {  	v8 =	vld.idx.msk [tilespmem:v8+s20+$0x0], $0xffff  }
0xf7: {  	v9 =	vld.idx.msk [tilespmem:v9+s20+$0x0], $0xffff  }
0xf8: {  	v10 =	vld.idx.msk [tilespmem:v10+s20+$0x0], $0xffff  }
0xf9: {  	v11 =	vld.idx.msk [tilespmem:v11+s20+$0x0], $0xffff  }
0xfa: {  	v12 =	vld.idx.msk [tilespmem:v12+s20+$0x0], $0xffff  }
0xfb: {  	v13 =	vld.idx.msk [tilespmem:v13+s20+$0x0], $0xffff  }
0xfc: {  	v14 =	vld.idx.msk [tilespmem:v14+s20+$0x0], $0xffff  }
0xfd: {  	v15 =	vld.idx.msk [tilespmem:v15+s20+$0x0], $0xffff  }
0xfe: {  	v16 =	vld.idx.msk [tilespmem:v16+s20+$0x0], $0xffff  }
0xff: {  	v17 =	vld.idx.msk [tilespmem:v17+s20+$0x0], $0xffff  }
0x100: {  	v18 =	vld.idx.msk [tilespmem:v18+s20+$0x0], $0xffff;
	_ =	sdelay $0x1  }
0x101: {  	v3 =	vadd.f32 v4, v3;
	v4 =	vadd.f32 v6, v5  }
0x102: {  	v5 =	vadd.f32 v8, v7;
	v6 =	vadd.f32 v10, v9  }
0x103: {  	v7 =	vadd.f32 v12, v11;
	v8 =	vadd.f32 v14, v13  }
0x104: {  	v9 =	vadd.f32 v16, v15;
	v10 =	vadd.f32 v18, v17  }
0x105: {  	v3 =	vadd.f32 v4, v3;
	v4 =	vadd.f32 v6, v5  }
0x106: {  	v5 =	vadd.f32 v8, v7;
	v6 =	vadd.f32 v10, v9  }
0x107: {  	v21 =	vld [tilespmem:$0x1E180]  }
0x108: {  	v3 =	vadd.f32 v4, v3;
	v4 =	vadd.f32 v6, v5;
	_ =	sdelay $0x1  }
0x109: {  	v3 =	vadd.f32 v4, v3;
	_ =	sdelay $0x1  }
0x10a: {  	v3 =	vadd.f32 v3, v21;
	_ =	sdelay $0x1  }
0x10b: {  	v3 =	vsub.f32 $0.0e+00, v3;
	_ =	sdelay $0x1  }
0x10c: {  	v3 =	vmul.f32 $1.442695020e+00, v3;
	_ =	sdelay $0x1  }
0x10d: {  	(erf) = vpow2.f32 v3;
	_ =	sdelay $0x6  }
0x10e: {  	v11 =	vld [tilespmem:$0x1FF00]  }
0x10f: {  	v12 =	vld [tilespmem:$0x1FF10]  }
0x110: {  	v13 =	vld [tilespmem:$0x1FF20];
	v3 =	vpop (erf)  }
0x111: {  	v14 =	vld [tilespmem:$0x1FF30];
	v3 =	vadd.f32 $1.000000000e+00, v3  }
0x112: {  	v15 =	vld [tilespmem:$0x1FF40]  }
0x113: {  	v16 =	vld [tilespmem:$0x1FF50];
	(erf) = vrcp.f32 v3  }
0x114: {  	v17 =	vld [tilespmem:$0x1FF60]  }
0x115: {  	v18 =	vld [tilespmem:$0x1FF70]  }
0x116: {  	v4 =	vld [tilespmem:$0x1FE90]  }
0x117: {  	v5 =	vld [tilespmem:$0x1FEA0]  }
0x118: {  	v6 =	vld [tilespmem:$0x1FEB0]  }
0x119: {  	v7 =	vld [tilespmem:$0x1FEC0]  }
0x11a: {  	v8 =	vld [tilespmem:$0x1FED0]  }
0x11b: {  	v9 =	vld [tilespmem:$0x1FEE0]  }
0x11c: {  	v10 =	vld [tilespmem:$0x1FEF0];
	v3 =	vpop (erf)  }
0x11d: {  	[tilespmem:$0x1E690] =	vst v3;
	v3 =	vld [tilespmem:$0x1FE80]  }
0x11e: {  	v4 =	vld.idx.msk [tilespmem:v4+s20+$0x0], $0xffff  }
0x11f: {  	v5 =	vld.idx.msk [tilespmem:v5+s20+$0x0], $0xffff  }
0x120: {  	v6 =	vld.idx.msk [tilespmem:v6+s20+$0x0], $0xffff  }
0x121: {  	v7 =	vld.idx.msk [tilespmem:v7+s20+$0x0], $0xffff  }
0x122: {  	v8 =	vld.idx.msk [tilespmem:v8+s20+$0x0], $0xffff  }
0x123: {  	v9 =	vld.idx.msk [tilespmem:v9+s20+$0x0], $0xffff  }
0x124: {  	v10 =	vld.idx.msk [tilespmem:v10+s20+$0x0], $0xffff  }
0x125: {  	v11 =	vld.idx.msk [tilespmem:v11+s20+$0x0], $0xffff  }
0x126: {  	v12 =	vld.idx.msk [tilespmem:v12+s20+$0x0], $0xffff  }
0x127: {  	v13 =	vld.idx.msk [tilespmem:v13+s20+$0x0], $0xffff  }
0x128: {  	v14 =	vld.idx.msk [tilespmem:v14+s20+$0x0], $0xffff  }
0x129: {  	v15 =	vld.idx.msk [tilespmem:v15+s20+$0x0], $0xffff  }
0x12a: {  	v3 =	vld.idx.msk [tilespmem:v3+s20+$0x0], $0xffff  }
0x12b: {  	v16 =	vld.idx.msk [tilespmem:v16+s20+$0x0], $0xffff  }
0x12c: {  	v17 =	vld.idx.msk [tilespmem:v17+s20+$0x0], $0xffff  }
0x12d: {  	v18 =	vld.idx.msk [tilespmem:v18+s20+$0x0], $0xffff;
	_ =	sdelay $0x1  }
0x12e: {  	v3 =	vadd.f32 v4, v3;
	v4 =	vadd.f32 v6, v5  }
0x12f: {  	v5 =	vadd.f32 v8, v7;
	v6 =	vadd.f32 v10, v9  }
0x130: {  	v7 =	vadd.f32 v12, v11;
	v8 =	vadd.f32 v14, v13  }
0x131: {  	v9 =	vadd.f32 v16, v15;
	v10 =	vadd.f32 v18, v17  }
0x132: {  	v3 =	vadd.f32 v4, v3;
	v4 =	vadd.f32 v6, v5  }
0x133: {  	v5 =	vadd.f32 v8, v7;
	v6 =	vadd.f32 v10, v9;
	_ =	sdelay $0x1  }
0x134: {  	v3 =	vadd.f32 v4, v3;
	v4 =	vadd.f32 v6, v5;
	_ =	sdelay $0x1  }
0x135: {  	v3 =	vadd.f32 v4, v3;
	_ =	sdelay $0x1  }
0x136: {  	v3 =	vadd.f32 v3, v21;
	_ =	sdelay $0x1  }
0x137: {  	v3 =	vsub.f32 $0.0e+00, v3;
	_ =	sdelay $0x1  }
0x138: {  	v3 =	vmul.f32 $1.442695020e+00, v3;
	_ =	sdelay $0x1  }
0x139: {  	(erf) = vpow2.f32 v3;
	_ =	sdelay $0x8  }
0x13a: {  	v3 =	vpop (erf)  }
0x13b: {  	v3 =	vadd.f32 $1.000000000e+00, v3;
	_ =	sdelay $0x1  }
0x13c: {  	(erf) = vrcp.f32 v3;
	_ =	sdelay $0x2  }
0x13d: {  	v4 =	vld [tilespmem:$0x1FF90]  }
0x13e: {  	v5 =	vld [tilespmem:$0x1FFA0]  }
0x13f: {  	v6 =	vld [tilespmem:$0x1FFB0]  }
0x140: {  	v7 =	vld [tilespmem:$0x1FFC0]  }
0x141: {  	v8 =	vld [tilespmem:$0x1FFD0]  }
0x142: {  	v9 =	vld [tilespmem:$0x1FFE0]  }
0x143: {  	v10 =	vld [tilespmem:$0x1FFF0];
	v3 =	vpop (erf)  }
0x144: {  	[tilespmem:$0x1E6A0] =	vst v3;
	v3 =	vld [tilespmem:$0x1FF80]  }
0x145: {  	v4 =	vld.idx.msk [tilespmem:v4+s20+$0x0], $0xffff  }
0x146: {  	v5 =	vld.idx.msk [tilespmem:v5+s20+$0x0], $0xffff  }
0x147: {  	v6 =	vld.idx.msk [tilespmem:v6+s20+$0x0], $0xffff  }
0x148: {  	v7 =	vld.idx.msk [tilespmem:v7+s20+$0x0], $0xffff  }
0x149: {  	v8 =	vld.idx.msk [tilespmem:v8+s20+$0x0], $0xffff  }
0x14a: {  	v9 =	vld.idx.msk [tilespmem:v9+s20+$0x0], $0xffff  }
0x14b: {  	v10 =	vld.idx.msk [tilespmem:v10+s20+$0x0], $0xffff  }
0x14c: {  	v11 =	vld.idx.msk [tilespmem:v42+s20+$0x0], $0xffff  }
0x14d: {  	v12 =	vld.idx.msk [tilespmem:v43+s20+$0x0], $0xffff  }
0x14e: {  	v13 =	vld.idx.msk [tilespmem:v44+s20+$0x0], $0xffff  }
0x14f: {  	v14 =	vld.idx.msk [tilespmem:v45+s20+$0x0], $0xffff  }
0x150: {  	v15 =	vld.idx.msk [tilespmem:v46+s20+$0x0], $0xffff  }
0x151: {  	v3 =	vld.idx.msk [tilespmem:v3+s20+$0x0], $0xffff  }
0x152: {  	v16 =	vld.idx.msk [tilespmem:v47+s20+$0x0], $0xffff  }
0x153: {  	v17 =	vld.idx.msk [tilespmem:v48+s20+$0x0], $0xffff  }
0x154: {  	v18 =	vld.idx.msk [tilespmem:v49+s20+$0x0], $0xffff;
	_ =	sdelay $0x1  }
0x155: {  	v3 =	vadd.f32 v4, v3;
	v4 =	vadd.f32 v6, v5  }
0x156: {  	v5 =	vadd.f32 v8, v7;
	v6 =	vadd.f32 v10, v9  }
0x157: {  	v7 =	vadd.f32 v12, v11;
	v8 =	vadd.f32 v14, v13  }
0x158: {  	v9 =	vadd.f32 v16, v15;
	v10 =	vadd.f32 v18, v17  }
0x159: {  	v3 =	vadd.f32 v4, v3;
	v4 =	vadd.f32 v6, v5  }
0x15a: {  	v5 =	vadd.f32 v8, v7;
	v6 =	vadd.f32 v10, v9;
	_ =	sdelay $0x1  }
0x15b: {  	v3 =	vadd.f32 v4, v3;
	v4 =	vadd.f32 v6, v5;
	_ =	sdelay $0x1  }
0x15c: {  	v3 =	vadd.f32 v4, v3;
	_ =	sdelay $0x1  }
0x15d: {  	v3 =	vadd.f32 v3, v21;
	_ =	sdelay $0x1  }
0x15e: {  	v3 =	vsub.f32 $0.0e+00, v3;
	_ =	sdelay $0x1  }
0x15f: {  	v3 =	vmul.f32 $1.442695020e+00, v3;
	_ =	sdelay $0x1  }
0x160: {  	(erf) = vpow2.f32 v3;
	_ =	sdelay $0x8  }
0x161: {  	v3 =	vpop (erf)  }
0x162: {  	v3 =	vadd.f32 $1.000000000e+00, v3;
	_ =	sdelay $0x1  }
0x163: {  	(erf) = vrcp.f32 v3;
	_ =	sdelay $0x8  }
0x164: {  	v3 =	vpop (erf)  }
0x165: {  	[tilespmem:$0x1E6B0] =	vst v3  }
0x166: {  	v5 =	vld.idx.msk [tilespmem:v50+s20+$0x0], $0xffff  }
0x167: {  	v56 =	vor.u32 $0x306, v0;
	v6 =	vld.idx.msk [tilespmem:v51+s20+$0x0], $0xffff  }
0x168: {  	v57 =	vor.u32 $0x307, v0;
	v7 =	vld.idx.msk [tilespmem:v52+s20+$0x0], $0xffff  }
0x169: {  	v58 =	vor.u32 $0x308, v0;
	v8 =	vld.idx.msk [tilespmem:v53+s20+$0x0], $0xffff  }
0x16a: {  	v59 =	vor.u32 $0x309, v0;
	v9 =	vld.idx.msk [tilespmem:v54+s20+$0x0], $0xffff  }
0x16b: {  	v60 =	vor.u32 $0x30A, v0;
	v10 =	vld.idx.msk [tilespmem:v55+s20+$0x0], $0xffff  }
0x16c: {  	v61 =	vor.u32 $0x30B, v0;
	v11 =	vld.idx.msk [tilespmem:v56+s20+$0x0], $0xffff  }
0x16d: {  	v62 =	vor.u32 $0x30C, v0;
	v12 =	vld.idx.msk [tilespmem:v57+s20+$0x0], $0xffff  }
0x16e: {  	v63 =	vor.u32 $0x30D, v0;
	v13 =	vld.idx.msk [tilespmem:v58+s20+$0x0], $0xffff  }
0x16f: {  	v4 =	vor.u32 $0x30F, v0;
	v14 =	vld.idx.msk [tilespmem:v59+s20+$0x0], $0xffff  }
0x170: {  	v3 =	vor.u32 $0x30E, v0;
	v15 =	vld.idx.msk [tilespmem:v60+s20+$0x0], $0xffff  }
0x171: {  	v16 =	vld.idx.msk [tilespmem:v61+s20+$0x0], $0xffff  }
0x172: {  	v17 =	vld.idx.msk [tilespmem:v62+s20+$0x0], $0xffff  }
0x173: {  	v18 =	vld.idx.msk [tilespmem:v63+s20+$0x0], $0xffff  }
0x174: {  	v20 =	vld.idx.msk [tilespmem:v4+s20+$0x0], $0xffff  }
0x175: {  	v19 =	vld.idx.msk [tilespmem:v3+s20+$0x0], $0xffff;
	_ =	sdelay $0x1  }
0x176: {  	v5 =	vadd.f32 v6, v5;
	v6 =	vadd.f32 v8, v7  }
0x177: {  	v7 =	vadd.f32 v10, v9;
	v8 =	vadd.f32 v12, v11  }
0x178: {  	v9 =	vadd.f32 v14, v13;
	v10 =	vadd.f32 v16, v15  }
0x179: {  	v11 =	vadd.f32 v18, v17;
	v12 =	vadd.f32 v20, v19  }
0x17a: {  	v5 =	vadd.f32 v6, v5;
	v6 =	vadd.f32 v8, v7  }
0x17b: {  	v7 =	vadd.f32 v10, v9;
	v8 =	vadd.f32 v12, v11;
	_ =	sdelay $0x1  }
0x17c: {  	v5 =	vadd.f32 v6, v5;
	v6 =	vadd.f32 v8, v7;
	_ =	sdelay $0x1  }
0x17d: {  	v5 =	vadd.f32 v6, v5;
	_ =	sdelay $0x1  }
0x17e: {  	v5 =	vadd.f32 v5, v21;
	_ =	sdelay $0x1  }
0x17f: {  	v5 =	vsub.f32 $0.0e+00, v5;
	_ =	sdelay $0x1  }
0x180: {  	v5 =	vmul.f32 $1.442695020e+00, v5;
	_ =	sdelay $0x1  }
0x181: {  	(erf) = vpow2.f32 v5;
	_ =	sdelay $0x8  }
0x182: {  	v5 =	vpop (erf)  }
0x183: {  	v5 =	vadd.f32 $1.000000000e+00, v5;
	_ =	sdelay $0x1  }
0x184: {  	(erf) = vrcp.f32 v5;
	_ =	sdelay $0x5  }
0x185: {  	v5 =	vor.u32 $0x400, v0  }
0x186: {  	v6 =	vor.u32 $0x401, v0  }
0x187: {  	v7 =	vor.u32 $0x402, v0  }
0x188: {  	v8 =	vor.u32 $0x403, v0;
	v9 =	vpop (erf)  }
0x189: {  	v10 =	vor.u32 $0x405, v0;
	[tilespmem:$0x1E6C0] =	vst v9  }
0x18a: {  	v11 =	vor.u32 $0x406, v0;
	v22 =	vld.idx.msk [tilespmem:v5+s20+$0x0], $0xffff  }
0x18b: {  	v12 =	vor.u32 $0x407, v0;
	v23 =	vld.idx.msk [tilespmem:v6+s20+$0x0], $0xffff  }
0x18c: {  	v13 =	vor.u32 $0x408, v0;
	v24 =	vld.idx.msk [tilespmem:v7+s20+$0x0], $0xffff  }
0x18d: {  	v14 =	vor.u32 $0x409, v0;
	v25 =	vld.idx.msk [tilespmem:v8+s20+$0x0], $0xffff  }
0x18e: {  	v15 =	vor.u32 $0x40A, v0;
	v27 =	vld.idx.msk [tilespmem:v10+s20+$0x0], $0xffff  }
0x18f: {  	v17 =	vor.u32 $0x40C, v0;
	v28 =	vld.idx.msk [tilespmem:v11+s20+$0x0], $0xffff  }
0x190: {  	v18 =	vor.u32 $0x40D, v0;
	v29 =	vld.idx.msk [tilespmem:v12+s20+$0x0], $0xffff  }
0x191: {  	v19 =	vor.u32 $0x40E, v0;
	v30 =	vld.idx.msk [tilespmem:v13+s20+$0x0], $0xffff  }
0x192: {  	v20 =	vor.u32 $0x40F, v0;
	v31 =	vld.idx.msk [tilespmem:v14+s20+$0x0], $0xffff  }
0x193: {  	v9 =	vor.u32 $0x404, v0;
	v32 =	vld.idx.msk [tilespmem:v15+s20+$0x0], $0xffff  }
0x194: {  	v16 =	vor.u32 $0x40B, v0;
	v34 =	vld.idx.msk [tilespmem:v17+s20+$0x0], $0xffff  }
0x195: {  	v35 =	vld.idx.msk [tilespmem:v18+s20+$0x0], $0xffff  }
0x196: {  	v36 =	vld.idx.msk [tilespmem:v19+s20+$0x0], $0xffff  }
0x197: {  	v37 =	vld.idx.msk [tilespmem:v20+s20+$0x0], $0xffff  }
0x198: {  	v26 =	vld.idx.msk [tilespmem:v9+s20+$0x0], $0xffff  }
0x199: {  	v33 =	vld.idx.msk [tilespmem:v16+s20+$0x0], $0xffff;
	_ =	sdelay $0x1  }
0x19a: {  	v22 =	vadd.f32 v23, v22;
	v23 =	vadd.f32 v25, v24  }
0x19b: {  	v25 =	vadd.f32 v29, v28;
	v28 =	vadd.f32 v35, v34  }
0x19c: {  	v29 =	vadd.f32 v37, v36;
	v24 =	vadd.f32 v27, v26  }
0x19d: {  	v26 =	vadd.f32 v31, v30;
	v27 =	vadd.f32 v33, v32  }
0x19e: {  	v22 =	vadd.f32 v23, v22;
	v23 =	vadd.f32 v25, v24  }
0x19f: {  	v24 =	vadd.f32 v27, v26;
	v25 =	vadd.f32 v29, v28;
	_ =	sdelay $0x1  }
0x1a0: {  	v22 =	vadd.f32 v23, v22;
	v23 =	vadd.f32 v25, v24;
	_ =	sdelay $0x1  }
0x1a1: {  	v22 =	vadd.f32 v23, v22;
	_ =	sdelay $0x1  }
0x1a2: {  	v21 =	vadd.f32 v22, v21;
	_ =	sdelay $0x1  }
0x1a3: {  	v21 =	vsub.f32 $0.0e+00, v21;
	_ =	sdelay $0x1  }
0x1a4: {  	v21 =	vmul.f32 $1.442695020e+00, v21;
	_ =	sdelay $0x1  }
0x1a5: {  	(erf) = vpow2.f32 v21;
	_ =	sdelay $0x8  }
0x1a6: {  	v21 =	vpop (erf)  }
0x1a7: {  	v21 =	vadd.f32 $1.000000000e+00, v21;
	_ =	sdelay $0x1  }
0x1a8: {  	(erf) = vrcp.f32 v21;
	_ =	sdelay $0x1  }
0x1a9: {  	s0 =	simm.s32 $0x0  }
0x1aa: {  	s26 =	simm.s32 $0x2;
	v21 =	vmov s0  }
0x1ab: {  	v22 =	vmov s26;
	v21 =	vand.u32 $0xFFFFFFFC, v21  }
0x1ac: {  	v22 =	vand.u32 $0xFFFFFFFE, v22;
	v21 =	vbroadcast v21, $0x0  }
0x1ad: {  	v22 =	vbroadcast v22, $0x0;
	_ =	sdelay $0x2  }
0x1ae: {  	v23 =	vpop (erf)  }
0x1af: {  	[tilespmem:$0x1E6D0] =	vst v23  }
0x1b0: {  	v21 =	vld.idx.msk [tilespmem:v21+s21+$0x0], $0xffff  }
0x1b1: {  	s25 =	simm.s32 $0x19240;
	v22 =	vld.idx.msk [tilespmem:v22+s21+$0x0], $0xffff  }
0x1b2: {  	s29 =	simm.s32 $0x1;
	v24 =	vld [tilespmem:s25+$0x70]  }
0x1b3: {  	v23 =	vmov s29;
	v25 =	vld [tilespmem:s25+$0xFFFFFF00]  }
0x1b4: {  	v23 =	vand.u32 $0xFFFFFFFD, v23;
	v26 =	vld [tilespmem:s25+$0xFFFFFF10]  }
0x1b5: {  	v27 =	vld [tilespmem:s25+$0xFFFFFF20];
	v23 =	vbroadcast v23, $0x0  }
0x1b6: {  	v28 =	vld [tilespmem:s25+$0xFFFFFF30]  }
0x1b7: {  	v29 =	vld [tilespmem:s25+$0xFFFFFF40]  }
0x1b8: {  	v30 =	vld [tilespmem:s25+$0xFFFFFF50]  }
0x1b9: {  	v31 =	vld [tilespmem:s25+$0xFFFFFF60];
	v25 =	vmul.f32 v25, v21  }
0x1ba: {  	v40 =	vld [tilespmem:s25+$0x40];
	v24 =	vmul.f32 v24, v22  }
0x1bb: {  	v23 =	vld.idx.msk [tilespmem:v23+s21+$0x0], $0xffff;
	[tilespmem:s25+$0xFFFFFF00] =	vst v25;
	v25 =	vmul.f32 v26, v21  }
0x1bc: {  	v26 =	vld [tilespmem:s25+$0xFFFFFF70];
	[tilespmem:s25+$0x70] =	vst v24;
	v24 =	vmul.f32 v27, v21  }
0x1bd: {  	v27 =	vld [tilespmem:s25+$0xFFFFFF80];
	[tilespmem:s25+$0xFFFFFF10] =	vst v25;
	v25 =	vmul.f32 v28, v21  }
0x1be: {  	v28 =	vld [tilespmem:s25+$0xFFFFFF90];
	[tilespmem:s25+$0xFFFFFF20] =	vst v24;
	v24 =	vmul.f32 v29, v21  }
0x1bf: {  	v29 =	vld [tilespmem:s25+$0xFFFFFFA0];
	[tilespmem:s25+$0xFFFFFF30] =	vst v25;
	v25 =	vmul.f32 v30, v21  }
0x1c0: {  	v30 =	vld [tilespmem:s25+$0xFFFFFFB0];
	[tilespmem:s25+$0xFFFFFF40] =	vst v24;
	v24 =	vmul.f32 v31, v21  }
0x1c1: {  	v31 =	vld [tilespmem:s25+$0xFFFFFFC0];
	v26 =	vmul.f32 v26, v21;
	[tilespmem:s25+$0xFFFFFF50] =	vst v25  }
0x1c2: {  	v25 =	vmul.f32 v27, v23;
	v27 =	vld [tilespmem:s25+$0xFFFFFFD0];
	[tilespmem:s25+$0xFFFFFF60] =	vst v24  }
0x1c3: {  	s6 =	simm.s32 $0x3;
	v24 =	vld [tilespmem:s25+$0xFFFFFFE0];
	v28 =	vmul.f32 v28, v23;
	[tilespmem:s25+$0xFFFFFF70] =	vst v26  }
0x1c4: {  	v39 =	vmov s6;
	v26 =	vld [tilespmem:s25+$0xFFFFFFF0];
	[tilespmem:s25+$0xFFFFFF80] =	vst v25;
	v25 =	vmul.f32 v29, v23  }
0x1c5: {  	v29 =	vld [tilespmem:s25+$0x0];
	[tilespmem:s25+$0xFFFFFF90] =	vst v28;
	v28 =	vmul.f32 v30, v23  }
0x1c6: {  	v30 =	vld [tilespmem:s25+$0x10];
	[tilespmem:s25+$0xFFFFFFA0] =	vst v25;
	v25 =	vmul.f32 v31, v23  }
0x1c7: {  	[tilespmem:s25+$0xFFFFFFB0] =	vst v28;
	v27 =	vmul.f32 v27, v23;
	v28 =	vld [tilespmem:s25+$0x20]  }
0x1c8: {  	v31 =	vld [tilespmem:s25+$0x30];
	v24 =	vmul.f32 v24, v23;
	[tilespmem:s25+$0xFFFFFFC0] =	vst v25  }
0x1c9: {  	v21 =	vld.idx.msk [tilespmem:v39+s21+$0x0], $0xffff;
	v23 =	vmul.f32 v26, v23;
	[tilespmem:s25+$0xFFFFFFD0] =	vst v27  }
0x1ca: {  	[tilespmem:s25+$0xFFFFFFE0] =	vst v24;
	v25 =	vmul.f32 v29, v22;
	v24 =	vld [tilespmem:s25+$0x50]  }
0x1cb: {  	s23 =	simm.s32 $0x4;
	[tilespmem:s25+$0xFFFFFFF0] =	vst v23;
	v26 =	vmul.f32 v30, v22;
	v23 =	vld [tilespmem:s25+$0x60]  }
0x1cc: {  	s29 =	simm.s32 $0x5;
	v27 =	vmov s23;
	[tilespmem:s25+$0x0] =	vst v25;
	v29 =	vmul.f32 v28, v22;
	v28 =	vld [tilespmem:s25+$0x80]  }
0x1cd: {  	s26 =	simm.s32 $0x7;
	v32 =	vmov s29;
	v41 =	vand.u32 $0xFFFFFFFC, v27;
	v27 =	vld [tilespmem:s25+$0x90];
	v30 =	vmul.f32 v31, v22;
	[tilespmem:s25+$0x10] =	vst v26  }
0x1ce: {  	s0 =	simm.s32 $0x6;
	s23 =	simm.s32 $0x8;
	v25 =	vmov s26;
	v31 =	vmul.f32 v40, v22;
	s26 =	simm.s32 $0x19240;
	v26 =	vbroadcast v41, $0x0;
	[tilespmem:s25+$0x20] =	vst v29;
	v29 =	vld [tilespmem:s25+$0xA0]  }
.LBB2_7:
0x1cf: {  	p0 =	slt.u32 s23, $0x4C;
	v32 =	vand.u32 $0xFFFFFFFD, v32;
	v33 =	vmov s0;
	[tilespmem:s25+$0x30] =	vst v30;
	v24 =	vmul.f32 v24, v22;
	v30 =	vld [tilespmem:s25+$0xB0]  }
0x1d0: {  	v32 =	vbroadcast v32, $0x0;
	v33 =	vand.u32 $0xFFFFFFFE, v33;
	[tilespmem:s25+$0x40] =	vst v31;
	v22 =	vmul.f32 v23, v22;
	v23 =	vld [tilespmem:s25+$0xC0]  }
0x1d1: {  	v31 =	vbroadcast v33, $0x0;
	[tilespmem:s25+$0x50] =	vst v24;
	v24 =	vmul.f32 v28, v21;
	v28 =	vld [tilespmem:s25+$0xD0]  }
0x1d2: {  	[tilespmem:s25+$0x60] =	vst v22;
	v22 =	vmul.f32 v27, v21;
	v27 =	vld [tilespmem:s25+$0xE0]  }
0x1d3: {  	[tilespmem:s25+$0x80] =	vst v24;
	v24 =	vmul.f32 v29, v21;
	v29 =	vld [tilespmem:s25+$0xF0]  }
0x1d4: {  	v25 =	vld.idx.msk [tilespmem:v25+s21+$0x0], $0xffff;
	[tilespmem:s25+$0x90] =	vst v22;
	v22 =	vmul.f32 v30, v21  }
0x1d5: {  	v26 =	vld.idx.msk [tilespmem:v26+s21+$0x0], $0xffff;
	[tilespmem:s25+$0xA0] =	vst v24;
	v23 =	vmul.f32 v23, v21  }
0x1d6: {  	v24 =	vld.idx.msk [tilespmem:v32+s21+$0x0], $0xffff;
	[tilespmem:s25+$0xB0] =	vst v22;
	v28 =	vmul.f32 v28, v21  }
0x1d7: {  	s25 =	sadd.s32 $0x200, s25;
	v22 =	vld.idx.msk [tilespmem:v31+s21+$0x0], $0xffff;
	[tilespmem:s26+$0xC0] =	vst v23;
	v23 =	vmul.f32 v27, v21  }
0x1d8: {  	v27 =	vld [tilespmem:s25+$0x70];
	[tilespmem:s26+$0xD0] =	vst v28;
	v29 =	vmul.f32 v29, v21  }
0x1d9: {  	v28 =	vld [tilespmem:s25+$0xFFFFFF00];
	[tilespmem:s26+$0xE0] =	vst v23  }
0x1da: {  	v21 =	vmov v25;
	v23 =	vld [tilespmem:s25+$0xFFFFFF10];
	[tilespmem:s26+$0xF0] =	vst v29;
	s26 =	smov.u32 s25  }
0x1db: {  	v25 =	vld [tilespmem:s25+$0xFFFFFF20]  }
0x1dc: {  	v29 =	vld [tilespmem:s25+$0xFFFFFF30]  }
0x1dd: {  	v30 =	vld [tilespmem:s25+$0xFFFFFF40];
	v27 =	vmul.f32 v27, v22  }
0x1de: {  	v28 =	vmul.f32 v28, v26;
	v31 =	vld [tilespmem:s25+$0xFFFFFF50]  }
0x1df: {  	v23 =	vmul.f32 v23, v26;
	v32 =	vld [tilespmem:s25+$0xFFFFFF60];
	[tilespmem:s25+$0x70] =	vst v27  }
0x1e0: {  	[tilespmem:s25+$0xFFFFFF00] =	vst v28;
	v25 =	vmul.f32 v25, v26;
	v27 =	vld [tilespmem:s25+$0xFFFFFF70]  }
0x1e1: {  	[tilespmem:s25+$0xFFFFFF10] =	vst v23;
	v23 =	vmul.f32 v29, v26;
	v28 =	vld [tilespmem:s25+$0xFFFFFF80]  }
0x1e2: {  	[tilespmem:s25+$0xFFFFFF20] =	vst v25;
	v25 =	vmul.f32 v30, v26;
	v29 =	vld [tilespmem:s25+$0xFFFFFF90]  }
0x1e3: {  	[tilespmem:s25+$0xFFFFFF30] =	vst v23;
	v23 =	vmul.f32 v31, v26;
	v30 =	vld [tilespmem:s25+$0xFFFFFFA0]  }
0x1e4: {  	[tilespmem:s25+$0xFFFFFF40] =	vst v25;
	v25 =	vmul.f32 v32, v26;
	v31 =	vld [tilespmem:s25+$0xFFFFFFB0]  }
0x1e5: {  	[tilespmem:s25+$0xFFFFFF50] =	vst v23;
	v23 =	vmul.f32 v27, v26;
	v26 =	vld [tilespmem:s25+$0xFFFFFFC0]  }
0x1e6: {  	[tilespmem:s25+$0xFFFFFF60] =	vst v25;
	v25 =	vmul.f32 v28, v24;
	v27 =	vld [tilespmem:s25+$0xFFFFFFD0]  }
0x1e7: {  	[tilespmem:s25+$0xFFFFFF70] =	vst v23;
	v23 =	vmul.f32 v29, v24;
	v28 =	vld [tilespmem:s25+$0xFFFFFFE0]  }
0x1e8: {  	[tilespmem:s25+$0xFFFFFF80] =	vst v25;
	v25 =	vmul.f32 v30, v24;
	v29 =	vld [tilespmem:s25+$0xFFFFFFF0]  }
0x1e9: {  	[tilespmem:s25+$0xFFFFFF90] =	vst v23;
	v23 =	vmul.f32 v31, v24;
	v30 =	vld [tilespmem:s25+$0x0]  }
0x1ea: {  	[tilespmem:s25+$0xFFFFFFA0] =	vst v25;
	v25 =	vmul.f32 v26, v24;
	v26 =	vld [tilespmem:s25+$0x10]  }
0x1eb: {  	[tilespmem:s25+$0xFFFFFFB0] =	vst v23;
	v23 =	vmul.f32 v27, v24;
	v27 =	vld [tilespmem:s25+$0x20]  }
0x1ec: {  	[tilespmem:s25+$0xFFFFFFC0] =	vst v25;
	v25 =	vmul.f32 v28, v24;
	v31 =	vld [tilespmem:s25+$0x30]  }
0x1ed: {  	[tilespmem:s25+$0xFFFFFFD0] =	vst v23;
	v23 =	vmul.f32 v29, v24;
	v29 =	vld [tilespmem:s25+$0x40]  }
.Ltmp2:
0x1ee: {  	[tilespmem:s25+$0xFFFFFFE0] =	vst v25;
	v25 =	vmul.f32 v30, v22;
	v24 =	vld [tilespmem:s25+$0x50];
	(pc) =	sbr.rel @p0 .LBB2_7-.Ltmp2, $4  }
0x1ef: {  	[tilespmem:s25+$0xFFFFFFF0] =	vst v23;
	v26 =	vmul.f32 v26, v22;
	v23 =	vld [tilespmem:s25+$0x60]  }
0x1f0: {  	s0 =	sadd.s32 $0x3, s23;
	v30 =	vmov s23;
	[tilespmem:s25+$0x0] =	vst v25;
	v33 =	vmul.f32 v27, v22;
	v28 =	vld [tilespmem:s25+$0x80]  }
0x1f1: {  	s29 =	sadd.s32 $0x1, s23;
	v32 =	vand.u32 $0xFFFFFFFC, v30;
	v25 =	vmov s0;
	[tilespmem:s25+$0x10] =	vst v26;
	v30 =	vmul.f32 v31, v22;
	v27 =	vld [tilespmem:s25+$0x90]  }
0x1f2: {  	s0 =	sadd.s32 $0x2, s23;
	s23 =	sadd.s32 $0x4, s23;
	v26 =	vbroadcast v32, $0x0;
	v32 =	vmov s29;
	[tilespmem:s25+$0x20] =	vst v33;
	v31 =	vmul.f32 v29, v22;
	v29 =	vld [tilespmem:s25+$0xA0]  }
0x1f3: {  	v33 =	vld [tilespmem:s25+$0xB0]  }
0x1f4: {  	v35 =	vld [tilespmem:s25+$0xC0]  }
0x1f5: {  	v34 =	vmov s0;
	v36 =	vld [tilespmem:s25+$0xD0]  }
0x1f6: {  	v37 =	vld [tilespmem:s25+$0xE0];
	[tilespmem:s25+$0x30] =	vst v30;
	v24 =	vmul.f32 v24, v22;
	v34 =	vand.u32 $0xFFFFFFFE, v34  }
0x1f7: {  	v25 =	vld.idx.msk [tilespmem:v25+s21+$0x0], $0xffff;
	[tilespmem:s25+$0x40] =	vst v31;
	v22 =	vmul.f32 v23, v22;
	v34 =	vbroadcast v34, $0x0  }
0x1f8: {  	v32 =	vand.u32 $0xFFFFFFFD, v32;
	s23 =	sadd.s32 $0x200, s25;
	v23 =	vld.idx.msk [tilespmem:v26+s21+$0x0], $0xffff;
	v28 =	vmul.f32 v28, v21;
	[tilespmem:s25+$0x50] =	vst v24  }
0x1f9: {  	v32 =	vbroadcast v32, $0x0;
	v30 =	vld [tilespmem:s23+$0xFFFFFF00];
	v24 =	vmul.f32 v27, v21;
	[tilespmem:s25+$0x60] =	vst v22  }
0x1fa: {  	[tilespmem:s25+$0x80] =	vst v28;
	v28 =	vld [tilespmem:s25+$0xF0];
	v22 =	vmul.f32 v29, v21  }
0x1fb: {  	v31 =	vld [tilespmem:s23+$0xFFFFFF10];
	[tilespmem:s25+$0x90] =	vst v24;
	v24 =	vmul.f32 v33, v21  }
0x1fc: {  	v29 =	vld [tilespmem:s23+$0x70];
	[tilespmem:s25+$0xA0] =	vst v22;
	v22 =	vmul.f32 v35, v21  }
0x1fd: {  	[tilespmem:s25+$0xB0] =	vst v24;
	v24 =	vmul.f32 v36, v21;
	v27 =	vld.idx.msk [tilespmem:v34+s21+$0x0], $0xffff  }
0x1fe: {  	v40 =	vld [tilespmem:s23+$0xFFFFFF20];
	[tilespmem:s26+$0xC0] =	vst v22;
	v22 =	vmul.f32 v37, v21  }
0x1ff: {  	v26 =	vld.idx.msk [tilespmem:v32+s21+$0x0], $0xffff;
	[tilespmem:s26+$0xD0] =	vst v24;
	v21 =	vmul.f32 v28, v21  }
0x200: {  	v24 =	vld [tilespmem:s23+$0xFFFFFF30];
	[tilespmem:s26+$0xE0] =	vst v22  }
0x201: {  	v22 =	vld [tilespmem:s23+$0xFFFFFF40];
	[tilespmem:s26+$0xF0] =	vst v21;
	v21 =	vmul.f32 v30, v23  }
0x202: {  	v28 =	vmul.f32 v29, v27;
	v29 =	vld [tilespmem:s23+$0xFFFFFF50]  }
0x203: {  	v30 =	vmul.f32 v31, v23;
	v31 =	vld [tilespmem:s23+$0xFFFFFF60];
	[tilespmem:s23+$0xFFFFFF00] =	vst v21  }
0x204: {  	v21 =	vmul.f32 v40, v23;
	[tilespmem:s23+$0x70] =	vst v28;
	v28 =	vld [tilespmem:s23+$0xFFFFFF70]  }
0x205: {  	[tilespmem:s23+$0xFFFFFF10] =	vst v30;
	v30 =	vld [tilespmem:s23+$0xFFFFFF80];
	v24 =	vmul.f32 v24, v23  }
0x206: {  	[tilespmem:s23+$0xFFFFFF20] =	vst v21;
	v21 =	vmul.f32 v22, v23;
	v22 =	vld [tilespmem:s23+$0xFFFFFF90]  }
0x207: {  	[tilespmem:s23+$0xFFFFFF30] =	vst v24;
	v24 =	vmul.f32 v29, v23;
	v29 =	vld [tilespmem:s23+$0xFFFFFFA0]  }
0x208: {  	[tilespmem:s23+$0xFFFFFF40] =	vst v21;
	v21 =	vmul.f32 v31, v23;
	v31 =	vld [tilespmem:s23+$0xFFFFFFB0]  }
0x209: {  	[tilespmem:s23+$0xFFFFFF50] =	vst v24;
	v23 =	vmul.f32 v28, v23;
	v24 =	vld [tilespmem:s23+$0xFFFFFFC0]  }
0x20a: {  	[tilespmem:s23+$0xFFFFFF60] =	vst v21;
	v21 =	vmul.f32 v30, v26;
	v28 =	vld [tilespmem:s23+$0xFFFFFFD0]  }
0x20b: {  	v22 =	vmul.f32 v22, v26;
	[tilespmem:s23+$0xFFFFFF70] =	vst v23;
	v23 =	vld [tilespmem:s23+$0xFFFFFFE0]  }
0x20c: {  	[tilespmem:s23+$0xFFFFFF80] =	vst v21;
	v21 =	vmul.f32 v29, v26;
	v29 =	vld [tilespmem:s23+$0xFFFFFFF0]  }
0x20d: {  	v30 =	vld [tilespmem:s23+$0x0];
	[tilespmem:s23+$0xFFFFFF90] =	vst v22;
	v22 =	vmul.f32 v31, v26  }
0x20e: {  	[tilespmem:s23+$0xFFFFFFA0] =	vst v21;
	v21 =	vmul.f32 v24, v26;
	v24 =	vld [tilespmem:s23+$0x10]  }
0x20f: {  	[tilespmem:s23+$0xFFFFFFB0] =	vst v22;
	v22 =	vmul.f32 v28, v26;
	v28 =	vld [tilespmem:s23+$0x20]  }
0x210: {  	[tilespmem:s23+$0xFFFFFFC0] =	vst v21;
	v21 =	vmul.f32 v23, v26;
	v23 =	vld [tilespmem:s23+$0x30]  }
0x211: {  	[tilespmem:s23+$0xFFFFFFD0] =	vst v22;
	v22 =	vmul.f32 v29, v26;
	v26 =	vld [tilespmem:s23+$0x40]  }
0x212: {  	v29 =	vld [tilespmem:s23+$0x50];
	[tilespmem:s23+$0xFFFFFFE0] =	vst v21;
	v21 =	vmul.f32 v30, v27  }
0x213: {  	[tilespmem:s23+$0xFFFFFFF0] =	vst v22;
	v22 =	vmul.f32 v24, v27;
	v24 =	vld [tilespmem:s23+$0x60]  }
0x214: {  	[tilespmem:s23+$0x0] =	vst v21;
	v21 =	vmul.f32 v28, v27;
	v28 =	vld [tilespmem:s23+$0x80]  }
0x215: {  	[tilespmem:s23+$0x10] =	vst v22;
	v22 =	vmul.f32 v23, v27;
	v23 =	vld [tilespmem:s23+$0x90]  }
0x216: {  	[tilespmem:s23+$0x20] =	vst v21;
	v21 =	vmul.f32 v26, v27;
	v26 =	vld [tilespmem:s23+$0xA0]  }
0x217: {  	[tilespmem:s23+$0x30] =	vst v22;
	v22 =	vmul.f32 v29, v27;
	v29 =	vld [tilespmem:s23+$0xB0]  }
0x218: {  	[tilespmem:s23+$0x40] =	vst v21;
	v21 =	vmul.f32 v24, v27;
	v24 =	vld [tilespmem:s23+$0xC0]  }
0x219: {  	v27 =	vld [tilespmem:s23+$0xD0];
	[tilespmem:s23+$0x50] =	vst v22;
	v22 =	vmul.f32 v28, v25  }
0x21a: {  	[tilespmem:s23+$0x60] =	vst v21;
	v21 =	vmul.f32 v23, v25;
	v23 =	vld [tilespmem:s23+$0xE0]  }
0x21b: {  	[tilespmem:s23+$0x80] =	vst v22;
	v22 =	vmul.f32 v26, v25;
	v26 =	vld [tilespmem:s23+$0xF0]  }
0x21c: {  	[tilespmem:s23+$0x90] =	vst v21;
	v21 =	vmul.f32 v29, v25  }
0x21d: {  	[tilespmem:s23+$0xA0] =	vst v22;
	v22 =	vmul.f32 v24, v25  }
0x21e: {  	[tilespmem:s23+$0xB0] =	vst v21;
	v21 =	vmul.f32 v27, v25  }
0x21f: {  	[tilespmem:s23+$0xC0] =	vst v22;
	v22 =	vmul.f32 v23, v25  }
0x220: {  	[tilespmem:s23+$0xD0] =	vst v21;
	v21 =	vmul.f32 v26, v25  }
0x221: {  	[tilespmem:s23+$0xE0] =	vst v22  }
0x222: {  	s25 =	smul.u32 $0xA0, s24;
	[tilespmem:s23+$0xF0] =	vst v21  }
0x223: {  	[spmem:s2] =	stream.indirect.scatter.add.f32 [tilespmem:s10], [sflag:$0x5], $0x80, s11, s28, $0xb8;
	[tilespmem:$0x1E6E0] =	vst v63  }
0x224: {  	s6 =	sadd.s32 s25, s30;
	_ =	swait.ge [sflag:s9], $0x2800  }
0x225: {  	s0 =	sshrl.u32 s6, $0x3;
	[sflag:s9] =	ssyncset.done $0x0  }
0x226: {  	s23 =	sadd.s32 s15, s0;
	[sflag:s9] =	ssyncadd.s32 $0xFFFFD800  }
0x227: {  	[tilespmem:s11], [sflag:$0x3] =	stream.linear.gather [hbm4b:s23+s3], $0x50, $0x38;
	[tilespmem:$0x1E6E0] =	vst v63  }
0x228: {  	s0 =	sadd.s32 s16, s0  }
0x229: {  	[tilespmem:s12], [sflag:$0x3] =	stream.linear.gather [hbm4b:s0+s3], $0x50, $0x38;
	[tilespmem:$0x1E6E0] =	vst v63  }
0x22a: {  	_ =	swait.ge [sflag:s18], $0x50  }
0x22b: {  	[sflag:s18] =	ssyncset.done $0x0  }
0x22c: {  	[sflag:s18] =	ssyncadd.s32 $0xFFFFFFB0  }
0x22d: {  	_ =	swait.ge [sflag:s18], $0x50  }
0x22e: {  	[sflag:s18] =	ssyncset.done $0x0  }
0x22f: {  	s23 =	simm.s32 $0x14140;
	[sflag:s18] =	ssyncadd.s32 $0xFFFFFFB0  }
0x230: {  	[tilespmem:s23], [sflag:$0x1] =	stream.indirect.gather [hbm4b:s1+s28], $0x40, s11, s28, $0xb8;
	[tilespmem:$0x1E6E0] =	vst v63  }
0x231: {  	s26 =	simm.s32 $0x16940  }
0x232: {  	[tilespmem:s26], [sflag:$0x1] =	stream.indirect.gather [hbm4b:s5+s28], $0x40, s12, s28, $0xb8;
	[tilespmem:$0x1E6E0] =	vst v63  }
0x233: {  	_ = 	snop  }
0x234: {  	[tilespmem:s10], [sflag:$0x1] =	stream.indirect.gather [hbm4b:s14+s28], $0x80, s12, s28, $0xb8;
	[tilespmem:$0x1E6E0] =	vst v63  }
0x235: {  	_ =	swait.ge [sflag:s22], $0x1400  }
0x236: {  	[sflag:s22] =	ssyncset.done $0x0  }
0x237: {  	[sflag:s22] =	ssyncadd.s32 $0xFFFFEC00  }
0x238: {  	_ =	swait.ge [sflag:s22], $0x1400  }
0x239: {  	[sflag:s22] =	ssyncset.done $0x0  }
0x23a: {  	[sflag:s22] =	ssyncadd.s32 $0xFFFFEC00  }
0x23b: {  	_ =	swait.ge [sflag:s22], $0x2800  }
0x23c: {  	[sflag:s22] =	ssyncset.done $0x0  }
0x23d: {  	[sflag:s22] =	ssyncadd.s32 $0xFFFFD800  }
0x23e: {  	v21 =	vld [tilespmem:$0x1E140]  }
0x23f: {  	v24 =	vld [tilespmem:$0x1E150]  }
0x240: {  	v22 =	vld [tilespmem:$0x1E160]  }
0x241: {  	s6 =	simm.s32 $0x155C0;
	v23 =	vld [tilespmem:$0x1E170]  }
0x242: {  	s26 =	simm.s32 $0x17DC0;
	v26 =	vld [tilespmem:s6+$0x40]  }
0x243: {  	v27 =	vld [tilespmem:s26+$0x40]  }
0x244: {  	v28 =	vld [tilespmem:s6+$0x50]  }
0x245: {  	v29 =	vld [tilespmem:s26+$0x50]  }
0x246: {  	v30 =	vld [tilespmem:s6+$0x60]  }
0x247: {  	v31 =	vld [tilespmem:s26+$0x60]  }
0x248: {  	v41 =	vld [tilespmem:s6+$0x70]  }
0x249: {  	v40 =	vld [tilespmem:s26+$0x70]  }
0x24a: {  	v34 =	vld [tilespmem:s6+$0xFFFFFF90]  }
0x24b: {  	v35 =	vld [tilespmem:s26+$0xFFFFFF90]  }
0x24c: {  	v36 =	vld [tilespmem:s6+$0xFFFFFFA0]  }
0x24d: {  	v37 =	vld [tilespmem:s26+$0xFFFFFFA0]  }
0x24e: {  	v32 =	vld [tilespmem:s6+$0xFFFFFFC0]  }
0x24f: {  	v33 =	vld [tilespmem:s26+$0xFFFFFFC0];
	v26 =	vadd.bf16 v27, v26  }
0x250: {  	v38 =	vld [tilespmem:s6+$0xFFFFFFD0];
	v28 =	vadd.bf16 v29, v28;
	v29 =	vadd.bf16 v31, v30  }
0x251: {  	v27 =	vld [tilespmem:s6+$0xFFFFFFB0];
	v31 =	vadd.bf16 v40, v41  }
0x252: {  	v30 =	vld [tilespmem:s26+$0xFFFFFFB0];
	v26 =	vmax.bf16 v26, v2;
	v28 =	vmax.bf16 v28, v2;
	v29 =	vmax.bf16 v29, v2  }
0x253: {  	v39 =	vld [tilespmem:s26+$0xFFFFFFD0];
	v31 =	vmax.bf16 v31, v2;
	v26 =	vmul.bf16 v26, v21;
	v28 =	vmul.bf16 v28, v24  }
0x254: {  	v40 =	vld [tilespmem:s6+$0xFFFFFFE0];
	v29 =	vmul.bf16 v29, v22;
	v31 =	vmul.bf16 v31, v23  }
0x255: {  	v34 =	vadd.bf16 v35, v34;
	v35 =	vld [tilespmem:s26+$0xFFFFFFF0]  }
0x256: {  	v26 =	vadd.bf16 v28, v26;
	v28 =	vadd.bf16 v31, v29;
	v29 =	vld [tilespmem:s26+$0xFFFFFFE0]  }
0x257: {  	v31 =	vadd.bf16 v37, v36;
	v27 =	vadd.bf16 v30, v27;
	v30 =	vld [tilespmem:s6+$0xFFFFFFF0]  }
0x258: {  	v36 =	vld [tilespmem:s6+$0x0];
	v37 =	vadd.bf16 v39, v38;
	v26 =	vadd.bf16 v28, v26  }
0x259: {  	v28 =	vmax.bf16 v31, v2;
	v27 =	vmax.bf16 v27, v2;
	v31 =	vadd.bf16 v33, v32;
	v32 =	vld [tilespmem:s26+$0x0]  }
0x25a: {  	v25 =	vld [tilespmem:s26+$0xFFFFFF80];
	v37 =	vmax.bf16 v37, v2;
	v28 =	vmul.bf16 v28, v22;
	v27 =	vmul.bf16 v27, v23  }
0x25b: {  	v38 =	vld [tilespmem:s6+$0x10];
	v37 =	vmul.bf16 v37, v24;
	v41 =	vunpack.i.u.bf16.f32 v26;
	v26 =	vunpack.i.l.bf16.f32 v26  }
0x25c: {  	v31 =	vmax.bf16 v31, v2;
	v39 =	vadd.f32 v26, v41;
	v41 =	vld [tilespmem:s26+$0x10];
	v29 =	vadd.bf16 v29, v40  }
0x25d: {  	v27 =	vadd.bf16 v27, v28;
	v28 =	vld [tilespmem:s6+$0x20];
	v40 =	vmul.bf16 v31, v21;
	v35 =	vadd.bf16 v35, v30  }
0x25e: {  	v31 =	vld [tilespmem:s26+$0x20];
	v29 =	vmax.bf16 v29, v2;
	v36 =	vadd.bf16 v32, v36  }
0x25f: {  	v30 =	vld [tilespmem:s6+$0x30];
	v33 =	vmul.bf16 v29, v22;
	v29 =	vadd.bf16 v37, v40;
	v40 =	vmax.bf16 v35, v2  }
0x260: {  	s23 =	simm.s32 $0x1E1B0;
	v26 =	vmax.bf16 v34, v2;
	v32 =	vld [tilespmem:s26+$0x30];
	v35 =	vmul.bf16 v40, v23  }
0x261: {  	s29 =	simm.s32 $0x0;
	s0 =	simm.s32 $0x156C0;
	v34 =	vld [tilespmem:s6+$0xFFFFFF80];
	v26 =	vmul.bf16 v26, v24;
	[tilespmem:s23+$0x10] =	vst v39;
	v36 =	vmax.bf16 v36, v2;
	v37 =	vadd.bf16 v41, v38  }
.LBB2_9:
0x262: {  	v38 =	vld [tilespmem:s0+$0x40];
	v33 =	vadd.bf16 v35, v33;
	v35 =	vmul.bf16 v36, v21;
	s26 =	sadd.s32 $0x100, s26  }
0x263: {  	v36 =	vld [tilespmem:s26+$0x40];
	v37 =	vmax.bf16 v37, v2;
	v28 =	vadd.bf16 v31, v28  }
0x264: {  	v31 =	vld [tilespmem:s0+$0x50];
	v29 =	vadd.bf16 v33, v29;
	v33 =	vmul.bf16 v37, v24  }
0x265: {  	v37 =	vld [tilespmem:s26+$0x50];
	v28 =	vmax.bf16 v28, v2;
	v30 =	vadd.bf16 v32, v30  }
0x266: {  	v32 =	vld [tilespmem:s0+$0x60];
	v25 =	vadd.bf16 v25, v34;
	v28 =	vmul.bf16 v28, v22;
	v33 =	vadd.bf16 v33, v35  }
0x267: {  	v35 =	vunpack.i.u.bf16.f32 v29;
	v29 =	vunpack.i.l.bf16.f32 v29;
	v34 =	vld [tilespmem:s26+$0x60];
	v30 =	vmax.bf16 v30, v2  }
0x268: {  	v29 =	vadd.f32 v29, v35;
	v39 =	vld [tilespmem:s0+$0x70];
	v25 =	vmax.bf16 v25, v2;
	v30 =	vmul.bf16 v30, v23  }
0x269: {  	s29 =	sadd.s32 $0x4, s29;
	v35 =	vld [tilespmem:s26+$0x70];
	v40 =	vmul.bf16 v25, v21  }
0x26a: {  	p0 =	slt.u32 s29, $0x4C;
	v25 =	vld [tilespmem:s26+$0xFFFFFF80];
	[tilespmem:s23+$0xFFFFFFF0] =	vst v29;
	v28 =	vadd.bf16 v30, v28  }
0x26b: {  	v29 =	vld [tilespmem:s0+$0xFFFFFF90];
	v26 =	vadd.bf16 v26, v40  }
0x26c: {  	v36 =	vadd.bf16 v36, v38;
	v30 =	vld [tilespmem:s26+$0xFFFFFF90];
	v28 =	vadd.bf16 v28, v33  }
0x26d: {  	v31 =	vadd.bf16 v37, v31;
	v32 =	vadd.bf16 v34, v32;
	v33 =	vld [tilespmem:s0+$0xFFFFFFA0]  }
0x26e: {  	v26 =	vadd.bf16 v27, v26;
	v34 =	vld [tilespmem:s26+$0xFFFFFFA0];
	v35 =	vadd.bf16 v35, v39;
	v27 =	vunpack.i.u.bf16.f32 v28  }
0x26f: {  	v36 =	vmax.bf16 v36, v2;
	v31 =	vmax.bf16 v31, v2;
	v32 =	vmax.bf16 v32, v2;
	v37 =	vld [tilespmem:s0+$0xFFFFFFB0]  }
0x270: {  	v36 =	vmul.bf16 v36, v21;
	v31 =	vmul.bf16 v31, v24;
	v38 =	vld [tilespmem:s26+$0xFFFFFFB0];
	v35 =	vmax.bf16 v35, v2  }
0x271: {  	v32 =	vmul.bf16 v32, v22;
	v29 =	vadd.bf16 v30, v29;
	v30 =	vld [tilespmem:s0+$0xFFFFFFC0];
	v35 =	vmul.bf16 v35, v23  }
0x272: {  	v28 =	vunpack.i.l.bf16.f32 v28;
	v40 =	vunpack.i.u.bf16.f32 v26;
	v41 =	vunpack.i.l.bf16.f32 v26;
	v39 =	vld [tilespmem:s26+$0xFFFFFFC0]  }
0x273: {  	v31 =	vadd.bf16 v31, v36;
	v26 =	vmax.bf16 v29, v2;
	v29 =	vld [tilespmem:s0+$0xFFFFFFD0];
	v32 =	vadd.bf16 v35, v32  }
0x274: {  	v33 =	vadd.bf16 v34, v33;
	v35 =	vadd.f32 v41, v40;
	v26 =	vmul.bf16 v26, v24;
	v34 =	vld [tilespmem:s26+$0xFFFFFFD0]  }
0x275: {  	v36 =	vadd.bf16 v38, v37;
	v37 =	vld [tilespmem:s0+$0xFFFFFFE0];
	v31 =	vadd.bf16 v32, v31  }
0x276: {  	v27 =	vadd.f32 v28, v27;
	v32 =	vmax.bf16 v33, v2;
	v33 =	vld [tilespmem:s26+$0xFFFFFFE0];
	[tilespmem:s23+$0xFFFFFFE0] =	vst v35  }
0x277: {  	v28 =	vadd.bf16 v39, v30;
	v30 =	vld [tilespmem:s0+$0xFFFFFFF0];
	v35 =	vunpack.i.u.bf16.f32 v31;
	v31 =	vunpack.i.l.bf16.f32 v31  }
0x278: {  	v32 =	vmul.bf16 v32, v22;
	v36 =	vmax.bf16 v36, v2;
	v38 =	vld [tilespmem:s26+$0xFFFFFFF0];
	v31 =	vadd.f32 v31, v35;
	[tilespmem:s23+$0x0] =	vst v27  }
0x279: {  	v27 =	vmul.bf16 v36, v23;
	s23 =	sadd.s32 $0x40, s23;
	v28 =	vmax.bf16 v28, v2;
	v29 =	vadd.bf16 v34, v29;
	v34 =	vld [tilespmem:s0+$0x0]  }
0x27a: {  	v35 =	vmul.bf16 v28, v21;
	v36 =	vld [tilespmem:s26+$0x0];
	[tilespmem:s23+$0x10] =	vst v31  }
0x27b: {  	v27 =	vadd.bf16 v27, v32;
	v28 =	vmax.bf16 v29, v2;
	v29 =	vadd.bf16 v33, v37;
	v37 =	vld [tilespmem:s0+$0x10]  }
0x27c: {  	v31 =	vmul.bf16 v28, v24;
	v39 =	vld [tilespmem:s26+$0x10]  }
.Ltmp3:
0x27d: {  	v29 =	vmax.bf16 v29, v2;
	v30 =	vadd.bf16 v38, v30;
	v28 =	vld [tilespmem:s0+$0x20];
	(pc) =	sbr.rel @p0 .LBB2_9-.Ltmp3, $4  }
0x27e: {  	v33 =	vmul.bf16 v29, v22;
	v29 =	vadd.bf16 v31, v35;
	v31 =	vld [tilespmem:s26+$0x20]  }
0x27f: {  	v32 =	vmax.bf16 v30, v2;
	v36 =	vadd.bf16 v36, v34;
	v30 =	vld [tilespmem:s0+$0x30]  }
0x280: {  	v35 =	vmul.bf16 v32, v23;
	v32 =	vld [tilespmem:s26+$0x30]  }
0x281: {  	v34 =	vld [tilespmem:s0+$0xFFFFFF80];
	v36 =	vmax.bf16 v36, v2;
	v37 =	vadd.bf16 v39, v37;
	s0 =	sadd.s32 $0x100, s0  }
0x282: {  	_ =	sdelay $0x2  }
0x283: {  	v28 =	vadd.bf16 v31, v28;
	v30 =	vadd.bf16 v32, v30  }
0x284: {  	v41 =	vmax.bf16 v37, v2;
	v31 =	vmul.bf16 v36, v21;
	v25 =	vadd.bf16 v25, v34  }
0x285: {  	v24 =	vmul.bf16 v41, v24;
	v28 =	vmax.bf16 v28, v2;
	v30 =	vmax.bf16 v30, v2  }
0x286: {  	v22 =	vmul.bf16 v28, v22;
	v25 =	vmax.bf16 v25, v2;
	v23 =	vmul.bf16 v30, v23  }
0x287: {  	v33 =	vadd.bf16 v35, v33;
	v21 =	vmul.bf16 v25, v21  }
0x288: {  	v24 =	vadd.bf16 v24, v31;
	v22 =	vadd.bf16 v23, v22  }
0x289: {  	v25 =	vadd.bf16 v33, v29;
	v21 =	vadd.bf16 v26, v21  }
0x28a: {  	v22 =	vadd.bf16 v22, v24  }
0x28b: {  	v23 =	vunpack.i.u.bf16.f32 v25;
	v25 =	vunpack.i.l.bf16.f32 v25;
	v21 =	vadd.bf16 v27, v21  }
0x28c: {  	v23 =	vadd.f32 v25, v23;
	v25 =	vunpack.i.u.bf16.f32 v22;
	v22 =	vunpack.i.l.bf16.f32 v22  }
0x28d: {  	v24 =	vunpack.i.u.bf16.f32 v21;
	v21 =	vunpack.i.l.bf16.f32 v21;
	v22 =	vadd.f32 v22, v25  }
0x28e: {  	[tilespmem:s23+$0xFFFFFFF0] =	vst v23;
	v21 =	vadd.f32 v21, v24  }
0x28f: {  	[tilespmem:s23+$0x0] =	vst v22  }
0x290: {  	[tilespmem:s23+$0xFFFFFFE0] =	vst v21  }
0x291: {  	v21 =	vld.idx.msk [tilespmem:v0+s20+$0x0], $0xffff  }
0x292: {  	v22 =	vld [tilespmem:$0x1FD90]  }
0x293: {  	v23 =	vld [tilespmem:$0x1FDA0]  }
0x294: {  	v24 =	vld [tilespmem:$0x1FDB0]  }
0x295: {  	v25 =	vld [tilespmem:$0x1FDC0]  }
0x296: {  	v26 =	vld [tilespmem:$0x1FDD0]  }
0x297: {  	v27 =	vld [tilespmem:$0x1FDE0]  }
0x298: {  	v28 =	vld [tilespmem:$0x1FDF0]  }
0x299: {  	v29 =	vld [tilespmem:$0x1FE00]  }
0x29a: {  	v30 =	vld [tilespmem:$0x1FE10]  }
0x29b: {  	v31 =	vld [tilespmem:$0x1FE20]  }
0x29c: {  	v37 =	vld [tilespmem:$0x1FE30]  }
0x29d: {  	v38 =	vld [tilespmem:$0x1FE40]  }
0x29e: {  	v39 =	vld [tilespmem:$0x1FE50]  }
0x29f: {  	v40 =	vld [tilespmem:$0x1FE60]  }
0x2a0: {  	v41 =	vld [tilespmem:$0x1FE70]  }
0x2a1: {  	v22 =	vld.idx.msk [tilespmem:v22+s20+$0x0], $0xffff  }
0x2a2: {  	v23 =	vld.idx.msk [tilespmem:v23+s20+$0x0], $0xffff  }
0x2a3: {  	v24 =	vld.idx.msk [tilespmem:v24+s20+$0x0], $0xffff  }
0x2a4: {  	v25 =	vld.idx.msk [tilespmem:v25+s20+$0x0], $0xffff  }
0x2a5: {  	v26 =	vld.idx.msk [tilespmem:v26+s20+$0x0], $0xffff  }
0x2a6: {  	v27 =	vld.idx.msk [tilespmem:v27+s20+$0x0], $0xffff  }
0x2a7: {  	v28 =	vld.idx.msk [tilespmem:v28+s20+$0x0], $0xffff  }
0x2a8: {  	v29 =	vld.idx.msk [tilespmem:v29+s20+$0x0], $0xffff  }
0x2a9: {  	v30 =	vld.idx.msk [tilespmem:v30+s20+$0x0], $0xffff  }
0x2aa: {  	v31 =	vld.idx.msk [tilespmem:v31+s20+$0x0], $0xffff  }
0x2ab: {  	v32 =	vld.idx.msk [tilespmem:v37+s20+$0x0], $0xffff  }
0x2ac: {  	v33 =	vld.idx.msk [tilespmem:v38+s20+$0x0], $0xffff  }
0x2ad: {  	v34 =	vld.idx.msk [tilespmem:v39+s20+$0x0], $0xffff  }
0x2ae: {  	v35 =	vld.idx.msk [tilespmem:v40+s20+$0x0], $0xffff  }
0x2af: {  	v36 =	vld.idx.msk [tilespmem:v41+s20+$0x0], $0xffff;
	_ =	sdelay $0x1  }
0x2b0: {  	v21 =	vadd.f32 v22, v21;
	v22 =	vadd.f32 v24, v23  }
0x2b1: {  	v23 =	vadd.f32 v26, v25;
	v24 =	vadd.f32 v28, v27  }
0x2b2: {  	v25 =	vadd.f32 v30, v29;
	v26 =	vadd.f32 v32, v31  }
0x2b3: {  	v27 =	vadd.f32 v34, v33;
	v28 =	vadd.f32 v36, v35  }
0x2b4: {  	v22 =	vadd.f32 v22, v21;
	v23 =	vadd.f32 v24, v23  }
0x2b5: {  	v24 =	vadd.f32 v26, v25;
	v25 =	vadd.f32 v28, v27  }
0x2b6: {  	v21 =	vld [tilespmem:$0x1E180]  }
0x2b7: {  	v22 =	vadd.f32 v23, v22;
	v23 =	vadd.f32 v25, v24;
	_ =	sdelay $0x1  }
0x2b8: {  	v22 =	vadd.f32 v23, v22;
	_ =	sdelay $0x1  }
0x2b9: {  	v22 =	vadd.f32 v22, v21;
	_ =	sdelay $0x1  }
0x2ba: {  	v22 =	vsub.f32 $0.0e+00, v22;
	_ =	sdelay $0x1  }
0x2bb: {  	v22 =	vmul.f32 $1.442695020e+00, v22;
	_ =	sdelay $0x1  }
0x2bc: {  	(erf) = vpow2.f32 v22;
	_ =	sdelay $0x6  }
0x2bd: {  	v37 =	vld [tilespmem:$0x1FF30]  }
0x2be: {  	v38 =	vld [tilespmem:$0x1FF40]  }
0x2bf: {  	v39 =	vld [tilespmem:$0x1FF50];
	v22 =	vpop (erf)  }
0x2c0: {  	v40 =	vld [tilespmem:$0x1FF60];
	v22 =	vadd.f32 $1.000000000e+00, v22  }
0x2c1: {  	v41 =	vld [tilespmem:$0x1FF70]  }
0x2c2: {  	v29 =	vld [tilespmem:$0x1FEF0];
	(erf) = vrcp.f32 v22  }
0x2c3: {  	v30 =	vld [tilespmem:$0x1FF00]  }
0x2c4: {  	v31 =	vld [tilespmem:$0x1FF10]  }
0x2c5: {  	v23 =	vld [tilespmem:$0x1FE90]  }
0x2c6: {  	v24 =	vld [tilespmem:$0x1FEA0]  }
0x2c7: {  	v25 =	vld [tilespmem:$0x1FEB0]  }
0x2c8: {  	v26 =	vld [tilespmem:$0x1FEC0]  }
0x2c9: {  	v27 =	vld [tilespmem:$0x1FED0]  }
0x2ca: {  	v28 =	vld [tilespmem:$0x1FEE0]  }
0x2cb: {  	v36 =	vld [tilespmem:$0x1FF20];
	v22 =	vpop (erf)  }
0x2cc: {  	[tilespmem:$0x1E690] =	vst v22;
	v22 =	vld [tilespmem:$0x1FE80]  }
0x2cd: {  	v23 =	vld.idx.msk [tilespmem:v23+s20+$0x0], $0xffff  }
0x2ce: {  	v24 =	vld.idx.msk [tilespmem:v24+s20+$0x0], $0xffff  }
0x2cf: {  	v25 =	vld.idx.msk [tilespmem:v25+s20+$0x0], $0xffff  }
0x2d0: {  	v26 =	vld.idx.msk [tilespmem:v26+s20+$0x0], $0xffff  }
0x2d1: {  	v27 =	vld.idx.msk [tilespmem:v27+s20+$0x0], $0xffff  }
0x2d2: {  	v28 =	vld.idx.msk [tilespmem:v28+s20+$0x0], $0xffff  }
0x2d3: {  	v29 =	vld.idx.msk [tilespmem:v29+s20+$0x0], $0xffff  }
0x2d4: {  	v30 =	vld.idx.msk [tilespmem:v30+s20+$0x0], $0xffff  }
0x2d5: {  	v31 =	vld.idx.msk [tilespmem:v31+s20+$0x0], $0xffff  }
0x2d6: {  	v32 =	vld.idx.msk [tilespmem:v36+s20+$0x0], $0xffff  }
0x2d7: {  	v33 =	vld.idx.msk [tilespmem:v37+s20+$0x0], $0xffff  }
0x2d8: {  	v34 =	vld.idx.msk [tilespmem:v38+s20+$0x0], $0xffff  }
0x2d9: {  	v22 =	vld.idx.msk [tilespmem:v22+s20+$0x0], $0xffff  }
0x2da: {  	v35 =	vld.idx.msk [tilespmem:v39+s20+$0x0], $0xffff  }
0x2db: {  	v36 =	vld.idx.msk [tilespmem:v40+s20+$0x0], $0xffff  }
0x2dc: {  	v37 =	vld.idx.msk [tilespmem:v41+s20+$0x0], $0xffff;
	_ =	sdelay $0x1  }
0x2dd: {  	v22 =	vadd.f32 v23, v22;
	v23 =	vadd.f32 v25, v24  }
0x2de: {  	v24 =	vadd.f32 v27, v26;
	v25 =	vadd.f32 v29, v28  }
0x2df: {  	v26 =	vadd.f32 v31, v30;
	v27 =	vadd.f32 v33, v32  }
0x2e0: {  	v28 =	vadd.f32 v35, v34;
	v29 =	vadd.f32 v37, v36  }
0x2e1: {  	v22 =	vadd.f32 v23, v22;
	v23 =	vadd.f32 v25, v24  }
0x2e2: {  	v24 =	vadd.f32 v27, v26;
	v25 =	vadd.f32 v29, v28;
	_ =	sdelay $0x1  }
0x2e3: {  	v22 =	vadd.f32 v23, v22;
	v23 =	vadd.f32 v25, v24;
	_ =	sdelay $0x1  }
0x2e4: {  	v22 =	vadd.f32 v23, v22;
	_ =	sdelay $0x1  }
0x2e5: {  	v22 =	vadd.f32 v22, v21;
	_ =	sdelay $0x1  }
0x2e6: {  	v22 =	vsub.f32 $0.0e+00, v22;
	_ =	sdelay $0x1  }
0x2e7: {  	v22 =	vmul.f32 $1.442695020e+00, v22;
	_ =	sdelay $0x1  }
0x2e8: {  	(erf) = vpow2.f32 v22;
	_ =	sdelay $0x8  }
0x2e9: {  	v22 =	vpop (erf)  }
0x2ea: {  	v22 =	vadd.f32 $1.000000000e+00, v22;
	_ =	sdelay $0x1  }
0x2eb: {  	(erf) = vrcp.f32 v22;
	_ =	sdelay $0x2  }
0x2ec: {  	v23 =	vld [tilespmem:$0x1FF90]  }
0x2ed: {  	v24 =	vld [tilespmem:$0x1FFA0]  }
0x2ee: {  	v25 =	vld [tilespmem:$0x1FFB0]  }
0x2ef: {  	v26 =	vld [tilespmem:$0x1FFC0]  }
0x2f0: {  	v27 =	vld [tilespmem:$0x1FFD0]  }
0x2f1: {  	v28 =	vld [tilespmem:$0x1FFE0]  }
0x2f2: {  	v29 =	vld [tilespmem:$0x1FFF0];
	v22 =	vpop (erf)  }
0x2f3: {  	[tilespmem:$0x1E6A0] =	vst v22;
	v22 =	vld [tilespmem:$0x1FF80]  }
0x2f4: {  	v23 =	vld.idx.msk [tilespmem:v23+s20+$0x0], $0xffff  }
0x2f5: {  	v24 =	vld.idx.msk [tilespmem:v24+s20+$0x0], $0xffff  }
0x2f6: {  	v25 =	vld.idx.msk [tilespmem:v25+s20+$0x0], $0xffff  }
0x2f7: {  	v26 =	vld.idx.msk [tilespmem:v26+s20+$0x0], $0xffff  }
0x2f8: {  	v27 =	vld.idx.msk [tilespmem:v27+s20+$0x0], $0xffff  }
0x2f9: {  	v28 =	vld.idx.msk [tilespmem:v28+s20+$0x0], $0xffff  }
0x2fa: {  	v29 =	vld.idx.msk [tilespmem:v29+s20+$0x0], $0xffff  }
0x2fb: {  	v30 =	vld.idx.msk [tilespmem:v42+s20+$0x0], $0xffff  }
0x2fc: {  	v31 =	vld.idx.msk [tilespmem:v43+s20+$0x0], $0xffff  }
0x2fd: {  	v32 =	vld.idx.msk [tilespmem:v44+s20+$0x0], $0xffff  }
0x2fe: {  	v33 =	vld.idx.msk [tilespmem:v45+s20+$0x0], $0xffff  }
0x2ff: {  	v34 =	vld.idx.msk [tilespmem:v46+s20+$0x0], $0xffff  }
0x300: {  	v22 =	vld.idx.msk [tilespmem:v22+s20+$0x0], $0xffff  }
0x301: {  	v35 =	vld.idx.msk [tilespmem:v47+s20+$0x0], $0xffff  }
0x302: {  	v40 =	vld.idx.msk [tilespmem:v48+s20+$0x0], $0xffff  }
0x303: {  	v41 =	vld.idx.msk [tilespmem:v49+s20+$0x0], $0xffff;
	_ =	sdelay $0x1  }
0x304: {  	v22 =	vadd.f32 v23, v22;
	v23 =	vadd.f32 v25, v24  }
0x305: {  	v24 =	vadd.f32 v27, v26;
	v25 =	vadd.f32 v29, v28  }
0x306: {  	v26 =	vadd.f32 v31, v30;
	v27 =	vadd.f32 v33, v32  }
0x307: {  	v28 =	vadd.f32 v35, v34;
	v29 =	vadd.f32 v41, v40  }
0x308: {  	v22 =	vadd.f32 v23, v22;
	v23 =	vadd.f32 v25, v24  }
0x309: {  	v24 =	vadd.f32 v27, v26;
	v25 =	vadd.f32 v29, v28;
	_ =	sdelay $0x1  }
0x30a: {  	v22 =	vadd.f32 v23, v22;
	v23 =	vadd.f32 v25, v24;
	_ =	sdelay $0x1  }
0x30b: {  	v22 =	vadd.f32 v23, v22;
	_ =	sdelay $0x1  }
0x30c: {  	v22 =	vadd.f32 v22, v21;
	_ =	sdelay $0x1  }
0x30d: {  	v22 =	vsub.f32 $0.0e+00, v22;
	_ =	sdelay $0x1  }
0x30e: {  	v22 =	vmul.f32 $1.442695020e+00, v22;
	_ =	sdelay $0x1  }
0x30f: {  	(erf) = vpow2.f32 v22;
	_ =	sdelay $0x8  }
0x310: {  	v22 =	vpop (erf)  }
0x311: {  	v22 =	vadd.f32 $1.000000000e+00, v22;
	_ =	sdelay $0x1  }
0x312: {  	(erf) = vrcp.f32 v22;
	_ =	sdelay $0x8  }
0x313: {  	v22 =	vpop (erf)  }
0x314: {  	[tilespmem:$0x1E6B0] =	vst v22  }
0x315: {  	v22 =	vld.idx.msk [tilespmem:v50+s20+$0x0], $0xffff  }
0x316: {  	v23 =	vld.idx.msk [tilespmem:v51+s20+$0x0], $0xffff  }
0x317: {  	v24 =	vld.idx.msk [tilespmem:v52+s20+$0x0], $0xffff  }
0x318: {  	v25 =	vld.idx.msk [tilespmem:v53+s20+$0x0], $0xffff  }
0x319: {  	v26 =	vld.idx.msk [tilespmem:v54+s20+$0x0], $0xffff  }
0x31a: {  	v27 =	vld.idx.msk [tilespmem:v55+s20+$0x0], $0xffff  }
0x31b: {  	v28 =	vld.idx.msk [tilespmem:v56+s20+$0x0], $0xffff  }
0x31c: {  	v29 =	vld.idx.msk [tilespmem:v57+s20+$0x0], $0xffff  }
0x31d: {  	v30 =	vld.idx.msk [tilespmem:v58+s20+$0x0], $0xffff  }
0x31e: {  	v31 =	vld.idx.msk [tilespmem:v59+s20+$0x0], $0xffff  }
0x31f: {  	v32 =	vld.idx.msk [tilespmem:v60+s20+$0x0], $0xffff  }
0x320: {  	v33 =	vld.idx.msk [tilespmem:v61+s20+$0x0], $0xffff  }
0x321: {  	v34 =	vld.idx.msk [tilespmem:v62+s20+$0x0], $0xffff  }
0x322: {  	v35 =	vld.idx.msk [tilespmem:v63+s20+$0x0], $0xffff  }
0x323: {  	v40 =	vld.idx.msk [tilespmem:v3+s20+$0x0], $0xffff  }
0x324: {  	v41 =	vld.idx.msk [tilespmem:v4+s20+$0x0], $0xffff;
	_ =	sdelay $0x1  }
0x325: {  	v22 =	vadd.f32 v23, v22;
	v23 =	vadd.f32 v25, v24  }
0x326: {  	v24 =	vadd.f32 v27, v26;
	v25 =	vadd.f32 v29, v28  }
0x327: {  	v26 =	vadd.f32 v31, v30;
	v27 =	vadd.f32 v33, v32  }
0x328: {  	v28 =	vadd.f32 v35, v34;
	v29 =	vadd.f32 v41, v40  }
0x329: {  	v22 =	vadd.f32 v23, v22;
	v23 =	vadd.f32 v25, v24  }
0x32a: {  	v24 =	vadd.f32 v27, v26;
	v25 =	vadd.f32 v29, v28;
	_ =	sdelay $0x1  }
0x32b: {  	v22 =	vadd.f32 v23, v22;
	v23 =	vadd.f32 v25, v24;
	_ =	sdelay $0x1  }
0x32c: {  	v22 =	vadd.f32 v23, v22;
	_ =	sdelay $0x1  }
0x32d: {  	v22 =	vadd.f32 v22, v21;
	_ =	sdelay $0x1  }
0x32e: {  	v22 =	vsub.f32 $0.0e+00, v22;
	_ =	sdelay $0x1  }
0x32f: {  	v22 =	vmul.f32 $1.442695020e+00, v22;
	_ =	sdelay $0x1  }
0x330: {  	(erf) = vpow2.f32 v22;
	_ =	sdelay $0x8  }
0x331: {  	v22 =	vpop (erf)  }
0x332: {  	v22 =	vadd.f32 $1.000000000e+00, v22;
	_ =	sdelay $0x1  }
0x333: {  	(erf) = vrcp.f32 v22;
	_ =	sdelay $0x8  }
0x334: {  	v22 =	vpop (erf)  }
0x335: {  	[tilespmem:$0x1E6C0] =	vst v22  }
0x336: {  	v22 =	vld.idx.msk [tilespmem:v5+s20+$0x0], $0xffff  }
0x337: {  	v23 =	vld.idx.msk [tilespmem:v6+s20+$0x0], $0xffff  }
0x338: {  	v24 =	vld.idx.msk [tilespmem:v7+s20+$0x0], $0xffff  }
0x339: {  	v25 =	vld.idx.msk [tilespmem:v8+s20+$0x0], $0xffff  }
0x33a: {  	v26 =	vld.idx.msk [tilespmem:v9+s20+$0x0], $0xffff  }
0x33b: {  	v27 =	vld.idx.msk [tilespmem:v10+s20+$0x0], $0xffff  }
0x33c: {  	v28 =	vld.idx.msk [tilespmem:v11+s20+$0x0], $0xffff  }
0x33d: {  	v29 =	vld.idx.msk [tilespmem:v12+s20+$0x0], $0xffff  }
0x33e: {  	v30 =	vld.idx.msk [tilespmem:v13+s20+$0x0], $0xffff  }
0x33f: {  	v31 =	vld.idx.msk [tilespmem:v14+s20+$0x0], $0xffff  }
0x340: {  	v32 =	vld.idx.msk [tilespmem:v15+s20+$0x0], $0xffff  }
0x341: {  	v33 =	vld.idx.msk [tilespmem:v16+s20+$0x0], $0xffff  }
0x342: {  	v34 =	vld.idx.msk [tilespmem:v17+s20+$0x0], $0xffff  }
0x343: {  	v35 =	vld.idx.msk [tilespmem:v18+s20+$0x0], $0xffff  }
0x344: {  	v40 =	vld.idx.msk [tilespmem:v19+s20+$0x0], $0xffff  }
0x345: {  	v41 =	vld.idx.msk [tilespmem:v20+s20+$0x0], $0xffff;
	_ =	sdelay $0x1  }
0x346: {  	v22 =	vadd.f32 v23, v22;
	v23 =	vadd.f32 v25, v24  }
0x347: {  	v24 =	vadd.f32 v27, v26;
	v25 =	vadd.f32 v29, v28  }
0x348: {  	v26 =	vadd.f32 v31, v30;
	v27 =	vadd.f32 v33, v32  }
0x349: {  	v28 =	vadd.f32 v35, v34;
	v29 =	vadd.f32 v41, v40  }
0x34a: {  	v22 =	vadd.f32 v23, v22;
	v23 =	vadd.f32 v25, v24  }
0x34b: {  	v24 =	vadd.f32 v27, v26;
	v25 =	vadd.f32 v29, v28;
	_ =	sdelay $0x1  }
0x34c: {  	v22 =	vadd.f32 v23, v22;
	v23 =	vadd.f32 v25, v24;
	_ =	sdelay $0x1  }
0x34d: {  	v22 =	vadd.f32 v23, v22;
	_ =	sdelay $0x1  }
0x34e: {  	v21 =	vadd.f32 v22, v21;
	_ =	sdelay $0x1  }
0x34f: {  	v21 =	vsub.f32 $0.0e+00, v21;
	_ =	sdelay $0x1  }
0x350: {  	v21 =	vmul.f32 $1.442695020e+00, v21;
	_ =	sdelay $0x1  }
0x351: {  	(erf) = vpow2.f32 v21;
	_ =	sdelay $0x8  }
0x352: {  	v21 =	vpop (erf)  }
0x353: {  	v21 =	vadd.f32 $1.000000000e+00, v21;
	_ =	sdelay $0x1  }
0x354: {  	(erf) = vrcp.f32 v21;
	_ =	sdelay $0x1  }
0x355: {  	s0 =	simm.s32 $0x0  }
0x356: {  	s26 =	simm.s32 $0x2;
	v21 =	vmov s0  }
0x357: {  	v22 =	vmov s26;
	v21 =	vand.u32 $0xFFFFFFFC, v21  }
0x358: {  	v22 =	vand.u32 $0xFFFFFFFE, v22;
	v21 =	vbroadcast v21, $0x0  }
0x359: {  	v22 =	vbroadcast v22, $0x0;
	_ =	sdelay $0x2  }
0x35a: {  	v23 =	vpop (erf)  }
0x35b: {  	[tilespmem:$0x1E6D0] =	vst v23  }
0x35c: {  	v21 =	vld.idx.msk [tilespmem:v21+s21+$0x0], $0xffff  }
0x35d: {  	s26 =	simm.s32 $0x1BA40;
	v22 =	vld.idx.msk [tilespmem:v22+s21+$0x0], $0xffff  }
0x35e: {  	s6 =	simm.s32 $0x1;
	v24 =	vld [tilespmem:s26+$0x70]  }
0x35f: {  	v23 =	vmov s6;
	v25 =	vld [tilespmem:s26+$0xFFFFFF00]  }
0x360: {  	v23 =	vand.u32 $0xFFFFFFFD, v23;
	v26 =	vld [tilespmem:s26+$0xFFFFFF10]  }
0x361: {  	v27 =	vld [tilespmem:s26+$0xFFFFFF20];
	v23 =	vbroadcast v23, $0x0  }
0x362: {  	v28 =	vld [tilespmem:s26+$0xFFFFFF30]  }
0x363: {  	v29 =	vld [tilespmem:s26+$0xFFFFFF40]  }
0x364: {  	v30 =	vld [tilespmem:s26+$0xFFFFFF50]  }
0x365: {  	v31 =	vld [tilespmem:s26+$0xFFFFFF60];
	v25 =	vmul.f32 v25, v21  }
0x366: {  	v40 =	vld [tilespmem:s26+$0x40];
	v24 =	vmul.f32 v24, v22  }
0x367: {  	v23 =	vld.idx.msk [tilespmem:v23+s21+$0x0], $0xffff;
	[tilespmem:s26+$0xFFFFFF00] =	vst v25;
	v25 =	vmul.f32 v26, v21  }
0x368: {  	v26 =	vld [tilespmem:s26+$0xFFFFFF70];
	[tilespmem:s26+$0x70] =	vst v24;
	v24 =	vmul.f32 v27, v21  }
0x369: {  	v27 =	vld [tilespmem:s26+$0xFFFFFF80];
	[tilespmem:s26+$0xFFFFFF10] =	vst v25;
	v25 =	vmul.f32 v28, v21  }
0x36a: {  	v28 =	vld [tilespmem:s26+$0xFFFFFF90];
	[tilespmem:s26+$0xFFFFFF20] =	vst v24;
	v24 =	vmul.f32 v29, v21  }
0x36b: {  	v29 =	vld [tilespmem:s26+$0xFFFFFFA0];
	[tilespmem:s26+$0xFFFFFF30] =	vst v25;
	v25 =	vmul.f32 v30, v21  }
0x36c: {  	v30 =	vld [tilespmem:s26+$0xFFFFFFB0];
	[tilespmem:s26+$0xFFFFFF40] =	vst v24;
	v24 =	vmul.f32 v31, v21  }
0x36d: {  	v31 =	vld [tilespmem:s26+$0xFFFFFFC0];
	v26 =	vmul.f32 v26, v21;
	[tilespmem:s26+$0xFFFFFF50] =	vst v25  }
0x36e: {  	v25 =	vmul.f32 v27, v23;
	v27 =	vld [tilespmem:s26+$0xFFFFFFD0];
	[tilespmem:s26+$0xFFFFFF60] =	vst v24  }
0x36f: {  	s23 =	simm.s32 $0x3;
	v24 =	vld [tilespmem:s26+$0xFFFFFFE0];
	v28 =	vmul.f32 v28, v23;
	[tilespmem:s26+$0xFFFFFF70] =	vst v26  }
0x370: {  	v39 =	vmov s23;
	v26 =	vld [tilespmem:s26+$0xFFFFFFF0];
	[tilespmem:s26+$0xFFFFFF80] =	vst v25;
	v25 =	vmul.f32 v29, v23  }
0x371: {  	v29 =	vld [tilespmem:s26+$0x0];
	[tilespmem:s26+$0xFFFFFF90] =	vst v28;
	v28 =	vmul.f32 v30, v23  }
0x372: {  	v30 =	vld [tilespmem:s26+$0x10];
	[tilespmem:s26+$0xFFFFFFA0] =	vst v25;
	v25 =	vmul.f32 v31, v23  }
0x373: {  	[tilespmem:s26+$0xFFFFFFB0] =	vst v28;
	v27 =	vmul.f32 v27, v23;
	v28 =	vld [tilespmem:s26+$0x20]  }
0x374: {  	v31 =	vld [tilespmem:s26+$0x30];
	v24 =	vmul.f32 v24, v23;
	[tilespmem:s26+$0xFFFFFFC0] =	vst v25  }
0x375: {  	v21 =	vld.idx.msk [tilespmem:v39+s21+$0x0], $0xffff;
	v23 =	vmul.f32 v26, v23;
	[tilespmem:s26+$0xFFFFFFD0] =	vst v27  }
0x376: {  	[tilespmem:s26+$0xFFFFFFE0] =	vst v24;
	v25 =	vmul.f32 v29, v22;
	v24 =	vld [tilespmem:s26+$0x50]  }
0x377: {  	s6 =	simm.s32 $0x4;
	[tilespmem:s26+$0xFFFFFFF0] =	vst v23;
	v26 =	vmul.f32 v30, v22;
	v23 =	vld [tilespmem:s26+$0x60]  }
0x378: {  	v27 =	vmov s6;
	s6 =	simm.s32 $0x5;
	[tilespmem:s26+$0x0] =	vst v25;
	v29 =	vmul.f32 v28, v22;
	v28 =	vld [tilespmem:s26+$0x80]  }
0x379: {  	s23 =	simm.s32 $0x7;
	v41 =	vand.u32 $0xFFFFFFFC, v27;
	v27 =	vld [tilespmem:s26+$0x90];
	v32 =	vmov s6;
	v30 =	vmul.f32 v31, v22;
	[tilespmem:s26+$0x10] =	vst v26  }
0x37a: {  	s29 =	simm.s32 $0x8;
	s0 =	simm.s32 $0x6;
	v25 =	vmov s23;
	v31 =	vmul.f32 v40, v22;
	s23 =	simm.s32 $0x1BA40;
	v26 =	vbroadcast v41, $0x0;
	[tilespmem:s26+$0x20] =	vst v29;
	v29 =	vld [tilespmem:s26+$0xA0]  }
.LBB2_11:
0x37b: {  	p0 =	slt.u32 s29, $0x4C;
	v32 =	vand.u32 $0xFFFFFFFD, v32;
	v33 =	vmov s0;
	[tilespmem:s26+$0x30] =	vst v30;
	v24 =	vmul.f32 v24, v22;
	v30 =	vld [tilespmem:s26+$0xB0]  }
0x37c: {  	v32 =	vbroadcast v32, $0x0;
	v33 =	vand.u32 $0xFFFFFFFE, v33;
	[tilespmem:s26+$0x40] =	vst v31;
	v22 =	vmul.f32 v23, v22;
	v23 =	vld [tilespmem:s26+$0xC0]  }
0x37d: {  	v31 =	vbroadcast v33, $0x0;
	[tilespmem:s26+$0x50] =	vst v24;
	v24 =	vmul.f32 v28, v21;
	v28 =	vld [tilespmem:s26+$0xD0]  }
0x37e: {  	[tilespmem:s26+$0x60] =	vst v22;
	v22 =	vmul.f32 v27, v21;
	v27 =	vld [tilespmem:s26+$0xE0]  }
0x37f: {  	[tilespmem:s26+$0x80] =	vst v24;
	v24 =	vmul.f32 v29, v21;
	v29 =	vld [tilespmem:s26+$0xF0]  }
0x380: {  	v25 =	vld.idx.msk [tilespmem:v25+s21+$0x0], $0xffff;
	[tilespmem:s26+$0x90] =	vst v22;
	v22 =	vmul.f32 v30, v21  }
0x381: {  	v26 =	vld.idx.msk [tilespmem:v26+s21+$0x0], $0xffff;
	[tilespmem:s26+$0xA0] =	vst v24;
	v23 =	vmul.f32 v23, v21  }
0x382: {  	v24 =	vld.idx.msk [tilespmem:v32+s21+$0x0], $0xffff;
	[tilespmem:s26+$0xB0] =	vst v22;
	v28 =	vmul.f32 v28, v21  }
0x383: {  	s26 =	sadd.s32 $0x200, s26;
	v22 =	vld.idx.msk [tilespmem:v31+s21+$0x0], $0xffff;
	[tilespmem:s23+$0xC0] =	vst v23;
	v23 =	vmul.f32 v27, v21  }
0x384: {  	v27 =	vld [tilespmem:s26+$0x70];
	[tilespmem:s23+$0xD0] =	vst v28;
	v29 =	vmul.f32 v29, v21  }
0x385: {  	v28 =	vld [tilespmem:s26+$0xFFFFFF00];
	[tilespmem:s23+$0xE0] =	vst v23  }
0x386: {  	v21 =	vmov v25;
	v23 =	vld [tilespmem:s26+$0xFFFFFF10];
	[tilespmem:s23+$0xF0] =	vst v29;
	s23 =	smov.u32 s26  }
0x387: {  	v25 =	vld [tilespmem:s26+$0xFFFFFF20]  }
0x388: {  	v29 =	vld [tilespmem:s26+$0xFFFFFF30]  }
0x389: {  	v30 =	vld [tilespmem:s26+$0xFFFFFF40];
	v27 =	vmul.f32 v27, v22  }
0x38a: {  	v28 =	vmul.f32 v28, v26;
	v31 =	vld [tilespmem:s26+$0xFFFFFF50]  }
0x38b: {  	v23 =	vmul.f32 v23, v26;
	v32 =	vld [tilespmem:s26+$0xFFFFFF60];
	[tilespmem:s26+$0x70] =	vst v27  }
0x38c: {  	[tilespmem:s26+$0xFFFFFF00] =	vst v28;
	v25 =	vmul.f32 v25, v26;
	v27 =	vld [tilespmem:s26+$0xFFFFFF70]  }
0x38d: {  	[tilespmem:s26+$0xFFFFFF10] =	vst v23;
	v23 =	vmul.f32 v29, v26;
	v28 =	vld [tilespmem:s26+$0xFFFFFF80]  }
0x38e: {  	[tilespmem:s26+$0xFFFFFF20] =	vst v25;
	v25 =	vmul.f32 v30, v26;
	v29 =	vld [tilespmem:s26+$0xFFFFFF90]  }
0x38f: {  	[tilespmem:s26+$0xFFFFFF30] =	vst v23;
	v23 =	vmul.f32 v31, v26;
	v30 =	vld [tilespmem:s26+$0xFFFFFFA0]  }
0x390: {  	[tilespmem:s26+$0xFFFFFF40] =	vst v25;
	v25 =	vmul.f32 v32, v26;
	v31 =	vld [tilespmem:s26+$0xFFFFFFB0]  }
0x391: {  	[tilespmem:s26+$0xFFFFFF50] =	vst v23;
	v23 =	vmul.f32 v27, v26;
	v26 =	vld [tilespmem:s26+$0xFFFFFFC0]  }
0x392: {  	[tilespmem:s26+$0xFFFFFF60] =	vst v25;
	v25 =	vmul.f32 v28, v24;
	v27 =	vld [tilespmem:s26+$0xFFFFFFD0]  }
0x393: {  	[tilespmem:s26+$0xFFFFFF70] =	vst v23;
	v23 =	vmul.f32 v29, v24;
	v28 =	vld [tilespmem:s26+$0xFFFFFFE0]  }
0x394: {  	[tilespmem:s26+$0xFFFFFF80] =	vst v25;
	v25 =	vmul.f32 v30, v24;
	v29 =	vld [tilespmem:s26+$0xFFFFFFF0]  }
0x395: {  	[tilespmem:s26+$0xFFFFFF90] =	vst v23;
	v23 =	vmul.f32 v31, v24;
	v30 =	vld [tilespmem:s26+$0x0]  }
0x396: {  	[tilespmem:s26+$0xFFFFFFA0] =	vst v25;
	v25 =	vmul.f32 v26, v24;
	v26 =	vld [tilespmem:s26+$0x10]  }
0x397: {  	[tilespmem:s26+$0xFFFFFFB0] =	vst v23;
	v23 =	vmul.f32 v27, v24;
	v27 =	vld [tilespmem:s26+$0x20]  }
0x398: {  	[tilespmem:s26+$0xFFFFFFC0] =	vst v25;
	v25 =	vmul.f32 v28, v24;
	v31 =	vld [tilespmem:s26+$0x30]  }
0x399: {  	[tilespmem:s26+$0xFFFFFFD0] =	vst v23;
	v23 =	vmul.f32 v29, v24;
	v29 =	vld [tilespmem:s26+$0x40]  }
.Ltmp4:
0x39a: {  	[tilespmem:s26+$0xFFFFFFE0] =	vst v25;
	v25 =	vmul.f32 v30, v22;
	v24 =	vld [tilespmem:s26+$0x50];
	(pc) =	sbr.rel @p0 .LBB2_11-.Ltmp4, $4  }
0x39b: {  	[tilespmem:s26+$0xFFFFFFF0] =	vst v23;
	v26 =	vmul.f32 v26, v22;
	v23 =	vld [tilespmem:s26+$0x60]  }
0x39c: {  	s0 =	sadd.s32 $0x3, s29;
	v30 =	vmov s29;
	[tilespmem:s26+$0x0] =	vst v25;
	v33 =	vmul.f32 v27, v22;
	v28 =	vld [tilespmem:s26+$0x80]  }
0x39d: {  	s6 =	sadd.s32 $0x1, s29;
	v32 =	vand.u32 $0xFFFFFFFC, v30;
	v25 =	vmov s0;
	[tilespmem:s26+$0x10] =	vst v26;
	v30 =	vmul.f32 v31, v22;
	v27 =	vld [tilespmem:s26+$0x90]  }
0x39e: {  	s0 =	sadd.s32 $0x2, s29;
	s29 =	sadd.s32 $0x4, s29;
	v26 =	vbroadcast v32, $0x0;
	v32 =	vmov s6;
	[tilespmem:s26+$0x20] =	vst v33;
	v31 =	vmul.f32 v29, v22;
	v29 =	vld [tilespmem:s26+$0xA0]  }
0x39f: {  	v33 =	vld [tilespmem:s26+$0xB0]  }
0x3a0: {  	v34 =	vmov s0;
	v35 =	vld [tilespmem:s26+$0xC0]  }
0x3a1: {  	v36 =	vld [tilespmem:s26+$0xD0];
	v34 =	vand.u32 $0xFFFFFFFE, v34  }
0x3a2: {  	v37 =	vld [tilespmem:s26+$0xE0];
	v34 =	vbroadcast v34, $0x0  }
0x3a3: {  	[tilespmem:s26+$0x30] =	vst v30;
	v24 =	vmul.f32 v24, v22;
	v25 =	vld.idx.msk [tilespmem:v25+s21+$0x0], $0xffff  }
0x3a4: {  	s6 =	sadd.s32 $0x200, s26;
	[tilespmem:s26+$0x40] =	vst v31;
	v22 =	vmul.f32 v23, v22;
	v23 =	vld.idx.msk [tilespmem:v26+s21+$0x0], $0xffff;
	v28 =	vmul.f32 v28, v21  }
0x3a5: {  	v32 =	vand.u32 $0xFFFFFFFD, v32;
	v38 =	vld [tilespmem:s6+$0xFFFFFF00];
	[tilespmem:s26+$0x50] =	vst v24  }
0x3a6: {  	v32 =	vbroadcast v32, $0x0;
	v31 =	vmul.f32 v27, v21;
	[tilespmem:s26+$0x80] =	vst v28;
	v28 =	vld [tilespmem:s26+$0xF0]  }
0x3a7: {  	[tilespmem:s26+$0x60] =	vst v22;
	v22 =	vmul.f32 v29, v21;
	v39 =	vmul.f32 v36, v21;
	v36 =	vld [tilespmem:s6+$0xFFFFFF30]  }
0x3a8: {  	[tilespmem:s26+$0x90] =	vst v31;
	v27 =	vld.idx.msk [tilespmem:v34+s21+$0x0], $0xffff;
	v34 =	vmul.f32 v33, v21  }
0x3a9: {  	v40 =	vld [tilespmem:s6+$0xFFFFFF10];
	[tilespmem:s26+$0xA0] =	vst v22;
	v22 =	vmul.f32 v35, v21  }
0x3aa: {  	v41 =	vld [tilespmem:s6+$0xFFFFFF20];
	[tilespmem:s26+$0xB0] =	vst v34  }
0x3ab: {  	v29 =	vld [tilespmem:s6+$0x70];
	[tilespmem:s23+$0xC0] =	vst v22;
	v22 =	vmul.f32 v37, v21  }
0x3ac: {  	v26 =	vld.idx.msk [tilespmem:v32+s21+$0x0], $0xffff;
	[tilespmem:s23+$0xD0] =	vst v39;
	v21 =	vmul.f32 v28, v21  }
0x3ad: {  	v24 =	vmul.f32 v36, v23;
	[tilespmem:s23+$0xE0] =	vst v22;
	v22 =	vld [tilespmem:s6+$0xFFFFFF40]  }
0x3ae: {  	[tilespmem:s23+$0xF0] =	vst v21;
	v21 =	vmul.f32 v38, v23;
	v38 =	vld [tilespmem:s6+$0xFFFFFF50]  }
0x3af: {  	v39 =	vmul.f32 v40, v23;
	v40 =	vld [tilespmem:s6+$0xFFFFFF60];
	[tilespmem:s6+$0xFFFFFF30] =	vst v24  }
0x3b0: {  	[tilespmem:s6+$0xFFFFFF00] =	vst v21;
	v21 =	vmul.f32 v41, v23;
	v41 =	vld [tilespmem:s6+$0xFFFFFF70]  }
0x3b1: {  	v33 =	vld [tilespmem:s6+$0xFFFFFF80];
	v37 =	vmul.f32 v29, v27;
	[tilespmem:s6+$0xFFFFFF10] =	vst v39  }
0x3b2: {  	[tilespmem:s6+$0xFFFFFF20] =	vst v21;
	v21 =	vmul.f32 v22, v23;
	v22 =	vld [tilespmem:s6+$0xFFFFFF90]  }
0x3b3: {  	v35 =	vld [tilespmem:s6+$0xFFFFFFA0];
	[tilespmem:s6+$0x70] =	vst v37;
	v34 =	vmul.f32 v38, v23  }
0x3b4: {  	v36 =	vld [tilespmem:s6+$0xFFFFFFB0];
	[tilespmem:s6+$0xFFFFFF40] =	vst v21;
	v21 =	vmul.f32 v40, v23  }
0x3b5: {  	v37 =	vld [tilespmem:s6+$0xFFFFFFC0];
	[tilespmem:s6+$0xFFFFFF50] =	vst v34;
	v23 =	vmul.f32 v41, v23  }
0x3b6: {  	v38 =	vld [tilespmem:s6+$0xFFFFFFD0];
	[tilespmem:s6+$0xFFFFFF60] =	vst v21;
	v21 =	vmul.f32 v33, v26  }
0x3b7: {  	[tilespmem:s6+$0xFFFFFF70] =	vst v23;
	v23 =	vld [tilespmem:s6+$0xFFFFFFE0];
	v22 =	vmul.f32 v22, v26  }
0x3b8: {  	v39 =	vld [tilespmem:s6+$0xFFFFFFF0];
	[tilespmem:s6+$0xFFFFFF80] =	vst v21;
	v21 =	vmul.f32 v35, v26  }
0x3b9: {  	v40 =	vld [tilespmem:s6+$0x0];
	[tilespmem:s6+$0xFFFFFF90] =	vst v22;
	v22 =	vmul.f32 v36, v26  }
0x3ba: {  	v41 =	vld [tilespmem:s6+$0x10];
	[tilespmem:s6+$0xFFFFFFA0] =	vst v21;
	v21 =	vmul.f32 v37, v26  }
0x3bb: {  	v32 =	vld [tilespmem:s6+$0x20];
	[tilespmem:s6+$0xFFFFFFB0] =	vst v22;
	v22 =	vmul.f32 v38, v26  }
0x3bc: {  	[tilespmem:s6+$0xFFFFFFC0] =	vst v21;
	v21 =	vmul.f32 v23, v26;
	v23 =	vld [tilespmem:s6+$0x30]  }
0x3bd: {  	v33 =	vld [tilespmem:s6+$0x40];
	[tilespmem:s6+$0xFFFFFFD0] =	vst v22;
	v22 =	vmul.f32 v39, v26  }
0x3be: {  	v34 =	vld [tilespmem:s6+$0x50];
	[tilespmem:s6+$0xFFFFFFE0] =	vst v21;
	v21 =	vmul.f32 v40, v27  }
0x3bf: {  	v35 =	vld [tilespmem:s6+$0x60];
	[tilespmem:s6+$0xFFFFFFF0] =	vst v22;
	v22 =	vmul.f32 v41, v27  }
0x3c0: {  	v36 =	vld [tilespmem:s6+$0x80];
	[tilespmem:s6+$0x0] =	vst v21;
	v21 =	vmul.f32 v32, v27  }
0x3c1: {  	[tilespmem:s6+$0x10] =	vst v22;
	v22 =	vmul.f32 v23, v27;
	v23 =	vld [tilespmem:s6+$0x90]  }
0x3c2: {  	v37 =	vld [tilespmem:s6+$0xA0];
	[tilespmem:s6+$0x20] =	vst v21;
	v21 =	vmul.f32 v33, v27  }
0x3c3: {  	v38 =	vld [tilespmem:s6+$0xB0];
	[tilespmem:s6+$0x30] =	vst v22;
	v22 =	vmul.f32 v34, v27  }
0x3c4: {  	v39 =	vld [tilespmem:s6+$0xC0];
	[tilespmem:s6+$0x40] =	vst v21;
	v21 =	vmul.f32 v35, v27  }
0x3c5: {  	v40 =	vld [tilespmem:s6+$0xD0];
	[tilespmem:s6+$0x50] =	vst v22;
	v22 =	vmul.f32 v36, v25  }
0x3c6: {  	[tilespmem:s6+$0x60] =	vst v21;
	v21 =	vmul.f32 v23, v25;
	v23 =	vld [tilespmem:s6+$0xE0]  }
0x3c7: {  	v41 =	vld [tilespmem:s6+$0xF0];
	[tilespmem:s6+$0x80] =	vst v22;
	v22 =	vmul.f32 v37, v25  }
0x3c8: {  	[tilespmem:s6+$0x90] =	vst v21;
	v21 =	vmul.f32 v38, v25  }
0x3c9: {  	[tilespmem:s6+$0xA0] =	vst v22;
	v22 =	vmul.f32 v39, v25  }
0x3ca: {  	[tilespmem:s6+$0xB0] =	vst v21;
	v21 =	vmul.f32 v40, v25  }
0x3cb: {  	[tilespmem:s6+$0xC0] =	vst v22;
	v22 =	vmul.f32 v23, v25  }
0x3cc: {  	[tilespmem:s6+$0xD0] =	vst v21;
	v21 =	vmul.f32 v41, v25  }
0x3cd: {  	[tilespmem:s6+$0xE0] =	vst v22  }
0x3ce: {  	s24 =	sadd.s32 $0x1, s24;
	[tilespmem:s6+$0xF0] =	vst v21  }
0x3cf: {  	[spmem:s2] =	stream.indirect.scatter.add.f32 [tilespmem:s8], [sflag:$0x5], $0x80, s13, s28, $0xb8;
	[tilespmem:$0x1E6E0] =	vst v63  }
0x3d0: {  	s29 =	sadd.s32 s25, s31;
	p0 =	sne.s32 s24, $0x3E;
	_ =	swait.ge [sflag:s9], $0x2800  }
.Ltmp5:
0x3d1: {  	s0 =	sshrl.u32 s29, $0x3;
	[sflag:s9] =	ssyncset.done $0x0;
	(pc) =	sbr.rel @p0 .LBB2_4-.Ltmp5, $4  }
0x3d2: {  	s6 =	sadd.s32 s15, s0;
	[sflag:s9] =	ssyncadd.s32 $0xFFFFD800  }
0x3d3: {  	[tilespmem:s13], [sflag:$0x4] =	stream.linear.gather [hbm4b:s6+s3], $0x50, $0x38;
	[tilespmem:$0x1E6E0] =	vst v63  }
0x3d4: {  	s0 =	sadd.s32 s16, s0  }
0x3d5: {  	[tilespmem:s17], [sflag:$0x4] =	stream.linear.gather [hbm4b:s0+s3], $0x50, $0x38;
	[tilespmem:$0x1E6E0] =	vst v63  }
0x3d6: {  	_ =	swait.ge [sflag:s4], $0x50  }
0x3d7: {  	[sflag:s4] =	ssyncset.done $0x0  }
0x3d8: {  	[sflag:s4] =	ssyncadd.s32 $0xFFFFFFB0  }
0x3d9: {  	_ =	swait.ge [sflag:s4], $0x50  }
0x3da: {  	[sflag:s4] =	ssyncset.done $0x0  }
0x3db: {  	s0 =	simm.s32 $0x15540;
	[sflag:s4] =	ssyncadd.s32 $0xFFFFFFB0  }
0x3dc: {  	[tilespmem:s0], [sflag:$0x2] =	stream.indirect.gather [hbm4b:s1+s28], $0x40, s13, s28, $0xb8;
	[tilespmem:$0x1E6E0] =	vst v63  }
0x3dd: {  	_ = 	snop  }
0x3de: {  	[tilespmem:s7], [sflag:$0x2] =	stream.indirect.gather [hbm4b:s5+s28], $0x40, s17, s28, $0xb8;
	[tilespmem:$0x1E6E0] =	vst v63  }
0x3df: {  	_ = 	snop  }
0x3e0: {  	[tilespmem:s8], [sflag:$0x2] =	stream.indirect.gather [hbm4b:s14+s28], $0x80, s17, s28, $0xb8;
	[tilespmem:$0x1E6E0] =	vst v63  }
0x3e1: {  	_ =	swait.ge [sflag:s19], $0x1400  }
0x3e2: {  	[sflag:s19] =	ssyncset.done $0x0  }
0x3e3: {  	[sflag:s19] =	ssyncadd.s32 $0xFFFFEC00  }
0x3e4: {  	_ =	swait.ge [sflag:s19], $0x1400  }
0x3e5: {  	[sflag:s19] =	ssyncset.done $0x0  }
0x3e6: {  	[sflag:s19] =	ssyncadd.s32 $0xFFFFEC00  }
0x3e7: {  	_ =	swait.ge [sflag:s19], $0x2800  }
0x3e8: {  	[sflag:s19] =	ssyncset.done $0x0  }
0x3e9: {  	[sflag:s19] =	ssyncadd.s32 $0xFFFFD800  }
0x3ea: {  	v21 =	vld [tilespmem:$0x1E140]  }
0x3eb: {  	v24 =	vld [tilespmem:$0x1E150]  }
0x3ec: {  	v22 =	vld [tilespmem:$0x1E160]  }
0x3ed: {  	s29 =	simm.s32 $0x141C0;
	v23 =	vld [tilespmem:$0x1E170]  }
0x3ee: {  	s24 =	simm.s32 $0x169C0;
	v26 =	vld [tilespmem:s29+$0x40]  }
0x3ef: {  	v27 =	vld [tilespmem:s24+$0x40]  }
0x3f0: {  	v28 =	vld [tilespmem:s29+$0x50]  }
0x3f1: {  	v29 =	vld [tilespmem:s24+$0x50]  }
0x3f2: {  	v30 =	vld [tilespmem:s29+$0x60]  }
0x3f3: {  	v31 =	vld [tilespmem:s24+$0x60]  }
0x3f4: {  	v32 =	vld [tilespmem:s29+$0x70]  }
0x3f5: {  	v33 =	vld [tilespmem:s24+$0x70]  }
0x3f6: {  	v34 =	vld [tilespmem:s29+$0xFFFFFF90]  }
0x3f7: {  	v35 =	vld [tilespmem:s24+$0xFFFFFF90]  }
0x3f8: {  	v36 =	vld [tilespmem:s29+$0xFFFFFFA0]  }
0x3f9: {  	v37 =	vld [tilespmem:s24+$0xFFFFFFA0]  }
0x3fa: {  	v38 =	vld [tilespmem:s29+$0xFFFFFFD0]  }
0x3fb: {  	v39 =	vld [tilespmem:s24+$0xFFFFFFD0];
	v26 =	vadd.bf16 v27, v26  }
0x3fc: {  	v40 =	vld [tilespmem:s29+$0xFFFFFFE0];
	v28 =	vadd.bf16 v29, v28;
	v29 =	vadd.bf16 v31, v30  }
0x3fd: {  	v27 =	vld [tilespmem:s29+$0xFFFFFFB0];
	v31 =	vadd.bf16 v33, v32  }
0x3fe: {  	v30 =	vld [tilespmem:s24+$0xFFFFFFB0];
	v26 =	vmax.bf16 v26, v2;
	v28 =	vmax.bf16 v28, v2;
	v29 =	vmax.bf16 v29, v2  }
0x3ff: {  	v32 =	vld [tilespmem:s29+$0xFFFFFFC0];
	v31 =	vmax.bf16 v31, v2;
	v26 =	vmul.bf16 v26, v21;
	v28 =	vmul.bf16 v28, v24  }
0x400: {  	v33 =	vld [tilespmem:s24+$0xFFFFFFC0];
	v29 =	vmul.bf16 v29, v22;
	v31 =	vmul.bf16 v31, v23  }
0x401: {  	v34 =	vadd.bf16 v35, v34;
	v35 =	vld [tilespmem:s24+$0xFFFFFFF0]  }
0x402: {  	v26 =	vadd.bf16 v28, v26;
	v28 =	vadd.bf16 v31, v29;
	v29 =	vld [tilespmem:s24+$0xFFFFFFE0]  }
0x403: {  	v31 =	vadd.bf16 v37, v36;
	v27 =	vadd.bf16 v30, v27;
	v30 =	vld [tilespmem:s29+$0xFFFFFFF0]  }
0x404: {  	v36 =	vld [tilespmem:s29+$0x0];
	v37 =	vadd.bf16 v39, v38;
	v26 =	vadd.bf16 v28, v26  }
0x405: {  	v28 =	vmax.bf16 v31, v2;
	v27 =	vmax.bf16 v27, v2;
	v31 =	vadd.bf16 v33, v32;
	v32 =	vld [tilespmem:s24+$0x0]  }
0x406: {  	v25 =	vld [tilespmem:s24+$0xFFFFFF80];
	v37 =	vmax.bf16 v37, v2;
	v28 =	vmul.bf16 v28, v22;
	v27 =	vmul.bf16 v27, v23  }
0x407: {  	v38 =	vld [tilespmem:s29+$0x10];
	v37 =	vmul.bf16 v37, v24;
	v41 =	vunpack.i.u.bf16.f32 v26;
	v26 =	vunpack.i.l.bf16.f32 v26  }
0x408: {  	v31 =	vmax.bf16 v31, v2;
	v39 =	vadd.f32 v26, v41;
	v41 =	vld [tilespmem:s24+$0x10];
	v29 =	vadd.bf16 v29, v40  }
0x409: {  	v27 =	vadd.bf16 v27, v28;
	v28 =	vld [tilespmem:s29+$0x20];
	v40 =	vmul.bf16 v31, v21;
	v35 =	vadd.bf16 v35, v30  }
0x40a: {  	v31 =	vld [tilespmem:s24+$0x20];
	v29 =	vmax.bf16 v29, v2;
	v36 =	vadd.bf16 v32, v36  }
0x40b: {  	v30 =	vld [tilespmem:s29+$0x30];
	v33 =	vmul.bf16 v29, v22;
	v29 =	vadd.bf16 v37, v40;
	v40 =	vmax.bf16 v35, v2  }
0x40c: {  	s23 =	simm.s32 $0x1E1B0;
	v26 =	vmax.bf16 v34, v2;
	v32 =	vld [tilespmem:s24+$0x30];
	v35 =	vmul.bf16 v40, v23  }
0x40d: {  	s25 =	simm.s32 $0x0;
	s0 =	simm.s32 $0x142C0;
	v34 =	vld [tilespmem:s29+$0xFFFFFF80];
	v26 =	vmul.bf16 v26, v24;
	[tilespmem:s23+$0x10] =	vst v39;
	v36 =	vmax.bf16 v36, v2;
	v37 =	vadd.bf16 v41, v38  }
.LBB2_14:
0x40e: {  	v38 =	vld [tilespmem:s0+$0x40];
	v33 =	vadd.bf16 v35, v33;
	v35 =	vmul.bf16 v36, v21;
	s24 =	sadd.s32 $0x100, s24  }
0x40f: {  	v36 =	vld [tilespmem:s24+$0x40];
	v37 =	vmax.bf16 v37, v2;
	v28 =	vadd.bf16 v31, v28  }
0x410: {  	v31 =	vld [tilespmem:s0+$0x50];
	v29 =	vadd.bf16 v33, v29;
	v33 =	vmul.bf16 v37, v24  }
0x411: {  	v37 =	vld [tilespmem:s24+$0x50];
	v28 =	vmax.bf16 v28, v2;
	v30 =	vadd.bf16 v32, v30  }
0x412: {  	v32 =	vld [tilespmem:s0+$0x60];
	v25 =	vadd.bf16 v25, v34;
	v28 =	vmul.bf16 v28, v22;
	v33 =	vadd.bf16 v33, v35  }
0x413: {  	v35 =	vunpack.i.u.bf16.f32 v29;
	v29 =	vunpack.i.l.bf16.f32 v29;
	v34 =	vld [tilespmem:s24+$0x60];
	v30 =	vmax.bf16 v30, v2  }
0x414: {  	v29 =	vadd.f32 v29, v35;
	v39 =	vld [tilespmem:s0+$0x70];
	v25 =	vmax.bf16 v25, v2;
	v30 =	vmul.bf16 v30, v23  }
0x415: {  	s25 =	sadd.s32 $0x4, s25;
	v35 =	vld [tilespmem:s24+$0x70];
	v40 =	vmul.bf16 v25, v21  }
0x416: {  	p0 =	slt.u32 s25, $0x4C;
	v25 =	vld [tilespmem:s24+$0xFFFFFF80];
	[tilespmem:s23+$0xFFFFFFF0] =	vst v29;
	v28 =	vadd.bf16 v30, v28  }
0x417: {  	v29 =	vld [tilespmem:s0+$0xFFFFFF90];
	v26 =	vadd.bf16 v26, v40  }
0x418: {  	v36 =	vadd.bf16 v36, v38;
	v30 =	vld [tilespmem:s24+$0xFFFFFF90];
	v28 =	vadd.bf16 v28, v33  }
0x419: {  	v31 =	vadd.bf16 v37, v31;
	v32 =	vadd.bf16 v34, v32;
	v33 =	vld [tilespmem:s0+$0xFFFFFFA0]  }
0x41a: {  	v26 =	vadd.bf16 v27, v26;
	v34 =	vld [tilespmem:s24+$0xFFFFFFA0];
	v35 =	vadd.bf16 v35, v39;
	v27 =	vunpack.i.u.bf16.f32 v28  }
0x41b: {  	v36 =	vmax.bf16 v36, v2;
	v31 =	vmax.bf16 v31, v2;
	v32 =	vmax.bf16 v32, v2;
	v37 =	vld [tilespmem:s0+$0xFFFFFFB0]  }
0x41c: {  	v36 =	vmul.bf16 v36, v21;
	v31 =	vmul.bf16 v31, v24;
	v38 =	vld [tilespmem:s24+$0xFFFFFFB0];
	v35 =	vmax.bf16 v35, v2  }
0x41d: {  	v32 =	vmul.bf16 v32, v22;
	v29 =	vadd.bf16 v30, v29;
	v30 =	vld [tilespmem:s0+$0xFFFFFFC0];
	v35 =	vmul.bf16 v35, v23  }
0x41e: {  	v28 =	vunpack.i.l.bf16.f32 v28;
	v40 =	vunpack.i.u.bf16.f32 v26;
	v41 =	vunpack.i.l.bf16.f32 v26;
	v39 =	vld [tilespmem:s24+$0xFFFFFFC0]  }
0x41f: {  	v31 =	vadd.bf16 v31, v36;
	v26 =	vmax.bf16 v29, v2;
	v29 =	vld [tilespmem:s0+$0xFFFFFFD0];
	v32 =	vadd.bf16 v35, v32  }
0x420: {  	v33 =	vadd.bf16 v34, v33;
	v35 =	vadd.f32 v41, v40;
	v26 =	vmul.bf16 v26, v24;
	v34 =	vld [tilespmem:s24+$0xFFFFFFD0]  }
0x421: {  	v36 =	vadd.bf16 v38, v37;
	v37 =	vld [tilespmem:s0+$0xFFFFFFE0];
	v31 =	vadd.bf16 v32, v31  }
0x422: {  	v27 =	vadd.f32 v28, v27;
	v32 =	vmax.bf16 v33, v2;
	v33 =	vld [tilespmem:s24+$0xFFFFFFE0];
	[tilespmem:s23+$0xFFFFFFE0] =	vst v35  }
0x423: {  	v28 =	vadd.bf16 v39, v30;
	v30 =	vld [tilespmem:s0+$0xFFFFFFF0];
	v35 =	vunpack.i.u.bf16.f32 v31;
	v31 =	vunpack.i.l.bf16.f32 v31  }
0x424: {  	v32 =	vmul.bf16 v32, v22;
	v36 =	vmax.bf16 v36, v2;
	v38 =	vld [tilespmem:s24+$0xFFFFFFF0];
	v31 =	vadd.f32 v31, v35;
	[tilespmem:s23+$0x0] =	vst v27  }
0x425: {  	v27 =	vmul.bf16 v36, v23;
	s23 =	sadd.s32 $0x40, s23;
	v28 =	vmax.bf16 v28, v2;
	v29 =	vadd.bf16 v34, v29;
	v34 =	vld [tilespmem:s0+$0x0]  }
0x426: {  	v35 =	vmul.bf16 v28, v21;
	v36 =	vld [tilespmem:s24+$0x0];
	[tilespmem:s23+$0x10] =	vst v31  }
0x427: {  	v27 =	vadd.bf16 v27, v32;
	v28 =	vmax.bf16 v29, v2;
	v29 =	vadd.bf16 v33, v37;
	v37 =	vld [tilespmem:s0+$0x10]  }
0x428: {  	v31 =	vmul.bf16 v28, v24;
	v39 =	vld [tilespmem:s24+$0x10]  }
.Ltmp6:
0x429: {  	v29 =	vmax.bf16 v29, v2;
	v30 =	vadd.bf16 v38, v30;
	v28 =	vld [tilespmem:s0+$0x20];
	(pc) =	sbr.rel @p0 .LBB2_14-.Ltmp6, $4  }
0x42a: {  	v33 =	vmul.bf16 v29, v22;
	v29 =	vadd.bf16 v31, v35;
	v31 =	vld [tilespmem:s24+$0x20]  }
0x42b: {  	v32 =	vmax.bf16 v30, v2;
	v36 =	vadd.bf16 v36, v34;
	v30 =	vld [tilespmem:s0+$0x30]  }
0x42c: {  	v35 =	vmul.bf16 v32, v23;
	v32 =	vld [tilespmem:s24+$0x30]  }
0x42d: {  	v34 =	vld [tilespmem:s0+$0xFFFFFF80];
	v36 =	vmax.bf16 v36, v2;
	v37 =	vadd.bf16 v39, v37;
	s0 =	sadd.s32 $0x100, s0  }
0x42e: {  	_ =	sdelay $0x2  }
0x42f: {  	v28 =	vadd.bf16 v31, v28;
	v30 =	vadd.bf16 v32, v30  }
0x430: {  	v41 =	vmax.bf16 v37, v2;
	v37 =	vmul.bf16 v36, v21;
	v25 =	vadd.bf16 v25, v34  }
0x431: {  	v24 =	vmul.bf16 v41, v24;
	v28 =	vmax.bf16 v28, v2;
	v30 =	vmax.bf16 v30, v2  }
0x432: {  	v22 =	vmul.bf16 v28, v22;
	v25 =	vmax.bf16 v25, v2;
	v23 =	vmul.bf16 v30, v23  }
0x433: {  	v33 =	vadd.bf16 v35, v33;
	v38 =	vmul.bf16 v25, v21  }
0x434: {  	v24 =	vadd.bf16 v24, v37;
	v22 =	vadd.bf16 v23, v22  }
0x435: {  	v39 =	vadd.bf16 v33, v29;
	v21 =	vadd.bf16 v26, v38  }
0x436: {  	v22 =	vadd.bf16 v22, v24  }
0x437: {  	v40 =	vunpack.i.u.bf16.f32 v39;
	v25 =	vunpack.i.l.bf16.f32 v39;
	v21 =	vadd.bf16 v27, v21  }
0x438: {  	v23 =	vadd.f32 v25, v40;
	v28 =	vunpack.i.u.bf16.f32 v22;
	v22 =	vunpack.i.l.bf16.f32 v22  }
0x439: {  	v41 =	vunpack.i.u.bf16.f32 v21;
	v21 =	vunpack.i.l.bf16.f32 v21;
	v22 =	vadd.f32 v22, v28  }
0x43a: {  	[tilespmem:s23+$0xFFFFFFF0] =	vst v23;
	v21 =	vadd.f32 v21, v41  }
0x43b: {  	[tilespmem:s23+$0x0] =	vst v22  }
0x43c: {  	[tilespmem:s23+$0xFFFFFFE0] =	vst v21  }
0x43d: {  	v21 =	vld.idx.msk [tilespmem:v0+s20+$0x0], $0xffff  }
0x43e: {  	v22 =	vld [tilespmem:$0x1FD90]  }
0x43f: {  	v23 =	vld [tilespmem:$0x1FDA0]  }
0x440: {  	v29 =	vld [tilespmem:$0x1FDB0]  }
0x441: {  	v30 =	vld [tilespmem:$0x1FDC0]  }
0x442: {  	v31 =	vld [tilespmem:$0x1FDD0]  }
0x443: {  	v32 =	vld [tilespmem:$0x1FDE0]  }
0x444: {  	v33 =	vld [tilespmem:$0x1FDF0]  }
0x445: {  	v34 =	vld [tilespmem:$0x1FE00]  }
0x446: {  	v35 =	vld [tilespmem:$0x1FE10]  }
0x447: {  	v36 =	vld [tilespmem:$0x1FE20]  }
0x448: {  	v37 =	vld [tilespmem:$0x1FE30]  }
0x449: {  	v38 =	vld [tilespmem:$0x1FE40]  }
0x44a: {  	v39 =	vld [tilespmem:$0x1FE50]  }
0x44b: {  	v40 =	vld [tilespmem:$0x1FE60]  }
0x44c: {  	v41 =	vld [tilespmem:$0x1FE70]  }
0x44d: {  	v22 =	vld.idx.msk [tilespmem:v22+s20+$0x0], $0xffff  }
0x44e: {  	v23 =	vld.idx.msk [tilespmem:v23+s20+$0x0], $0xffff  }
0x44f: {  	v24 =	vld.idx.msk [tilespmem:v29+s20+$0x0], $0xffff  }
0x450: {  	v25 =	vld.idx.msk [tilespmem:v30+s20+$0x0], $0xffff  }
0x451: {  	v26 =	vld.idx.msk [tilespmem:v31+s20+$0x0], $0xffff  }
0x452: {  	v27 =	vld.idx.msk [tilespmem:v32+s20+$0x0], $0xffff  }
0x453: {  	v28 =	vld.idx.msk [tilespmem:v33+s20+$0x0], $0xffff  }
0x454: {  	v29 =	vld.idx.msk [tilespmem:v34+s20+$0x0], $0xffff  }
0x455: {  	v30 =	vld.idx.msk [tilespmem:v35+s20+$0x0], $0xffff  }
0x456: {  	v31 =	vld.idx.msk [tilespmem:v36+s20+$0x0], $0xffff  }
0x457: {  	v32 =	vld.idx.msk [tilespmem:v37+s20+$0x0], $0xffff  }
0x458: {  	v33 =	vld.idx.msk [tilespmem:v38+s20+$0x0], $0xffff  }
0x459: {  	v34 =	vld.idx.msk [tilespmem:v39+s20+$0x0], $0xffff  }
0x45a: {  	v35 =	vld.idx.msk [tilespmem:v40+s20+$0x0], $0xffff  }
0x45b: {  	v36 =	vld.idx.msk [tilespmem:v41+s20+$0x0], $0xffff;
	_ =	sdelay $0x1  }
0x45c: {  	v21 =	vadd.f32 v22, v21;
	v22 =	vadd.f32 v24, v23  }
0x45d: {  	v23 =	vadd.f32 v26, v25;
	v40 =	vadd.f32 v28, v27  }
0x45e: {  	v41 =	vadd.f32 v30, v29;
	v37 =	vadd.f32 v32, v31  }
0x45f: {  	v38 =	vadd.f32 v34, v33;
	v39 =	vadd.f32 v36, v35  }
0x460: {  	v22 =	vadd.f32 v22, v21;
	v23 =	vadd.f32 v40, v23  }
0x461: {  	v40 =	vadd.f32 v37, v41;
	v41 =	vadd.f32 v39, v38  }
0x462: {  	v21 =	vld [tilespmem:$0x1E180]  }
0x463: {  	v22 =	vadd.f32 v23, v22;
	v26 =	vadd.f32 v41, v40;
	_ =	sdelay $0x1  }
0x464: {  	v22 =	vadd.f32 v26, v22;
	_ =	sdelay $0x1  }
0x465: {  	v22 =	vadd.f32 v22, v21;
	_ =	sdelay $0x1  }
0x466: {  	v22 =	vsub.f32 $0.0e+00, v22;
	_ =	sdelay $0x1  }
0x467: {  	v22 =	vmul.f32 $1.442695020e+00, v22;
	_ =	sdelay $0x1  }
0x468: {  	(erf) = vpow2.f32 v22;
	_ =	sdelay $0x7  }
0x469: {  	v27 =	vld [tilespmem:$0x1FE80]  }
0x46a: {  	v28 =	vld [tilespmem:$0x1FE90];
	v22 =	vpop (erf)  }
0x46b: {  	v29 =	vld [tilespmem:$0x1FEA0];
	v22 =	vadd.f32 $1.000000000e+00, v22  }
0x46c: {  	v30 =	vld [tilespmem:$0x1FEB0]  }
0x46d: {  	v31 =	vld [tilespmem:$0x1FEC0];
	(erf) = vrcp.f32 v22  }
0x46e: {  	v32 =	vld [tilespmem:$0x1FED0]  }
0x46f: {  	v33 =	vld [tilespmem:$0x1FEE0]  }
0x470: {  	v34 =	vld [tilespmem:$0x1FEF0]  }
0x471: {  	v35 =	vld [tilespmem:$0x1FF00]  }
0x472: {  	v36 =	vld [tilespmem:$0x1FF10]  }
0x473: {  	v37 =	vld [tilespmem:$0x1FF20]  }
0x474: {  	v38 =	vld [tilespmem:$0x1FF30]  }
0x475: {  	v39 =	vld [tilespmem:$0x1FF40]  }
0x476: {  	v40 =	vld [tilespmem:$0x1FF50];
	v22 =	vpop (erf)  }
0x477: {  	v41 =	vld [tilespmem:$0x1FF60];
	[tilespmem:$0x1E690] =	vst v22  }
0x478: {  	v22 =	vld.idx.msk [tilespmem:v27+s20+$0x0], $0xffff  }
0x479: {  	v23 =	vld.idx.msk [tilespmem:v28+s20+$0x0], $0xffff  }
0x47a: {  	v24 =	vld.idx.msk [tilespmem:v29+s20+$0x0], $0xffff  }
0x47b: {  	v25 =	vld.idx.msk [tilespmem:v30+s20+$0x0], $0xffff  }
0x47c: {  	v26 =	vld.idx.msk [tilespmem:v31+s20+$0x0], $0xffff  }
0x47d: {  	v27 =	vld.idx.msk [tilespmem:v32+s20+$0x0], $0xffff  }
0x47e: {  	v30 =	vld.idx.msk [tilespmem:v35+s20+$0x0], $0xffff  }
0x47f: {  	v35 =	vld.idx.msk [tilespmem:v40+s20+$0x0], $0xffff  }
0x480: {  	v40 =	vld [tilespmem:$0x1FF70]  }
0x481: {  	v28 =	vld.idx.msk [tilespmem:v33+s20+$0x0], $0xffff  }
0x482: {  	v29 =	vld.idx.msk [tilespmem:v34+s20+$0x0], $0xffff  }
0x483: {  	v31 =	vld.idx.msk [tilespmem:v36+s20+$0x0], $0xffff  }
0x484: {  	v32 =	vld.idx.msk [tilespmem:v37+s20+$0x0], $0xffff  }
0x485: {  	v33 =	vld.idx.msk [tilespmem:v38+s20+$0x0], $0xffff  }
0x486: {  	v34 =	vld.idx.msk [tilespmem:v39+s20+$0x0], $0xffff  }
0x487: {  	v36 =	vld.idx.msk [tilespmem:v41+s20+$0x0], $0xffff  }
0x488: {  	v37 =	vld.idx.msk [tilespmem:v40+s20+$0x0], $0xffff;
	_ =	sdelay $0x1  }
0x489: {  	v22 =	vadd.f32 v23, v22;
	v23 =	vadd.f32 v25, v24  }
0x48a: {  	v24 =	vadd.f32 v27, v26;
	v41 =	vadd.f32 v29, v28  }
0x48b: {  	v26 =	vadd.f32 v31, v30;
	v38 =	vadd.f32 v33, v32  }
0x48c: {  	v39 =	vadd.f32 v35, v34;
	v40 =	vadd.f32 v37, v36  }
0x48d: {  	v22 =	vadd.f32 v23, v22;
	v41 =	vadd.f32 v41, v24  }
0x48e: {  	v30 =	vadd.f32 v38, v26;
	v31 =	vadd.f32 v40, v39;
	_ =	sdelay $0x1  }
0x48f: {  	v22 =	vadd.f32 v41, v22;
	v32 =	vadd.f32 v31, v30;
	_ =	sdelay $0x1  }
0x490: {  	v22 =	vadd.f32 v32, v22;
	_ =	sdelay $0x1  }
0x491: {  	v22 =	vadd.f32 v22, v21;
	_ =	sdelay $0x1  }
0x492: {  	v22 =	vsub.f32 $0.0e+00, v22;
	_ =	sdelay $0x1  }
0x493: {  	v22 =	vmul.f32 $1.442695020e+00, v22;
	_ =	sdelay $0x1  }
0x494: {  	(erf) = vpow2.f32 v22;
	_ =	sdelay $0x8  }
0x495: {  	v22 =	vpop (erf)  }
0x496: {  	v22 =	vadd.f32 $1.000000000e+00, v22;
	_ =	sdelay $0x1  }
0x497: {  	(erf) = vrcp.f32 v22;
	_ =	sdelay $0x2  }
0x498: {  	v33 =	vld [tilespmem:$0x1FF80]  }
0x499: {  	v34 =	vld [tilespmem:$0x1FF90]  }
0x49a: {  	v35 =	vld [tilespmem:$0x1FFA0]  }
0x49b: {  	v36 =	vld [tilespmem:$0x1FFB0]  }
0x49c: {  	v37 =	vld [tilespmem:$0x1FFC0]  }
0x49d: {  	v38 =	vld [tilespmem:$0x1FFD0]  }
0x49e: {  	v39 =	vld [tilespmem:$0x1FFE0];
	v22 =	vpop (erf)  }
0x49f: {  	v40 =	vld [tilespmem:$0x1FFF0];
	[tilespmem:$0x1E6A0] =	vst v22  }
0x4a0: {  	v22 =	vld.idx.msk [tilespmem:v33+s20+$0x0], $0xffff  }
0x4a1: {  	v23 =	vld.idx.msk [tilespmem:v34+s20+$0x0], $0xffff  }
0x4a2: {  	v24 =	vld.idx.msk [tilespmem:v35+s20+$0x0], $0xffff  }
0x4a3: {  	v25 =	vld.idx.msk [tilespmem:v36+s20+$0x0], $0xffff  }
0x4a4: {  	v26 =	vld.idx.msk [tilespmem:v37+s20+$0x0], $0xffff  }
0x4a5: {  	v27 =	vld.idx.msk [tilespmem:v38+s20+$0x0], $0xffff  }
0x4a6: {  	v28 =	vld.idx.msk [tilespmem:v39+s20+$0x0], $0xffff  }
0x4a7: {  	v29 =	vld.idx.msk [tilespmem:v40+s20+$0x0], $0xffff  }
0x4a8: {  	v30 =	vld.idx.msk [tilespmem:v42+s20+$0x0], $0xffff  }
0x4a9: {  	v41 =	vld.idx.msk [tilespmem:v43+s20+$0x0], $0xffff  }
0x4aa: {  	v32 =	vld.idx.msk [tilespmem:v44+s20+$0x0], $0xffff  }
0x4ab: {  	v33 =	vld.idx.msk [tilespmem:v45+s20+$0x0], $0xffff  }
0x4ac: {  	v34 =	vld.idx.msk [tilespmem:v46+s20+$0x0], $0xffff  }
0x4ad: {  	v35 =	vld.idx.msk [tilespmem:v47+s20+$0x0], $0xffff  }
0x4ae: {  	v36 =	vld.idx.msk [tilespmem:v48+s20+$0x0], $0xffff  }
0x4af: {  	v37 =	vld.idx.msk [tilespmem:v49+s20+$0x0], $0xffff;
	_ =	sdelay $0x1  }
0x4b0: {  	v22 =	vadd.f32 v23, v22;
	v38 =	vadd.f32 v25, v24  }
0x4b1: {  	v39 =	vadd.f32 v27, v26;
	v40 =	vadd.f32 v29, v28  }
0x4b2: {  	v41 =	vadd.f32 v41, v30;
	v32 =	vadd.f32 v33, v32  }
0x4b3: {  	v33 =	vadd.f32 v35, v34;
	v34 =	vadd.f32 v37, v36  }
0x4b4: {  	v22 =	vadd.f32 v38, v22;
	v35 =	vadd.f32 v40, v39  }
0x4b5: {  	v36 =	vadd.f32 v32, v41;
	v37 =	vadd.f32 v34, v33;
	_ =	sdelay $0x1  }
0x4b6: {  	v22 =	vadd.f32 v35, v22;
	v38 =	vadd.f32 v37, v36;
	_ =	sdelay $0x1  }
0x4b7: {  	v22 =	vadd.f32 v38, v22;
	_ =	sdelay $0x1  }
0x4b8: {  	v22 =	vadd.f32 v22, v21;
	_ =	sdelay $0x1  }
0x4b9: {  	v22 =	vsub.f32 $0.0e+00, v22;
	_ =	sdelay $0x1  }
0x4ba: {  	v22 =	vmul.f32 $1.442695020e+00, v22;
	_ =	sdelay $0x1  }
0x4bb: {  	(erf) = vpow2.f32 v22;
	_ =	sdelay $0x8  }
0x4bc: {  	v22 =	vpop (erf)  }
0x4bd: {  	v22 =	vadd.f32 $1.000000000e+00, v22;
	_ =	sdelay $0x1  }
0x4be: {  	(erf) = vrcp.f32 v22;
	_ =	sdelay $0x8  }
0x4bf: {  	v22 =	vpop (erf)  }
0x4c0: {  	[tilespmem:$0x1E6B0] =	vst v22  }
0x4c1: {  	v22 =	vld.idx.msk [tilespmem:v50+s20+$0x0], $0xffff  }
0x4c2: {  	v23 =	vld.idx.msk [tilespmem:v51+s20+$0x0], $0xffff  }
0x4c3: {  	v24 =	vld.idx.msk [tilespmem:v52+s20+$0x0], $0xffff  }
0x4c4: {  	v39 =	vld.idx.msk [tilespmem:v53+s20+$0x0], $0xffff  }
0x4c5: {  	v40 =	vld.idx.msk [tilespmem:v54+s20+$0x0], $0xffff  }
0x4c6: {  	v41 =	vld.idx.msk [tilespmem:v55+s20+$0x0], $0xffff  }
0x4c7: {  	v56 =	vld.idx.msk [tilespmem:v56+s20+$0x0], $0xffff  }
0x4c8: {  	v57 =	vld.idx.msk [tilespmem:v57+s20+$0x0], $0xffff  }
0x4c9: {  	v58 =	vld.idx.msk [tilespmem:v58+s20+$0x0], $0xffff  }
0x4ca: {  	v59 =	vld.idx.msk [tilespmem:v59+s20+$0x0], $0xffff  }
0x4cb: {  	v60 =	vld.idx.msk [tilespmem:v60+s20+$0x0], $0xffff  }
0x4cc: {  	v36 =	vld.idx.msk [tilespmem:v61+s20+$0x0], $0xffff  }
0x4cd: {  	v37 =	vld.idx.msk [tilespmem:v62+s20+$0x0], $0xffff  }
0x4ce: {  	v38 =	vld.idx.msk [tilespmem:v63+s20+$0x0], $0xffff  }
0x4cf: {  	v3 =	vld.idx.msk [tilespmem:v3+s20+$0x0], $0xffff  }
0x4d0: {  	v4 =	vld.idx.msk [tilespmem:v4+s20+$0x0], $0xffff;
	_ =	sdelay $0x1  }
0x4d1: {  	v22 =	vadd.f32 v23, v22;
	v39 =	vadd.f32 v39, v24  }
0x4d2: {  	v40 =	vadd.f32 v41, v40;
	v41 =	vadd.f32 v57, v56  }
0x4d3: {  	v56 =	vadd.f32 v59, v58;
	v57 =	vadd.f32 v36, v60  }
0x4d4: {  	v58 =	vadd.f32 v38, v37;
	v3 =	vadd.f32 v4, v3  }
0x4d5: {  	v4 =	vadd.f32 v39, v22;
	v59 =	vadd.f32 v41, v40  }
0x4d6: {  	v60 =	vadd.f32 v57, v56;
	v3 =	vadd.f32 v3, v58;
	_ =	sdelay $0x1  }
0x4d7: {  	v4 =	vadd.f32 v59, v4;
	v3 =	vadd.f32 v3, v60;
	_ =	sdelay $0x1  }
0x4d8: {  	v3 =	vadd.f32 v3, v4;
	_ =	sdelay $0x1  }
0x4d9: {  	v3 =	vadd.f32 v3, v21;
	_ =	sdelay $0x1  }
0x4da: {  	v3 =	vsub.f32 $0.0e+00, v3;
	_ =	sdelay $0x1  }
0x4db: {  	v3 =	vmul.f32 $1.442695020e+00, v3;
	_ =	sdelay $0x1  }
0x4dc: {  	(erf) = vpow2.f32 v3;
	_ =	sdelay $0x8  }
0x4dd: {  	v3 =	vpop (erf)  }
0x4de: {  	v3 =	vadd.f32 $1.000000000e+00, v3;
	_ =	sdelay $0x1  }
0x4df: {  	(erf) = vrcp.f32 v3;
	_ =	sdelay $0x8  }
0x4e0: {  	v3 =	vpop (erf)  }
0x4e1: {  	[tilespmem:$0x1E6C0] =	vst v3  }
0x4e2: {  	v3 =	vld.idx.msk [tilespmem:v5+s20+$0x0], $0xffff  }
0x4e3: {  	v4 =	vld.idx.msk [tilespmem:v6+s20+$0x0], $0xffff  }
0x4e4: {  	v5 =	vld.idx.msk [tilespmem:v7+s20+$0x0], $0xffff  }
0x4e5: {  	v6 =	vld.idx.msk [tilespmem:v8+s20+$0x0], $0xffff  }
0x4e6: {  	v7 =	vld.idx.msk [tilespmem:v9+s20+$0x0], $0xffff  }
0x4e7: {  	v8 =	vld.idx.msk [tilespmem:v10+s20+$0x0], $0xffff  }
0x4e8: {  	v9 =	vld.idx.msk [tilespmem:v11+s20+$0x0], $0xffff  }
0x4e9: {  	v10 =	vld.idx.msk [tilespmem:v12+s20+$0x0], $0xffff  }
0x4ea: {  	v11 =	vld.idx.msk [tilespmem:v13+s20+$0x0], $0xffff  }
0x4eb: {  	v12 =	vld.idx.msk [tilespmem:v14+s20+$0x0], $0xffff  }
0x4ec: {  	v13 =	vld.idx.msk [tilespmem:v15+s20+$0x0], $0xffff  }
0x4ed: {  	v14 =	vld.idx.msk [tilespmem:v16+s20+$0x0], $0xffff  }
0x4ee: {  	v15 =	vld.idx.msk [tilespmem:v17+s20+$0x0], $0xffff  }
0x4ef: {  	v61 =	vld.idx.msk [tilespmem:v18+s20+$0x0], $0xffff  }
0x4f0: {  	v62 =	vld.idx.msk [tilespmem:v19+s20+$0x0], $0xffff  }
0x4f1: {  	v63 =	vld.idx.msk [tilespmem:v20+s20+$0x0], $0xffff;
	_ =	sdelay $0x1  }
0x4f2: {  	v3 =	vadd.f32 v4, v3;
	v4 =	vadd.f32 v6, v5  }
0x4f3: {  	v5 =	vadd.f32 v8, v7;
	v6 =	vadd.f32 v10, v9  }
0x4f4: {  	v7 =	vadd.f32 v12, v11;
	v8 =	vadd.f32 v14, v13  }
0x4f5: {  	v9 =	vadd.f32 v61, v15;
	v10 =	vadd.f32 v63, v62  }
0x4f6: {  	v3 =	vadd.f32 v4, v3;
	v4 =	vadd.f32 v6, v5  }
0x4f7: {  	v5 =	vadd.f32 v8, v7;
	v6 =	vadd.f32 v10, v9;
	_ =	sdelay $0x1  }
0x4f8: {  	v3 =	vadd.f32 v4, v3;
	v4 =	vadd.f32 v6, v5;
	_ =	sdelay $0x1  }
0x4f9: {  	v3 =	vadd.f32 v4, v3;
	_ =	sdelay $0x1  }
0x4fa: {  	v3 =	vadd.f32 v3, v21;
	_ =	sdelay $0x1  }
0x4fb: {  	v3 =	vsub.f32 $0.0e+00, v3;
	_ =	sdelay $0x1  }
0x4fc: {  	v3 =	vmul.f32 $1.442695020e+00, v3;
	_ =	sdelay $0x1  }
0x4fd: {  	(erf) = vpow2.f32 v3;
	_ =	sdelay $0x8  }
0x4fe: {  	v3 =	vpop (erf)  }
0x4ff: {  	v3 =	vadd.f32 $1.000000000e+00, v3;
	_ =	sdelay $0x1  }
0x500: {  	(erf) = vrcp.f32 v3;
	_ =	sdelay $0x1  }
0x501: {  	s0 =	simm.s32 $0x0  }
0x502: {  	s26 =	simm.s32 $0x2;
	v3 =	vmov s0  }
0x503: {  	v4 =	vmov s26;
	v3 =	vand.u32 $0xFFFFFFFC, v3  }
0x504: {  	v4 =	vand.u32 $0xFFFFFFFE, v4;
	v3 =	vbroadcast v3, $0x0  }
0x505: {  	v4 =	vbroadcast v4, $0x0;
	_ =	sdelay $0x2  }
0x506: {  	v5 =	vpop (erf)  }
0x507: {  	[tilespmem:$0x1E6D0] =	vst v5  }
0x508: {  	v3 =	vld.idx.msk [tilespmem:v3+s21+$0x0], $0xffff  }
0x509: {  	s24 =	simm.s32 $0x19240;
	s6 =	simm.s32 $0x1;
	v4 =	vld.idx.msk [tilespmem:v4+s21+$0x0], $0xffff  }
0x50a: {  	v5 =	vmov s6;
	v6 =	vld [tilespmem:s24+$0x70]  }
0x50b: {  	v5 =	vand.u32 $0xFFFFFFFD, v5;
	v7 =	vld [tilespmem:s24+$0xFFFFFF00]  }
0x50c: {  	v8 =	vld [tilespmem:s24+$0xFFFFFF10];
	v5 =	vbroadcast v5, $0x0  }
0x50d: {  	v9 =	vld [tilespmem:s24+$0xFFFFFF20]  }
0x50e: {  	v10 =	vld [tilespmem:s24+$0xFFFFFF30]  }
0x50f: {  	v11 =	vld [tilespmem:s24+$0xFFFFFF40]  }
0x510: {  	v12 =	vld [tilespmem:s24+$0xFFFFFF50];
	v7 =	vmul.f32 v7, v3  }
0x511: {  	v13 =	vld [tilespmem:s24+$0xFFFFFF60];
	v6 =	vmul.f32 v6, v4  }
0x512: {  	v5 =	vld.idx.msk [tilespmem:v5+s21+$0x0], $0xffff;
	[tilespmem:s24+$0xFFFFFF00] =	vst v7;
	v7 =	vmul.f32 v8, v3  }
0x513: {  	v8 =	vld [tilespmem:s24+$0xFFFFFF70];
	[tilespmem:s24+$0x70] =	vst v6;
	v6 =	vmul.f32 v9, v3  }
0x514: {  	v9 =	vld [tilespmem:s24+$0xFFFFFF80];
	[tilespmem:s24+$0xFFFFFF10] =	vst v7;
	v7 =	vmul.f32 v10, v3  }
0x515: {  	v10 =	vld [tilespmem:s24+$0xFFFFFF90];
	[tilespmem:s24+$0xFFFFFF20] =	vst v6;
	v6 =	vmul.f32 v11, v3  }
0x516: {  	v11 =	vld [tilespmem:s24+$0xFFFFFFA0];
	[tilespmem:s24+$0xFFFFFF30] =	vst v7;
	v7 =	vmul.f32 v12, v3  }
0x517: {  	v12 =	vld [tilespmem:s24+$0xFFFFFFB0];
	[tilespmem:s24+$0xFFFFFF40] =	vst v6;
	v6 =	vmul.f32 v13, v3  }
0x518: {  	v13 =	vld [tilespmem:s24+$0xFFFFFFC0];
	v8 =	vmul.f32 v8, v3;
	[tilespmem:s24+$0xFFFFFF50] =	vst v7  }
0x519: {  	v7 =	vmul.f32 v9, v5;
	v9 =	vld [tilespmem:s24+$0xFFFFFFD0];
	[tilespmem:s24+$0xFFFFFF60] =	vst v6  }
0x51a: {  	v6 =	vld [tilespmem:s24+$0xFFFFFFE0];
	v10 =	vmul.f32 v10, v5;
	[tilespmem:s24+$0xFFFFFF70] =	vst v8  }
0x51b: {  	v8 =	vld [tilespmem:s24+$0xFFFFFFF0];
	[tilespmem:s24+$0xFFFFFF80] =	vst v7;
	v7 =	vmul.f32 v11, v5  }
0x51c: {  	s23 =	simm.s32 $0x3;
	v11 =	vld [tilespmem:s24+$0x0];
	[tilespmem:s24+$0xFFFFFF90] =	vst v10;
	v10 =	vmul.f32 v12, v5  }
0x51d: {  	v14 =	vmov s23;
	v12 =	vld [tilespmem:s24+$0x10];
	[tilespmem:s24+$0xFFFFFFA0] =	vst v7;
	v7 =	vmul.f32 v13, v5  }
0x51e: {  	[tilespmem:s24+$0xFFFFFFB0] =	vst v10;
	v9 =	vmul.f32 v9, v5;
	v10 =	vld [tilespmem:s24+$0x20]  }
0x51f: {  	v6 =	vmul.f32 v6, v5;
	[tilespmem:s24+$0xFFFFFFC0] =	vst v7  }
0x520: {  	v15 =	vld [tilespmem:s24+$0x40];
	v5 =	vmul.f32 v8, v5;
	[tilespmem:s24+$0xFFFFFFD0] =	vst v9  }
0x521: {  	v13 =	vld [tilespmem:s24+$0x30];
	[tilespmem:s24+$0xFFFFFFE0] =	vst v6;
	v7 =	vmul.f32 v11, v4  }
0x522: {  	v3 =	vld.idx.msk [tilespmem:v14+s21+$0x0], $0xffff;
	[tilespmem:s24+$0xFFFFFFF0] =	vst v5;
	v8 =	vmul.f32 v12, v4  }
0x523: {  	v6 =	vld [tilespmem:s24+$0x50];
	[tilespmem:s24+$0x0] =	vst v7;
	v11 =	vmul.f32 v10, v4  }
0x524: {  	s25 =	simm.s32 $0x4;
	v5 =	vld [tilespmem:s24+$0x60];
	[tilespmem:s24+$0x10] =	vst v8  }
0x525: {  	s26 =	simm.s32 $0x7;
	v9 =	vmov s25;
	v10 =	vld [tilespmem:s24+$0x80];
	[tilespmem:s24+$0x20] =	vst v11  }
0x526: {  	s23 =	simm.s32 $0x19240;
	s6 =	simm.s32 $0x5;
	v14 =	vand.u32 $0xFFFFFFFC, v9;
	v9 =	vld [tilespmem:s24+$0x90];
	v7 =	vmov s26;
	v12 =	vmul.f32 v13, v4;
	s26 =	rddreg [dreg:$0x10]  }
0x527: {  	s0 =	simm.s32 $0x6;
	s25 =	simm.s32 $0x8;
	v13 =	vmul.f32 v15, v4;
	v8 =	vbroadcast v14, $0x0;
	v14 =	vmov s6;
	v11 =	vld [tilespmem:s24+$0xA0];
	s29 =	rddreg [dreg:$0x11]  }
.LBB2_16:
0x528: {  	p0 =	slt.u32 s25, $0x4C;
	v14 =	vand.u32 $0xFFFFFFFD, v14;
	v15 =	vmov s0;
	[tilespmem:s24+$0x30] =	vst v12;
	v6 =	vmul.f32 v6, v4;
	v12 =	vld [tilespmem:s24+$0xB0]  }
0x529: {  	v14 =	vbroadcast v14, $0x0;
	v15 =	vand.u32 $0xFFFFFFFE, v15;
	[tilespmem:s24+$0x40] =	vst v13;
	v4 =	vmul.f32 v5, v4;
	v5 =	vld [tilespmem:s24+$0xC0]  }
0x52a: {  	v13 =	vbroadcast v15, $0x0;
	[tilespmem:s24+$0x50] =	vst v6;
	v6 =	vmul.f32 v10, v3;
	v10 =	vld [tilespmem:s24+$0xD0]  }
0x52b: {  	[tilespmem:s24+$0x60] =	vst v4;
	v4 =	vmul.f32 v9, v3;
	v9 =	vld [tilespmem:s24+$0xE0]  }
0x52c: {  	[tilespmem:s24+$0x80] =	vst v6;
	v6 =	vmul.f32 v11, v3;
	v11 =	vld [tilespmem:s24+$0xF0]  }
0x52d: {  	v7 =	vld.idx.msk [tilespmem:v7+s21+$0x0], $0xffff;
	[tilespmem:s24+$0x90] =	vst v4;
	v4 =	vmul.f32 v12, v3  }
0x52e: {  	v8 =	vld.idx.msk [tilespmem:v8+s21+$0x0], $0xffff;
	[tilespmem:s24+$0xA0] =	vst v6;
	v5 =	vmul.f32 v5, v3  }
0x52f: {  	v6 =	vld.idx.msk [tilespmem:v14+s21+$0x0], $0xffff;
	[tilespmem:s24+$0xB0] =	vst v4;
	v10 =	vmul.f32 v10, v3  }
0x530: {  	s24 =	sadd.s32 $0x200, s24;
	v4 =	vld.idx.msk [tilespmem:v13+s21+$0x0], $0xffff;
	[tilespmem:s23+$0xC0] =	vst v5;
	v5 =	vmul.f32 v9, v3  }
0x531: {  	v9 =	vld [tilespmem:s24+$0x70];
	[tilespmem:s23+$0xD0] =	vst v10;
	v11 =	vmul.f32 v11, v3  }
0x532: {  	v10 =	vld [tilespmem:s24+$0xFFFFFF00];
	[tilespmem:s23+$0xE0] =	vst v5  }
0x533: {  	v3 =	vmov v7;
	v5 =	vld [tilespmem:s24+$0xFFFFFF10];
	[tilespmem:s23+$0xF0] =	vst v11;
	s23 =	smov.u32 s24  }
0x534: {  	v7 =	vld [tilespmem:s24+$0xFFFFFF20]  }
0x535: {  	v11 =	vld [tilespmem:s24+$0xFFFFFF30]  }
0x536: {  	v12 =	vld [tilespmem:s24+$0xFFFFFF40];
	v9 =	vmul.f32 v9, v4  }
0x537: {  	v10 =	vmul.f32 v10, v8;
	v13 =	vld [tilespmem:s24+$0xFFFFFF50]  }
0x538: {  	v5 =	vmul.f32 v5, v8;
	v14 =	vld [tilespmem:s24+$0xFFFFFF60];
	[tilespmem:s24+$0x70] =	vst v9  }
0x539: {  	[tilespmem:s24+$0xFFFFFF00] =	vst v10;
	v7 =	vmul.f32 v7, v8;
	v9 =	vld [tilespmem:s24+$0xFFFFFF70]  }
0x53a: {  	[tilespmem:s24+$0xFFFFFF10] =	vst v5;
	v5 =	vmul.f32 v11, v8;
	v10 =	vld [tilespmem:s24+$0xFFFFFF80]  }
0x53b: {  	[tilespmem:s24+$0xFFFFFF20] =	vst v7;
	v7 =	vmul.f32 v12, v8;
	v11 =	vld [tilespmem:s24+$0xFFFFFF90]  }
0x53c: {  	[tilespmem:s24+$0xFFFFFF30] =	vst v5;
	v5 =	vmul.f32 v13, v8;
	v12 =	vld [tilespmem:s24+$0xFFFFFFA0]  }
0x53d: {  	[tilespmem:s24+$0xFFFFFF40] =	vst v7;
	v7 =	vmul.f32 v14, v8;
	v13 =	vld [tilespmem:s24+$0xFFFFFFB0]  }
0x53e: {  	[tilespmem:s24+$0xFFFFFF50] =	vst v5;
	v5 =	vmul.f32 v9, v8;
	v8 =	vld [tilespmem:s24+$0xFFFFFFC0]  }
0x53f: {  	[tilespmem:s24+$0xFFFFFF60] =	vst v7;
	v7 =	vmul.f32 v10, v6;
	v9 =	vld [tilespmem:s24+$0xFFFFFFD0]  }
0x540: {  	[tilespmem:s24+$0xFFFFFF70] =	vst v5;
	v5 =	vmul.f32 v11, v6;
	v10 =	vld [tilespmem:s24+$0xFFFFFFE0]  }
0x541: {  	[tilespmem:s24+$0xFFFFFF80] =	vst v7;
	v7 =	vmul.f32 v12, v6;
	v11 =	vld [tilespmem:s24+$0xFFFFFFF0]  }
0x542: {  	[tilespmem:s24+$0xFFFFFF90] =	vst v5;
	v5 =	vmul.f32 v13, v6;
	v12 =	vld [tilespmem:s24+$0x0]  }
0x543: {  	[tilespmem:s24+$0xFFFFFFA0] =	vst v7;
	v7 =	vmul.f32 v8, v6;
	v8 =	vld [tilespmem:s24+$0x10]  }
0x544: {  	[tilespmem:s24+$0xFFFFFFB0] =	vst v5;
	v5 =	vmul.f32 v9, v6;
	v9 =	vld [tilespmem:s24+$0x20]  }
0x545: {  	[tilespmem:s24+$0xFFFFFFC0] =	vst v7;
	v7 =	vmul.f32 v10, v6;
	v13 =	vld [tilespmem:s24+$0x30]  }
0x546: {  	[tilespmem:s24+$0xFFFFFFD0] =	vst v5;
	v5 =	vmul.f32 v11, v6;
	v11 =	vld [tilespmem:s24+$0x40]  }
.Ltmp7:
0x547: {  	[tilespmem:s24+$0xFFFFFFE0] =	vst v7;
	v7 =	vmul.f32 v12, v4;
	v6 =	vld [tilespmem:s24+$0x50];
	(pc) =	sbr.rel @p0 .LBB2_16-.Ltmp7, $4  }
0x548: {  	[tilespmem:s24+$0xFFFFFFF0] =	vst v5;
	v8 =	vmul.f32 v8, v4;
	v5 =	vld [tilespmem:s24+$0x60]  }
0x549: {  	s0 =	sadd.s32 $0x3, s25;
	v12 =	vmov s25;
	[tilespmem:s24+$0x0] =	vst v7;
	v15 =	vmul.f32 v9, v4;
	v10 =	vld [tilespmem:s24+$0x80]  }
0x54a: {  	s6 =	sadd.s32 $0x1, s25;
	v14 =	vand.u32 $0xFFFFFFFC, v12;
	v7 =	vmov s0;
	[tilespmem:s24+$0x10] =	vst v8;
	v12 =	vmul.f32 v13, v4;
	v9 =	vld [tilespmem:s24+$0x90]  }
0x54b: {  	s0 =	sadd.s32 $0x2, s25;
	s25 =	sadd.s32 $0x4, s25;
	v8 =	vbroadcast v14, $0x0;
	v14 =	vmov s6;
	[tilespmem:s24+$0x20] =	vst v15;
	v13 =	vmul.f32 v11, v4;
	v11 =	vld [tilespmem:s24+$0xA0]  }
0x54c: {  	v15 =	vld [tilespmem:s24+$0xB0]  }
0x54d: {  	v17 =	vld [tilespmem:s24+$0xC0]  }
0x54e: {  	v18 =	vld [tilespmem:s24+$0xD0]  }
0x54f: {  	v19 =	vld [tilespmem:s24+$0xE0]  }
0x550: {  	v29 =	vld [tilespmem:s24+$0xF0];
	[tilespmem:s24+$0x30] =	vst v12;
	v6 =	vmul.f32 v6, v4  }
0x551: {  	v7 =	vld.idx.msk [tilespmem:v7+s21+$0x0], $0xffff;
	[tilespmem:s24+$0x40] =	vst v13;
	v30 =	vmul.f32 v5, v4  }
0x552: {  	s6 =	sadd.s32 $0x200, s24;
	v31 =	vld.idx.msk [tilespmem:v8+s21+$0x0], $0xffff;
	v10 =	vmul.f32 v10, v3;
	[tilespmem:s24+$0x50] =	vst v6  }
0x553: {  	v38 =	vld [tilespmem:s6+$0xFFFFFF00];
	v32 =	vmul.f32 v9, v3;
	[tilespmem:s24+$0x60] =	vst v30  }
0x554: {  	v40 =	vld [tilespmem:s6+$0xFFFFFF10];
	[tilespmem:s24+$0x80] =	vst v10;
	v34 =	vmul.f32 v11, v3  }
0x555: {  	v14 =	vand.u32 $0xFFFFFFFD, v14;
	v16 =	vmov s0;
	v56 =	vld [tilespmem:s6+$0xFFFFFF20];
	[tilespmem:s24+$0x90] =	vst v32;
	v35 =	vmul.f32 v15, v3  }
0x556: {  	v14 =	vbroadcast v14, $0x0;
	v16 =	vand.u32 $0xFFFFFFFE, v16;
	v57 =	vld [tilespmem:s6+$0xFFFFFF30];
	v37 =	vmul.f32 v17, v3;
	[tilespmem:s24+$0xA0] =	vst v34  }
0x557: {  	v58 =	vld [tilespmem:s6+$0xFFFFFF40];
	v16 =	vbroadcast v16, $0x0;
	v39 =	vmul.f32 v18, v3;
	[tilespmem:s24+$0xB0] =	vst v35  }
0x558: {  	v60 =	vld [tilespmem:s6+$0xFFFFFF50];
	v41 =	vmul.f32 v19, v3;
	[tilespmem:s23+$0xC0] =	vst v37  }
0x559: {  	v62 =	vld [tilespmem:s6+$0xFFFFFF60];
	v3 =	vmul.f32 v29, v3;
	[tilespmem:s23+$0xD0] =	vst v39  }
0x55a: {  	v63 =	vld [tilespmem:s6+$0xFFFFFF70];
	v61 =	vmul.f32 v40, v31;
	[tilespmem:s23+$0xE0] =	vst v41  }
0x55b: {  	v17 =	vld [tilespmem:s6+$0xFFFFFF90];
	[tilespmem:s23+$0xF0] =	vst v3;
	v3 =	vmul.f32 v38, v31  }
0x55c: {  	v6 =	vmul.f32 v57, v31;
	v33 =	vld.idx.msk [tilespmem:v14+s21+$0x0], $0xffff;
	[tilespmem:s6+$0xFFFFFF10] =	vst v61  }
0x55d: {  	v9 =	vld.idx.msk [tilespmem:v16+s21+$0x0], $0xffff;
	[tilespmem:s6+$0xFFFFFF00] =	vst v3;
	v3 =	vmul.f32 v56, v31  }
0x55e: {  	v18 =	vmul.f32 v60, v31;
	v16 =	vld [tilespmem:s6+$0xFFFFFF80];
	[tilespmem:s6+$0xFFFFFF30] =	vst v6  }
0x55f: {  	v20 =	vld [tilespmem:s6+$0xFFFFFFB0];
	[tilespmem:s6+$0xFFFFFF20] =	vst v3;
	v3 =	vmul.f32 v58, v31  }
0x560: {  	v19 =	vld [tilespmem:s6+$0xFFFFFFA0];
	v5 =	vmul.f32 v63, v31;
	[tilespmem:s6+$0xFFFFFF50] =	vst v18  }
0x561: {  	v22 =	vld [tilespmem:s6+$0xFFFFFFD0];
	[tilespmem:s6+$0xFFFFFF40] =	vst v3;
	v3 =	vmul.f32 v62, v31  }
0x562: {  	v21 =	vld [tilespmem:s6+$0xFFFFFFC0];
	[tilespmem:s6+$0xFFFFFF70] =	vst v5;
	v4 =	vmul.f32 v17, v33  }
0x563: {  	v36 =	vld [tilespmem:s6+$0x70];
	[tilespmem:s6+$0xFFFFFF60] =	vst v3;
	v3 =	vmul.f32 v16, v33  }
0x564: {  	v23 =	vld [tilespmem:s6+$0xFFFFFFE0];
	v25 =	vmul.f32 v20, v33;
	[tilespmem:s6+$0xFFFFFF90] =	vst v4  }
0x565: {  	v27 =	vld [tilespmem:s6+$0x10];
	[tilespmem:s6+$0xFFFFFF80] =	vst v3;
	v3 =	vmul.f32 v19, v33  }
0x566: {  	v26 =	vld [tilespmem:s6+$0x0];
	v28 =	vmul.f32 v22, v33;
	[tilespmem:s6+$0xFFFFFFB0] =	vst v25  }
0x567: {  	v30 =	vld [tilespmem:s6+$0x30];
	[tilespmem:s6+$0xFFFFFFA0] =	vst v3;
	v3 =	vmul.f32 v21, v33  }
0x568: {  	v29 =	vld [tilespmem:s6+$0x20];
	v59 =	vmul.f32 v36, v9;
	[tilespmem:s6+$0xFFFFFFD0] =	vst v28  }
0x569: {  	v39 =	vld [tilespmem:s6+$0xA0];
	[tilespmem:s6+$0xFFFFFFC0] =	vst v3;
	v3 =	vmul.f32 v23, v33  }
0x56a: {  	v32 =	vld [tilespmem:s6+$0x40];
	v34 =	vmul.f32 v27, v9;
	[tilespmem:s6+$0x70] =	vst v59  }
0x56b: {  	v24 =	vld [tilespmem:s6+$0xFFFFFFF0];
	[tilespmem:s6+$0xFFFFFFE0] =	vst v3;
	v3 =	vmul.f32 v26, v9  }
0x56c: {  	v35 =	vld [tilespmem:s6+$0x60];
	v37 =	vmul.f32 v30, v9;
	[tilespmem:s6+$0x10] =	vst v34  }
0x56d: {  	v56 =	vld [tilespmem:s6+$0xC0];
	[tilespmem:s6+$0x0] =	vst v3;
	v3 =	vmul.f32 v29, v9  }
0x56e: {  	v38 =	vld [tilespmem:s6+$0x90];
	v60 =	vmul.f32 v39, v7;
	[tilespmem:s6+$0x30] =	vst v37  }
0x56f: {  	v36 =	vld [tilespmem:s6+$0x80];
	[tilespmem:s6+$0x20] =	vst v3;
	v3 =	vmul.f32 v32, v9  }
0x570: {  	v41 =	vld [tilespmem:s6+$0xB0];
	v31 =	vmul.f32 v24, v33;
	[tilespmem:s6+$0xA0] =	vst v60  }
0x571: {  	v59 =	vld [tilespmem:s6+$0xE0];
	[tilespmem:s6+$0x40] =	vst v3;
	v3 =	vmul.f32 v35, v9  }
0x572: {  	v58 =	vld [tilespmem:s6+$0xD0];
	v62 =	vmul.f32 v56, v7;
	[tilespmem:s6+$0xFFFFFFF0] =	vst v31  }
0x573: {  	v33 =	vld [tilespmem:s6+$0x50];
	[tilespmem:s6+$0x60] =	vst v3;
	v3 =	vmul.f32 v38, v7  }
0x574: {  	v61 =	vld [tilespmem:s6+$0xF0];
	[tilespmem:s6+$0xC0] =	vst v62;
	v57 =	vmul.f32 v36, v7  }
0x575: {  	[tilespmem:s6+$0x90] =	vst v3;
	v3 =	vmul.f32 v41, v7  }
0x576: {  	[tilespmem:s6+$0x80] =	vst v57;
	v63 =	vmul.f32 v59, v7  }
0x577: {  	[tilespmem:s6+$0xB0] =	vst v3;
	v3 =	vmul.f32 v58, v7  }
0x578: {  	[tilespmem:s6+$0xE0] =	vst v63;
	v40 =	vmul.f32 v33, v9  }
0x579: {  	[tilespmem:s6+$0xD0] =	vst v3;
	v3 =	vmul.f32 v61, v7  }
0x57a: {  	[tilespmem:s6+$0x50] =	vst v40  }
0x57b: {  	[tilespmem:s6+$0xF0] =	vst v3  }
0x57c: {  	[spmem:s2] =	stream.indirect.scatter.add.f32 [tilespmem:s10], [sflag:$0x5], $0x80, s11, s28, $0xb8;
	[tilespmem:$0x1E6E0] =	vst v63  }
0x57d: {  	_ =	swait.ge [sflag:s9], $0x2800  }
0x57e: {  	[sflag:s9] =	ssyncset.done $0x0  }
0x57f: {  	s23 =	rddreg [dreg:$0x1a];
	[sflag:s9] =	ssyncadd.s32 $0xFFFFD800  }
0x580: {  	[tilespmem:s11], [sflag:$0x3] =	stream.linear.gather [hbm4b:s23+s3], $0x50, $0x38;
	[tilespmem:$0x1E6E0] =	vst v63  }
0x581: {  	s24 =	rddreg [dreg:$0x1b]  }
0x582: {  	[tilespmem:s12], [sflag:$0x3] =	stream.linear.gather [hbm4b:s24+s3], $0x50, $0x38;
	[tilespmem:$0x1E6E0] =	vst v63  }
0x583: {  	_ =	swait.ge [sflag:s22], $0x1400  }
0x584: {  	[sflag:s22] =	ssyncset.done $0x0  }
0x585: {  	[sflag:s22] =	ssyncadd.s32 $0xFFFFEC00  }
0x586: {  	_ =	swait.ge [sflag:s22], $0x1400  }
0x587: {  	[sflag:s22] =	ssyncset.done $0x0  }
0x588: {  	[sflag:s22] =	ssyncadd.s32 $0xFFFFEC00  }
0x589: {  	_ =	swait.ge [sflag:s22], $0x2800  }
0x58a: {  	[sflag:s22] =	ssyncset.done $0x0  }
0x58b: {  	[sflag:s22] =	ssyncadd.s32 $0xFFFFD800  }
0x58c: {  	_ =	swait.ge [sflag:s18], $0x50  }
0x58d: {  	[sflag:s18] =	ssyncset.done $0x0  }
0x58e: {  	[sflag:s18] =	ssyncadd.s32 $0xFFFFFFB0  }
0x58f: {  	_ =	swait.ge [sflag:s18], $0x50  }
0x590: {  	[sflag:s18] =	ssyncset.done $0x0  }
0x591: {  	[sflag:s18] =	ssyncadd.s32 $0xFFFFFFB0  }
0x592: {  	[bflag:$0x0] =	sbarrier.arrive $0xFFFF  }
0x593: {  	s24 =	rddreg [dreg:$0xe]  }
0x594: {  	[tilespmem:s10], [sflag:$0x5] =	stream.linear.gather [spmem:s24], $0x2800, $0x38;
	[tilespmem:$0x1E6E0] =	vst v63  }
0x595: {  	_ =	swait.ge [sflag:s9], $0x2800  }
0x596: {  	[sflag:s9] =	ssyncset.done $0x0  }
0x597: {  	s25 =	rddreg [dreg:$0x4];
	[sflag:s9] =	ssyncadd.s32 $0xFFFFD800  }
0x598: {  	[hbm4b:s25+s3] =	stream.linear.scatter [tilespmem:s10], [sflag:$0x5], $0x2800, $0x38;
	[tilespmem:$0x1E6E0] =	vst v63  }
0x599: {  	_ =	swait.ge [sflag:s9], $0x2800  }
0x59a: {  	[sflag:s9] =	ssyncset.done $0x0  }
0x59b: {  	s25 =	rddreg [dreg:$0xf];
	[sflag:s9] =	ssyncadd.s32 $0xFFFFD800  }
0x59c: {  	[tilespmem:s10], [sflag:$0x5] =	stream.linear.gather [spmem:s25], $0x2800, $0x38;
	[tilespmem:$0x1E6E0] =	vst v63  }
0x59d: {  	_ =	swait.ge [sflag:s9], $0x2800  }
0x59e: {  	[sflag:s9] =	ssyncset.done $0x0  }
0x59f: {  	s6 =	rddreg [dreg:$0x5];
	[sflag:s9] =	ssyncadd.s32 $0xFFFFD800  }
0x5a0: {  	[hbm4b:s6+s3] =	stream.linear.scatter [tilespmem:s10], [sflag:$0x5], $0x2800, $0x38;
	[tilespmem:$0x1E6E0] =	vst v63  }
0x5a1: {  	_ =	swait.ge [sflag:s9], $0x2800  }
0x5a2: {  	[sflag:s9] =	ssyncset.done $0x0  }
0x5a3: {  	[sflag:s9] =	ssyncadd.s32 $0xFFFFD800  }
0x5a4: {  	[tilespmem:s10], [sflag:$0x5] =	stream.linear.gather [spmem:s26], $0x2800, $0x38;
	[tilespmem:$0x1E6E0] =	vst v63  }
0x5a5: {  	_ =	swait.ge [sflag:s9], $0x2800  }
0x5a6: {  	[sflag:s9] =	ssyncset.done $0x0  }
0x5a7: {  	s23 =	rddreg [dreg:$0x6];
	[sflag:s9] =	ssyncadd.s32 $0xFFFFD800  }
0x5a8: {  	[hbm4b:s23+s3] =	stream.linear.scatter [tilespmem:s10], [sflag:$0x5], $0x2800, $0x38;
	[tilespmem:$0x1E6E0] =	vst v63  }
0x5a9: {  	_ =	swait.ge [sflag:s9], $0x2800  }
0x5aa: {  	[sflag:s9] =	ssyncset.done $0x0  }
0x5ab: {  	[sflag:s9] =	ssyncadd.s32 $0xFFFFD800  }
0x5ac: {  	[tilespmem:s10], [sflag:$0x5] =	stream.linear.gather [spmem:s29], $0x2800, $0x38;
	[tilespmem:$0x1E6E0] =	vst v63  }
0x5ad: {  	_ =	swait.ge [sflag:s9], $0x2800  }
0x5ae: {  	[sflag:s9] =	ssyncset.done $0x0  }
0x5af: {  	s6 =	rddreg [dreg:$0x7];
	[sflag:s9] =	ssyncadd.s32 $0xFFFFD800  }
0x5b0: {  	[hbm4b:s6+s3] =	stream.linear.scatter [tilespmem:s10], [sflag:$0x5], $0x2800, $0x38;
	[tilespmem:$0x1E6E0] =	vst v63  }
0x5b1: {  	_ =	swait.ge [sflag:s9], $0x2800  }
0x5b2: {  	[sflag:s9] =	ssyncset.done $0x0  }
0x5b3: {  	s23 =	rddreg [dreg:$0x12];
	[sflag:s9] =	ssyncadd.s32 $0xFFFFD800  }
0x5b4: {  	[tilespmem:s10], [sflag:$0x5] =	stream.linear.gather [spmem:s23], $0x2800, $0x38;
	[tilespmem:$0x1E6E0] =	vst v63  }
0x5b5: {  	_ =	swait.ge [sflag:s9], $0x2800  }
0x5b6: {  	[sflag:s9] =	ssyncset.done $0x0  }
0x5b7: {  	s6 =	rddreg [dreg:$0x8];
	[sflag:s9] =	ssyncadd.s32 $0xFFFFD800  }
0x5b8: {  	[hbm4b:s6+s3] =	stream.linear.scatter [tilespmem:s10], [sflag:$0x5], $0x2800, $0x38;
	[tilespmem:$0x1E6E0] =	vst v63  }
0x5b9: {  	_ =	swait.ge [sflag:s9], $0x2800  }
0x5ba: {  	[sflag:s9] =	ssyncset.done $0x0  }
0x5bb: {  	s23 =	rddreg [dreg:$0x13];
	[sflag:s9] =	ssyncadd.s32 $0xFFFFD800  }
0x5bc: {  	[tilespmem:s10], [sflag:$0x5] =	stream.linear.gather [spmem:s23], $0x2800, $0x38;
	[tilespmem:$0x1E6E0] =	vst v63  }
0x5bd: {  	_ =	swait.ge [sflag:s9], $0x2800  }
0x5be: {  	[sflag:s9] =	ssyncset.done $0x0  }
0x5bf: {  	s6 =	rddreg [dreg:$0x9];
	[sflag:s9] =	ssyncadd.s32 $0xFFFFD800  }
0x5c0: {  	[hbm4b:s6+s3] =	stream.linear.scatter [tilespmem:s10], [sflag:$0x5], $0x2800, $0x38;
	[tilespmem:$0x1E6E0] =	vst v63  }
0x5c1: {  	_ =	swait.ge [sflag:s9], $0x2800  }
0x5c2: {  	[sflag:s9] =	ssyncset.done $0x0  }
0x5c3: {  	s23 =	rddreg [dreg:$0x14];
	[sflag:s9] =	ssyncadd.s32 $0xFFFFD800  }
0x5c4: {  	[tilespmem:s10], [sflag:$0x5] =	stream.linear.gather [spmem:s23], $0x2800, $0x38;
	[tilespmem:$0x1E6E0] =	vst v63  }
0x5c5: {  	_ =	swait.ge [sflag:s9], $0x2800  }
0x5c6: {  	[sflag:s9] =	ssyncset.done $0x0  }
0x5c7: {  	s6 =	rddreg [dreg:$0xa];
	[sflag:s9] =	ssyncadd.s32 $0xFFFFD800  }
0x5c8: {  	[hbm4b:s6+s3] =	stream.linear.scatter [tilespmem:s10], [sflag:$0x5], $0x2800, $0x38;
	[tilespmem:$0x1E6E0] =	vst v63  }
0x5c9: {  	_ =	swait.ge [sflag:s9], $0x2800  }
0x5ca: {  	[sflag:s9] =	ssyncset.done $0x0  }
0x5cb: {  	s23 =	rddreg [dreg:$0x15];
	[sflag:s9] =	ssyncadd.s32 $0xFFFFD800  }
0x5cc: {  	[tilespmem:s10], [sflag:$0x5] =	stream.linear.gather [spmem:s23], $0x2800, $0x38;
	[tilespmem:$0x1E6E0] =	vst v63  }
0x5cd: {  	_ =	swait.ge [sflag:s9], $0x2800  }
0x5ce: {  	[sflag:s9] =	ssyncset.done $0x0  }
0x5cf: {  	s6 =	rddreg [dreg:$0xb];
	[sflag:s9] =	ssyncadd.s32 $0xFFFFD800  }
0x5d0: {  	[hbm4b:s6+s3] =	stream.linear.scatter [tilespmem:s10], [sflag:$0x5], $0x2800, $0x38;
	[tilespmem:$0x1E6E0] =	vst v63  }
0x5d1: {  	_ =	swait.ge [sflag:s9], $0x2800  }
0x5d2: {  	s6 =	rddreg [dreg:$0x1d]  }
0x5d3: {  	s23 =	rddreg [dreg:$0x1c];
	s6 =	sadd.s32 $0x1, s6  }
0x5d4: {  	p0 =	sne.s32 s6, s23  }
.Ltmp8:
0x5d5: {  	_ = 	snop;
	(pc) =	sbr.rel @p0 .LBB2_1-.Ltmp8, $3  }
0x5d6: {  	_ =	sdelay $0x1  }
0x5d7: {  	[sflag:s9] =	ssyncset.done $0x0  }
0x5d8: {  	[sflag:s9] =	ssyncadd.s32 $0xFFFFD800  }
0x5d9: {  	_ =	sfence.sel $0x180000  }
0x5da: {  	[bflag:$0x0] =	sbarrier.arrive $0xFFFF  }
0x5db: {  	_ =	strace $0x90000047  }
0x5dc: {  	s0 =	stileid.u32;
	[bflag:$0x2] =	sbarrier.arrive $0xFFFF  }
0x5dd: {  	p0 =	sne.s32 s0, $0x0;
	s0 =	rddreg [dreg:$0x3]  }
0x5de: {  	s0 =	sadd.s32 @!p0 $0x100000, s0  }
0x5df: {  	[sflag:s0] =	ssyncadd.tile.s32 @!p0 $0x1;
	_ =	shalt  }
.Lfunc_end2:
_tile_overlayer_lowered:
.L_overlay_start_2:
0x5e0: {  	(tag) =	ssettag $0x2  }
0x5e1: {  	s0 =	rddreg [dreg:$0x0];
	s2 =	stileid.u32  }
0x5e2: {  	s1 =	rddreg [dreg:$0x1];
	p0 =	sne.s32 s2, $0x0  }
0x5e3: {  	s3 =	rddreg [dreg:$0x2];
	[bflag:$0x3] =	sbarrier.arrive $0xFFFF;
	s2 =	simm.s32 @!p0 $0x1C05  }
0x5e4: {  	[timem:s3], [sflag:s2] =	dma.local @!p0 [hbm:s0], s1  }
0x5e5: {  	s0 =	simm.s32 @!p0 $0x5  }
0x5e6: {  	_ =	swait.ge @!p0 [sflag:s0], s1  }
0x5e7: {  	s1 =	ssub.s32 @!p0 $0x0, s1;
	[sflag:s0] =	ssyncset.done @!p0 $0x0  }
0x5e8: {  	[sflag:s0] =	ssyncadd.s32 @!p0 s1  }
0x5e9: {  	[bflag:$0x3] =	sbarrier.arrive $0xFFFF  }
0x5ea: {  	_ =	shalt  }

</sc_bundles>
